<compile_context>
chip_gen: v7x
topology: tpu7x:2x2x1
jax: 0.10.2.dev20260603
libtpu: 0.0.44.dev20260713+nightly
codegen_flags: <defaults>
</compile_context>

<pallas_src>
import jax
import jax.numpy as jnp
from jax.experimental import pallas as pl

N = 10000
E = 160000
D = 128
HID = 64
HEADS = 4
RBF = 50
NC = HEADS * HID

EBLK = 2048
EP = ((E + EBLK - 1) // EBLK) * EBLK
NBLK = 2048
NP = ((N + NBLK - 1) // NBLK) * NBLK


def _silu(z):
    return z * jax.nn.sigmoid(z)


def _edge_a(hs_ref, hd_ref, dx_ref,
            win_s, win_d, b_in, means, betas,
            w1_hs, w1_hd, w1_x, w1_n, b1, w2, b2, watt, batt,
            hem_out, att_out, xmx_out):
    hs = hs_ref[...]
    hd = hd_ref[...]
    dx = dx_ref[...]
    d2 = jnp.sum(dx * dx, axis=1, keepdims=True)
    xn = jnp.sqrt(jnp.maximum(d2, 0.0) + 1e-5)
    hh = (jnp.dot(hs, win_s[...], preferred_element_type=jnp.float32)
          + jnp.dot(hd, win_d[...], preferred_element_type=jnp.float32)
          + b_in[...])
    rbf = jnp.exp(-betas[...] * (jnp.exp(-xn) - means[...]) ** 2)
    fx = rbf * hh
    z = (jnp.dot(hs, w1_hs[...], preferred_element_type=jnp.float32)
         + jnp.dot(hd, w1_hd[...], preferred_element_type=jnp.float32)
         + jnp.dot(fx, w1_x[...], preferred_element_type=jnp.float32)
         + xn * w1_n[...]
         + b1[...])
    a1 = _silu(z)
    hem = jnp.dot(a1, w2[...], preferred_element_type=jnp.float32) + b2[...]
    logit = jnp.dot(hem, watt[...], preferred_element_type=jnp.float32) + batt[...]
    att = jnp.where(logit > 0, logit, 2.0 * (jnp.exp(logit / 2.0) - 1.0))
    hem_out[...] = hem
    att_out[...] = att
    xmx_out[...] = dx / (xn + 1e-5)


def _edge_b(hem_ref, catt_ref, xmx_ref, rmat, tmat, wx, wv,
            big_out, dv_out):
    hem = hem_ref[...]
    catt = catt_ref[...]
    xmx = xmx_ref[...]
    hea = (jnp.dot(hem, rmat[...], preferred_element_type=jnp.float32)
           * jnp.dot(catt, tmat[...], preferred_element_type=jnp.float32))
    coeff = jnp.tanh(jnp.dot(hea, wx[...], preferred_element_type=jnp.float32))
    s = jnp.dot(coeff, wv[...], preferred_element_type=jnp.float32)
    big_out[:, 0:NC] = hea
    big_out[:, NC:2 * NC] = coeff * xmx[:, 0:1]
    big_out[:, 2 * NC:3 * NC] = coeff * xmx[:, 1:2]
    big_out[:, 3 * NC:4 * NC] = coeff * xmx[:, 2:3]
    dv_out[...] = xmx * s


def _node_c(h_ref, he_ref, c0_ref, c1_ref, c2_ref, m1_ref, dvs_ref,
            v_ref, x_ref,
            wp1, bp1, wp2, bp2, wn1_h, wn1_e, wn1_c, bn1, wn2, bn2,
            wv1, bv1, wv2,
            hn_out, xn_out, vn_out):
    h = h_ref[...]
    he = he_ref[...]
    m1 = m1_ref[...]
    c0 = c0_ref[...] * m1
    c1 = c1_ref[...] * m1
    c2 = c2_ref[...] * m1
    comb_norm = c0 * c0 + c1 * c1 + c2 * c2
    z = _silu(jnp.dot(comb_norm, wp1[...], preferred_element_type=jnp.float32) + bp1[...])
    h_comb = _silu(jnp.dot(z, wp2[...], preferred_element_type=jnp.float32) + bp2[...])
    z = _silu(jnp.dot(h, wn1_h[...], preferred_element_type=jnp.float32)
              + jnp.dot(he, wn1_e[...], preferred_element_type=jnp.float32)
              + jnp.dot(h_comb, wn1_c[...], preferred_element_type=jnp.float32)
              + bn1[...])
    out = _silu(jnp.dot(z, wn2[...], preferred_element_type=jnp.float32) + bn2[...])
    h_new = h + out
    z = _silu(jnp.dot(h_new, wv1[...], preferred_element_type=jnp.float32) + bv1[...])
    scale = 2.0 * jax.nn.sigmoid(jnp.dot(z, wv2[...], preferred_element_type=jnp.float32))
    dv = dvs_ref[...] * m1
    v_new = dv + scale * v_ref[...]
    hn_out[...] = h_new
    xn_out[...] = x_ref[...] + v_new
    vn_out[...] = v_new


def _pad_rows(a, rows):
    return jnp.concatenate(
        [a, jnp.zeros((rows - a.shape[0],) + a.shape[1:], a.dtype)], axis=0)


def kernel(h, x, v, idxs, params):
    p = params
    order = jnp.argsort(idxs[:, 0])
    src = idxs[order, 0]
    dst = idxs[order, 1]
    hs = _pad_rows(h[src], EP)
    hd = _pad_rows(h[dst], EP)
    dx = _pad_rows(x[src] - x[dst], EP)

    w_in = p['W_in']
    w1 = p['W_eo1']
    eblk = lambda c: pl.BlockSpec((EBLK, c), lambda i: (i, 0))
    full = lambda a: pl.BlockSpec(a.shape, lambda i: (0, 0))
    b_in = p['b_in'].reshape(1, RBF)
    means = p['means'].reshape(1, RBF)
    betas = p['betas'].reshape(1, RBF)
    b1 = p['b_eo1'].reshape(1, HID)
    b2 = p['b_eo2'].reshape(1, HID)
    batt = p['b_att'].reshape(1, HEADS)
    w1_n = w1[2 * D + RBF:].reshape(1, HID)

    wlist_a = [w_in[:D], w_in[D:], b_in, means, betas,
               w1[:D], w1[D:2 * D], w1[2 * D:2 * D + RBF], w1_n, b1,
               p['W_eo2'], b2, p['W_att'], batt]
    hem, att, xmx = pl.pallas_call(
        _edge_a,
        grid=(EP // EBLK,),
        in_specs=[eblk(D), eblk(D), eblk(3)] + [full(a) for a in wlist_a],
        out_specs=[eblk(HID), eblk(HEADS), eblk(3)],
        out_shape=[
            jax.ShapeDtypeStruct((EP, HID), jnp.float32),
            jax.ShapeDtypeStruct((EP, HEADS), jnp.float32),
            jax.ShapeDtypeStruct((EP, 3), jnp.float32),
        ],
    )(hs, hd, dx, *wlist_a)

    att = att[:E]
    seg_max = jax.ops.segment_max(att, src, num_segments=N,
                                  indices_are_sorted=True)
    ex = jnp.exp(att - seg_max[src])
    ssum = jax.ops.segment_sum(ex, src, num_segments=N,
                               indices_are_sorted=True)
    sem = ex / ssum[src]
    catt = sem / jax.ops.segment_sum(sem, src, num_segments=N,
                                     indices_are_sorted=True)[src]
    catt = _pad_rows(catt, EP)

    rmat = (jnp.arange(NC)[None, :] // HEADS
            == jnp.arange(HID)[:, None]).astype(jnp.float32)
    tmat = (jnp.arange(NC)[None, :] % HEADS
            == jnp.arange(HEADS)[:, None]).astype(jnp.float32)
    wlist_b = [rmat, tmat, p['W_xmix'], p['W_vmix']]
    big, dv_e = pl.pallas_call(
        _edge_b,
        grid=(EP // EBLK,),
        in_specs=[eblk(HID), eblk(HEADS), eblk(3)] + [full(a) for a in wlist_b],
        out_specs=[eblk(4 * NC), eblk(3)],
        out_shape=[
            jax.ShapeDtypeStruct((EP, 4 * NC), jnp.float32),
            jax.ShapeDtypeStruct((EP, 3), jnp.float32),
        ],
    )(hem, catt, xmx, *wlist_b)

    big_seg = jax.ops.segment_sum(big[:E], src, num_segments=N,
                                  indices_are_sorted=True)
    h_e = big_seg[:, 0:NC]
    cs0 = big_seg[:, NC:2 * NC]
    cs1 = big_seg[:, 2 * NC:3 * NC]
    cs2 = big_seg[:, 3 * NC:4 * NC]
    dv_seg = jax.ops.segment_sum(dv_e[:E], src, num_segments=N,
                                 indices_are_sorted=True)
    deg = jax.ops.segment_sum(jnp.ones((E,), jnp.float32), src, num_segments=N,
                              indices_are_sorted=True)
    m1 = (1.0 / (deg + 1.0)).reshape(N, 1)

    wn1 = p['W_n1']
    nblk = lambda c: pl.BlockSpec((NBLK, c), lambda i: (i, 0))
    bp1 = p['b_pn1'].reshape(1, HID)
    bp2 = p['b_pn2'].reshape(1, HID)
    bn1 = p['b_n1'].reshape(1, HID)
    bn2 = p['b_n2'].reshape(1, D)
    bv1 = p['b_v1'].reshape(1, HID)
    wlist_c = [p['W_pn1'], bp1, p['W_pn2'], bp2,
               wn1[:D], wn1[D:D + NC], wn1[D + NC:], bn1, p['W_n2'], bn2,
               p['W_v1'], bv1, p['W_v2']]
    h_new, x_new, v_new = pl.pallas_call(
        _node_c,
        grid=(NP // NBLK,),
        in_specs=[nblk(D), nblk(NC), nblk(NC), nblk(NC), nblk(NC),
                  nblk(1), nblk(3), nblk(3), nblk(3)]
                 + [full(a) for a in wlist_c],
        out_specs=[nblk(D), nblk(3), nblk(3)],
        out_shape=[
            jax.ShapeDtypeStruct((NP, D), jnp.float32),
            jax.ShapeDtypeStruct((NP, 3), jnp.float32),
            jax.ShapeDtypeStruct((NP, 3), jnp.float32),
        ],
    )(_pad_rows(h, NP), _pad_rows(h_e, NP), _pad_rows(cs0, NP),
      _pad_rows(cs1, NP), _pad_rows(cs2, NP), _pad_rows(m1, NP),
      _pad_rows(dv_seg, NP), _pad_rows(v, NP), _pad_rows(x, NP),
      *wlist_c)

    return (h_new[:N], x_new[:N], v_new[:N])

# --- scband reference (transcript-rebuilt; emitter-appended) ---
"""Pipeline reference for scband-sparse-sakelayer-20564303413686 (READ-ONLY COPY).

The authoritative reference and input builder live on the scoring server;
editing this copy changes nothing except your own understanding.
"""

import jax, jax.numpy as jnp
import numpy as np

N = 10000
E = 160000
D = 128
HID = 64
HEADS = 4
RBF = 50
NC = HEADS * HID


def _dense(key, fi, fo):
    return (jax.random.normal(key, (fi, fo), dtype=jnp.float32) / np.sqrt(fi)).astype(jnp.float32)


def setup_inputs(seed: int = 0):
    key = jax.random.key(seed)
    ks = jax.random.split(key, 20)
    h = jax.random.normal(ks[0], (N, D), dtype=jnp.float32)
    x = jax.random.normal(ks[1], (N, 3), dtype=jnp.float32)
    v = jax.random.normal(ks[2], (N, 3), dtype=jnp.float32)
    idxs = jax.random.randint(ks[3], (E, 2), 0, N, dtype=jnp.int32)
    start = float(np.exp(-5.0))
    params = {
        'means': jnp.linspace(start, 1.0, RBF).astype(jnp.float32),
        'betas': jnp.full((RBF,), (2.0 / RBF * (1.0 - start)) ** -2, dtype=jnp.float32),
        'W_in': _dense(ks[4], 2 * D, RBF), 'b_in': jnp.zeros((RBF,), jnp.float32),
        'W_eo1': _dense(ks[5], 2 * D + RBF + 1, HID), 'b_eo1': jnp.zeros((HID,), jnp.float32),
        'W_eo2': _dense(ks[6], HID, HID), 'b_eo2': jnp.zeros((HID,), jnp.float32),
        'W_att': _dense(ks[7], HID, HEADS), 'b_att': jnp.zeros((HEADS,), jnp.float32),
        'W_xmix': _dense(ks[8], NC, NC),
        'W_pn1': _dense(ks[9], NC, HID), 'b_pn1': jnp.zeros((HID,), jnp.float32),
        'W_pn2': _dense(ks[10], HID, HID), 'b_pn2': jnp.zeros((HID,), jnp.float32),
        'W_n1': _dense(ks[11], D + NC + HID, HID), 'b_n1': jnp.zeros((HID,), jnp.float32),
        'W_n2': _dense(ks[12], HID, D), 'b_n2': jnp.zeros((D,), jnp.float32),
        'W_vmix': _dense(ks[13], NC, 1),
        'W_v1': _dense(ks[14], D, HID), 'b_v1': jnp.zeros((HID,), jnp.float32),
        'W_v2': _dense(ks[15], HID, 1),
    }
    return {'h': h, 'x': x, 'v': v, 'idxs': idxs, 'params': params}


def segment_softmax(logits, seg, num_segments):
    m = jax.ops.segment_max(logits, seg, num_segments=num_segments)
    e = jnp.exp(logits - m[seg])
    s = jax.ops.segment_sum(e, seg, num_segments=num_segments)
    return e / s[seg]


def _forward(h, x, v, idxs, p):
    src = idxs[:, 0]
    dst = idxs[:, 1]
    # get_x_minus_xt_sparse / get_x_minus_xt_norm
    x_minus_xt = x[src] - x[dst]
    x_norm = jnp.sqrt(jax.nn.relu(jnp.sum(x_minus_xt ** 2, axis=-1, keepdims=True)) + 1e-5)
    # get_h_cat_ht_sparse
    h_cat = jnp.concatenate([h[src], h[dst]], axis=-1)
    # edge model: ContinuousFilterConvolutionWithConcatenation
    hh = h_cat @ p['W_in'] + p['b_in']
    # ExpNormalSmearing, cutoff_lower=0, cutoff_upper=5 -> alpha=1
    rbf = jnp.exp(-p['betas'] * (jnp.exp(-x_norm) - p['means']) ** 2)
    _x = rbf * hh
    he_in = jnp.concatenate([h_cat, _x, x_norm], axis=-1)
    h_e_mtx = jax.nn.silu(he_in @ p['W_eo1'] + p['b_eo1']) @ p['W_eo2'] + p['b_eo2']
    # combined attention (cutoff is None -> euclidean attention = 1.0)
    att = jax.nn.celu(h_e_mtx @ p['W_att'] + p['b_att'], alpha=2.0)
    sem = segment_softmax(att, src, N)
    comb_att = sem / jax.ops.segment_sum(sem, src, num_segments=N)[src]
    h_e_att = (h_e_mtx[:, :, None] * comb_att[:, None, :]).reshape(E, NC)
    # spatial attention
    coeff = jnp.tanh(h_e_att @ p['W_xmix'])
    xmx = x_minus_xt / (x_norm + 1e-5)
    combinations = xmx[:, None, :] * coeff[:, :, None]
    comb_sum = jax.ops.segment_sum(combinations, src, num_segments=N) / (
        jax.ops.segment_sum(jnp.ones_like(combinations), src, num_segments=N) + 1)
    comb_norm = jnp.sum(comb_sum ** 2, axis=-1)
    h_comb = jax.nn.silu(jax.nn.silu(comb_norm @ p['W_pn1'] + p['b_pn1']) @ p['W_pn2'] + p['b_pn2'])
    # aggregate
    h_e = jax.ops.segment_sum(h_e_att, src, num_segments=N)
    # node model (residual)
    out = jnp.concatenate([h, h_e, h_comb], axis=-1)
    out = jax.nn.silu(jax.nn.silu(out @ p['W_n1'] + p['b_n1']) @ p['W_n2'] + p['b_n2'])
    h_new = h + out
    # update: v_mixing on delta_v = combinations
    dv = jnp.swapaxes(jnp.swapaxes(combinations, -1, -2) @ p['W_vmix'], -1, -2)
    dv = jnp.mean(dv, axis=-2)
    dv = jax.ops.segment_sum(dv, src, num_segments=N) / (
        jax.ops.segment_sum(jnp.ones_like(dv), src, num_segments=N) + 1)
    # velocity model: double_sigmoid(velocity_mlp(h)) * v
    scale = 2.0 * jax.nn.sigmoid(jax.nn.silu(h_new @ p['W_v1'] + p['b_v1']) @ p['W_v2'])
    v_new = dv + scale * v
    x_new = x + v_new
    return (h_new, x_new, v_new)


def reference(h, x, v, idxs, params):
    return _forward(h, x, v, idxs, params)

if __name__ == "__main__":
    import jax
    _d = setup_inputs()
    print(jax.jit(kernel)(*tuple(_d.values())))

</pallas_src>

<mosaic_0001>
module attributes {stable_mosaic.version = 14 : i64} {
  func.func @_edge_a(%arg0: i32, %arg1: memref<2048x128xf32, #tpu.memory_space<vmem>>, %arg2: memref<2048x128xf32, #tpu.memory_space<vmem>>, %arg3: memref<2048x3xf32, #tpu.memory_space<vmem>>, %arg4: memref<128x50xf32, #tpu.memory_space<vmem>>, %arg5: memref<128x50xf32, #tpu.memory_space<vmem>>, %arg6: memref<1x50xf32, #tpu.memory_space<vmem>>, %arg7: memref<1x50xf32, #tpu.memory_space<vmem>>, %arg8: memref<1x50xf32, #tpu.memory_space<vmem>>, %arg9: memref<128x64xf32, #tpu.memory_space<vmem>>, %arg10: memref<128x64xf32, #tpu.memory_space<vmem>>, %arg11: memref<50x64xf32, #tpu.memory_space<vmem>>, %arg12: memref<1x64xf32, #tpu.memory_space<vmem>>, %arg13: memref<1x64xf32, #tpu.memory_space<vmem>>, %arg14: memref<64x64xf32, #tpu.memory_space<vmem>>, %arg15: memref<1x64xf32, #tpu.memory_space<vmem>>, %arg16: memref<64x4xf32, #tpu.memory_space<vmem>>, %arg17: memref<1x4xf32, #tpu.memory_space<vmem>>, %arg18: memref<2048x64xf32, #tpu.memory_space<vmem>>, %arg19: memref<2048x4xf32, #tpu.memory_space<vmem>>, %arg20: memref<2048x3xf32, #tpu.memory_space<vmem>>) attributes {dimension_semantics = [#tpu.dimension_semantics<arbitrary>], iteration_bounds = array<i64: 79>, scalar_prefetch = 0 : i64, scratch_operands = 0 : i64, tpu.core_type = #tpu.core_type<tc>, window_params = [{transform_indices = @transform_0, window_bounds = array<i64: 2048, 128>}, {transform_indices = @transform_1, window_bounds = array<i64: 2048, 128>}, {transform_indices = @transform_2, window_bounds = array<i64: 2048, 3>}, {pipeline_mode = #tpu.pipeline_mode<synchronous>, transform_indices = @transform_3, window_bounds = array<i64: 128, 50>}, {pipeline_mode = #tpu.pipeline_mode<synchronous>, transform_indices = @transform_4, window_bounds = array<i64: 128, 50>}, {pipeline_mode = #tpu.pipeline_mode<synchronous>, transform_indices = @transform_5, window_bounds = array<i64: 1, 50>}, {pipeline_mode = #tpu.pipeline_mode<synchronous>, transform_indices = @transform_6, window_bounds = array<i64: 1, 50>}, {pipeline_mode = #tpu.pipeline_mode<synchronous>, transform_indices = @transform_7, window_bounds = array<i64: 1, 50>}, {pipeline_mode = #tpu.pipeline_mode<synchronous>, transform_indices = @transform_8, window_bounds = array<i64: 128, 64>}, {pipeline_mode = #tpu.pipeline_mode<synchronous>, transform_indices = @transform_9, window_bounds = array<i64: 128, 64>}, {pipeline_mode = #tpu.pipeline_mode<synchronous>, transform_indices = @transform_10, window_bounds = array<i64: 50, 64>}, {pipeline_mode = #tpu.pipeline_mode<synchronous>, transform_indices = @transform_11, window_bounds = array<i64: 1, 64>}, {pipeline_mode = #tpu.pipeline_mode<synchronous>, transform_indices = @transform_12, window_bounds = array<i64: 1, 64>}, {pipeline_mode = #tpu.pipeline_mode<synchronous>, transform_indices = @transform_13, window_bounds = array<i64: 64, 64>}, {pipeline_mode = #tpu.pipeline_mode<synchronous>, transform_indices = @transform_14, window_bounds = array<i64: 1, 64>}, {pipeline_mode = #tpu.pipeline_mode<synchronous>, transform_indices = @transform_15, window_bounds = array<i64: 64, 4>}, {pipeline_mode = #tpu.pipeline_mode<synchronous>, transform_indices = @transform_16, window_bounds = array<i64: 1, 4>}, {transform_indices = @transform_17, window_bounds = array<i64: 2048, 64>}, {transform_indices = @transform_18, window_bounds = array<i64: 2048, 4>}, {transform_indices = @transform_19, window_bounds = array<i64: 2048, 3>}]} {
    %get3A = arith.constant 0 : index
    %get3A_0 = arith.constant 0 : index
    %get3A_1 = vector.load %arg1[%get3A, %get3A_0] : memref<2048x128xf32, #tpu.memory_space<vmem>>, vector<2048x128xf32>
    %get3A_2 = arith.constant 0 : index
    %get3A_3 = arith.constant 0 : index
    %get3A_4 = vector.load %arg2[%get3A_2, %get3A_3] : memref<2048x128xf32, #tpu.memory_space<vmem>>, vector<2048x128xf32>
    %get3A_5 = arith.constant 0 : index
    %get3A_6 = arith.constant 0 : index
    %get3A_7 = vector.load %arg3[%get3A_5, %get3A_6] : memref<2048x3xf32, #tpu.memory_space<vmem>>, vector<2048x3xf32>
    %mul3A = arith.mulf %get3A_7, %get3A_7 : vector<2048x3xf32>
    %reduce_sum3A = arith.constant dense<0.000000e+00> : vector<2048xf32>
    %reduce_sum3A_8 = vector.multi_reduction <add>, %mul3A, %reduce_sum3A [1] : vector<2048x3xf32> to vector<2048xf32>
    %broadcast_in_dim3A = vector.shape_cast %reduce_sum3A_8 : vector<2048xf32> to vector<2048x1xf32>
    %max3A = arith.constant 0.000000e+00 : f32
    %max3A_9 = vector.broadcast %max3A : f32 to vector<2048x1xf32>
    %max3A_10 = arith.maximumf %broadcast_in_dim3A, %max3A_9 : vector<2048x1xf32>
    %add3A = arith.constant 9.99999974E-6 : f32
    %add3A_11 = vector.broadcast %add3A : f32 to vector<2048x1xf32>
    %add3A_12 = arith.addf %max3A_10, %add3A_11 : vector<2048x1xf32>
    %sqrt3A = math.sqrt %add3A_12 : vector<2048x1xf32>
    %get3A_13 = arith.constant 0 : index
    %get3A_14 = arith.constant 0 : index
    %get3A_15 = vector.load %arg4[%get3A_13, %get3A_14] : memref<128x50xf32, #tpu.memory_space<vmem>>, vector<128x50xf32>
    %dot_general3A = arith.constant dense<0.000000e+00> : vector<2048x50xf32>
    %dot_general3A_16 = tpu.matmul %get3A_1, %get3A_15, %dot_general3A {dimension_numbers = #tpu.dot_dimension_numbers<[1], [0], [0], [1], [0, 0, 1, 1], [], []>, transpose_lhs_hint = false} : vector<2048x128xf32>, vector<128x50xf32>, vector<2048x50xf32> -> vector<2048x50xf32>
    %get3A_17 = arith.constant 0 : index
    %get3A_18 = arith.constant 0 : index
    %get3A_19 = vector.load %arg5[%get3A_17, %get3A_18] : memref<128x50xf32, #tpu.memory_space<vmem>>, vector<128x50xf32>
    %dot_general3A_20 = arith.constant dense<0.000000e+00> : vector<2048x50xf32>
    %dot_general3A_21 = tpu.matmul %get3A_4, %get3A_19, %dot_general3A_20 {dimension_numbers = #tpu.dot_dimension_numbers<[1], [0], [0], [1], [0, 0, 1, 1], [], []>, transpose_lhs_hint = false} : vector<2048x128xf32>, vector<128x50xf32>, vector<2048x50xf32> -> vector<2048x50xf32>
    %add3A_22 = arith.addf %dot_general3A_16, %dot_general3A_21 : vector<2048x50xf32>
    %get3A_23 = arith.constant 0 : index
    %get3A_24 = arith.constant 0 : index
    %get3A_25 = vector.load %arg6[%get3A_23, %get3A_24] : memref<1x50xf32, #tpu.memory_space<vmem>>, vector<1x50xf32>
    %add3A_26 = vector.broadcast %get3A_25 : vector<1x50xf32> to vector<2048x50xf32>
    %add3A_27 = arith.addf %add3A_22, %add3A_26 : vector<2048x50xf32>
    %get3A_28 = arith.constant 0 : index
    %get3A_29 = arith.constant 0 : index
    %get3A_30 = vector.load %arg8[%get3A_28, %get3A_29] : memref<1x50xf32, #tpu.memory_space<vmem>>, vector<1x50xf32>
    %neg3A = arith.constant 0.000000e+00 : f32
    %neg3A_31 = vector.broadcast %neg3A : f32 to vector<1x50xf32>
    %neg3A_32 = arith.subf %neg3A_31, %get3A_30 : vector<1x50xf32>
    %neg3A_33 = arith.constant 0.000000e+00 : f32
    %neg3A_34 = vector.broadcast %neg3A_33 : f32 to vector<2048x1xf32>
    %neg3A_35 = arith.subf %neg3A_34, %sqrt3A : vector<2048x1xf32>
    %exp3A = math.exp %neg3A_35 : vector<2048x1xf32>
    %get3A_36 = arith.constant 0 : index
    %get3A_37 = arith.constant 0 : index
    %get3A_38 = vector.load %arg7[%get3A_36, %get3A_37] : memref<1x50xf32, #tpu.memory_space<vmem>>, vector<1x50xf32>
    %sub3A = vector.broadcast %exp3A : vector<2048x1xf32> to vector<2048x50xf32>
    %sub3A_39 = vector.broadcast %get3A_38 : vector<1x50xf32> to vector<2048x50xf32>
    %sub3A_40 = arith.subf %sub3A, %sub3A_39 : vector<2048x50xf32>
    %integer_pow3A = arith.mulf %sub3A_40, %sub3A_40 : vector<2048x50xf32>
    %mul3A_41 = vector.broadcast %neg3A_32 : vector<1x50xf32> to vector<2048x50xf32>
    %mul3A_42 = arith.mulf %mul3A_41, %integer_pow3A : vector<2048x50xf32>
    %exp3A_43 = math.exp %mul3A_42 : vector<2048x50xf32>
    %mul3A_44 = arith.mulf %exp3A_43, %add3A_27 : vector<2048x50xf32>
    %get3A_45 = arith.constant 0 : index
    %get3A_46 = arith.constant 0 : index
    %get3A_47 = vector.load %arg9[%get3A_45, %get3A_46] : memref<128x64xf32, #tpu.memory_space<vmem>>, vector<128x64xf32>
    %dot_general3A_48 = arith.constant dense<0.000000e+00> : vector<2048x64xf32>
    %dot_general3A_49 = tpu.matmul %get3A_1, %get3A_47, %dot_general3A_48 {dimension_numbers = #tpu.dot_dimension_numbers<[1], [0], [0], [1], [0, 0, 1, 1], [], []>, transpose_lhs_hint = false} : vector<2048x128xf32>, vector<128x64xf32>, vector<2048x64xf32> -> vector<2048x64xf32>
    %get3A_50 = arith.constant 0 : index
    %get3A_51 = arith.constant 0 : index
    %get3A_52 = vector.load %arg10[%get3A_50, %get3A_51] : memref<128x64xf32, #tpu.memory_space<vmem>>, vector<128x64xf32>
    %dot_general3A_53 = arith.constant dense<0.000000e+00> : vector<2048x64xf32>
    %dot_general3A_54 = tpu.matmul %get3A_4, %get3A_52, %dot_general3A_53 {dimension_numbers = #tpu.dot_dimension_numbers<[1], [0], [0], [1], [0, 0, 1, 1], [], []>, transpose_lhs_hint = false} : vector<2048x128xf32>, vector<128x64xf32>, vector<2048x64xf32> -> vector<2048x64xf32>
    %add3A_55 = arith.addf %dot_general3A_49, %dot_general3A_54 : vector<2048x64xf32>
    %get3A_56 = arith.constant 0 : index
    %get3A_57 = arith.constant 0 : index
    %get3A_58 = vector.load %arg11[%get3A_56, %get3A_57] : memref<50x64xf32, #tpu.memory_space<vmem>>, vector<50x64xf32>
    %dot_general3A_59 = arith.constant dense<0.000000e+00> : vector<2048x64xf32>
    %dot_general3A_60 = tpu.matmul %mul3A_44, %get3A_58, %dot_general3A_59 {dimension_numbers = #tpu.dot_dimension_numbers<[1], [0], [0], [1], [0, 0, 1, 1], [], []>, transpose_lhs_hint = false} : vector<2048x50xf32>, vector<50x64xf32>, vector<2048x64xf32> -> vector<2048x64xf32>
    %add3A_61 = arith.addf %add3A_55, %dot_general3A_60 : vector<2048x64xf32>
    %get3A_62 = arith.constant 0 : index
    %get3A_63 = arith.constant 0 : index
    %get3A_64 = vector.load %arg12[%get3A_62, %get3A_63] : memref<1x64xf32, #tpu.memory_space<vmem>>, vector<1x64xf32>
    %mul3A_65 = vector.broadcast %sqrt3A : vector<2048x1xf32> to vector<2048x64xf32>
    %mul3A_66 = vector.broadcast %get3A_64 : vector<1x64xf32> to vector<2048x64xf32>
    %mul3A_67 = arith.mulf %mul3A_65, %mul3A_66 : vector<2048x64xf32>
    %add3A_68 = arith.addf %add3A_61, %mul3A_67 : vector<2048x64xf32>
    %get3A_69 = arith.constant 0 : index
    %get3A_70 = arith.constant 0 : index
    %get3A_71 = vector.load %arg13[%get3A_69, %get3A_70] : memref<1x64xf32, #tpu.memory_space<vmem>>, vector<1x64xf32>
    %add3A_72 = vector.broadcast %get3A_71 : vector<1x64xf32> to vector<2048x64xf32>
    %add3A_73 = arith.addf %add3A_68, %add3A_72 : vector<2048x64xf32>
    %logistic3A = arith.negf %add3A_73 : vector<2048x64xf32>
    %logistic3A_74 = math.exp %logistic3A : vector<2048x64xf32>
    %logistic3A_75 = arith.constant 1.000000e+00 : f32
    %logistic3A_76 = vector.broadcast %logistic3A_75 : f32 to vector<2048x64xf32>
    %logistic3A_77 = arith.addf %logistic3A_76, %logistic3A_74 : vector<2048x64xf32>
    %logistic3A_78 = arith.divf %logistic3A_76, %logistic3A_77 : vector<2048x64xf32>
    %mul3A_79 = arith.mulf %add3A_73, %logistic3A_78 : vector<2048x64xf32>
    %get3A_80 = arith.constant 0 : index
    %get3A_81 = arith.constant 0 : index
    %get3A_82 = vector.load %arg14[%get3A_80, %get3A_81] : memref<64x64xf32, #tpu.memory_space<vmem>>, vector<64x64xf32>
    %dot_general3A_83 = arith.constant dense<0.000000e+00> : vector<2048x64xf32>
    %dot_general3A_84 = tpu.matmul %mul3A_79, %get3A_82, %dot_general3A_83 {dimension_numbers = #tpu.dot_dimension_numbers<[1], [0], [0], [1], [0, 0, 1, 1], [], []>, transpose_lhs_hint = false} : vector<2048x64xf32>, vector<64x64xf32>, vector<2048x64xf32> -> vector<2048x64xf32>
    %get3A_85 = arith.constant 0 : index
    %get3A_86 = arith.constant 0 : index
    %get3A_87 = vector.load %arg15[%get3A_85, %get3A_86] : memref<1x64xf32, #tpu.memory_space<vmem>>, vector<1x64xf32>
    %add3A_88 = vector.broadcast %get3A_87 : vector<1x64xf32> to vector<2048x64xf32>
    %add3A_89 = arith.addf %dot_general3A_84, %add3A_88 : vector<2048x64xf32>
    %get3A_90 = arith.constant 0 : index
    %get3A_91 = arith.constant 0 : index
    %get3A_92 = vector.load %arg16[%get3A_90, %get3A_91] : memref<64x4xf32, #tpu.memory_space<vmem>>, vector<64x4xf32>
    %dot_general3A_93 = arith.constant dense<0.000000e+00> : vector<2048x4xf32>
    %dot_general3A_94 = tpu.matmul %add3A_89, %get3A_92, %dot_general3A_93 {dimension_numbers = #tpu.dot_dimension_numbers<[1], [0], [0], [1], [0, 0, 1, 1], [], []>, transpose_lhs_hint = false} : vector<2048x64xf32>, vector<64x4xf32>, vector<2048x4xf32> -> vector<2048x4xf32>
    %get3A_95 = arith.constant 0 : index
    %get3A_96 = arith.constant 0 : index
    %get3A_97 = vector.load %arg17[%get3A_95, %get3A_96] : memref<1x4xf32, #tpu.memory_space<vmem>>, vector<1x4xf32>
    %add3A_98 = vector.broadcast %get3A_97 : vector<1x4xf32> to vector<2048x4xf32>
    %add3A_99 = arith.addf %dot_general3A_94, %add3A_98 : vector<2048x4xf32>
    %gt3A = arith.constant 0.000000e+00 : f32
    %gt3A_100 = vector.broadcast %gt3A : f32 to vector<2048x4xf32>
    %gt3A_101 = arith.cmpf ogt, %add3A_99, %gt3A_100 : vector<2048x4xf32>
    %div3A = arith.constant 2.000000e+00 : f32
    %div3A_102 = vector.broadcast %div3A : f32 to vector<2048x4xf32>
    %div3A_103 = arith.divf %add3A_99, %div3A_102 : vector<2048x4xf32>
    %exp3A_104 = math.exp %div3A_103 : vector<2048x4xf32>
    %sub3A_105 = arith.constant 1.000000e+00 : f32
    %sub3A_106 = vector.broadcast %sub3A_105 : f32 to vector<2048x4xf32>
    %sub3A_107 = arith.subf %exp3A_104, %sub3A_106 : vector<2048x4xf32>
    %mul3A_108 = arith.constant 2.000000e+00 : f32
    %mul3A_109 = vector.broadcast %mul3A_108 : f32 to vector<2048x4xf32>
    %mul3A_110 = arith.mulf %mul3A_109, %sub3A_107 : vector<2048x4xf32>
    %select_n3A = arith.select %gt3A_101, %add3A_99, %mul3A_110 : vector<2048x4xi1>, vector<2048x4xf32>
    %swap3A = arith.constant 0 : index
    %swap3A_111 = arith.constant 0 : index
    %swap3A_112 = vector.load %arg18[%swap3A, %swap3A_111] : memref<2048x64xf32, #tpu.memory_space<vmem>>, vector<2048x64xf32>
    tpu.vector_store %arg18[%swap3A, %swap3A_111], %add3A_89 {strides = array<i32>} : memref<2048x64xf32, #tpu.memory_space<vmem>>, vector<2048x64xf32>,
    %swap3A_113 = arith.constant 0 : index
    %swap3A_114 = arith.constant 0 : index
    %swap3A_115 = vector.load %arg19[%swap3A_113, %swap3A_114] : memref<2048x4xf32, #tpu.memory_space<vmem>>, vector<2048x4xf32>
    tpu.vector_store %arg19[%swap3A_113, %swap3A_114], %select_n3A {strides = array<i32>} : memref<2048x4xf32, #tpu.memory_space<vmem>>, vector<2048x4xf32>,
    %add3A_116 = arith.constant 9.99999974E-6 : f32
    %add3A_117 = vector.broadcast %add3A_116 : f32 to vector<2048x1xf32>
    %add3A_118 = arith.addf %sqrt3A, %add3A_117 : vector<2048x1xf32>
    %div3A_119 = vector.broadcast %add3A_118 : vector<2048x1xf32> to vector<2048x3xf32>
    %div3A_120 = arith.divf %get3A_7, %div3A_119 : vector<2048x3xf32>
    %swap3A_121 = arith.constant 0 : index
    %swap3A_122 = arith.constant 0 : index
    %swap3A_123 = vector.load %arg20[%swap3A_121, %swap3A_122] : memref<2048x3xf32, #tpu.memory_space<vmem>>, vector<2048x3xf32>
    tpu.vector_store %arg20[%swap3A_121, %swap3A_122], %div3A_120 {strides = array<i32>} : memref<2048x3xf32, #tpu.memory_space<vmem>>, vector<2048x3xf32>,
    return
  }
  func.func @transform_0(%arg0: i32) -> (i32, i32) {
    %c0_i32 = arith.constant 0 : i32
    %c0_i32_0 = arith.constant 0 : i32
    return %arg0, %c0_i32 : i32, i32
  }
  func.func @transform_1(%arg0: i32) -> (i32, i32) {
    %c0_i32 = arith.constant 0 : i32
    %c0_i32_0 = arith.constant 0 : i32
    return %arg0, %c0_i32 : i32, i32
  }
  func.func @transform_2(%arg0: i32) -> (i32, i32) {
    %c0_i32 = arith.constant 0 : i32
    %c0_i32_0 = arith.constant 0 : i32
    return %arg0, %c0_i32 : i32, i32
  }
  func.func @transform_3(%arg0: i32) -> (i32, i32) {
    %c0_i32 = arith.constant 0 : i32
    %c0_i32_0 = arith.constant 0 : i32
    %c0_i32_1 = arith.constant 0 : i32
    return %c0_i32, %c0_i32_0 : i32, i32
  }
  func.func @transform_4(%arg0: i32) -> (i32, i32) {
    %c0_i32 = arith.constant 0 : i32
    %c0_i32_0 = arith.constant 0 : i32
    %c0_i32_1 = arith.constant 0 : i32
    return %c0_i32, %c0_i32_0 : i32, i32
  }
  func.func @transform_5(%arg0: i32) -> (i32, i32) {
    %c0_i32 = arith.constant 0 : i32
    %c0_i32_0 = arith.constant 0 : i32
    %c0_i32_1 = arith.constant 0 : i32
    return %c0_i32, %c0_i32_0 : i32, i32
  }
  func.func @transform_6(%arg0: i32) -> (i32, i32) {
    %c0_i32 = arith.constant 0 : i32
    %c0_i32_0 = arith.constant 0 : i32
    %c0_i32_1 = arith.constant 0 : i32
    return %c0_i32, %c0_i32_0 : i32, i32
  }
  func.func @transform_7(%arg0: i32) -> (i32, i32) {
    %c0_i32 = arith.constant 0 : i32
    %c0_i32_0 = arith.constant 0 : i32
    %c0_i32_1 = arith.constant 0 : i32
    return %c0_i32, %c0_i32_0 : i32, i32
  }
  func.func @transform_8(%arg0: i32) -> (i32, i32) {
    %c0_i32 = arith.constant 0 : i32
    %c0_i32_0 = arith.constant 0 : i32
    %c0_i32_1 = arith.constant 0 : i32
    return %c0_i32, %c0_i32_0 : i32, i32
  }
  func.func @transform_9(%arg0: i32) -> (i32, i32) {
    %c0_i32 = arith.constant 0 : i32
    %c0_i32_0 = arith.constant 0 : i32
    %c0_i32_1 = arith.constant 0 : i32
    return %c0_i32, %c0_i32_0 : i32, i32
  }
  func.func @transform_10(%arg0: i32) -> (i32, i32) {
    %c0_i32 = arith.constant 0 : i32
    %c0_i32_0 = arith.constant 0 : i32
    %c0_i32_1 = arith.constant 0 : i32
    return %c0_i32, %c0_i32_0 : i32, i32
  }
  func.func @transform_11(%arg0: i32) -> (i32, i32) {
    %c0_i32 = arith.constant 0 : i32
    %c0_i32_0 = arith.constant 0 : i32
    %c0_i32_1 = arith.constant 0 : i32
    return %c0_i32, %c0_i32_0 : i32, i32
  }
  func.func @transform_12(%arg0: i32) -> (i32, i32) {
    %c0_i32 = arith.constant 0 : i32
    %c0_i32_0 = arith.constant 0 : i32
    %c0_i32_1 = arith.constant 0 : i32
    return %c0_i32, %c0_i32_0 : i32, i32
  }
  func.func @transform_13(%arg0: i32) -> (i32, i32) {
    %c0_i32 = arith.constant 0 : i32
    %c0_i32_0 = arith.constant 0 : i32
    %c0_i32_1 = arith.constant 0 : i32
    return %c0_i32, %c0_i32_0 : i32, i32
  }
  func.func @transform_14(%arg0: i32) -> (i32, i32) {
    %c0_i32 = arith.constant 0 : i32
    %c0_i32_0 = arith.constant 0 : i32
    %c0_i32_1 = arith.constant 0 : i32
    return %c0_i32, %c0_i32_0 : i32, i32
  }
  func.func @transform_15(%arg0: i32) -> (i32, i32) {
    %c0_i32 = arith.constant 0 : i32
    %c0_i32_0 = arith.constant 0 : i32
    %c0_i32_1 = arith.constant 0 : i32
    return %c0_i32, %c0_i32_0 : i32, i32
  }
  func.func @transform_16(%arg0: i32) -> (i32, i32) {
    %c0_i32 = arith.constant 0 : i32
    %c0_i32_0 = arith.constant 0 : i32
    %c0_i32_1 = arith.constant 0 : i32
    return %c0_i32, %c0_i32_0 : i32, i32
  }
  func.func @transform_17(%arg0: i32) -> (i32, i32) {
    %c0_i32 = arith.constant 0 : i32
    %c0_i32_0 = arith.constant 0 : i32
    return %arg0, %c0_i32 : i32, i32
  }
  func.func @transform_18(%arg0: i32) -> (i32, i32) {
    %c0_i32 = arith.constant 0 : i32
    %c0_i32_0 = arith.constant 0 : i32
    return %arg0, %c0_i32 : i32, i32
  }
  func.func @transform_19(%arg0: i32) -> (i32, i32) {
    %c0_i32 = arith.constant 0 : i32
    %c0_i32_0 = arith.constant 0 : i32
    return %arg0, %c0_i32 : i32, i32
  }
}

module attributes {stable_mosaic.version = 14 : i64} {
  func.func @_edge_b(%arg0: i32, %arg1: memref<2048x64xf32, #tpu.memory_space<vmem>>, %arg2: memref<2048x4xf32, #tpu.memory_space<vmem>>, %arg3: memref<2048x3xf32, #tpu.memory_space<vmem>>, %arg4: memref<64x256xf32, #tpu.memory_space<vmem>>, %arg5: memref<4x256xf32, #tpu.memory_space<vmem>>, %arg6: memref<256x256xf32, #tpu.memory_space<vmem>>, %arg7: memref<256x1xf32, #tpu.memory_space<vmem>>, %arg8: memref<2048x1024xf32, #tpu.memory_space<vmem>>, %arg9: memref<2048x3xf32, #tpu.memory_space<vmem>>) attributes {dimension_semantics = [#tpu.dimension_semantics<arbitrary>], iteration_bounds = array<i64: 79>, scalar_prefetch = 0 : i64, scratch_operands = 0 : i64, tpu.core_type = #tpu.core_type<tc>, window_params = [{transform_indices = @transform_0, window_bounds = array<i64: 2048, 64>}, {transform_indices = @transform_1, window_bounds = array<i64: 2048, 4>}, {transform_indices = @transform_2, window_bounds = array<i64: 2048, 3>}, {pipeline_mode = #tpu.pipeline_mode<synchronous>, transform_indices = @transform_3, window_bounds = array<i64: 64, 256>}, {pipeline_mode = #tpu.pipeline_mode<synchronous>, transform_indices = @transform_4, window_bounds = array<i64: 4, 256>}, {pipeline_mode = #tpu.pipeline_mode<synchronous>, transform_indices = @transform_5, window_bounds = array<i64: 256, 256>}, {pipeline_mode = #tpu.pipeline_mode<synchronous>, transform_indices = @transform_6, window_bounds = array<i64: 256, 1>}, {transform_indices = @transform_7, window_bounds = array<i64: 2048, 1024>}, {transform_indices = @transform_8, window_bounds = array<i64: 2048, 3>}]} {
    %get3A = arith.constant 0 : index
    %get3A_0 = arith.constant 0 : index
    %get3A_1 = vector.load %arg1[%get3A, %get3A_0] : memref<2048x64xf32, #tpu.memory_space<vmem>>, vector<2048x64xf32>
    %get3A_2 = arith.constant 0 : index
    %get3A_3 = arith.constant 0 : index
    %get3A_4 = vector.load %arg2[%get3A_2, %get3A_3] : memref<2048x4xf32, #tpu.memory_space<vmem>>, vector<2048x4xf32>
    %get3A_5 = arith.constant 0 : index
    %get3A_6 = arith.constant 0 : index
    %get3A_7 = vector.load %arg3[%get3A_5, %get3A_6] : memref<2048x3xf32, #tpu.memory_space<vmem>>, vector<2048x3xf32>
    %get3A_8 = arith.constant 0 : index
    %get3A_9 = arith.constant 0 : index
    %get3A_10 = vector.load %arg4[%get3A_8, %get3A_9] : memref<64x256xf32, #tpu.memory_space<vmem>>, vector<64x256xf32>
    %dot_general3A = arith.constant dense<0.000000e+00> : vector<2048x256xf32>
    %dot_general3A_11 = tpu.matmul %get3A_1, %get3A_10, %dot_general3A {dimension_numbers = #tpu.dot_dimension_numbers<[1], [0], [0], [1], [0, 0, 1, 1], [], []>, transpose_lhs_hint = false} : vector<2048x64xf32>, vector<64x256xf32>, vector<2048x256xf32> -> vector<2048x256xf32>
    %get3A_12 = arith.constant 0 : index
    %get3A_13 = arith.constant 0 : index
    %get3A_14 = vector.load %arg5[%get3A_12, %get3A_13] : memref<4x256xf32, #tpu.memory_space<vmem>>, vector<4x256xf32>
    %dot_general3A_15 = arith.constant dense<0.000000e+00> : vector<2048x256xf32>
    %dot_general3A_16 = tpu.matmul %get3A_4, %get3A_14, %dot_general3A_15 {dimension_numbers = #tpu.dot_dimension_numbers<[1], [0], [0], [1], [0, 0, 1, 1], [], []>, transpose_lhs_hint = false} : vector<2048x4xf32>, vector<4x256xf32>, vector<2048x256xf32> -> vector<2048x256xf32>
    %mul3A = arith.mulf %dot_general3A_11, %dot_general3A_16 : vector<2048x256xf32>
    %get3A_17 = arith.constant 0 : index
    %get3A_18 = arith.constant 0 : index
    %get3A_19 = vector.load %arg6[%get3A_17, %get3A_18] : memref<256x256xf32, #tpu.memory_space<vmem>>, vector<256x256xf32>
    %dot_general3A_20 = arith.constant dense<0.000000e+00> : vector<2048x256xf32>
    %dot_general3A_21 = tpu.matmul %mul3A, %get3A_19, %dot_general3A_20 {dimension_numbers = #tpu.dot_dimension_numbers<[1], [0], [0], [1], [0, 0, 1, 1], [], []>, transpose_lhs_hint = false} : vector<2048x256xf32>, vector<256x256xf32>, vector<2048x256xf32> -> vector<2048x256xf32>
    %tanh3A = math.tanh %dot_general3A_21 : vector<2048x256xf32>
    %get3A_22 = arith.constant 0 : index
    %get3A_23 = arith.constant 0 : index
    %get3A_24 = vector.load %arg7[%get3A_22, %get3A_23] : memref<256x1xf32, #tpu.memory_space<vmem>>, vector<256x1xf32>
    %dot_general3A_25 = arith.constant dense<0.000000e+00> : vector<2048x1xf32>
    %dot_general3A_26 = tpu.matmul %tanh3A, %get3A_24, %dot_general3A_25 {dimension_numbers = #tpu.dot_dimension_numbers<[1], [0], [0], [1], [0, 0, 1, 1], [], []>, transpose_lhs_hint = false} : vector<2048x256xf32>, vector<256x1xf32>, vector<2048x1xf32> -> vector<2048x1xf32>
    %swap3A = arith.constant 0 : index
    %swap3A_27 = arith.constant 0 : index
    %swap3A_28 = vector.load %arg8[%swap3A, %swap3A_27] : memref<2048x1024xf32, #tpu.memory_space<vmem>>, vector<2048x256xf32>
    tpu.vector_store %arg8[%swap3A, %swap3A_27], %mul3A {strides = array<i32>} : memref<2048x1024xf32, #tpu.memory_space<vmem>>, vector<2048x256xf32>,
    %slice3A = vector.extract_strided_slice %get3A_7 {offsets = [0, 0], sizes = [2048, 1], strides = [1, 1]} : vector<2048x3xf32> to vector<2048x1xf32>
    %mul3A_29 = vector.broadcast %slice3A : vector<2048x1xf32> to vector<2048x256xf32>
    %mul3A_30 = arith.mulf %tanh3A, %mul3A_29 : vector<2048x256xf32>
    %swap3A_31 = arith.constant 0 : index
    %swap3A_32 = arith.constant 256 : index
    %swap3A_33 = vector.load %arg8[%swap3A_31, %swap3A_32] : memref<2048x1024xf32, #tpu.memory_space<vmem>>, vector<2048x256xf32>
    tpu.vector_store %arg8[%swap3A_31, %swap3A_32], %mul3A_30 {strides = array<i32>} : memref<2048x1024xf32, #tpu.memory_space<vmem>>, vector<2048x256xf32>,
    %slice3A_34 = vector.extract_strided_slice %get3A_7 {offsets = [0, 1], sizes = [2048, 1], strides = [1, 1]} : vector<2048x3xf32> to vector<2048x1xf32>
    %mul3A_35 = vector.broadcast %slice3A_34 : vector<2048x1xf32> to vector<2048x256xf32>
    %mul3A_36 = arith.mulf %tanh3A, %mul3A_35 : vector<2048x256xf32>
    %swap3A_37 = arith.constant 0 : index
    %swap3A_38 = arith.constant 512 : index
    %swap3A_39 = vector.load %arg8[%swap3A_37, %swap3A_38] : memref<2048x1024xf32, #tpu.memory_space<vmem>>, vector<2048x256xf32>
    tpu.vector_store %arg8[%swap3A_37, %swap3A_38], %mul3A_36 {strides = array<i32>} : memref<2048x1024xf32, #tpu.memory_space<vmem>>, vector<2048x256xf32>,
    %slice3A_40 = vector.extract_strided_slice %get3A_7 {offsets = [0, 2], sizes = [2048, 1], strides = [1, 1]} : vector<2048x3xf32> to vector<2048x1xf32>
    %mul3A_41 = vector.broadcast %slice3A_40 : vector<2048x1xf32> to vector<2048x256xf32>
    %mul3A_42 = arith.mulf %tanh3A, %mul3A_41 : vector<2048x256xf32>
    %swap3A_43 = arith.constant 0 : index
    %swap3A_44 = arith.constant 768 : index
    %swap3A_45 = vector.load %arg8[%swap3A_43, %swap3A_44] : memref<2048x1024xf32, #tpu.memory_space<vmem>>, vector<2048x256xf32>
    tpu.vector_store %arg8[%swap3A_43, %swap3A_44], %mul3A_42 {strides = array<i32>} : memref<2048x1024xf32, #tpu.memory_space<vmem>>, vector<2048x256xf32>,
    %mul3A_46 = vector.broadcast %dot_general3A_26 : vector<2048x1xf32> to vector<2048x3xf32>
    %mul3A_47 = arith.mulf %get3A_7, %mul3A_46 : vector<2048x3xf32>
    %swap3A_48 = arith.constant 0 : index
    %swap3A_49 = arith.constant 0 : index
    %swap3A_50 = vector.load %arg9[%swap3A_48, %swap3A_49] : memref<2048x3xf32, #tpu.memory_space<vmem>>, vector<2048x3xf32>
    tpu.vector_store %arg9[%swap3A_48, %swap3A_49], %mul3A_47 {strides = array<i32>} : memref<2048x3xf32, #tpu.memory_space<vmem>>, vector<2048x3xf32>,
    return
  }
  func.func @transform_0(%arg0: i32) -> (i32, i32) {
    %c0_i32 = arith.constant 0 : i32
    %c0_i32_0 = arith.constant 0 : i32
    return %arg0, %c0_i32 : i32, i32
  }
  func.func @transform_1(%arg0: i32) -> (i32, i32) {
    %c0_i32 = arith.constant 0 : i32
    %c0_i32_0 = arith.constant 0 : i32
    return %arg0, %c0_i32 : i32, i32
  }
  func.func @transform_2(%arg0: i32) -> (i32, i32) {
    %c0_i32 = arith.constant 0 : i32
    %c0_i32_0 = arith.constant 0 : i32
    return %arg0, %c0_i32 : i32, i32
  }
  func.func @transform_3(%arg0: i32) -> (i32, i32) {
    %c0_i32 = arith.constant 0 : i32
    %c0_i32_0 = arith.constant 0 : i32
    %c0_i32_1 = arith.constant 0 : i32
    return %c0_i32, %c0_i32_0 : i32, i32
  }
  func.func @transform_4(%arg0: i32) -> (i32, i32) {
    %c0_i32 = arith.constant 0 : i32
    %c0_i32_0 = arith.constant 0 : i32
    %c0_i32_1 = arith.constant 0 : i32
    return %c0_i32, %c0_i32_0 : i32, i32
  }
  func.func @transform_5(%arg0: i32) -> (i32, i32) {
    %c0_i32 = arith.constant 0 : i32
    %c0_i32_0 = arith.constant 0 : i32
    %c0_i32_1 = arith.constant 0 : i32
    return %c0_i32, %c0_i32_0 : i32, i32
  }
  func.func @transform_6(%arg0: i32) -> (i32, i32) {
    %c0_i32 = arith.constant 0 : i32
    %c0_i32_0 = arith.constant 0 : i32
    %c0_i32_1 = arith.constant 0 : i32
    return %c0_i32, %c0_i32_0 : i32, i32
  }
  func.func @transform_7(%arg0: i32) -> (i32, i32) {
    %c0_i32 = arith.constant 0 : i32
    %c0_i32_0 = arith.constant 0 : i32
    return %arg0, %c0_i32 : i32, i32
  }
  func.func @transform_8(%arg0: i32) -> (i32, i32) {
    %c0_i32 = arith.constant 0 : i32
    %c0_i32_0 = arith.constant 0 : i32
    return %arg0, %c0_i32 : i32, i32
  }
}

module attributes {stable_mosaic.version = 14 : i64} {
  func.func @_node_c(%arg0: i32, %arg1: memref<2048x128xf32, #tpu.memory_space<vmem>>, %arg2: memref<2048x256xf32, #tpu.memory_space<vmem>>, %arg3: memref<2048x256xf32, #tpu.memory_space<vmem>>, %arg4: memref<2048x256xf32, #tpu.memory_space<vmem>>, %arg5: memref<2048x256xf32, #tpu.memory_space<vmem>>, %arg6: memref<2048x1xf32, #tpu.memory_space<vmem>>, %arg7: memref<2048x3xf32, #tpu.memory_space<vmem>>, %arg8: memref<2048x3xf32, #tpu.memory_space<vmem>>, %arg9: memref<2048x3xf32, #tpu.memory_space<vmem>>, %arg10: memref<256x64xf32, #tpu.memory_space<vmem>>, %arg11: memref<1x64xf32, #tpu.memory_space<vmem>>, %arg12: memref<64x64xf32, #tpu.memory_space<vmem>>, %arg13: memref<1x64xf32, #tpu.memory_space<vmem>>, %arg14: memref<128x64xf32, #tpu.memory_space<vmem>>, %arg15: memref<256x64xf32, #tpu.memory_space<vmem>>, %arg16: memref<64x64xf32, #tpu.memory_space<vmem>>, %arg17: memref<1x64xf32, #tpu.memory_space<vmem>>, %arg18: memref<64x128xf32, #tpu.memory_space<vmem>>, %arg19: memref<1x128xf32, #tpu.memory_space<vmem>>, %arg20: memref<128x64xf32, #tpu.memory_space<vmem>>, %arg21: memref<1x64xf32, #tpu.memory_space<vmem>>, %arg22: memref<64x1xf32, #tpu.memory_space<vmem>>, %arg23: memref<2048x128xf32, #tpu.memory_space<vmem>>, %arg24: memref<2048x3xf32, #tpu.memory_space<vmem>>, %arg25: memref<2048x3xf32, #tpu.memory_space<vmem>>) attributes {dimension_semantics = [#tpu.dimension_semantics<arbitrary>], iteration_bounds = array<i64: 5>, scalar_prefetch = 0 : i64, scratch_operands = 0 : i64, tpu.core_type = #tpu.core_type<tc>, window_params = [{transform_indices = @transform_0, window_bounds = array<i64: 2048, 128>}, {transform_indices = @transform_1, window_bounds = array<i64: 2048, 256>}, {transform_indices = @transform_2, window_bounds = array<i64: 2048, 256>}, {transform_indices = @transform_3, window_bounds = array<i64: 2048, 256>}, {transform_indices = @transform_4, window_bounds = array<i64: 2048, 256>}, {transform_indices = @transform_5, window_bounds = array<i64: 2048, 1>}, {transform_indices = @transform_6, window_bounds = array<i64: 2048, 3>}, {transform_indices = @transform_7, window_bounds = array<i64: 2048, 3>}, {transform_indices = @transform_8, window_bounds = array<i64: 2048, 3>}, {pipeline_mode = #tpu.pipeline_mode<synchronous>, transform_indices = @transform_9, window_bounds = array<i64: 256, 64>}, {pipeline_mode = #tpu.pipeline_mode<synchronous>, transform_indices = @transform_10, window_bounds = array<i64: 1, 64>}, {pipeline_mode = #tpu.pipeline_mode<synchronous>, transform_indices = @transform_11, window_bounds = array<i64: 64, 64>}, {pipeline_mode = #tpu.pipeline_mode<synchronous>, transform_indices = @transform_12, window_bounds = array<i64: 1, 64>}, {pipeline_mode = #tpu.pipeline_mode<synchronous>, transform_indices = @transform_13, window_bounds = array<i64: 128, 64>}, {pipeline_mode = #tpu.pipeline_mode<synchronous>, transform_indices = @transform_14, window_bounds = array<i64: 256, 64>}, {pipeline_mode = #tpu.pipeline_mode<synchronous>, transform_indices = @transform_15, window_bounds = array<i64: 64, 64>}, {pipeline_mode = #tpu.pipeline_mode<synchronous>, transform_indices = @transform_16, window_bounds = array<i64: 1, 64>}, {pipeline_mode = #tpu.pipeline_mode<synchronous>, transform_indices = @transform_17, window_bounds = array<i64: 64, 128>}, {pipeline_mode = #tpu.pipeline_mode<synchronous>, transform_indices = @transform_18, window_bounds = array<i64: 1, 128>}, {pipeline_mode = #tpu.pipeline_mode<synchronous>, transform_indices = @transform_19, window_bounds = array<i64: 128, 64>}, {pipeline_mode = #tpu.pipeline_mode<synchronous>, transform_indices = @transform_20, window_bounds = array<i64: 1, 64>}, {pipeline_mode = #tpu.pipeline_mode<synchronous>, transform_indices = @transform_21, window_bounds = array<i64: 64, 1>}, {transform_indices = @transform_22, window_bounds = array<i64: 2048, 128>}, {transform_indices = @transform_23, window_bounds = array<i64: 2048, 3>}, {transform_indices = @transform_24, window_bounds = array<i64: 2048, 3>}]} {
    %get3A = arith.constant 0 : index
    %get3A_0 = arith.constant 0 : index
    %get3A_1 = vector.load %arg1[%get3A, %get3A_0] : memref<2048x128xf32, #tpu.memory_space<vmem>>, vector<2048x128xf32>
    %get3A_2 = arith.constant 0 : index
    %get3A_3 = arith.constant 0 : index
    %get3A_4 = vector.load %arg2[%get3A_2, %get3A_3] : memref<2048x256xf32, #tpu.memory_space<vmem>>, vector<2048x256xf32>
    %get3A_5 = arith.constant 0 : index
    %get3A_6 = arith.constant 0 : index
    %get3A_7 = vector.load %arg6[%get3A_5, %get3A_6] : memref<2048x1xf32, #tpu.memory_space<vmem>>, vector<2048x1xf32>
    %get3A_8 = arith.constant 0 : index
    %get3A_9 = arith.constant 0 : index
    %get3A_10 = vector.load %arg3[%get3A_8, %get3A_9] : memref<2048x256xf32, #tpu.memory_space<vmem>>, vector<2048x256xf32>
    %mul3A = vector.broadcast %get3A_7 : vector<2048x1xf32> to vector<2048x256xf32>
    %mul3A_11 = arith.mulf %get3A_10, %mul3A : vector<2048x256xf32>
    %get3A_12 = arith.constant 0 : index
    %get3A_13 = arith.constant 0 : index
    %get3A_14 = vector.load %arg4[%get3A_12, %get3A_13] : memref<2048x256xf32, #tpu.memory_space<vmem>>, vector<2048x256xf32>
    %mul3A_15 = vector.broadcast %get3A_7 : vector<2048x1xf32> to vector<2048x256xf32>
    %mul3A_16 = arith.mulf %get3A_14, %mul3A_15 : vector<2048x256xf32>
    %get3A_17 = arith.constant 0 : index
    %get3A_18 = arith.constant 0 : index
    %get3A_19 = vector.load %arg5[%get3A_17, %get3A_18] : memref<2048x256xf32, #tpu.memory_space<vmem>>, vector<2048x256xf32>
    %mul3A_20 = vector.broadcast %get3A_7 : vector<2048x1xf32> to vector<2048x256xf32>
    %mul3A_21 = arith.mulf %get3A_19, %mul3A_20 : vector<2048x256xf32>
    %mul3A_22 = arith.mulf %mul3A_11, %mul3A_11 : vector<2048x256xf32>
    %mul3A_23 = arith.mulf %mul3A_16, %mul3A_16 : vector<2048x256xf32>
    %add3A = arith.addf %mul3A_22, %mul3A_23 : vector<2048x256xf32>
    %mul3A_24 = arith.mulf %mul3A_21, %mul3A_21 : vector<2048x256xf32>
    %add3A_25 = arith.addf %add3A, %mul3A_24 : vector<2048x256xf32>
    %get3A_26 = arith.constant 0 : index
    %get3A_27 = arith.constant 0 : index
    %get3A_28 = vector.load %arg10[%get3A_26, %get3A_27] : memref<256x64xf32, #tpu.memory_space<vmem>>, vector<256x64xf32>
    %dot_general3A = arith.constant dense<0.000000e+00> : vector<2048x64xf32>
    %dot_general3A_29 = tpu.matmul %add3A_25, %get3A_28, %dot_general3A {dimension_numbers = #tpu.dot_dimension_numbers<[1], [0], [0], [1], [0, 0, 1, 1], [], []>, transpose_lhs_hint = false} : vector<2048x256xf32>, vector<256x64xf32>, vector<2048x64xf32> -> vector<2048x64xf32>
    %get3A_30 = arith.constant 0 : index
    %get3A_31 = arith.constant 0 : index
    %get3A_32 = vector.load %arg11[%get3A_30, %get3A_31] : memref<1x64xf32, #tpu.memory_space<vmem>>, vector<1x64xf32>
    %add3A_33 = vector.broadcast %get3A_32 : vector<1x64xf32> to vector<2048x64xf32>
    %add3A_34 = arith.addf %dot_general3A_29, %add3A_33 : vector<2048x64xf32>
    %logistic3A = arith.negf %add3A_34 : vector<2048x64xf32>
    %logistic3A_35 = math.exp %logistic3A : vector<2048x64xf32>
    %logistic3A_36 = arith.constant 1.000000e+00 : f32
    %logistic3A_37 = vector.broadcast %logistic3A_36 : f32 to vector<2048x64xf32>
    %logistic3A_38 = arith.addf %logistic3A_37, %logistic3A_35 : vector<2048x64xf32>
    %logistic3A_39 = arith.divf %logistic3A_37, %logistic3A_38 : vector<2048x64xf32>
    %mul3A_40 = arith.mulf %add3A_34, %logistic3A_39 : vector<2048x64xf32>
    %get3A_41 = arith.constant 0 : index
    %get3A_42 = arith.constant 0 : index
    %get3A_43 = vector.load %arg12[%get3A_41, %get3A_42] : memref<64x64xf32, #tpu.memory_space<vmem>>, vector<64x64xf32>
    %dot_general3A_44 = arith.constant dense<0.000000e+00> : vector<2048x64xf32>
    %dot_general3A_45 = tpu.matmul %mul3A_40, %get3A_43, %dot_general3A_44 {dimension_numbers = #tpu.dot_dimension_numbers<[1], [0], [0], [1], [0, 0, 1, 1], [], []>, transpose_lhs_hint = false} : vector<2048x64xf32>, vector<64x64xf32>, vector<2048x64xf32> -> vector<2048x64xf32>
    %get3A_46 = arith.constant 0 : index
    %get3A_47 = arith.constant 0 : index
    %get3A_48 = vector.load %arg13[%get3A_46, %get3A_47] : memref<1x64xf32, #tpu.memory_space<vmem>>, vector<1x64xf32>
    %add3A_49 = vector.broadcast %get3A_48 : vector<1x64xf32> to vector<2048x64xf32>
    %add3A_50 = arith.addf %dot_general3A_45, %add3A_49 : vector<2048x64xf32>
    %logistic3A_51 = arith.negf %add3A_50 : vector<2048x64xf32>
    %logistic3A_52 = math.exp %logistic3A_51 : vector<2048x64xf32>
    %logistic3A_53 = arith.constant 1.000000e+00 : f32
    %logistic3A_54 = vector.broadcast %logistic3A_53 : f32 to vector<2048x64xf32>
    %logistic3A_55 = arith.addf %logistic3A_54, %logistic3A_52 : vector<2048x64xf32>
    %logistic3A_56 = arith.divf %logistic3A_54, %logistic3A_55 : vector<2048x64xf32>
    %mul3A_57 = arith.mulf %add3A_50, %logistic3A_56 : vector<2048x64xf32>
    %get3A_58 = arith.constant 0 : index
    %get3A_59 = arith.constant 0 : index
    %get3A_60 = vector.load %arg14[%get3A_58, %get3A_59] : memref<128x64xf32, #tpu.memory_space<vmem>>, vector<128x64xf32>
    %dot_general3A_61 = arith.constant dense<0.000000e+00> : vector<2048x64xf32>
    %dot_general3A_62 = tpu.matmul %get3A_1, %get3A_60, %dot_general3A_61 {dimension_numbers = #tpu.dot_dimension_numbers<[1], [0], [0], [1], [0, 0, 1, 1], [], []>, transpose_lhs_hint = false} : vector<2048x128xf32>, vector<128x64xf32>, vector<2048x64xf32> -> vector<2048x64xf32>
    %get3A_63 = arith.constant 0 : index
    %get3A_64 = arith.constant 0 : index
    %get3A_65 = vector.load %arg15[%get3A_63, %get3A_64] : memref<256x64xf32, #tpu.memory_space<vmem>>, vector<256x64xf32>
    %dot_general3A_66 = arith.constant dense<0.000000e+00> : vector<2048x64xf32>
    %dot_general3A_67 = tpu.matmul %get3A_4, %get3A_65, %dot_general3A_66 {dimension_numbers = #tpu.dot_dimension_numbers<[1], [0], [0], [1], [0, 0, 1, 1], [], []>, transpose_lhs_hint = false} : vector<2048x256xf32>, vector<256x64xf32>, vector<2048x64xf32> -> vector<2048x64xf32>
    %add3A_68 = arith.addf %dot_general3A_62, %dot_general3A_67 : vector<2048x64xf32>
    %get3A_69 = arith.constant 0 : index
    %get3A_70 = arith.constant 0 : index
    %get3A_71 = vector.load %arg16[%get3A_69, %get3A_70] : memref<64x64xf32, #tpu.memory_space<vmem>>, vector<64x64xf32>
    %dot_general3A_72 = arith.constant dense<0.000000e+00> : vector<2048x64xf32>
    %dot_general3A_73 = tpu.matmul %mul3A_57, %get3A_71, %dot_general3A_72 {dimension_numbers = #tpu.dot_dimension_numbers<[1], [0], [0], [1], [0, 0, 1, 1], [], []>, transpose_lhs_hint = false} : vector<2048x64xf32>, vector<64x64xf32>, vector<2048x64xf32> -> vector<2048x64xf32>
    %add3A_74 = arith.addf %add3A_68, %dot_general3A_73 : vector<2048x64xf32>
    %get3A_75 = arith.constant 0 : index
    %get3A_76 = arith.constant 0 : index
    %get3A_77 = vector.load %arg17[%get3A_75, %get3A_76] : memref<1x64xf32, #tpu.memory_space<vmem>>, vector<1x64xf32>
    %add3A_78 = vector.broadcast %get3A_77 : vector<1x64xf32> to vector<2048x64xf32>
    %add3A_79 = arith.addf %add3A_74, %add3A_78 : vector<2048x64xf32>
    %logistic3A_80 = arith.negf %add3A_79 : vector<2048x64xf32>
    %logistic3A_81 = math.exp %logistic3A_80 : vector<2048x64xf32>
    %logistic3A_82 = arith.constant 1.000000e+00 : f32
    %logistic3A_83 = vector.broadcast %logistic3A_82 : f32 to vector<2048x64xf32>
    %logistic3A_84 = arith.addf %logistic3A_83, %logistic3A_81 : vector<2048x64xf32>
    %logistic3A_85 = arith.divf %logistic3A_83, %logistic3A_84 : vector<2048x64xf32>
    %mul3A_86 = arith.mulf %add3A_79, %logistic3A_85 : vector<2048x64xf32>
    %get3A_87 = arith.constant 0 : index
    %get3A_88 = arith.constant 0 : index
    %get3A_89 = vector.load %arg18[%get3A_87, %get3A_88] : memref<64x128xf32, #tpu.memory_space<vmem>>, vector<64x128xf32>
    %dot_general3A_90 = arith.constant dense<0.000000e+00> : vector<2048x128xf32>
    %dot_general3A_91 = tpu.matmul %mul3A_86, %get3A_89, %dot_general3A_90 {dimension_numbers = #tpu.dot_dimension_numbers<[1], [0], [0], [1], [0, 0, 1, 1], [], []>, transpose_lhs_hint = false} : vector<2048x64xf32>, vector<64x128xf32>, vector<2048x128xf32> -> vector<2048x128xf32>
    %get3A_92 = arith.constant 0 : index
    %get3A_93 = arith.constant 0 : index
    %get3A_94 = vector.load %arg19[%get3A_92, %get3A_93] : memref<1x128xf32, #tpu.memory_space<vmem>>, vector<1x128xf32>
    %add3A_95 = vector.broadcast %get3A_94 : vector<1x128xf32> to vector<2048x128xf32>
    %add3A_96 = arith.addf %dot_general3A_91, %add3A_95 : vector<2048x128xf32>
    %logistic3A_97 = arith.negf %add3A_96 : vector<2048x128xf32>
    %logistic3A_98 = math.exp %logistic3A_97 : vector<2048x128xf32>
    %logistic3A_99 = arith.constant 1.000000e+00 : f32
    %logistic3A_100 = vector.broadcast %logistic3A_99 : f32 to vector<2048x128xf32>
    %logistic3A_101 = arith.addf %logistic3A_100, %logistic3A_98 : vector<2048x128xf32>
    %logistic3A_102 = arith.divf %logistic3A_100, %logistic3A_101 : vector<2048x128xf32>
    %mul3A_103 = arith.mulf %add3A_96, %logistic3A_102 : vector<2048x128xf32>
    %add3A_104 = arith.addf %get3A_1, %mul3A_103 : vector<2048x128xf32>
    %get3A_105 = arith.constant 0 : index
    %get3A_106 = arith.constant 0 : index
    %get3A_107 = vector.load %arg20[%get3A_105, %get3A_106] : memref<128x64xf32, #tpu.memory_space<vmem>>, vector<128x64xf32>
    %dot_general3A_108 = arith.constant dense<0.000000e+00> : vector<2048x64xf32>
    %dot_general3A_109 = tpu.matmul %add3A_104, %get3A_107, %dot_general3A_108 {dimension_numbers = #tpu.dot_dimension_numbers<[1], [0], [0], [1], [0, 0, 1, 1], [], []>, transpose_lhs_hint = false} : vector<2048x128xf32>, vector<128x64xf32>, vector<2048x64xf32> -> vector<2048x64xf32>
    %get3A_110 = arith.constant 0 : index
    %get3A_111 = arith.constant 0 : index
    %get3A_112 = vector.load %arg21[%get3A_110, %get3A_111] : memref<1x64xf32, #tpu.memory_space<vmem>>, vector<1x64xf32>
    %add3A_113 = vector.broadcast %get3A_112 : vector<1x64xf32> to vector<2048x64xf32>
    %add3A_114 = arith.addf %dot_general3A_109, %add3A_113 : vector<2048x64xf32>
    %logistic3A_115 = arith.negf %add3A_114 : vector<2048x64xf32>
    %logistic3A_116 = math.exp %logistic3A_115 : vector<2048x64xf32>
    %logistic3A_117 = arith.constant 1.000000e+00 : f32
    %logistic3A_118 = vector.broadcast %logistic3A_117 : f32 to vector<2048x64xf32>
    %logistic3A_119 = arith.addf %logistic3A_118, %logistic3A_116 : vector<2048x64xf32>
    %logistic3A_120 = arith.divf %logistic3A_118, %logistic3A_119 : vector<2048x64xf32>
    %mul3A_121 = arith.mulf %add3A_114, %logistic3A_120 : vector<2048x64xf32>
    %get3A_122 = arith.constant 0 : index
    %get3A_123 = arith.constant 0 : index
    %get3A_124 = vector.load %arg22[%get3A_122, %get3A_123] : memref<64x1xf32, #tpu.memory_space<vmem>>, vector<64x1xf32>
    %dot_general3A_125 = arith.constant dense<0.000000e+00> : vector<2048x1xf32>
    %dot_general3A_126 = tpu.matmul %mul3A_121, %get3A_124, %dot_general3A_125 {dimension_numbers = #tpu.dot_dimension_numbers<[1], [0], [0], [1], [0, 0, 1, 1], [], []>, transpose_lhs_hint = false} : vector<2048x64xf32>, vector<64x1xf32>, vector<2048x1xf32> -> vector<2048x1xf32>
    %logistic3A_127 = arith.negf %dot_general3A_126 : vector<2048x1xf32>
    %logistic3A_128 = math.exp %logistic3A_127 : vector<2048x1xf32>
    %logistic3A_129 = arith.constant 1.000000e+00 : f32
    %logistic3A_130 = vector.broadcast %logistic3A_129 : f32 to vector<2048x1xf32>
    %logistic3A_131 = arith.addf %logistic3A_130, %logistic3A_128 : vector<2048x1xf32>
    %logistic3A_132 = arith.divf %logistic3A_130, %logistic3A_131 : vector<2048x1xf32>
    %mul3A_133 = arith.constant 2.000000e+00 : f32
    %mul3A_134 = vector.broadcast %mul3A_133 : f32 to vector<2048x1xf32>
    %mul3A_135 = arith.mulf %mul3A_134, %logistic3A_132 : vector<2048x1xf32>
    %get3A_136 = arith.constant 0 : index
    %get3A_137 = arith.constant 0 : index
    %get3A_138 = vector.load %arg7[%get3A_136, %get3A_137] : memref<2048x3xf32, #tpu.memory_space<vmem>>, vector<2048x3xf32>
    %mul3A_139 = vector.broadcast %get3A_7 : vector<2048x1xf32> to vector<2048x3xf32>
    %mul3A_140 = arith.mulf %get3A_138, %mul3A_139 : vector<2048x3xf32>
    %get3A_141 = arith.constant 0 : index
    %get3A_142 = arith.constant 0 : index
    %get3A_143 = vector.load %arg8[%get3A_141, %get3A_142] : memref<2048x3xf32, #tpu.memory_space<vmem>>, vector<2048x3xf32>
    %mul3A_144 = vector.broadcast %mul3A_135 : vector<2048x1xf32> to vector<2048x3xf32>
    %mul3A_145 = arith.mulf %mul3A_144, %get3A_143 : vector<2048x3xf32>
    %add3A_146 = arith.addf %mul3A_140, %mul3A_145 : vector<2048x3xf32>
    %swap3A = arith.constant 0 : index
    %swap3A_147 = arith.constant 0 : index
    %swap3A_148 = vector.load %arg23[%swap3A, %swap3A_147] : memref<2048x128xf32, #tpu.memory_space<vmem>>, vector<2048x128xf32>
    tpu.vector_store %arg23[%swap3A, %swap3A_147], %add3A_104 {strides = array<i32>} : memref<2048x128xf32, #tpu.memory_space<vmem>>, vector<2048x128xf32>,
    %get3A_149 = arith.constant 0 : index
    %get3A_150 = arith.constant 0 : index
    %get3A_151 = vector.load %arg9[%get3A_149, %get3A_150] : memref<2048x3xf32, #tpu.memory_space<vmem>>, vector<2048x3xf32>
    %add3A_152 = arith.addf %get3A_151, %add3A_146 : vector<2048x3xf32>
    %swap3A_153 = arith.constant 0 : index
    %swap3A_154 = arith.constant 0 : index
    %swap3A_155 = vector.load %arg24[%swap3A_153, %swap3A_154] : memref<2048x3xf32, #tpu.memory_space<vmem>>, vector<2048x3xf32>
    tpu.vector_store %arg24[%swap3A_153, %swap3A_154], %add3A_152 {strides = array<i32>} : memref<2048x3xf32, #tpu.memory_space<vmem>>, vector<2048x3xf32>,
    %swap3A_156 = arith.constant 0 : index
    %swap3A_157 = arith.constant 0 : index
    %swap3A_158 = vector.load %arg25[%swap3A_156, %swap3A_157] : memref<2048x3xf32, #tpu.memory_space<vmem>>, vector<2048x3xf32>
    tpu.vector_store %arg25[%swap3A_156, %swap3A_157], %add3A_146 {strides = array<i32>} : memref<2048x3xf32, #tpu.memory_space<vmem>>, vector<2048x3xf32>,
    return
  }
  func.func @transform_0(%arg0: i32) -> (i32, i32) {
    %c0_i32 = arith.constant 0 : i32
    %c0_i32_0 = arith.constant 0 : i32
    return %arg0, %c0_i32 : i32, i32
  }
  func.func @transform_1(%arg0: i32) -> (i32, i32) {
    %c0_i32 = arith.constant 0 : i32
    %c0_i32_0 = arith.constant 0 : i32
    return %arg0, %c0_i32 : i32, i32
  }
  func.func @transform_2(%arg0: i32) -> (i32, i32) {
    %c0_i32 = arith.constant 0 : i32
    %c0_i32_0 = arith.constant 0 : i32
    return %arg0, %c0_i32 : i32, i32
  }
  func.func @transform_3(%arg0: i32) -> (i32, i32) {
    %c0_i32 = arith.constant 0 : i32
    %c0_i32_0 = arith.constant 0 : i32
    return %arg0, %c0_i32 : i32, i32
  }
  func.func @transform_4(%arg0: i32) -> (i32, i32) {
    %c0_i32 = arith.constant 0 : i32
    %c0_i32_0 = arith.constant 0 : i32
    return %arg0, %c0_i32 : i32, i32
  }
  func.func @transform_5(%arg0: i32) -> (i32, i32) {
    %c0_i32 = arith.constant 0 : i32
    %c0_i32_0 = arith.constant 0 : i32
    return %arg0, %c0_i32 : i32, i32
  }
  func.func @transform_6(%arg0: i32) -> (i32, i32) {
    %c0_i32 = arith.constant 0 : i32
    %c0_i32_0 = arith.constant 0 : i32
    return %arg0, %c0_i32 : i32, i32
  }
  func.func @transform_7(%arg0: i32) -> (i32, i32) {
    %c0_i32 = arith.constant 0 : i32
    %c0_i32_0 = arith.constant 0 : i32
    return %arg0, %c0_i32 : i32, i32
  }
  func.func @transform_8(%arg0: i32) -> (i32, i32) {
    %c0_i32 = arith.constant 0 : i32
    %c0_i32_0 = arith.constant 0 : i32
    return %arg0, %c0_i32 : i32, i32
  }
  func.func @transform_9(%arg0: i32) -> (i32, i32) {
    %c0_i32 = arith.constant 0 : i32
    %c0_i32_0 = arith.constant 0 : i32
    %c0_i32_1 = arith.constant 0 : i32
    return %c0_i32, %c0_i32_0 : i32, i32
  }
  func.func @transform_10(%arg0: i32) -> (i32, i32) {
    %c0_i32 = arith.constant 0 : i32
    %c0_i32_0 = arith.constant 0 : i32
    %c0_i32_1 = arith.constant 0 : i32
    return %c0_i32, %c0_i32_0 : i32, i32
  }
  func.func @transform_11(%arg0: i32) -> (i32, i32) {
    %c0_i32 = arith.constant 0 : i32
    %c0_i32_0 = arith.constant 0 : i32
    %c0_i32_1 = arith.constant 0 : i32
    return %c0_i32, %c0_i32_0 : i32, i32
  }
  func.func @transform_12(%arg0: i32) -> (i32, i32) {
    %c0_i32 = arith.constant 0 : i32
    %c0_i32_0 = arith.constant 0 : i32
    %c0_i32_1 = arith.constant 0 : i32
    return %c0_i32, %c0_i32_0 : i32, i32
  }
  func.func @transform_13(%arg0: i32) -> (i32, i32) {
    %c0_i32 = arith.constant 0 : i32
    %c0_i32_0 = arith.constant 0 : i32
    %c0_i32_1 = arith.constant 0 : i32
    return %c0_i32, %c0_i32_0 : i32, i32
  }
  func.func @transform_14(%arg0: i32) -> (i32, i32) {
    %c0_i32 = arith.constant 0 : i32
    %c0_i32_0 = arith.constant 0 : i32
    %c0_i32_1 = arith.constant 0 : i32
    return %c0_i32, %c0_i32_0 : i32, i32
  }
  func.func @transform_15(%arg0: i32) -> (i32, i32) {
    %c0_i32 = arith.constant 0 : i32
    %c0_i32_0 = arith.constant 0 : i32
    %c0_i32_1 = arith.constant 0 : i32
    return %c0_i32, %c0_i32_0 : i32, i32
  }
  func.func @transform_16(%arg0: i32) -> (i32, i32) {
    %c0_i32 = arith.constant 0 : i32
    %c0_i32_0 = arith.constant 0 : i32
    %c0_i32_1 = arith.constant 0 : i32
    return %c0_i32, %c0_i32_0 : i32, i32
  }
  func.func @transform_17(%arg0: i32) -> (i32, i32) {
    %c0_i32 = arith.constant 0 : i32
    %c0_i32_0 = arith.constant 0 : i32
    %c0_i32_1 = arith.constant 0 : i32
    return %c0_i32, %c0_i32_0 : i32, i32
  }
  func.func @transform_18(%arg0: i32) -> (i32, i32) {
    %c0_i32 = arith.constant 0 : i32
    %c0_i32_0 = arith.constant 0 : i32
    %c0_i32_1 = arith.constant 0 : i32
    return %c0_i32, %c0_i32_0 : i32, i32
  }
  func.func @transform_19(%arg0: i32) -> (i32, i32) {
    %c0_i32 = arith.constant 0 : i32
    %c0_i32_0 = arith.constant 0 : i32
    %c0_i32_1 = arith.constant 0 : i32
    return %c0_i32, %c0_i32_0 : i32, i32
  }
  func.func @transform_20(%arg0: i32) -> (i32, i32) {
    %c0_i32 = arith.constant 0 : i32
    %c0_i32_0 = arith.constant 0 : i32
    %c0_i32_1 = arith.constant 0 : i32
    return %c0_i32, %c0_i32_0 : i32, i32
  }
  func.func @transform_21(%arg0: i32) -> (i32, i32) {
    %c0_i32 = arith.constant 0 : i32
    %c0_i32_0 = arith.constant 0 : i32
    %c0_i32_1 = arith.constant 0 : i32
    return %c0_i32, %c0_i32_0 : i32, i32
  }
  func.func @transform_22(%arg0: i32) -> (i32, i32) {
    %c0_i32 = arith.constant 0 : i32
    %c0_i32_0 = arith.constant 0 : i32
    return %arg0, %c0_i32 : i32, i32
  }
  func.func @transform_23(%arg0: i32) -> (i32, i32) {
    %c0_i32 = arith.constant 0 : i32
    %c0_i32_0 = arith.constant 0 : i32
    return %arg0, %c0_i32 : i32, i32
  }
  func.func @transform_24(%arg0: i32) -> (i32, i32) {
    %c0_i32 = arith.constant 0 : i32
    %c0_i32_0 = arith.constant 0 : i32
    return %arg0, %c0_i32 : i32, i32
  }
}

</mosaic_0001>

<sc_bundles>
// kernel: gather_offload_async_start.1
scs
__scs_entry_jumppad:
0x0: {  	(pc) =	sbr.rel $0x88, $3  }
0x1: {  	(tag) =	ssettag $0x0;
	lr =	simm.s32 $0x1  }
0x2: {  	[smem:$0x3F86] =	sst lr;
	_ =	strace $0xD0000000  }
0x3: {  	_ = 	snop  }
0x4: {  	_ = 	snop  }
0x5: {  	_ = 	snop  }
0x6: {  	_ = 	snop  }
0x7: {  	_ = 	snop  }
__scs_overlays_trampoline_lowered:
0x8: {  	[smem:$0x3F95] =	sst s0  }
0x9: {  	[smem:$0x3F96] =	sst s1  }
0xa: {  	[smem:$0x3F97] =	sst s2  }
0xb: {  	[smem:$0x3F98] =	sst s3  }
0xc: {  	[smem:$0x3F99] =	sst s4  }
0xd: {  	[smem:$0x3F9A] =	sst s5  }
0xe: {  	[smem:$0x3F9B] =	sst s6  }
0xf: {  	[smem:$0x3F9C] =	sst s7  }
0x10: {  	[smem:$0x3F9D] =	sst s8  }
0x11: {  	[smem:$0x3F9E] =	sst s9;
	s0 =	simm.s32 @!p0 $0x0  }
0x12: {  	s1 =	sld [smem:$0x3F84];
	s0 =	simm.s32 @p0 $0x1  }
0x13: {  	[smem:$0x3F9F] =	sst s0;
	s0 =	simm.s32 @!p1 $0x0  }
0x14: {  	s2 =	sld [smem:$0x3F83];
	s0 =	simm.s32 @p1 $0x1  }
0x15: {  	[smem:$0x3FA0] =	sst s0;
	s0 =	simm.s32 @!p2 $0x0  }
0x16: {  	s3 =	sld [smem:$0x3FDB];
	s0 =	simm.s32 @p2 $0x1  }
0x17: {  	s4 =	simm.s32 $0x1BF5;
	[smem:$0x3FA2] =	sst s0  }
0x18: {  	s0 =	sld [smem:$0x3F85];
	_ =	swait.ge [sflag:s4], $0x0  }
0x19: {  	s7 =	sld [smem:$0x3F86]  }
0x1a: {  	s8 =	sadd.s32 $0xFFFFE003, lr  }
0x1b: {  	s9 =	sadd.s32 $0xFFFFFEF7, lr;
	s5 =	simm.s32 $0xFFFFFFFF;
	p2 =	slt.u32 s8, $0xFFFFF086  }
0x1c: {  	p1 =	slt.u32 s9, $0xF7A;
	s5 =	simm.s32 @!p2 $0x0  }
0x1d: {  	s5 =	simm.s32 @p1 $0x1;
	p0 =	seq.s32 s7, s2  }
0x1e: {  	s7 =	smul.u32 @!p0 $0xF7A, s2;
	p2 =	seq.s32 @!p0 s5, $0x0  }
0x1f: {  	s9 =	smul.u32 $0xF7A, s1;
	s8 =	simm.s32 @!p0 $0x1BF5;
	p2 =	por !p2, p0  }
0x20: {  	[sflag:s8] =	ssyncset.s32 @!p0 $0xFFFFF086;
	s6 =	sadd.s32 @!p0 s3, s7;
	s7 =	simm.s32 @!p0 $0x108  }
0x21: {  	s3 =	sadd.s32 s3, s9;
	s6 =	sadd.s32 @!p0 $0x88, s6;
	s7 =	simm.s32 @p2 $0x1082  }
0x22: {  	[simem:s7], [sflag:s8] =	dma.local @!p0 [hbm:s6], $0xF7A  }
0x23: {  	s9 =	sor.u32 $0xD0000000, s2;
	s6 =	simm.s32 $0x108;
	_ =	swait.ge @!p0 [sflag:s8], $0x0  }
0x24: {  	s3 =	sadd.s32 $0x88, s3;
	s6 =	simm.s32 @!p1 $0x1082;
	[sflag:s4] =	ssyncset.s32 $0xFFFFF086  }
0x25: {  	[simem:s6], [sflag:s4] =	dma.local [hbm:s3], $0xF7A  }
0x26: {  	[smem:$0x3F86] =	sst s1;
	(tag) =	ssettag s2;
	_ =	strace s9  }
0x27: {  	s1 =	sld [smem:$0x3F96]  }
0x28: {  	s2 =	sld [smem:$0x3F97]  }
0x29: {  	s4 =	sld [smem:$0x3F99]  }
0x2a: {  	p0 =	seq.s32 s5, $0x0;
	s5 =	sld [smem:$0x3F9A]  }
0x2b: {  	s6 =	sld [smem:$0x3F9B]  }
0x2c: {  	s7 =	sld [smem:$0x3F9C]  }
0x2d: {  	s3 =	simm.s32 $0x108;
	s8 =	sld [smem:$0x3F9D]  }
0x2e: {  	s3 =	simm.s32 @!p0 $0x1082;
	s9 =	sld [smem:$0x3F9E]  }
0x2f: {  	lr =	sadd.s32 s0, s3;
	s0 =	sld [smem:$0x3F95]  }
0x30: {  	s3 =	sld [smem:$0x3F98]  }
0x31: {  	[smem:$0x3FA1] =	sst s10  }
0x32: {  	s10 =	sld [smem:$0x3F9F];
	_ =	sdelay $0x3  }
0x33: {  	p0 =	seq.s32 s10, $0x1;
	s10 =	sld [smem:$0x3FA1];
	_ =	sdelay $0x3  }
0x34: {  	[smem:$0x3FA1] =	sst s10  }
0x35: {  	s10 =	sld [smem:$0x3FA0];
	_ =	sdelay $0x3  }
0x36: {  	p1 =	seq.s32 s10, $0x1;
	s10 =	sld [smem:$0x3FA1];
	_ =	sdelay $0x3  }
0x37: {  	[smem:$0x3FA1] =	sst s10  }
0x38: {  	s10 =	sld [smem:$0x3FA2]  }
0x39: {  	_ = 	snop;
	(pc) =	sbr.ind lr, $3  }
0x3a: {  	_ = 	snop  }
0x3b: {  	_ = 	snop  }
0x3c: {  	p2 =	seq.s32 s10, $0x1;
	s10 =	sld [smem:$0x3FA1]  }
0x3d: {  	_ =	shalt  }
0x3e: {  	_ =	shalt  }
0x3f: {  	_ =	shalt  }
0x40: {  	_ =	shalt  }
0x41: {  	_ =	shalt  }
0x42: {  	_ =	shalt  }
0x43: {  	_ =	shalt  }
0x44: {  	_ =	shalt  }
0x45: {  	_ =	shalt  }
0x46: {  	_ =	shalt  }
0x47: {  	_ =	shalt  }
0x48: {  	_ =	shalt  }
0x49: {  	_ =	shalt  }
0x4a: {  	_ =	shalt  }
0x4b: {  	_ =	shalt  }
0x4c: {  	_ =	shalt  }
0x4d: {  	_ =	shalt  }
0x4e: {  	_ =	shalt  }
0x4f: {  	_ =	shalt  }
0x50: {  	_ =	shalt  }
0x51: {  	_ =	shalt  }
0x52: {  	_ =	shalt  }
0x53: {  	_ =	shalt  }
0x54: {  	_ =	shalt  }
0x55: {  	_ =	shalt  }
0x56: {  	_ =	shalt  }
0x57: {  	_ =	shalt  }
0x58: {  	_ =	shalt  }
0x59: {  	_ =	shalt  }
0x5a: {  	_ =	shalt  }
0x5b: {  	_ =	shalt  }
0x5c: {  	_ =	shalt  }
0x5d: {  	_ =	shalt  }
0x5e: {  	_ =	shalt  }
0x5f: {  	_ =	shalt  }
0x60: {  	_ =	shalt  }
0x61: {  	_ =	shalt  }
0x62: {  	_ =	shalt  }
0x63: {  	_ =	shalt  }
0x64: {  	_ =	shalt  }
0x65: {  	_ =	shalt  }
0x66: {  	_ =	shalt  }
0x67: {  	_ =	shalt  }
0x68: {  	_ =	shalt  }
0x69: {  	_ =	shalt  }
0x6a: {  	_ =	shalt  }
0x6b: {  	_ =	shalt  }
0x6c: {  	_ =	shalt  }
0x6d: {  	_ =	shalt  }
0x6e: {  	_ =	shalt  }
0x6f: {  	_ =	shalt  }
0x70: {  	_ =	shalt  }
0x71: {  	_ =	shalt  }
0x72: {  	_ =	shalt  }
0x73: {  	_ =	shalt  }
0x74: {  	_ =	shalt  }
0x75: {  	_ =	shalt  }
0x76: {  	_ =	shalt  }
0x77: {  	_ =	shalt  }
0x78: {  	_ =	shalt  }
0x79: {  	_ =	shalt  }
0x7a: {  	_ =	shalt  }
0x7b: {  	_ =	shalt  }
0x7c: {  	_ =	shalt  }
0x7d: {  	_ =	shalt  }
0x7e: {  	_ =	shalt  }
0x7f: {  	_ =	shalt  }
0x80: {  	_ =	shalt  }
0x81: {  	_ =	shalt  }
0x82: {  	_ =	shalt  }
0x83: {  	_ =	shalt  }
0x84: {  	_ =	shalt  }
0x85: {  	_ =	shalt  }
0x86: {  	_ =	shalt  }
0x87: {  	_ =	shalt  }
.Lfunc_end0:
.L_simem_size_0:
called_computation.6_lowered:
.L_overlay_start_0:
0x88: {  	s2 =	sld [smem:$0x3FD9]  }
0x89: {  	s3 =	sld [smem:$0x3FFE];
	_ =	sdelay $0x1  }
0x8a: {  	s1 =	srdreg.scid  }
0x8b: {  	s0 =	sand.u32 $0x1, s1  }
0x8c: {  	s17 =	sshll.u32 s0, $0xA;
	s2 =	sadd.s32 s3, s2  }
0x8d: {  	s2 =	sadd.s32 s2, s17  }
0x8e: {  	[smem:$0x3FAD] =	sst s2  }
0x8f: {  	_ = 	snop  }
0x90: {  	s2 =	sld [smem:$0x3FC6];
	(tm) =	ssettm $0x1  }
0x91: {  	s18 =	sld [smem:$0x3FFB];
	_ =	sdelay $0x3  }
0x92: {  	_ =	strace s18  }
0x93: {  	s3 =	sld [smem:$0x3FFC];
	_ =	sdelay $0x3  }
0x94: {  	_ =	strace s3  }
0x95: {  	s3 =	sld [smem:$0x3FFD];
	_ =	sdelay $0x3  }
0x96: {  	_ =	strace s3  }
0x97: {  	_ =	strace $0x8FFFFFFF  }
0x98: {  	s19 =	sld [smem:$0x3FDB];
	_ =	sdelay $0x1  }
0x99: {  	s4 =	simm.s32 $_scs_section_size  }
0x9a: {  	s5 =	simm.s32 $_size__tile_overlayer_lowered;
	s6 =	simm.s32 $_tile_overlayer_lowered  }
0x9b: {  	s22 =	simm.s32 $0x1BFF;
	s21 =	sshll.u32 s6, $0x1;
	s3 =	sadd.s32 s4, s19  }
0x9c: {  	s7 =	simm.s32 $0x0;
	s20 =	sshll.u32 s5, $0x1;
	s5 =	sadd.s32 s21, s3  }
0x9d: {  	[timem:s7], [sflag:s22] =	dma.local [hbm:s5], s20  }
0x9e: {  	_ =	swait.ge [sflag:s22], s20  }
0x9f: {  	s4 =	ssub.s32 $0x0, s20;
	[sflag:s22] =	ssyncset.done $0x0  }
0xa0: {  	[sflag:s22] =	ssyncadd.s32 s4;
	_ =	sdelay $0x1  }
0xa1: {  	s23 =	simm.s32 $0x1B8B  }
0xa2: {  	_ =	swait.ge [sflag:s23], $0x1  }
0xa3: {  	[sflag:s23] =	ssyncset.done $0x0  }
0xa4: {  	s25 =	simm.s32 $0x1B8E;
	s24 =	sld [smem:$0x3FFE];
	[sflag:s23] =	ssyncadd.s32 $0xFFFFFFFF  }
0xa5: {  	s26 =	simm.s32 $execute0_lowered;
	[smem:$0x3FD2] =	sst s25  }
0xa6: {  	s5 =	sshll.u32 s26, $0x1;
	_ =	strace $0x80000049;
	[dreg:$0x1] =	wrdreg $0xFFFFFFFF  }
0xa7: {  	s28 =	simm.s32 $_size_execute0_lowered;
	s3 =	sadd.s32 s3, s5;
	[dreg:$0x0] =	wrdreg $0x0  }
0xa8: {  	s5 =	sshll.u32 s28, $0x1;
	[dreg:$0x2] =	wrdreg s3  }
0xa9: {  	[dreg:$0x3] =	wrdreg s5  }
0xaa: {  	[dreg:$0x4] =	wrdreg $0xC0  }
0xab: {  	_ =	task [dreg:s7], $0x5FFFF  }
0xac: {  	[dreg:$0x1] =	wrdreg $0xFFFFFFFF  }
0xad: {  	[dreg:$0x0] =	wrdreg $0x60  }
0xae: {  	[dreg:$0x2] =	wrdreg s2  }
0xaf: {  	[dreg:$0x3] =	wrdreg s24  }
0xb0: {  	[dreg:$0x4] =	wrdreg $0x9  }
0xb1: {  	_ =	task.clear_ibuf [dreg:s7], $0x5FFFF;
	_ =	strace $0x90000049  }
0xb2: {  	s29 =	simm.s32 $0x9;
	_ =	strace $0x8000004B  }
0xb3: {  	_ =	swait.ge [sflag:s29], $0x1  }
0xb4: {  	[sflag:s29] =	ssyncadd.s32 $0xFFFFFFFF  }
0xb5: {  	_ =	strace $0x9000004B  }
0xb6: {  	_ =	sfence  }
0xb7: {  	s30 =	sld [smem:$0x0];
	_ =	sdelay $0x2  }
0xb8: {  	s31 =	sshll.u32 s1, $0xD;
	s1 =	sshrl.u32 s1, $0x2  }
0xb9: {  	s3 =	sand.u32 $0x4000, s31;
	s1 =	sadd.s32 s1, s30  }
0xba: {  	s0 =	sor.u32 s3, s0;
	s1 =	sshll.u32 s1, $0x11  }
0xbb: {  	s0 =	sor.u32 s1, s0  }
0xbc: {  	s0 =	sadd.s32 $0x8F2B, s0  }
0xbd: {  	[sflag:s0] =	ssyncadd.remote.s32 $0x1  }
0xbe: {  	_ =	sfence.sel $0xFFFF  }
0xbf: {  	[dreg:$0x0] =	wrdreg $0xFFFFFFFF;
	(pc) =	sbr.abs _section_cstart, $3  }
0xc0: {  	[dreg:$0x1] =	wrdreg $0xFFFFFFFF  }
0xc1: {  	_ =	task.clear_ibuf [dreg:s7], $0x2FFFF;
	_ =	strace $0x9FFFFFFF  }
0xc2: {  	(tm) =	ssettm $0x7FFFFFFF  }
0xc3: {  	_ =	shalt  }
tec
execute0_lowered:
.L_overlay_start_1:
0x0: {  	(tag) =	ssettag $0x1  }
0x1: {  	s2 =	rddreg [dreg:$0x0]  }
0x2: {  	s8 =	rddreg [dreg:$0x1]  }
0x3: {  	s0 =	rddreg [dreg:$0x2];
	s1 =	stileid.u32  }
0x4: {  	s3 =	srdreg.scid;
	_ =	strace $0x8000004A;
	s4 =	simm.s32 $0x1  }
0x5: {  	s7 =	simm.s32 $0x1;
	s9 =	simm.s32 $0x1;
	s10 =	simm.s32 $0x3  }
0x6: {  	s13 =	simm.s32 $0x0;
	s5 =	sand.u32 $0x1, s3;
	s6 =	sshll.u32 s1, $0x1  }
0x7: {  	s12 =	simm.s32 $0x0;
	s3 =	sadd.s32 $0xA600, s8;
	s5 =	sor.u32 s6, s5  }
.Ltmp0:
0x8: {  	[sflag:s4] =	ssyncpa.u1 $0x0;
	p0 =	slt.u32 s5, $0x9;
	(pc) =	sbr.rel .LBB2_1-.Ltmp0, $4  }
0x9: {  	s6 =	simm.s32 $0x2;
	s7 =	simm.s32 @!p0 $0x0;
	p0 =	sne.s32 s5, $0x8  }
0xa: {  	[sflag:s6] =	ssyncpa.u1 $0x0;
	s5 =	smul.u32 $0xFA0, s5;
	s9 =	simm.s32 @!p0 $0x0  }
0xb: {  	s8 =	sadd.s32 $0x16000, s8;
	[sflag:s10] =	ssyncpa.u1 $0x0;
	s7 =	sadd.s32 s9, s7  }
0xc: {  	vm0 =	vmmov $0xffff;
	s10 =	simm.s32 $0x0;
	s11 =	smov.u32 s5;
	s9 =	sadd.s32 $0x1, s7  }
.LBB2_4:
0xd: {  	vm2 =	veq.s32 v2, $0x80000000;
	v4 =	vand.u32 $0x1, v4;
	v5 =	vor.u32 v6, v5  }
0xe: {  	v1 =	vand.u32 $0x3FFFF, v1;
	v7 =	vshrl.u32 v2, $0x12;
	v56 =	vand.u32 $0x3FFFF, v2  }
0xf: {  	v4 =	vsel vm1, $0xFFFFFFFF, v4;
	v3 =	vor.u32 v3, v5;
	v1 =	vsel vm1, $0xFFFFFFFF, v1  }
0x10: {  	vm1 =	vmmov vm2;
	v7 =	vand.u32 $0x1, v7;
	v54 =	vshrl.u32 v4, $0x1  }
0x11: {  	v4 =	vshll.u32 v4, $0x7;
	v55 =	vshll.u32 v1, $0x1;
	v57 =	vsel vm1, $0xFFFFFFFF, v7  }
0x12: {  	v2 =	vsel vm1, $0xFFFFFFFF, v56;
	v1 =	vand.u32 $0x7F, v1;
	v5 =	vmul.u32 $0x4E200, v54  }
0x13: {  	v6 =	vand.u32 $0xFFFFFF00, v55;
	v4 =	vand.u32 $0x80, v4;
	v7 =	vshrl.u32 v57, $0x1  }
0x14: {  	v59 =	vshll.u32 v2, $0x1;
	v58 =	vmul.u32 $0x4E200, v7;
	v5 =	vadd.s32 v6, v5  }
0x15: {  	v7 =	vand.u32 $0xFFFFFF00, v59;
	v6 =	vshll.u32 v57, $0x7;
	v4 =	vor.u32 v4, v5  }
0x16: {  	v60 =	vadd.s32 v7, v58;
	v61 =	vand.u32 $0x80, v6;
	v1 =	vor.u32 v1, v4  }
0x17: {  	[tilespmem:s16], [sflag:$0x1] =	stream.indirect_vreg.gather [hbm4b:s2+s10], $0x1, v0, vm0, $0x4038;
	v62 =	vand.u32 $0x7F, v2;
	v63 =	vor.u32 v61, v60;
	[tilespmem:$0x3E80] =	vst v63  }
0x18: {  	(ifvalue) =	ssetifvalue $0x7FFFFFFF;
	v0 =	vor.u32 v62, v63  }
0x19: {  	[tilespmem:s15], [sflag:$0x1] =	stream.indirect_vreg.gather [hbm4b:s2+s10], $0x1, v3, vm0, $0x4038;
	[tilespmem:$0x3E80] =	vst v63  }
0x1a: {  	s29 =	sadd.s32 $0x10, s15;
	(ifvalue) =	ssetifvalue $0x7FFFFFFF  }
0x1b: {  	[tilespmem:s29], [sflag:$0x1] =	stream.indirect_vreg.gather [hbm4b:s2+s10], $0x1, v1, vm0, $0x4038;
	[tilespmem:$0x3E80] =	vst v63  }
0x1c: {  	s15 =	sadd.s32 $0x10, s29;
	(ifvalue) =	ssetifvalue $0x7FFFFFFF  }
0x1d: {  	[tilespmem:s15], [sflag:$0x1] =	stream.indirect_vreg.gather [hbm4b:s2+s10], $0x1, v0, vm0, $0x4038;
	[tilespmem:$0x3E80] =	vst v63  }
0x1e: {  	_ =	swait.ge [sflag:s4], $0xFA0  }
0x1f: {  	s30 =	sshrl.u32 s13, $0x3;
	[sflag:s4] =	ssyncset.done $0x0  }
0x20: {  	s31 =	sand.u32 $0x7, s13;
	s15 =	sadd.s32 s8, s30;
	[sflag:s4] =	ssyncadd.s32 $0xFFFFF060  }
0x21: {  	[hbm4b:s15+s31] =	stream.linear.scatter [tilespmem:s14], [sflag:$0x3], $0xFA0, $0x38;
	[tilespmem:$0x3E80] =	vst v63  }
.LBB2_5:
0x22: {  	s15 =	sadd.s32 $0x1F400, s11  }
0x23: {  	p1 =	sgt.s32 s15, $0x270FF  }
0x24: {  	s15 =	smov.u32 @p1 s5;
	p1 =	sne.s32 s12, s9  }
.Ltmp1:
0x25: {  	p0 =	slt.u32 s12, $0x2;
	(pc) =	sbr.rel @!p1 .LBB2_6-.Ltmp1, $4  }
0x26: {  	s14 =	simm.s32 @!p0 $0x3  }
0x27: {  	_ =	swait.ge @!p0 [sflag:s14], $0xFA0  }
0x28: {  	s16 =	sadd.s32 $0x1, s12;
	s13 =	smov.u32 s11;
	[sflag:s14] =	ssyncset.done @!p0 $0x0  }
0x29: {  	s12 =	smov.u32 s16;
	s11 =	smov.u32 s15;
	[sflag:s14] =	ssyncadd.s32 @!p0 $0xFFFFF060  }
.LBB2_1:
0x2a: {  	p0 =	sge.u32 s12, s7  }
0x2b: {  	s14 =	sxor.u32 @!p0 $0x1, s12  }
0x2c: {  	s14 =	smul.u32 @!p0 $0x3E80, s14  }
0x2d: {  	s31 =	sadd.s32 $0xFFFFFFFF, s12;
	s15 =	sshrl.u32 @!p0 s11, $0x3  }
0x2e: {  	s16 =	sand.u32 @!p0 $0x7, s11;
	s15 =	sadd.s32 @!p0 s3, s15;
	s14 =	sshra.s32 @!p0 s14, $0x2  }
0x2f: {  	[tilespmem:s14], [sflag:$0x2] =	stream.linear.gather @!p0 [hbm4b:s15+s16], $0xFA0, $0x38;
	[tilespmem:$0x3E80] =	vst v63  }
0x30: {  	p0 =	sge.u32 s31, s7  }
.Ltmp2:
0x31: {  	_ = 	snop;
	(pc) =	sbr.rel @p0 .LBB2_5-.Ltmp2, $1  }
0x32: {  	_ =	sdelay $0x3  }
0x33: {  	s14 =	sand.u32 $0x1, s12  }
0x34: {  	_ =	swait.ge [sflag:s6], $0xFA0;
	p0 =	seq.s32 s14, $0x1;
	s14 =	simm.s32 $0xFA0  }
0x35: {  	[sflag:s6] =	ssyncset.done $0x0;
	s14 =	simm.s32 @!p0 $0x0  }
0x36: {  	[sflag:s6] =	ssyncadd.s32 $0xFFFFF060;
	(ifvalue) =	ssetifvalue $0x7FFFFFFF;
	v0 =	vld.msk [tilespmem:s14+$0x0 ss:$0x1], $0xffff;
	_ =	sdelay $0x2  }
0x37: {  	s15 =	sadd.s32 $0x10, s14  }
0x38: {  	v2 =	vld.msk [tilespmem:s15+$0x0 ss:$0x1], $0xffff  }
0x39: {  	vm1 =	veq.s32 v0, $0x80000000;
	v1 =	vshrl.u32 v0, $0x12  }
0x3a: {  	vm1 =	vmmov vm1;
	v3 =	vand.u32 $0x1, v1  }
0x3b: {  	v0 =	vand.u32 $0x3FFFF, v0;
	v3 =	vsel vm1, $0xFFFFFFFF, v3  }
0x3c: {  	s15 =	sadd.s32 $0x10, s15;
	v0 =	vsel vm1, $0xFFFFFFFF, v0;
	v4 =	vshrl.u32 v3, $0x1  }
0x3d: {  	v1 =	vld.msk [tilespmem:s15+$0x0 ss:$0x1], $0xffff;
	v6 =	vshrl.u32 v2, $0x12;
	v5 =	vshll.u32 v0, $0x1;
	v4 =	vmul.u32 $0x4E200, v4  }
0x3e: {  	vm1 =	veq.s32 v2, $0x80000000;
	v3 =	vshll.u32 v3, $0x7;
	v5 =	vand.u32 $0xFFFFFF00, v5  }
0x3f: {  	v0 =	vand.u32 $0x7F, v0;
	v3 =	vand.u32 $0x80, v3;
	v4 =	vadd.s32 v5, v4  }
0x40: {  	vm1 =	vmmov vm1;
	v5 =	vand.u32 $0x1, v6;
	v3 =	vor.u32 v3, v4  }
0x41: {  	v2 =	vand.u32 $0x3FFFF, v2;
	v4 =	vsel vm1, $0xFFFFFFFF, v5;
	v0 =	vor.u32 v0, v3  }
0x42: {  	s15 =	sadd.s32 $0x10, s15;
	vm2 =	veq.s32 v1, $0x80000000;
	v3 =	vsel vm1, $0xFFFFFFFF, v2;
	v2 =	vshrl.u32 v4, $0x1  }
0x43: {  	s14 =	sadd.s32 $0x1F40, s14;
	v6 =	vshll.u32 v4, $0x7;
	v5 =	vmul.u32 $0x4E200, v2;
	v4 =	vshll.u32 v3, $0x1;
	v2 =	vld.msk [tilespmem:s15+$0x0 ss:$0x1], $0xffff  }
0x44: {  	s17 =	simm.s32 $0x30;
	s16 =	smov.u32 s14;
	vm1 =	vmmov vm2;
	v3 =	vand.u32 $0x7F, v3;
	v7 =	vand.u32 $0xFFFFFF00, v4  }
0x45: {  	s18 =	sadd.s32 $0x10, s15;
	v6 =	vand.u32 $0x80, v6;
	(ifvalue) =	ssetifvalue $0x7FFFFFFF;
	s15 =	sadd.s32 $0x10, s14;
	v4 =	vshrl.u32 v1, $0x12;
	v5 =	vadd.s32 v7, v5  }
.LBB2_3:
0x46: {  	[tilespmem:s16], [sflag:$0x1] =	stream.indirect_vreg.gather [hbm4b:s2+s10], $0x1, v0, vm0, $0x4038;
	[tilespmem:$0x3E80] =	vst v63  }
0x47: {  	s17 =	sadd.s32 $0x10, s17  }
0x48: {  	vm2 =	veq.s32 v2, $0x80000000;
	v4 =	vand.u32 $0x1, v4;
	v5 =	vor.u32 v6, v5;
	v6 =	vmovc v2;
	v2 =	vld.msk [tilespmem:s18+$0x0 ss:$0x1], $0xffff;
	p0 =	slt.u32 s17, $0xF90  }
.Ltmp3:
0x49: {  	v7 =	vand.u32 $0x3FFFF, v1;
	s16 =	smov.u32 s15;
	v4 =	vsel vm1, $0xFFFFFFFF, v4;
	v0 =	vor.u32 v3, v5;
	v1 =	vmovc v6;
	(pc) =	sbr.rel @p0 .LBB2_3-.Ltmp3, $4  }
0x4a: {  	v5 =	vsel vm1, $0xFFFFFFFF, v7;
	v6 =	vshrl.u32 v4, $0x1;
	v7 =	vshll.u32 v4, $0x7  }
0x4b: {  	v3 =	vand.u32 $0x7F, v5;
	v4 =	vshll.u32 v5, $0x1;
	v6 =	vmul.u32 $0x4E200, v6  }
0x4c: {  	vm1 =	vmmov vm2;
	v5 =	vand.u32 $0xFFFFFF00, v4  }
0x4d: {  	s18 =	sadd.s32 $0x10, s18;
	s15 =	sadd.s32 $0x10, s15;
	v4 =	vshrl.u32 v1, $0x12;
	v5 =	vadd.s32 v5, v6;
	v6 =	vand.u32 $0x80, v7;
	(ifvalue) =	ssetifvalue $0x7FFFFFFF  }
.Ltmp4:
0x4e: {  	_ = 	snop;
	(pc) =	sbr.rel .LBB2_4-.Ltmp4, $1  }
0x4f: {  	_ =	sdelay $0x3  }
.LBB2_6:
0x50: {  	_ =	sfence.sel $0x180000  }
0x51: {  	s2 =	simm.s32 $0x2;
	[bflag:$0x0] =	sbarrier.arrive $0xFFFF  }
0x52: {  	s30 =	simm.s32 $0x3;
	[sflag:s2] =	ssyncpa.u1 $0x1  }
0x53: {  	s31 =	simm.s32 $0x1;
	[sflag:s30] =	ssyncpa.u1 $0x1  }
0x54: {  	[sflag:s31] =	ssyncpa.u1 $0x1  }
0x55: {  	p0 =	sne.s32 s1, $0x0;
	_ =	strace $0x9000004A  }
0x56: {  	s0 =	sadd.s32 @!p0 $0x100000, s0;
	[bflag:$0x2] =	sbarrier.arrive $0xFFFF  }
0x57: {  	[sflag:s0] =	ssyncadd.tile.s32 @!p0 $0x1;
	_ =	shalt  }
.Lfunc_end2:
_tile_overlayer_lowered:
.L_overlay_start_2:
0x58: {  	(tag) =	ssettag $0x2  }
0x59: {  	s0 =	rddreg [dreg:$0x0];
	s2 =	stileid.u32  }
0x5a: {  	s1 =	rddreg [dreg:$0x1];
	p0 =	sne.s32 s2, $0x0  }
0x5b: {  	s3 =	rddreg [dreg:$0x2];
	[bflag:$0x3] =	sbarrier.arrive $0xFFFF;
	s2 =	simm.s32 @!p0 $0x1C01  }
0x5c: {  	[timem:s3], [sflag:s2] =	dma.local @!p0 [hbm:s0], s1  }
0x5d: {  	s0 =	simm.s32 @!p0 $0x1  }
0x5e: {  	_ =	swait.ge @!p0 [sflag:s0], s1  }
0x5f: {  	s1 =	ssub.s32 @!p0 $0x0, s1;
	[sflag:s0] =	ssyncset.done @!p0 $0x0  }
0x60: {  	[sflag:s0] =	ssyncadd.s32 @!p0 s1  }
0x61: {  	[bflag:$0x3] =	sbarrier.arrive $0xFFFF  }
0x62: {  	_ =	shalt  }

// kernel: gather_offload_async_start
scs
__scs_entry_jumppad:
0x0: {  	(pc) =	sbr.rel $0x88, $3  }
0x1: {  	(tag) =	ssettag $0x0;
	lr =	simm.s32 $0x1  }
0x2: {  	[smem:$0x3F86] =	sst lr;
	_ =	strace $0xD0000000  }
0x3: {  	_ = 	snop  }
0x4: {  	_ = 	snop  }
0x5: {  	_ = 	snop  }
0x6: {  	_ = 	snop  }
0x7: {  	_ = 	snop  }
__scs_overlays_trampoline_lowered:
0x8: {  	[smem:$0x3F95] =	sst s0  }
0x9: {  	[smem:$0x3F96] =	sst s1  }
0xa: {  	[smem:$0x3F97] =	sst s2  }
0xb: {  	[smem:$0x3F98] =	sst s3  }
0xc: {  	[smem:$0x3F99] =	sst s4  }
0xd: {  	[smem:$0x3F9A] =	sst s5  }
0xe: {  	[smem:$0x3F9B] =	sst s6  }
0xf: {  	[smem:$0x3F9C] =	sst s7  }
0x10: {  	[smem:$0x3F9D] =	sst s8  }
0x11: {  	[smem:$0x3F9E] =	sst s9;
	s0 =	simm.s32 @!p0 $0x0  }
0x12: {  	s1 =	sld [smem:$0x3F84];
	s0 =	simm.s32 @p0 $0x1  }
0x13: {  	[smem:$0x3F9F] =	sst s0;
	s0 =	simm.s32 @!p1 $0x0  }
0x14: {  	s2 =	sld [smem:$0x3F83];
	s0 =	simm.s32 @p1 $0x1  }
0x15: {  	[smem:$0x3FA0] =	sst s0;
	s0 =	simm.s32 @!p2 $0x0  }
0x16: {  	s3 =	sld [smem:$0x3FDB];
	s0 =	simm.s32 @p2 $0x1  }
0x17: {  	s4 =	simm.s32 $0x1BF5;
	[smem:$0x3FA2] =	sst s0  }
0x18: {  	s0 =	sld [smem:$0x3F85];
	_ =	swait.ge [sflag:s4], $0x0  }
0x19: {  	s7 =	sld [smem:$0x3F86]  }
0x1a: {  	s8 =	sadd.s32 $0xFFFFE003, lr  }
0x1b: {  	s9 =	sadd.s32 $0xFFFFFEF7, lr;
	s5 =	simm.s32 $0xFFFFFFFF;
	p2 =	slt.u32 s8, $0xFFFFF086  }
0x1c: {  	p1 =	slt.u32 s9, $0xF7A;
	s5 =	simm.s32 @!p2 $0x0  }
0x1d: {  	s5 =	simm.s32 @p1 $0x1;
	p0 =	seq.s32 s7, s2  }
0x1e: {  	s7 =	smul.u32 @!p0 $0xF7A, s2;
	p2 =	seq.s32 @!p0 s5, $0x0  }
0x1f: {  	s9 =	smul.u32 $0xF7A, s1;
	s8 =	simm.s32 @!p0 $0x1BF5;
	p2 =	por !p2, p0  }
0x20: {  	[sflag:s8] =	ssyncset.s32 @!p0 $0xFFFFF086;
	s6 =	sadd.s32 @!p0 s3, s7;
	s7 =	simm.s32 @!p0 $0x108  }
0x21: {  	s3 =	sadd.s32 s3, s9;
	s6 =	sadd.s32 @!p0 $0x88, s6;
	s7 =	simm.s32 @p2 $0x1082  }
0x22: {  	[simem:s7], [sflag:s8] =	dma.local @!p0 [hbm:s6], $0xF7A  }
0x23: {  	s9 =	sor.u32 $0xD0000000, s2;
	s6 =	simm.s32 $0x108;
	_ =	swait.ge @!p0 [sflag:s8], $0x0  }
0x24: {  	s3 =	sadd.s32 $0x88, s3;
	s6 =	simm.s32 @!p1 $0x1082;
	[sflag:s4] =	ssyncset.s32 $0xFFFFF086  }
0x25: {  	[simem:s6], [sflag:s4] =	dma.local [hbm:s3], $0xF7A  }
0x26: {  	[smem:$0x3F86] =	sst s1;
	(tag) =	ssettag s2;
	_ =	strace s9  }
0x27: {  	s1 =	sld [smem:$0x3F96]  }
0x28: {  	s2 =	sld [smem:$0x3F97]  }
0x29: {  	s4 =	sld [smem:$0x3F99]  }
0x2a: {  	p0 =	seq.s32 s5, $0x0;
	s5 =	sld [smem:$0x3F9A]  }
0x2b: {  	s6 =	sld [smem:$0x3F9B]  }
0x2c: {  	s7 =	sld [smem:$0x3F9C]  }
0x2d: {  	s3 =	simm.s32 $0x108;
	s8 =	sld [smem:$0x3F9D]  }
0x2e: {  	s3 =	simm.s32 @!p0 $0x1082;
	s9 =	sld [smem:$0x3F9E]  }
0x2f: {  	lr =	sadd.s32 s0, s3;
	s0 =	sld [smem:$0x3F95]  }
0x30: {  	s3 =	sld [smem:$0x3F98]  }
0x31: {  	[smem:$0x3FA1] =	sst s10  }
0x32: {  	s10 =	sld [smem:$0x3F9F];
	_ =	sdelay $0x3  }
0x33: {  	p0 =	seq.s32 s10, $0x1;
	s10 =	sld [smem:$0x3FA1];
	_ =	sdelay $0x3  }
0x34: {  	[smem:$0x3FA1] =	sst s10  }
0x35: {  	s10 =	sld [smem:$0x3FA0];
	_ =	sdelay $0x3  }
0x36: {  	p1 =	seq.s32 s10, $0x1;
	s10 =	sld [smem:$0x3FA1];
	_ =	sdelay $0x3  }
0x37: {  	[smem:$0x3FA1] =	sst s10  }
0x38: {  	s10 =	sld [smem:$0x3FA2]  }
0x39: {  	_ = 	snop;
	(pc) =	sbr.ind lr, $3  }
0x3a: {  	_ = 	snop  }
0x3b: {  	_ = 	snop  }
0x3c: {  	p2 =	seq.s32 s10, $0x1;
	s10 =	sld [smem:$0x3FA1]  }
0x3d: {  	_ =	shalt  }
0x3e: {  	_ =	shalt  }
0x3f: {  	_ =	shalt  }
0x40: {  	_ =	shalt  }
0x41: {  	_ =	shalt  }
0x42: {  	_ =	shalt  }
0x43: {  	_ =	shalt  }
0x44: {  	_ =	shalt  }
0x45: {  	_ =	shalt  }
0x46: {  	_ =	shalt  }
0x47: {  	_ =	shalt  }
0x48: {  	_ =	shalt  }
0x49: {  	_ =	shalt  }
0x4a: {  	_ =	shalt  }
0x4b: {  	_ =	shalt  }
0x4c: {  	_ =	shalt  }
0x4d: {  	_ =	shalt  }
0x4e: {  	_ =	shalt  }
0x4f: {  	_ =	shalt  }
0x50: {  	_ =	shalt  }
0x51: {  	_ =	shalt  }
0x52: {  	_ =	shalt  }
0x53: {  	_ =	shalt  }
0x54: {  	_ =	shalt  }
0x55: {  	_ =	shalt  }
0x56: {  	_ =	shalt  }
0x57: {  	_ =	shalt  }
0x58: {  	_ =	shalt  }
0x59: {  	_ =	shalt  }
0x5a: {  	_ =	shalt  }
0x5b: {  	_ =	shalt  }
0x5c: {  	_ =	shalt  }
0x5d: {  	_ =	shalt  }
0x5e: {  	_ =	shalt  }
0x5f: {  	_ =	shalt  }
0x60: {  	_ =	shalt  }
0x61: {  	_ =	shalt  }
0x62: {  	_ =	shalt  }
0x63: {  	_ =	shalt  }
0x64: {  	_ =	shalt  }
0x65: {  	_ =	shalt  }
0x66: {  	_ =	shalt  }
0x67: {  	_ =	shalt  }
0x68: {  	_ =	shalt  }
0x69: {  	_ =	shalt  }
0x6a: {  	_ =	shalt  }
0x6b: {  	_ =	shalt  }
0x6c: {  	_ =	shalt  }
0x6d: {  	_ =	shalt  }
0x6e: {  	_ =	shalt  }
0x6f: {  	_ =	shalt  }
0x70: {  	_ =	shalt  }
0x71: {  	_ =	shalt  }
0x72: {  	_ =	shalt  }
0x73: {  	_ =	shalt  }
0x74: {  	_ =	shalt  }
0x75: {  	_ =	shalt  }
0x76: {  	_ =	shalt  }
0x77: {  	_ =	shalt  }
0x78: {  	_ =	shalt  }
0x79: {  	_ =	shalt  }
0x7a: {  	_ =	shalt  }
0x7b: {  	_ =	shalt  }
0x7c: {  	_ =	shalt  }
0x7d: {  	_ =	shalt  }
0x7e: {  	_ =	shalt  }
0x7f: {  	_ =	shalt  }
0x80: {  	_ =	shalt  }
0x81: {  	_ =	shalt  }
0x82: {  	_ =	shalt  }
0x83: {  	_ =	shalt  }
0x84: {  	_ =	shalt  }
0x85: {  	_ =	shalt  }
0x86: {  	_ =	shalt  }
0x87: {  	_ =	shalt  }
.Lfunc_end0:
.L_simem_size_0:
called_computation.5_lowered:
.L_overlay_start_0:
0x88: {  	s2 =	sld [smem:$0x3FD9]  }
0x89: {  	s3 =	sld [smem:$0x3FFE];
	_ =	sdelay $0x1  }
0x8a: {  	s1 =	srdreg.scid  }
0x8b: {  	s0 =	sand.u32 $0x1, s1  }
0x8c: {  	s17 =	sshll.u32 s0, $0xA;
	s2 =	sadd.s32 s3, s2  }
0x8d: {  	s2 =	sadd.s32 s2, s17  }
0x8e: {  	[smem:$0x3FAD] =	sst s2  }
0x8f: {  	_ = 	snop  }
0x90: {  	s2 =	sld [smem:$0x3FC6];
	(tm) =	ssettm $0x1  }
0x91: {  	s18 =	sld [smem:$0x3FFB];
	_ =	sdelay $0x3  }
0x92: {  	_ =	strace s18  }
0x93: {  	s3 =	sld [smem:$0x3FFC];
	_ =	sdelay $0x3  }
0x94: {  	_ =	strace s3  }
0x95: {  	s3 =	sld [smem:$0x3FFD];
	_ =	sdelay $0x3  }
0x96: {  	_ =	strace s3  }
0x97: {  	_ =	strace $0x8FFFFFFF  }
0x98: {  	s19 =	sld [smem:$0x3FDB];
	_ =	sdelay $0x1  }
0x99: {  	s4 =	simm.s32 $_scs_section_size  }
0x9a: {  	s5 =	simm.s32 $_size__tile_overlayer_lowered;
	s6 =	simm.s32 $_tile_overlayer_lowered  }
0x9b: {  	s22 =	simm.s32 $0x1BFF;
	s21 =	sshll.u32 s6, $0x1;
	s3 =	sadd.s32 s4, s19  }
0x9c: {  	s7 =	simm.s32 $0x0;
	s20 =	sshll.u32 s5, $0x1;
	s5 =	sadd.s32 s21, s3  }
0x9d: {  	[timem:s7], [sflag:s22] =	dma.local [hbm:s5], s20  }
0x9e: {  	_ =	swait.ge [sflag:s22], s20  }
0x9f: {  	s4 =	ssub.s32 $0x0, s20;
	[sflag:s22] =	ssyncset.done $0x0  }
0xa0: {  	[sflag:s22] =	ssyncadd.s32 s4;
	_ =	sdelay $0x1  }
0xa1: {  	s23 =	simm.s32 $0x1B8B  }
0xa2: {  	_ =	swait.ge [sflag:s23], $0x1  }
0xa3: {  	[sflag:s23] =	ssyncset.done $0x0  }
0xa4: {  	s25 =	simm.s32 $0x1B8E;
	s24 =	sld [smem:$0x3FFE];
	[sflag:s23] =	ssyncadd.s32 $0xFFFFFFFF  }
0xa5: {  	s26 =	simm.s32 $execute0_lowered;
	[smem:$0x3FD2] =	sst s25  }
0xa6: {  	s5 =	sshll.u32 s26, $0x1;
	_ =	strace $0x80000046;
	[dreg:$0x1] =	wrdreg $0xFFFFFFFF  }
0xa7: {  	s28 =	simm.s32 $_size_execute0_lowered;
	s3 =	sadd.s32 s3, s5;
	[dreg:$0x0] =	wrdreg $0x0  }
0xa8: {  	s5 =	sshll.u32 s28, $0x1;
	[dreg:$0x2] =	wrdreg s3  }
0xa9: {  	[dreg:$0x3] =	wrdreg s5  }
0xaa: {  	[dreg:$0x4] =	wrdreg $0xC0  }
0xab: {  	_ =	task [dreg:s7], $0x5FFFF  }
0xac: {  	[dreg:$0x1] =	wrdreg $0xFFFFFFFF  }
0xad: {  	[dreg:$0x0] =	wrdreg $0x60  }
0xae: {  	[dreg:$0x2] =	wrdreg s2  }
0xaf: {  	[dreg:$0x3] =	wrdreg s24  }
0xb0: {  	[dreg:$0x4] =	wrdreg $0x9  }
0xb1: {  	_ =	task.clear_ibuf [dreg:s7], $0x5FFFF;
	_ =	strace $0x90000046  }
0xb2: {  	s29 =	simm.s32 $0x9;
	_ =	strace $0x80000048  }
0xb3: {  	_ =	swait.ge [sflag:s29], $0x1  }
0xb4: {  	[sflag:s29] =	ssyncadd.s32 $0xFFFFFFFF  }
0xb5: {  	_ =	strace $0x90000048  }
0xb6: {  	_ =	sfence  }
0xb7: {  	s30 =	sld [smem:$0x0];
	_ =	sdelay $0x2  }
0xb8: {  	s31 =	sshll.u32 s1, $0xD;
	s1 =	sshrl.u32 s1, $0x2  }
0xb9: {  	s3 =	sand.u32 $0x4000, s31;
	s1 =	sadd.s32 s1, s30  }
0xba: {  	s0 =	sor.u32 s3, s0;
	s1 =	sshll.u32 s1, $0x11  }
0xbb: {  	s0 =	sor.u32 s1, s0  }
0xbc: {  	s0 =	sadd.s32 $0x8F2B, s0  }
0xbd: {  	[sflag:s0] =	ssyncadd.remote.s32 $0x1  }
0xbe: {  	_ =	sfence.sel $0xFFFF  }
0xbf: {  	[dreg:$0x0] =	wrdreg $0xFFFFFFFF;
	(pc) =	sbr.abs _section_cstart, $3  }
0xc0: {  	[dreg:$0x1] =	wrdreg $0xFFFFFFFF  }
0xc1: {  	_ =	task.clear_ibuf [dreg:s7], $0x2FFFF;
	_ =	strace $0x9FFFFFFF  }
0xc2: {  	(tm) =	ssettm $0x7FFFFFFF  }
0xc3: {  	_ =	shalt  }
tec
execute0_lowered:
.L_overlay_start_1:
0x0: {  	(tag) =	ssettag $0x1  }
0x1: {  	s2 =	rddreg [dreg:$0x0]  }
0x2: {  	s8 =	rddreg [dreg:$0x1]  }
0x3: {  	s0 =	rddreg [dreg:$0x2];
	s1 =	stileid.u32  }
0x4: {  	s3 =	srdreg.scid;
	_ =	strace $0x80000047;
	s4 =	simm.s32 $0x1  }
0x5: {  	s7 =	simm.s32 $0x1;
	s9 =	simm.s32 $0x1;
	s10 =	simm.s32 $0x3  }
0x6: {  	s13 =	simm.s32 $0x0;
	s5 =	sand.u32 $0x1, s3;
	s6 =	sshll.u32 s1, $0x1  }
0x7: {  	s12 =	simm.s32 $0x0;
	s3 =	sadd.s32 $0x5600, s8;
	s5 =	sor.u32 s6, s5  }
.Ltmp0:
0x8: {  	[sflag:s4] =	ssyncpa.u1 $0x0;
	p0 =	slt.u32 s5, $0x9;
	(pc) =	sbr.rel .LBB2_1-.Ltmp0, $4  }
0x9: {  	s6 =	simm.s32 $0x2;
	s7 =	simm.s32 @!p0 $0x0;
	p0 =	sne.s32 s5, $0x8  }
0xa: {  	[sflag:s6] =	ssyncpa.u1 $0x0;
	s5 =	smul.u32 $0xFA0, s5;
	s9 =	simm.s32 @!p0 $0x0  }
0xb: {  	s8 =	sadd.s32 $0x10C00, s8;
	[sflag:s10] =	ssyncpa.u1 $0x0;
	s7 =	sadd.s32 s9, s7  }
0xc: {  	vm0 =	vmmov $0xffff;
	s10 =	simm.s32 $0x0;
	s11 =	smov.u32 s5;
	s9 =	sadd.s32 $0x1, s7  }
.LBB2_4:
0xd: {  	vm2 =	veq.s32 v2, $0x80000000;
	v4 =	vand.u32 $0x1, v4;
	v5 =	vor.u32 v6, v5  }
0xe: {  	v1 =	vand.u32 $0x3FFFF, v1;
	v7 =	vshrl.u32 v2, $0x12;
	v56 =	vand.u32 $0x3FFFF, v2  }
0xf: {  	v4 =	vsel vm1, $0xFFFFFFFF, v4;
	v3 =	vor.u32 v3, v5;
	v1 =	vsel vm1, $0xFFFFFFFF, v1  }
0x10: {  	vm1 =	vmmov vm2;
	v7 =	vand.u32 $0x1, v7;
	v54 =	vshrl.u32 v4, $0x1  }
0x11: {  	v4 =	vshll.u32 v4, $0x7;
	v55 =	vshll.u32 v1, $0x1;
	v57 =	vsel vm1, $0xFFFFFFFF, v7  }
0x12: {  	v2 =	vsel vm1, $0xFFFFFFFF, v56;
	v1 =	vand.u32 $0x7F, v1;
	v5 =	vmul.u32 $0x4E200, v54  }
0x13: {  	v6 =	vand.u32 $0xFFFFFF00, v55;
	v4 =	vand.u32 $0x80, v4;
	v7 =	vshrl.u32 v57, $0x1  }
0x14: {  	v59 =	vshll.u32 v2, $0x1;
	v58 =	vmul.u32 $0x4E200, v7;
	v5 =	vadd.s32 v6, v5  }
0x15: {  	v7 =	vand.u32 $0xFFFFFF00, v59;
	v6 =	vshll.u32 v57, $0x7;
	v4 =	vor.u32 v4, v5  }
0x16: {  	v60 =	vadd.s32 v7, v58;
	v61 =	vand.u32 $0x80, v6;
	v1 =	vor.u32 v1, v4  }
0x17: {  	[tilespmem:s16], [sflag:$0x1] =	stream.indirect_vreg.gather [hbm4b:s2+s10], $0x1, v0, vm0, $0x4038;
	v62 =	vand.u32 $0x7F, v2;
	v63 =	vor.u32 v61, v60;
	[tilespmem:$0x3E80] =	vst v63  }
0x18: {  	(ifvalue) =	ssetifvalue $0x7FFFFFFF;
	v0 =	vor.u32 v62, v63  }
0x19: {  	[tilespmem:s15], [sflag:$0x1] =	stream.indirect_vreg.gather [hbm4b:s2+s10], $0x1, v3, vm0, $0x4038;
	[tilespmem:$0x3E80] =	vst v63  }
0x1a: {  	s29 =	sadd.s32 $0x10, s15;
	(ifvalue) =	ssetifvalue $0x7FFFFFFF  }
0x1b: {  	[tilespmem:s29], [sflag:$0x1] =	stream.indirect_vreg.gather [hbm4b:s2+s10], $0x1, v1, vm0, $0x4038;
	[tilespmem:$0x3E80] =	vst v63  }
0x1c: {  	s15 =	sadd.s32 $0x10, s29;
	(ifvalue) =	ssetifvalue $0x7FFFFFFF  }
0x1d: {  	[tilespmem:s15], [sflag:$0x1] =	stream.indirect_vreg.gather [hbm4b:s2+s10], $0x1, v0, vm0, $0x4038;
	[tilespmem:$0x3E80] =	vst v63  }
0x1e: {  	_ =	swait.ge [sflag:s4], $0xFA0  }
0x1f: {  	s30 =	sshrl.u32 s13, $0x3;
	[sflag:s4] =	ssyncset.done $0x0  }
0x20: {  	s31 =	sand.u32 $0x7, s13;
	s15 =	sadd.s32 s8, s30;
	[sflag:s4] =	ssyncadd.s32 $0xFFFFF060  }
0x21: {  	[hbm4b:s15+s31] =	stream.linear.scatter [tilespmem:s14], [sflag:$0x3], $0xFA0, $0x38;
	[tilespmem:$0x3E80] =	vst v63  }
.LBB2_5:
0x22: {  	s15 =	sadd.s32 $0x1F400, s11  }
0x23: {  	p1 =	sgt.s32 s15, $0x270FF  }
0x24: {  	s15 =	smov.u32 @p1 s5;
	p1 =	sne.s32 s12, s9  }
.Ltmp1:
0x25: {  	p0 =	slt.u32 s12, $0x2;
	(pc) =	sbr.rel @!p1 .LBB2_6-.Ltmp1, $4  }
0x26: {  	s14 =	simm.s32 @!p0 $0x3  }
0x27: {  	_ =	swait.ge @!p0 [sflag:s14], $0xFA0  }
0x28: {  	s16 =	sadd.s32 $0x1, s12;
	s13 =	smov.u32 s11;
	[sflag:s14] =	ssyncset.done @!p0 $0x0  }
0x29: {  	s12 =	smov.u32 s16;
	s11 =	smov.u32 s15;
	[sflag:s14] =	ssyncadd.s32 @!p0 $0xFFFFF060  }
.LBB2_1:
0x2a: {  	p0 =	sge.u32 s12, s7  }
0x2b: {  	s14 =	sxor.u32 @!p0 $0x1, s12  }
0x2c: {  	s14 =	smul.u32 @!p0 $0x3E80, s14  }
0x2d: {  	s31 =	sadd.s32 $0xFFFFFFFF, s12;
	s15 =	sshrl.u32 @!p0 s11, $0x3  }
0x2e: {  	s16 =	sand.u32 @!p0 $0x7, s11;
	s15 =	sadd.s32 @!p0 s3, s15;
	s14 =	sshra.s32 @!p0 s14, $0x2  }
0x2f: {  	[tilespmem:s14], [sflag:$0x2] =	stream.linear.gather @!p0 [hbm4b:s15+s16], $0xFA0, $0x38;
	[tilespmem:$0x3E80] =	vst v63  }
0x30: {  	p0 =	sge.u32 s31, s7  }
.Ltmp2:
0x31: {  	_ = 	snop;
	(pc) =	sbr.rel @p0 .LBB2_5-.Ltmp2, $1  }
0x32: {  	_ =	sdelay $0x3  }
0x33: {  	s14 =	sand.u32 $0x1, s12  }
0x34: {  	_ =	swait.ge [sflag:s6], $0xFA0;
	p0 =	seq.s32 s14, $0x1;
	s14 =	simm.s32 $0xFA0  }
0x35: {  	[sflag:s6] =	ssyncset.done $0x0;
	s14 =	simm.s32 @!p0 $0x0  }
0x36: {  	[sflag:s6] =	ssyncadd.s32 $0xFFFFF060;
	(ifvalue) =	ssetifvalue $0x7FFFFFFF;
	v0 =	vld.msk [tilespmem:s14+$0x0 ss:$0x1], $0xffff;
	_ =	sdelay $0x2  }
0x37: {  	s15 =	sadd.s32 $0x10, s14  }
0x38: {  	v2 =	vld.msk [tilespmem:s15+$0x0 ss:$0x1], $0xffff  }
0x39: {  	vm1 =	veq.s32 v0, $0x80000000;
	v1 =	vshrl.u32 v0, $0x12  }
0x3a: {  	vm1 =	vmmov vm1;
	v3 =	vand.u32 $0x1, v1  }
0x3b: {  	v0 =	vand.u32 $0x3FFFF, v0;
	v3 =	vsel vm1, $0xFFFFFFFF, v3  }
0x3c: {  	s15 =	sadd.s32 $0x10, s15;
	v0 =	vsel vm1, $0xFFFFFFFF, v0;
	v4 =	vshrl.u32 v3, $0x1  }
0x3d: {  	v1 =	vld.msk [tilespmem:s15+$0x0 ss:$0x1], $0xffff;
	v6 =	vshrl.u32 v2, $0x12;
	v5 =	vshll.u32 v0, $0x1;
	v4 =	vmul.u32 $0x4E200, v4  }
0x3e: {  	vm1 =	veq.s32 v2, $0x80000000;
	v3 =	vshll.u32 v3, $0x7;
	v5 =	vand.u32 $0xFFFFFF00, v5  }
0x3f: {  	v0 =	vand.u32 $0x7F, v0;
	v3 =	vand.u32 $0x80, v3;
	v4 =	vadd.s32 v5, v4  }
0x40: {  	vm1 =	vmmov vm1;
	v5 =	vand.u32 $0x1, v6;
	v3 =	vor.u32 v3, v4  }
0x41: {  	v2 =	vand.u32 $0x3FFFF, v2;
	v4 =	vsel vm1, $0xFFFFFFFF, v5;
	v0 =	vor.u32 v0, v3  }
0x42: {  	s15 =	sadd.s32 $0x10, s15;
	vm2 =	veq.s32 v1, $0x80000000;
	v3 =	vsel vm1, $0xFFFFFFFF, v2;
	v2 =	vshrl.u32 v4, $0x1  }
0x43: {  	s14 =	sadd.s32 $0x1F40, s14;
	v6 =	vshll.u32 v4, $0x7;
	v5 =	vmul.u32 $0x4E200, v2;
	v4 =	vshll.u32 v3, $0x1;
	v2 =	vld.msk [tilespmem:s15+$0x0 ss:$0x1], $0xffff  }
0x44: {  	s17 =	simm.s32 $0x30;
	s16 =	smov.u32 s14;
	vm1 =	vmmov vm2;
	v3 =	vand.u32 $0x7F, v3;
	v7 =	vand.u32 $0xFFFFFF00, v4  }
0x45: {  	s18 =	sadd.s32 $0x10, s15;
	v6 =	vand.u32 $0x80, v6;
	(ifvalue) =	ssetifvalue $0x7FFFFFFF;
	s15 =	sadd.s32 $0x10, s14;
	v4 =	vshrl.u32 v1, $0x12;
	v5 =	vadd.s32 v7, v5  }
.LBB2_3:
0x46: {  	[tilespmem:s16], [sflag:$0x1] =	stream.indirect_vreg.gather [hbm4b:s2+s10], $0x1, v0, vm0, $0x4038;
	[tilespmem:$0x3E80] =	vst v63  }
0x47: {  	s17 =	sadd.s32 $0x10, s17  }
0x48: {  	vm2 =	veq.s32 v2, $0x80000000;
	v4 =	vand.u32 $0x1, v4;
	v5 =	vor.u32 v6, v5;
	v6 =	vmovc v2;
	v2 =	vld.msk [tilespmem:s18+$0x0 ss:$0x1], $0xffff;
	p0 =	slt.u32 s17, $0xF90  }
.Ltmp3:
0x49: {  	v7 =	vand.u32 $0x3FFFF, v1;
	s16 =	smov.u32 s15;
	v4 =	vsel vm1, $0xFFFFFFFF, v4;
	v0 =	vor.u32 v3, v5;
	v1 =	vmovc v6;
	(pc) =	sbr.rel @p0 .LBB2_3-.Ltmp3, $4  }
0x4a: {  	v5 =	vsel vm1, $0xFFFFFFFF, v7;
	v6 =	vshrl.u32 v4, $0x1;
	v7 =	vshll.u32 v4, $0x7  }
0x4b: {  	v3 =	vand.u32 $0x7F, v5;
	v4 =	vshll.u32 v5, $0x1;
	v6 =	vmul.u32 $0x4E200, v6  }
0x4c: {  	vm1 =	vmmov vm2;
	v5 =	vand.u32 $0xFFFFFF00, v4  }
0x4d: {  	s18 =	sadd.s32 $0x10, s18;
	s15 =	sadd.s32 $0x10, s15;
	v4 =	vshrl.u32 v1, $0x12;
	v5 =	vadd.s32 v5, v6;
	v6 =	vand.u32 $0x80, v7;
	(ifvalue) =	ssetifvalue $0x7FFFFFFF  }
.Ltmp4:
0x4e: {  	_ = 	snop;
	(pc) =	sbr.rel .LBB2_4-.Ltmp4, $1  }
0x4f: {  	_ =	sdelay $0x3  }
.LBB2_6:
0x50: {  	_ =	sfence.sel $0x180000  }
0x51: {  	s2 =	simm.s32 $0x2;
	[bflag:$0x0] =	sbarrier.arrive $0xFFFF  }
0x52: {  	s30 =	simm.s32 $0x3;
	[sflag:s2] =	ssyncpa.u1 $0x1  }
0x53: {  	s31 =	simm.s32 $0x1;
	[sflag:s30] =	ssyncpa.u1 $0x1  }
0x54: {  	[sflag:s31] =	ssyncpa.u1 $0x1  }
0x55: {  	p0 =	sne.s32 s1, $0x0;
	_ =	strace $0x90000047  }
0x56: {  	s0 =	sadd.s32 @!p0 $0x100000, s0;
	[bflag:$0x2] =	sbarrier.arrive $0xFFFF  }
0x57: {  	[sflag:s0] =	ssyncadd.tile.s32 @!p0 $0x1;
	_ =	shalt  }
.Lfunc_end2:
_tile_overlayer_lowered:
.L_overlay_start_2:
0x58: {  	(tag) =	ssettag $0x2  }
0x59: {  	s0 =	rddreg [dreg:$0x0];
	s2 =	stileid.u32  }
0x5a: {  	s1 =	rddreg [dreg:$0x1];
	p0 =	sne.s32 s2, $0x0  }
0x5b: {  	s3 =	rddreg [dreg:$0x2];
	[bflag:$0x3] =	sbarrier.arrive $0xFFFF;
	s2 =	simm.s32 @!p0 $0x1C01  }
0x5c: {  	[timem:s3], [sflag:s2] =	dma.local @!p0 [hbm:s0], s1  }
0x5d: {  	s0 =	simm.s32 @!p0 $0x1  }
0x5e: {  	_ =	swait.ge @!p0 [sflag:s0], s1  }
0x5f: {  	s1 =	ssub.s32 @!p0 $0x0, s1;
	[sflag:s0] =	ssyncset.done @!p0 $0x0  }
0x60: {  	[sflag:s0] =	ssyncadd.s32 @!p0 s1  }
0x61: {  	[bflag:$0x3] =	sbarrier.arrive $0xFFFF  }
0x62: {  	_ =	shalt  }

// kernel: scatter_offload_async_start.1
scs
__scs_entry_jumppad:
0x0: {  	(pc) =	sbr.rel $0x88, $3  }
0x1: {  	(tag) =	ssettag $0x0;
	lr =	simm.s32 $0x1  }
0x2: {  	[smem:$0x3F86] =	sst lr;
	_ =	strace $0xD0000000  }
0x3: {  	_ = 	snop  }
0x4: {  	_ = 	snop  }
0x5: {  	_ = 	snop  }
0x6: {  	_ = 	snop  }
0x7: {  	_ = 	snop  }
__scs_overlays_trampoline_lowered:
0x8: {  	[smem:$0x3F95] =	sst s0  }
0x9: {  	[smem:$0x3F96] =	sst s1  }
0xa: {  	[smem:$0x3F97] =	sst s2  }
0xb: {  	[smem:$0x3F98] =	sst s3  }
0xc: {  	[smem:$0x3F99] =	sst s4  }
0xd: {  	[smem:$0x3F9A] =	sst s5  }
0xe: {  	[smem:$0x3F9B] =	sst s6  }
0xf: {  	[smem:$0x3F9C] =	sst s7  }
0x10: {  	[smem:$0x3F9D] =	sst s8  }
0x11: {  	[smem:$0x3F9E] =	sst s9;
	s0 =	simm.s32 @!p0 $0x0  }
0x12: {  	s1 =	sld [smem:$0x3F84];
	s0 =	simm.s32 @p0 $0x1  }
0x13: {  	[smem:$0x3F9F] =	sst s0;
	s0 =	simm.s32 @!p1 $0x0  }
0x14: {  	s2 =	sld [smem:$0x3F83];
	s0 =	simm.s32 @p1 $0x1  }
0x15: {  	[smem:$0x3FA0] =	sst s0;
	s0 =	simm.s32 @!p2 $0x0  }
0x16: {  	s3 =	sld [smem:$0x3FDB];
	s0 =	simm.s32 @p2 $0x1  }
0x17: {  	s4 =	simm.s32 $0x1BF5;
	[smem:$0x3FA2] =	sst s0  }
0x18: {  	s0 =	sld [smem:$0x3F85];
	_ =	swait.ge [sflag:s4], $0x0  }
0x19: {  	s7 =	sld [smem:$0x3F86]  }
0x1a: {  	s8 =	sadd.s32 $0xFFFFE003, lr  }
0x1b: {  	s9 =	sadd.s32 $0xFFFFFEF7, lr;
	s5 =	simm.s32 $0xFFFFFFFF;
	p2 =	slt.u32 s8, $0xFFFFF086  }
0x1c: {  	p1 =	slt.u32 s9, $0xF7A;
	s5 =	simm.s32 @!p2 $0x0  }
0x1d: {  	s5 =	simm.s32 @p1 $0x1;
	p0 =	seq.s32 s7, s2  }
0x1e: {  	s7 =	smul.u32 @!p0 $0xF7A, s2;
	p2 =	seq.s32 @!p0 s5, $0x0  }
0x1f: {  	s9 =	smul.u32 $0xF7A, s1;
	s8 =	simm.s32 @!p0 $0x1BF5;
	p2 =	por !p2, p0  }
0x20: {  	[sflag:s8] =	ssyncset.s32 @!p0 $0xFFFFF086;
	s6 =	sadd.s32 @!p0 s3, s7;
	s7 =	simm.s32 @!p0 $0x108  }
0x21: {  	s3 =	sadd.s32 s3, s9;
	s6 =	sadd.s32 @!p0 $0x88, s6;
	s7 =	simm.s32 @p2 $0x1082  }
0x22: {  	[simem:s7], [sflag:s8] =	dma.local @!p0 [hbm:s6], $0xF7A  }
0x23: {  	s9 =	sor.u32 $0xD0000000, s2;
	s6 =	simm.s32 $0x108;
	_ =	swait.ge @!p0 [sflag:s8], $0x0  }
0x24: {  	s3 =	sadd.s32 $0x88, s3;
	s6 =	simm.s32 @!p1 $0x1082;
	[sflag:s4] =	ssyncset.s32 $0xFFFFF086  }
0x25: {  	[simem:s6], [sflag:s4] =	dma.local [hbm:s3], $0xF7A  }
0x26: {  	[smem:$0x3F86] =	sst s1;
	(tag) =	ssettag s2;
	_ =	strace s9  }
0x27: {  	s1 =	sld [smem:$0x3F96]  }
0x28: {  	s2 =	sld [smem:$0x3F97]  }
0x29: {  	s4 =	sld [smem:$0x3F99]  }
0x2a: {  	p0 =	seq.s32 s5, $0x0;
	s5 =	sld [smem:$0x3F9A]  }
0x2b: {  	s6 =	sld [smem:$0x3F9B]  }
0x2c: {  	s7 =	sld [smem:$0x3F9C]  }
0x2d: {  	s3 =	simm.s32 $0x108;
	s8 =	sld [smem:$0x3F9D]  }
0x2e: {  	s3 =	simm.s32 @!p0 $0x1082;
	s9 =	sld [smem:$0x3F9E]  }
0x2f: {  	lr =	sadd.s32 s0, s3;
	s0 =	sld [smem:$0x3F95]  }
0x30: {  	s3 =	sld [smem:$0x3F98]  }
0x31: {  	[smem:$0x3FA1] =	sst s10  }
0x32: {  	s10 =	sld [smem:$0x3F9F];
	_ =	sdelay $0x3  }
0x33: {  	p0 =	seq.s32 s10, $0x1;
	s10 =	sld [smem:$0x3FA1];
	_ =	sdelay $0x3  }
0x34: {  	[smem:$0x3FA1] =	sst s10  }
0x35: {  	s10 =	sld [smem:$0x3FA0];
	_ =	sdelay $0x3  }
0x36: {  	p1 =	seq.s32 s10, $0x1;
	s10 =	sld [smem:$0x3FA1];
	_ =	sdelay $0x3  }
0x37: {  	[smem:$0x3FA1] =	sst s10  }
0x38: {  	s10 =	sld [smem:$0x3FA2]  }
0x39: {  	_ = 	snop;
	(pc) =	sbr.ind lr, $3  }
0x3a: {  	_ = 	snop  }
0x3b: {  	_ = 	snop  }
0x3c: {  	p2 =	seq.s32 s10, $0x1;
	s10 =	sld [smem:$0x3FA1]  }
0x3d: {  	_ =	shalt  }
0x3e: {  	_ =	shalt  }
0x3f: {  	_ =	shalt  }
0x40: {  	_ =	shalt  }
0x41: {  	_ =	shalt  }
0x42: {  	_ =	shalt  }
0x43: {  	_ =	shalt  }
0x44: {  	_ =	shalt  }
0x45: {  	_ =	shalt  }
0x46: {  	_ =	shalt  }
0x47: {  	_ =	shalt  }
0x48: {  	_ =	shalt  }
0x49: {  	_ =	shalt  }
0x4a: {  	_ =	shalt  }
0x4b: {  	_ =	shalt  }
0x4c: {  	_ =	shalt  }
0x4d: {  	_ =	shalt  }
0x4e: {  	_ =	shalt  }
0x4f: {  	_ =	shalt  }
0x50: {  	_ =	shalt  }
0x51: {  	_ =	shalt  }
0x52: {  	_ =	shalt  }
0x53: {  	_ =	shalt  }
0x54: {  	_ =	shalt  }
0x55: {  	_ =	shalt  }
0x56: {  	_ =	shalt  }
0x57: {  	_ =	shalt  }
0x58: {  	_ =	shalt  }
0x59: {  	_ =	shalt  }
0x5a: {  	_ =	shalt  }
0x5b: {  	_ =	shalt  }
0x5c: {  	_ =	shalt  }
0x5d: {  	_ =	shalt  }
0x5e: {  	_ =	shalt  }
0x5f: {  	_ =	shalt  }
0x60: {  	_ =	shalt  }
0x61: {  	_ =	shalt  }
0x62: {  	_ =	shalt  }
0x63: {  	_ =	shalt  }
0x64: {  	_ =	shalt  }
0x65: {  	_ =	shalt  }
0x66: {  	_ =	shalt  }
0x67: {  	_ =	shalt  }
0x68: {  	_ =	shalt  }
0x69: {  	_ =	shalt  }
0x6a: {  	_ =	shalt  }
0x6b: {  	_ =	shalt  }
0x6c: {  	_ =	shalt  }
0x6d: {  	_ =	shalt  }
0x6e: {  	_ =	shalt  }
0x6f: {  	_ =	shalt  }
0x70: {  	_ =	shalt  }
0x71: {  	_ =	shalt  }
0x72: {  	_ =	shalt  }
0x73: {  	_ =	shalt  }
0x74: {  	_ =	shalt  }
0x75: {  	_ =	shalt  }
0x76: {  	_ =	shalt  }
0x77: {  	_ =	shalt  }
0x78: {  	_ =	shalt  }
0x79: {  	_ =	shalt  }
0x7a: {  	_ =	shalt  }
0x7b: {  	_ =	shalt  }
0x7c: {  	_ =	shalt  }
0x7d: {  	_ =	shalt  }
0x7e: {  	_ =	shalt  }
0x7f: {  	_ =	shalt  }
0x80: {  	_ =	shalt  }
0x81: {  	_ =	shalt  }
0x82: {  	_ =	shalt  }
0x83: {  	_ =	shalt  }
0x84: {  	_ =	shalt  }
0x85: {  	_ =	shalt  }
0x86: {  	_ =	shalt  }
0x87: {  	_ =	shalt  }
.Lfunc_end0:
.L_simem_size_0:
called_computation.1_lowered:
.L_overlay_start_0:
0x88: {  	s2 =	sld [smem:$0x3FD9]  }
0x89: {  	s3 =	sld [smem:$0x3FFE];
	_ =	sdelay $0x1  }
0x8a: {  	s1 =	srdreg.scid  }
0x8b: {  	s0 =	sand.u32 $0x1, s1  }
0x8c: {  	s15 =	sshll.u32 s0, $0xA;
	s2 =	sadd.s32 s3, s2  }
0x8d: {  	s2 =	sadd.s32 s2, s15  }
0x8e: {  	[smem:$0x3FAD] =	sst s2  }
0x8f: {  	_ = 	snop  }
0x90: {  	(tm) =	ssettm $0x1  }
0x91: {  	s16 =	sld [smem:$0x3FFB];
	_ =	sdelay $0x3  }
0x92: {  	_ =	strace s16  }
0x93: {  	s2 =	sld [smem:$0x3FFC];
	_ =	sdelay $0x3  }
0x94: {  	_ =	strace s2  }
0x95: {  	s2 =	sld [smem:$0x3FFD];
	_ =	sdelay $0x3  }
0x96: {  	_ =	strace s2  }
0x97: {  	_ =	strace $0x8FFFFFFF  }
0x98: {  	s17 =	sld [smem:$0x3FDB];
	_ =	sdelay $0x1  }
0x99: {  	s18 =	simm.s32 $_scs_section_size  }
0x9a: {  	s4 =	simm.s32 $_size__tile_overlayer_lowered;
	s5 =	simm.s32 $_tile_overlayer_lowered  }
0x9b: {  	s6 =	simm.s32 $0x1BFF;
	s19 =	sshll.u32 s5, $0x1;
	s3 =	sadd.s32 s18, s17  }
0x9c: {  	s20 =	simm.s32 $0x0;
	s4 =	sshll.u32 s4, $0x1;
	s5 =	sadd.s32 s19, s3  }
0x9d: {  	[timem:s20], [sflag:s6] =	dma.local [hbm:s5], s4  }
0x9e: {  	_ =	swait.ge [sflag:s6], s4  }
0x9f: {  	s4 =	ssub.s32 $0x0, s4;
	[sflag:s6] =	ssyncset.done $0x0  }
0xa0: {  	[sflag:s6] =	ssyncadd.s32 s4;
	_ =	sdelay $0x1  }
0xa1: {  	s21 =	simm.s32 $0x1B8B  }
0xa2: {  	_ =	swait.ge [sflag:s21], $0x1  }
0xa3: {  	[sflag:s21] =	ssyncset.done $0x0  }
0xa4: {  	s22 =	sld [smem:$0x3FFE];
	[sflag:s21] =	ssyncadd.s32 $0xFFFFFFFF  }
0xa5: {  	s24 =	simm.s32 $0x1B8E;
	s23 =	sld [smem:$0x0]  }
0xa6: {  	s25 =	simm.s32 $execute0_lowered;
	[smem:$0x3FD2] =	sst s24  }
0xa7: {  	s6 =	sshll.u32 s25, $0x1;
	_ =	strace $0x8000004F;
	[dreg:$0x1] =	wrdreg $0xFFFFFFFF  }
0xa8: {  	s7 =	simm.s32 $_size_execute0_lowered;
	s6 =	sadd.s32 s3, s6;
	[dreg:$0x0] =	wrdreg $0x0  }
0xa9: {  	s7 =	sshll.u32 s7, $0x1;
	[dreg:$0x2] =	wrdreg s6  }
0xaa: {  	[dreg:$0x3] =	wrdreg s7  }
0xab: {  	[dreg:$0x4] =	wrdreg $0xC0  }
0xac: {  	s26 =	simm.s32 $execute1_lowered;
	_ =	task [dreg:s20], $0x5FFFF  }
0xad: {  	s6 =	sshll.u32 s26, $0x1;
	[dreg:$0x1] =	wrdreg $0xFFFFFFFF  }
0xae: {  	s3 =	sadd.s32 s3, s6;
	[dreg:$0x0] =	wrdreg $0x60  }
0xaf: {  	[dreg:$0x2] =	wrdreg s3  }
0xb0: {  	[dreg:$0x3] =	wrdreg s22  }
0xb1: {  	[dreg:$0x4] =	wrdreg $0x9  }
0xb2: {  	_ =	task.clear_ibuf [dreg:s20], $0x5FFFF;
	_ =	strace $0x9000004F  }
0xb3: {  	s28 =	simm.s32 $0x9;
	_ =	strace $0x80000051  }
0xb4: {  	_ =	swait.ge [sflag:s28], $0x1  }
0xb5: {  	[sflag:s28] =	ssyncadd.s32 $0xFFFFFFFF  }
0xb6: {  	_ =	strace $0x90000051  }
0xb7: {  	s3 =	sld [smem:$0x0]  }
0xb8: {  	s6 =	sand.u32 $0xFFFFFFFE, s1  }
0xb9: {  	p0 =	sne.s32 s1, s6  }
0xba: {  	s6 =	sshll.u32 @p0 s6, $0xE  }
0xbb: {  	s6 =	sadd.s32 @p0 $0x11BF3, s6;
	s7 =	sshll.u32 @p0 s3, $0x11  }
0xbc: {  	s6 =	sor.u32 @p0 s7, s6  }
0xbd: {  	[sflag:s6] =	ssyncadd.remote.s32 @p0 $0x1;
	_ =	sdelay $0x1  }
0xbe: {  	s6 =	simm.s32 @p0 $0x1BF3  }
0xbf: {  	_ =	swait.eq @p0 [sflag:s6], $0x1  }
0xc0: {  	[sflag:s6] =	ssyncadd.s32 @p0 $0xFFFFFFFF  }
0xc1: {  	s7 =	sshll.u32 @!p0 s1, $0xE  }
0xc2: {  	s7 =	sor.u32 @!p0 $0x4000, s7;
	s6 =	simm.s32 @!p0 $0x1BF3  }
0xc3: {  	s3 =	sshll.u32 @!p0 s3, $0x11;
	s7 =	sadd.s32 @!p0 $0x11BF3, s7;
	_ =	swait.eq @!p0 [sflag:s6], $0x1  }
0xc4: {  	s3 =	sor.u32 @!p0 s3, s7;
	[sflag:s6] =	ssyncadd.s32 @!p0 $0xFFFFFFFF  }
0xc5: {  	[sflag:s3] =	ssyncadd.remote.s32 @!p0 $0x1  }
0xc6: {  	_ =	strace $0x80000052;
	[dreg:$0x1] =	wrdreg $0xFFFFFFFF  }
0xc7: {  	[dreg:$0x0] =	wrdreg $0x2030  }
0xc8: {  	[dreg:$0x2] =	wrdreg s22  }
0xc9: {  	[dreg:$0x3] =	wrdreg s1  }
0xca: {  	[dreg:$0x4] =	wrdreg s23  }
0xcb: {  	[dreg:$0x5] =	wrdreg $0xA  }
0xcc: {  	_ =	task.clear_ibuf [dreg:s20], $0x6FFFF;
	_ =	strace $0x90000052  }
0xcd: {  	s29 =	simm.s32 $0xA;
	_ =	strace $0x80000054  }
0xce: {  	_ =	swait.ge [sflag:s29], $0x1  }
0xcf: {  	[sflag:s29] =	ssyncadd.s32 $0xFFFFFFFF  }
0xd0: {  	_ =	strace $0x90000054  }
0xd1: {  	_ =	sfence  }
0xd2: {  	s30 =	sld [smem:$0x0];
	_ =	sdelay $0x2  }
0xd3: {  	s31 =	sshll.u32 s1, $0xD;
	s1 =	sshrl.u32 s1, $0x2  }
0xd4: {  	s4 =	sand.u32 $0x4000, s31;
	s1 =	sadd.s32 s1, s30  }
0xd5: {  	s0 =	sor.u32 s4, s0;
	s1 =	sshll.u32 s1, $0x11  }
0xd6: {  	s0 =	sor.u32 s1, s0  }
0xd7: {  	s0 =	sadd.s32 $0x8F2B, s0  }
0xd8: {  	[sflag:s0] =	ssyncadd.remote.s32 $0x1  }
0xd9: {  	_ =	sfence.sel $0xFFFF  }
0xda: {  	[dreg:$0x0] =	wrdreg $0xFFFFFFFF;
	(pc) =	sbr.abs _section_cstart, $3  }
0xdb: {  	[dreg:$0x1] =	wrdreg $0xFFFFFFFF  }
0xdc: {  	_ =	task.clear_ibuf [dreg:s20], $0x2FFFF;
	_ =	strace $0x9FFFFFFF  }
0xdd: {  	(tm) =	ssettm $0x7FFFFFFF  }
tec
execute0_lowered:
.L_overlay_start_1:
0x0: {  	(tag) =	ssettag $0x1  }
0x1: {  	s2 =	rddreg [dreg:$0x0]  }
0x2: {  	s7 =	rddreg [dreg:$0x1]  }
0x3: {  	s0 =	rddreg [dreg:$0x2]  }
0x4: {  	s3 =	stileid.u32;
	[bflag:$0x3] =	sbarrier.arrive $0xFFFF;
	s1 =	simm.s32 $_size_execute1_lowered  }
0x5: {  	s29 =	srdreg.scid;
	s9 =	simm.s32 $0x2;
	p0 =	sne.s32 s3, $0x0  }
0x6: {  	s1 =	sshll.u32 s1, $0x1;
	s4 =	simm.s32 @!p0 $0x1C3F;
	s5 =	simm.s32 @!p0 $0x4060  }
0x7: {  	[timem:s5], [sflag:s4] =	dma.local @!p0 [hbm:s2], s1  }
0x8: {  	s13 =	simm.s32 $0x0;
	s10 =	simm.s32 $0x80;
	s2 =	sshll.u32 s29, $0x9  }
0x9: {  	s12 =	simm.s32 $0x0;
	s3 =	sshll.u32 s3, $0xA;
	s2 =	sand.u32 $0x200, s2  }
0xa: {  	s11 =	simm.s32 $0x0;
	_ =	strace $0x80000050;
	s2 =	sor.u32 s3, s2  }
0xb: {  	s3 =	sshll.u32 s2, $0x4;
	p1 =	slt.u32 s2, $0x2710;
	s31 =	smax.u32 s2, $0x2510  }
0xc: {  	s5 =	ssub.s32 $0x2710, s2;
	s4 =	sadd.s32 $0xFFFD8F00, s3;
	s6 =	sshll.u32 s31, $0x7  }
0xd: {  	s4 =	smov.u32 @p1 s3;
	s3 =	simm.s32 $0x1;
	p1 =	sgt.s32 s5, $0x0  }
0xe: {  	s6 =	ssub.s32 $0x138800, s6;
	s8 =	sadd.s32 s4, s7;
	[sflag:s3] =	ssyncpa.u1 $0x0  }
.Ltmp0:
0xf: {  	s5 =	simm.s32 @!p1 $0x0;
	s4 =	simm.s32 $0x1;
	(pc) =	sbr.rel .LBB2_1-.Ltmp0, $4  }
0x10: {  	s6 =	sshrl.u32 s6, $0x2;
	s7 =	sadd.s32 $0xA16200, s7;
	s30 =	sand.u32 $0x3F10, s5  }
0x11: {  	s5 =	simm.s32 $0x3;
	[sflag:s9] =	ssyncpa.u1 $0x0;
	p1 =	sne.s32 s30, $0x0  }
0x12: {  	s4 =	simm.s32 @!p1 $0x0;
	s5 =	simm.s32 @!p1 $0x2;
	p1 =	sgt.u32 s2, $0x270F  }
0x13: {  	s8 =	sadd.s32 $0x9EF000, s8;
	s9 =	simm.s32 $0x20;
	s6 =	simm.s32 @p1 $0x0  }
.LBB2_5:
0x14: {  	_ =	sdelay $0x3  }
0x15: {  	[tilespmem:v1+s16+$0x0 ss:$0x1] =	vst.idx.msk $0xffff, v2  }
.LBB2_6:
0x16: {  	s16 =	smulhi.u32 $0xD1B71759, s12;
	_ =	sdelay $0x1  }
0x17: {  	s16 =	sshrl.u32 s16, $0xD  }
0x18: {  	s16 =	smul.u32 $0x2710, s16;
	_ =	sdelay $0x1  }
0x19: {  	s16 =	ssub.s32 s12, s16  }
0x1a: {  	s16 =	sshll.u32 s16, $0x4  }
0x1b: {  	s16 =	sadd.s32 s7, s16  }
0x1c: {  	[hbm4b:s16+s9] =	stream.strided.scatter [tilespmem:s15], [sflag:$0x2], s14, s10, s9, $0x38;
	[tilespmem:$0x10000] =	vst v63  }
.LBB2_7:
0x1d: {  	p1 =	slt.u32 s11, $0x2  }
0x1e: {  	p2 =	sgt.s32 @!p1 s13, $0x2510  }
0x1f: {  	p2 =	por !p2, p1  }
0x20: {  	p3 =	sgt.s32 @!p1 s13, $0x270F;
	s13 =	simm.s32 @p2 $0x2510  }
0x21: {  	s13 =	sshll.u32 @!p1 s13, $0x7  }
0x22: {  	s13 =	ssub.s32 @!p1 $0x138800, s13  }
0x23: {  	s11 =	sadd.s32 $0x1, s11;
	p2 =	por !p3, p1;
	s13 =	sshrl.u32 @!p1 s13, $0x2  }
0x24: {  	s13 =	simm.s32 @!p2 $0x0;
	p2 =	sne.s32 s11, s5  }
.Ltmp1:
0x25: {  	_ = 	snop;
	(pc) =	sbr.rel @!p2 .LBB2_8-.Ltmp1, $4  }
0x26: {  	s14 =	simm.s32 @!p1 $0x2  }
0x27: {  	_ =	swait.ge @!p1 [sflag:s14], s13  }
0x28: {  	s15 =	ssub.s32 @!p1 $0x0, s13;
	[sflag:s14] =	ssyncset.done @!p1 $0x0  }
0x29: {  	s13 =	smov.u32 s12;
	s12 =	smov.u32 s2;
	[sflag:s14] =	ssyncadd.s32 @!p1 s15  }
.LBB2_1:
0x2a: {  	p1 =	sge.u32 s11, s4;
	s31 =	sadd.s32 $0xFFFFFFFF, s11  }
0x2b: {  	s14 =	simm.s32 @!p1 $0x20;
	s15 =	simm.s32 @!p1 $0x80;
	s16 =	simm.s32 @!p1 $0x4000  }
0x2c: {  	[tilespmem:s16], [sflag:$0x1] =	stream.strided.gather @!p1 [hbm4b:s8+s14], s6, s15, s14, $0x38;
	[tilespmem:$0x10000] =	vst v63  }
0x2d: {  	p1 =	sge.u32 s31, s4  }
.Ltmp2:
0x2e: {  	_ = 	snop;
	(pc) =	sbr.rel @p1 .LBB2_7-.Ltmp2, $1  }
0x2f: {  	_ =	sdelay $0x3  }
0x30: {  	p1 =	sgt.s32 s12, $0x2510;
	s14 =	smov.u32 s12  }
0x31: {  	s14 =	simm.s32 @!p1 $0x2510  }
0x32: {  	s14 =	sshll.u32 s14, $0x7  }
0x33: {  	s14 =	ssub.s32 $0x138800, s14  }
0x34: {  	p1 =	sgt.u32 s12, $0x270F;
	s14 =	sshrl.u32 s14, $0x2  }
0x35: {  	s15 =	smov.u32 s12;
	s14 =	simm.s32 @p1 $0x0;
	p1 =	slt.s32 s12, $0x2510  }
0x36: {  	s15 =	simm.s32 @!p1 $0x2510  }
0x37: {  	s16 =	ssub.s32 s15, s12  }
0x38: {  	p1 =	slt.s32 s16, $0xFFFFFE01  }
.Ltmp3:
0x39: {  	_ = 	snop;
	(pc) =	sbr.rel @p1 .LBB2_6-.Ltmp3, $4  }
0x3a: {  	_ = 	snop  }
0x3b: {  	s17 =	sshll.u32 s11, $0xE;
	_ =	swait.ge [sflag:s3], s14  }
0x3c: {  	s17 =	sand.u32 $0x4000, s17;
	s18 =	ssub.s32 $0x0, s14;
	[sflag:s3] =	ssyncset.done $0x0  }
0x3d: {  	s15 =	sor.u32 $0x8000, s17;
	[sflag:s3] =	ssyncadd.s32 s18  }
0x3e: {  	v0 =	vmov s17;
	_ =	sdelay $0x1  }
0x3f: {  	s30 =	sadd.s32 $0x200, s16  }
0x40: {  	s31 =	simm.s32 $0x0;
	p1 =	sne.s32 s30, $0x1  }
.Ltmp4:
0x41: {  	s16 =	sand.u32 $0x3FE0, s31;
	(pc) =	sbr.rel @!p1 .LBB2_5-.Ltmp4, $2  }
0x42: {  	v1 =	vmov s15;
	v2 =	vld.idx.msk [tilespmem:v0+s16+$0x0 ss:$0x1], $0xffff;
	_ =	sdelay $0x2  }
0x43: {  	s18 =	simm.s32 $0x20;
	s17 =	sadd.s32 $0xFFFFFFFF, s30  }
.LBB2_4:
0x44: {  	s19 =	sand.u32 $0x3FE0, s18;
	p1 =	sne.s32 s17, $0x1;
	s17 =	sadd.s32 $0xFFFFFFFF, s17  }
.Ltmp5:
0x45: {  	[tilespmem:v1+s16+$0x0 ss:$0x1] =	vst.idx.msk $0xffff, v2;
	v2 =	vld.idx.msk [tilespmem:v0+s19+$0x0 ss:$0x1], $0xffff;
	s16 =	smov.u32 s19;
	(pc) =	sbr.rel @p1 .LBB2_4-.Ltmp5, $2  }
0x46: {  	_ =	sdelay $0x2  }
0x47: {  	s18 =	sadd.s32 $0x20, s18  }
.Ltmp6:
0x48: {  	_ = 	snop;
	(pc) =	sbr.rel .LBB2_5-.Ltmp6, $1  }
0x49: {  	_ =	sdelay $0x3  }
.LBB2_8:
0x4a: {  	_ =	sfence.sel $0x180000  }
0x4b: {  	s2 =	simm.s32 $0x1;
	[bflag:$0x0] =	sbarrier.arrive $0xFFFF  }
0x4c: {  	s31 =	simm.s32 $0x2;
	[sflag:s2] =	ssyncpa.u1 $0x1  }
0x4d: {  	[sflag:s31] =	ssyncpa.u1 $0x1  }
0x4e: {  	_ =	strace $0x90000050  }
0x4f: {  	s0 =	sadd.s32 @!p0 $0x100000, s0;
	[bflag:$0x2] =	sbarrier.arrive $0xFFFF  }
0x50: {  	[sflag:s0] =	ssyncadd.tile.s32 @!p0 $0x1;
	s0 =	simm.s32 @!p0 $0x3F  }
0x51: {  	_ =	swait.ge @!p0 [sflag:s0], s1  }
0x52: {  	s1 =	ssub.s32 @!p0 $0x0, s1;
	[sflag:s0] =	ssyncset.done @!p0 $0x0  }
0x53: {  	[sflag:s0] =	ssyncadd.s32 @!p0 s1  }
0x54: {  	[bflag:$0x3] =	sbarrier.arrive $0xFFFF  }
0x55: {  	_ =	shalt  }
.Lfunc_end2:
execute1_lowered:
.L_overlay_start_2:
0x56: {  	(tag) =	ssettag $0x2  }
0x57: {  	s6 =	rddreg [dreg:$0x0];
	_ =	strace $0x80000053;
	s5 =	simm.s32 $0x1  }
0x58: {  	v0 =	vimm.s32 $0x0;
	[sflag:s5] =	ssyncpa.u1 $0x0  }
0x59: {  	[tilespmem:$0x28] =	vst v0  }
0x5a: {  	[tilespmem:$0x38] =	vst v0  }
0x5b: {  	[tilespmem:$0x48] =	vst v0  }
0x5c: {  	[tilespmem:$0x58] =	vst v0  }
0x5d: {  	[tilespmem:$0x68] =	vst v0  }
0x5e: {  	[tilespmem:$0x78] =	vst v0  }
0x5f: {  	[tilespmem:$0x88] =	vst v0  }
0x60: {  	[tilespmem:$0x98] =	vst v0  }
0x61: {  	[tilespmem:$0xA8] =	vst v0  }
0x62: {  	[tilespmem:$0xB8] =	vst v0  }
0x63: {  	[tilespmem:$0xC8] =	vst v0  }
0x64: {  	[tilespmem:$0xD8] =	vst v0  }
0x65: {  	[tilespmem:$0xE8] =	vst v0  }
0x66: {  	[tilespmem:$0xF8] =	vst v0  }
0x67: {  	[tilespmem:$0x108] =	vst v0  }
0x68: {  	[tilespmem:$0x118] =	vst v0  }
0x69: {  	[tilespmem:$0x128] =	vst v0  }
0x6a: {  	[tilespmem:$0x138] =	vst v0  }
0x6b: {  	[tilespmem:$0x148] =	vst v0  }
0x6c: {  	[tilespmem:$0x158] =	vst v0  }
0x6d: {  	[tilespmem:$0x168] =	vst v0  }
0x6e: {  	[tilespmem:$0x178] =	vst v0  }
0x6f: {  	[tilespmem:$0x188] =	vst v0  }
0x70: {  	[tilespmem:$0x198] =	vst v0  }
0x71: {  	[tilespmem:$0x1A8] =	vst v0  }
0x72: {  	[tilespmem:$0x1B8] =	vst v0  }
0x73: {  	[tilespmem:$0x1C8] =	vst v0  }
0x74: {  	[tilespmem:$0x1D8] =	vst v0  }
0x75: {  	[tilespmem:$0x1E8] =	vst v0  }
0x76: {  	[tilespmem:$0x1F8] =	vst v0  }
0x77: {  	[tilespmem:$0x208] =	vst v0  }
0x78: {  	[tilespmem:$0x218] =	vst v0  }
0x79: {  	[tilespmem:$0x228] =	vst v0  }
0x7a: {  	[tilespmem:$0x238] =	vst v0  }
0x7b: {  	[tilespmem:$0x248] =	vst v0  }
0x7c: {  	[tilespmem:$0x258] =	vst v0  }
0x7d: {  	[tilespmem:$0x268] =	vst v0  }
0x7e: {  	[tilespmem:$0x278] =	vst v0  }
0x7f: {  	[tilespmem:$0x288] =	vst v0  }
0x80: {  	[tilespmem:$0x298] =	vst v0  }
0x81: {  	[tilespmem:$0x2A8] =	vst v0  }
0x82: {  	[tilespmem:$0x2B8] =	vst v0  }
0x83: {  	[tilespmem:$0x2C8] =	vst v0  }
0x84: {  	[tilespmem:$0x2D8] =	vst v0  }
0x85: {  	[tilespmem:$0x2E8] =	vst v0  }
0x86: {  	[tilespmem:$0x2F8] =	vst v0  }
0x87: {  	[tilespmem:$0x308] =	vst v0  }
0x88: {  	[tilespmem:$0x318] =	vst v0  }
0x89: {  	[tilespmem:$0x328] =	vst v0  }
0x8a: {  	[tilespmem:$0x338] =	vst v0  }
0x8b: {  	[tilespmem:$0x348] =	vst v0  }
0x8c: {  	[tilespmem:$0x358] =	vst v0  }
0x8d: {  	[tilespmem:$0x368] =	vst v0  }
0x8e: {  	[tilespmem:$0x378] =	vst v0  }
0x8f: {  	[tilespmem:$0x388] =	vst v0  }
0x90: {  	[tilespmem:$0x398] =	vst v0  }
0x91: {  	[tilespmem:$0x3A8] =	vst v0  }
0x92: {  	[tilespmem:$0x3B8] =	vst v0  }
0x93: {  	[tilespmem:$0x3C8] =	vst v0  }
0x94: {  	[tilespmem:$0x3D8] =	vst v0  }
0x95: {  	[tilespmem:$0x3E8] =	vst v0  }
0x96: {  	[tilespmem:$0x3F8] =	vst v0  }
0x97: {  	[tilespmem:$0x408] =	vst v0  }
0x98: {  	[tilespmem:$0x418] =	vst v0  }
0x99: {  	[tilespmem:$0x428] =	vst v0  }
0x9a: {  	[tilespmem:$0x438] =	vst v0  }
0x9b: {  	[tilespmem:$0x448] =	vst v0  }
0x9c: {  	[tilespmem:$0x458] =	vst v0  }
0x9d: {  	[tilespmem:$0x468] =	vst v0  }
0x9e: {  	[tilespmem:$0x478] =	vst v0  }
0x9f: {  	[tilespmem:$0x488] =	vst v0  }
0xa0: {  	[tilespmem:$0x498] =	vst v0  }
0xa1: {  	[tilespmem:$0x4A8] =	vst v0  }
0xa2: {  	[tilespmem:$0x4B8] =	vst v0  }
0xa3: {  	[tilespmem:$0x4C8] =	vst v0  }
0xa4: {  	[tilespmem:$0x4D8] =	vst v0  }
0xa5: {  	[tilespmem:$0x4E8] =	vst v0  }
0xa6: {  	[tilespmem:$0x4F8] =	vst v0  }
0xa7: {  	[tilespmem:$0x508] =	vst v0  }
0xa8: {  	[tilespmem:$0x518] =	vst v0  }
0xa9: {  	[tilespmem:$0x528] =	vst v0  }
0xaa: {  	[tilespmem:$0x538] =	vst v0  }
0xab: {  	[tilespmem:$0x548] =	vst v0  }
0xac: {  	[tilespmem:$0x558] =	vst v0  }
0xad: {  	[tilespmem:$0x568] =	vst v0  }
0xae: {  	[tilespmem:$0x578] =	vst v0  }
0xaf: {  	[tilespmem:$0x588] =	vst v0  }
0xb0: {  	[tilespmem:$0x598] =	vst v0  }
0xb1: {  	[tilespmem:$0x5A8] =	vst v0  }
0xb2: {  	[tilespmem:$0x5B8] =	vst v0  }
0xb3: {  	[tilespmem:$0x5C8] =	vst v0  }
0xb4: {  	[tilespmem:$0x5D8] =	vst v0  }
0xb5: {  	[tilespmem:$0x5E8] =	vst v0  }
0xb6: {  	[tilespmem:$0x5F8] =	vst v0  }
0xb7: {  	[tilespmem:$0x608] =	vst v0  }
0xb8: {  	[tilespmem:$0x618] =	vst v0  }
0xb9: {  	[tilespmem:$0x628] =	vst v0  }
0xba: {  	[tilespmem:$0x638] =	vst v0  }
0xbb: {  	[tilespmem:$0x648] =	vst v0  }
0xbc: {  	[tilespmem:$0x658] =	vst v0  }
0xbd: {  	[tilespmem:$0x668] =	vst v0  }
0xbe: {  	[tilespmem:$0x678] =	vst v0  }
0xbf: {  	[tilespmem:$0x688] =	vst v0  }
0xc0: {  	[tilespmem:$0x698] =	vst v0  }
0xc1: {  	[tilespmem:$0x6A8] =	vst v0  }
0xc2: {  	[tilespmem:$0x6B8] =	vst v0  }
0xc3: {  	[tilespmem:$0x6C8] =	vst v0  }
0xc4: {  	[tilespmem:$0x6D8] =	vst v0  }
0xc5: {  	[tilespmem:$0x6E8] =	vst v0  }
0xc6: {  	[tilespmem:$0x6F8] =	vst v0  }
0xc7: {  	[tilespmem:$0x708] =	vst v0  }
0xc8: {  	[tilespmem:$0x718] =	vst v0  }
0xc9: {  	[tilespmem:$0x728] =	vst v0  }
0xca: {  	[tilespmem:$0x738] =	vst v0  }
0xcb: {  	[tilespmem:$0x748] =	vst v0  }
0xcc: {  	[tilespmem:$0x758] =	vst v0  }
0xcd: {  	[tilespmem:$0x768] =	vst v0  }
0xce: {  	[tilespmem:$0x778] =	vst v0  }
0xcf: {  	[tilespmem:$0x788] =	vst v0  }
0xd0: {  	[tilespmem:$0x798] =	vst v0  }
0xd1: {  	[tilespmem:$0x7A8] =	vst v0  }
0xd2: {  	[tilespmem:$0x7B8] =	vst v0  }
0xd3: {  	[tilespmem:$0x7C8] =	vst v0  }
0xd4: {  	[tilespmem:$0x7D8] =	vst v0  }
0xd5: {  	[tilespmem:$0x7E8] =	vst v0  }
0xd6: {  	[tilespmem:$0x7F8] =	vst v0  }
0xd7: {  	[tilespmem:$0x808] =	vst v0  }
0xd8: {  	[tilespmem:$0x818] =	vst v0  }
0xd9: {  	[tilespmem:$0x828] =	vst v0  }
0xda: {  	[tilespmem:$0x838] =	vst v0  }
0xdb: {  	[tilespmem:$0x848] =	vst v0  }
0xdc: {  	[tilespmem:$0x858] =	vst v0  }
0xdd: {  	[tilespmem:$0x868] =	vst v0  }
0xde: {  	[tilespmem:$0x878] =	vst v0  }
0xdf: {  	[tilespmem:$0x888] =	vst v0  }
0xe0: {  	[tilespmem:$0x898] =	vst v0  }
0xe1: {  	[tilespmem:$0x8A8] =	vst v0  }
0xe2: {  	[tilespmem:$0x8B8] =	vst v0  }
0xe3: {  	[tilespmem:$0x8C8] =	vst v0  }
0xe4: {  	[tilespmem:$0x8D8] =	vst v0  }
0xe5: {  	[tilespmem:$0x8E8] =	vst v0  }
0xe6: {  	[tilespmem:$0x8F8] =	vst v0  }
0xe7: {  	[tilespmem:$0x908] =	vst v0  }
0xe8: {  	[tilespmem:$0x918] =	vst v0  }
0xe9: {  	[tilespmem:$0x928] =	vst v0  }
0xea: {  	[tilespmem:$0x938] =	vst v0  }
0xeb: {  	[tilespmem:$0x948] =	vst v0  }
0xec: {  	[tilespmem:$0x958] =	vst v0  }
0xed: {  	[tilespmem:$0x968] =	vst v0  }
0xee: {  	[tilespmem:$0x978] =	vst v0  }
0xef: {  	[tilespmem:$0x988] =	vst v0  }
0xf0: {  	[tilespmem:$0x998] =	vst v0  }
0xf1: {  	[tilespmem:$0x9A8] =	vst v0  }
0xf2: {  	[tilespmem:$0x9B8] =	vst v0  }
0xf3: {  	[tilespmem:$0x9C8] =	vst v0  }
0xf4: {  	[tilespmem:$0x9D8] =	vst v0  }
0xf5: {  	[tilespmem:$0x9E8] =	vst v0  }
0xf6: {  	[tilespmem:$0x9F8] =	vst v0  }
0xf7: {  	[tilespmem:$0xA08] =	vst v0  }
0xf8: {  	[tilespmem:$0xA18] =	vst v0  }
0xf9: {  	[tilespmem:$0xA28] =	vst v0  }
0xfa: {  	[tilespmem:$0xA38] =	vst v0  }
0xfb: {  	[tilespmem:$0xA48] =	vst v0  }
0xfc: {  	[tilespmem:$0xA58] =	vst v0  }
0xfd: {  	[tilespmem:$0xA68] =	vst v0  }
0xfe: {  	[tilespmem:$0xA78] =	vst v0  }
0xff: {  	[tilespmem:$0xA88] =	vst v0  }
0x100: {  	[tilespmem:$0xA98] =	vst v0  }
0x101: {  	[tilespmem:$0xAA8] =	vst v0  }
0x102: {  	[tilespmem:$0xAB8] =	vst v0  }
0x103: {  	[tilespmem:$0xAC8] =	vst v0  }
0x104: {  	[tilespmem:$0xAD8] =	vst v0  }
0x105: {  	[tilespmem:$0xAE8] =	vst v0  }
0x106: {  	[tilespmem:$0xAF8] =	vst v0  }
0x107: {  	[tilespmem:$0xB08] =	vst v0  }
0x108: {  	[tilespmem:$0xB18] =	vst v0  }
0x109: {  	[tilespmem:$0xB28] =	vst v0  }
0x10a: {  	[tilespmem:$0xB38] =	vst v0  }
0x10b: {  	[tilespmem:$0xB48] =	vst v0  }
0x10c: {  	[tilespmem:$0xB58] =	vst v0  }
0x10d: {  	[tilespmem:$0xB68] =	vst v0  }
0x10e: {  	[tilespmem:$0xB78] =	vst v0  }
0x10f: {  	[tilespmem:$0xB88] =	vst v0  }
0x110: {  	[tilespmem:$0xB98] =	vst v0  }
0x111: {  	[tilespmem:$0xBA8] =	vst v0  }
0x112: {  	[tilespmem:$0xBB8] =	vst v0  }
0x113: {  	[tilespmem:$0xBC8] =	vst v0  }
0x114: {  	[tilespmem:$0xBD8] =	vst v0  }
0x115: {  	[tilespmem:$0xBE8] =	vst v0  }
0x116: {  	[tilespmem:$0xBF8] =	vst v0  }
0x117: {  	[tilespmem:$0xC08] =	vst v0  }
0x118: {  	[tilespmem:$0xC18] =	vst v0  }
0x119: {  	[tilespmem:$0xC28] =	vst v0  }
0x11a: {  	[tilespmem:$0xC38] =	vst v0  }
0x11b: {  	[tilespmem:$0xC48] =	vst v0  }
0x11c: {  	[tilespmem:$0xC58] =	vst v0  }
0x11d: {  	[tilespmem:$0xC68] =	vst v0  }
0x11e: {  	[tilespmem:$0xC78] =	vst v0  }
0x11f: {  	[tilespmem:$0xC88] =	vst v0  }
0x120: {  	[tilespmem:$0xC98] =	vst v0  }
0x121: {  	[tilespmem:$0xCA8] =	vst v0  }
0x122: {  	[tilespmem:$0xCB8] =	vst v0  }
0x123: {  	[tilespmem:$0xCC8] =	vst v0  }
0x124: {  	[tilespmem:$0xCD8] =	vst v0  }
0x125: {  	[tilespmem:$0xCE8] =	vst v0  }
0x126: {  	[tilespmem:$0xCF8] =	vst v0  }
0x127: {  	[tilespmem:$0xD08] =	vst v0  }
0x128: {  	[tilespmem:$0xD18] =	vst v0  }
0x129: {  	[tilespmem:$0xD28] =	vst v0  }
0x12a: {  	[tilespmem:$0xD38] =	vst v0  }
0x12b: {  	[tilespmem:$0xD48] =	vst v0  }
0x12c: {  	[tilespmem:$0xD58] =	vst v0  }
0x12d: {  	[tilespmem:$0xD68] =	vst v0  }
0x12e: {  	[tilespmem:$0xD78] =	vst v0  }
0x12f: {  	[tilespmem:$0xD88] =	vst v0  }
0x130: {  	[tilespmem:$0xD98] =	vst v0  }
0x131: {  	[tilespmem:$0xDA8] =	vst v0  }
0x132: {  	[tilespmem:$0xDB8] =	vst v0  }
0x133: {  	[tilespmem:$0xDC8] =	vst v0  }
0x134: {  	[tilespmem:$0xDD8] =	vst v0  }
0x135: {  	[tilespmem:$0xDE8] =	vst v0  }
0x136: {  	[tilespmem:$0xDF8] =	vst v0  }
0x137: {  	[tilespmem:$0xE08] =	vst v0  }
0x138: {  	[tilespmem:$0xE18] =	vst v0  }
0x139: {  	[tilespmem:$0xE28] =	vst v0  }
0x13a: {  	[tilespmem:$0xE38] =	vst v0  }
0x13b: {  	[tilespmem:$0xE48] =	vst v0  }
0x13c: {  	[tilespmem:$0xE58] =	vst v0  }
0x13d: {  	[tilespmem:$0xE68] =	vst v0  }
0x13e: {  	[tilespmem:$0xE78] =	vst v0  }
0x13f: {  	[tilespmem:$0xE88] =	vst v0  }
0x140: {  	[tilespmem:$0xE98] =	vst v0  }
0x141: {  	[tilespmem:$0xEA8] =	vst v0  }
0x142: {  	[tilespmem:$0xEB8] =	vst v0  }
0x143: {  	[tilespmem:$0xEC8] =	vst v0  }
0x144: {  	[tilespmem:$0xED8] =	vst v0  }
0x145: {  	[tilespmem:$0xEE8] =	vst v0  }
0x146: {  	[tilespmem:$0xEF8] =	vst v0  }
0x147: {  	[tilespmem:$0xF08] =	vst v0  }
0x148: {  	[tilespmem:$0xF18] =	vst v0  }
0x149: {  	[tilespmem:$0xF28] =	vst v0  }
0x14a: {  	[tilespmem:$0xF38] =	vst v0  }
0x14b: {  	[tilespmem:$0xF48] =	vst v0  }
0x14c: {  	[tilespmem:$0xF58] =	vst v0  }
0x14d: {  	[tilespmem:$0xF68] =	vst v0  }
0x14e: {  	[tilespmem:$0xF78] =	vst v0  }
0x14f: {  	[tilespmem:$0xF88] =	vst v0  }
0x150: {  	[tilespmem:$0xF98] =	vst v0  }
0x151: {  	[tilespmem:$0xFA8] =	vst v0  }
0x152: {  	[tilespmem:$0xFB8] =	vst v0  }
0x153: {  	[tilespmem:$0xFC8] =	vst v0  }
0x154: {  	[tilespmem:$0xFD8] =	vst v0  }
0x155: {  	[tilespmem:$0xFE8] =	vst v0  }
0x156: {  	[tilespmem:$0xFF8] =	vst v0  }
0x157: {  	[tilespmem:$0x1008] =	vst v0  }
0x158: {  	[tilespmem:$0x10E8] =	vst v0  }
0x159: {  	[tilespmem:$0x1C28] =	vst v0  }
0x15a: {  	[tilespmem:$0x1C18] =	vst v0  }
0x15b: {  	[tilespmem:$0x1C08] =	vst v0  }
0x15c: {  	[tilespmem:$0x1BF8] =	vst v0  }
0x15d: {  	[tilespmem:$0x1BE8] =	vst v0  }
0x15e: {  	[tilespmem:$0x1BD8] =	vst v0  }
0x15f: {  	[tilespmem:$0x1BC8] =	vst v0  }
0x160: {  	[tilespmem:$0x1BB8] =	vst v0  }
0x161: {  	[tilespmem:$0x1BA8] =	vst v0  }
0x162: {  	[tilespmem:$0x1B98] =	vst v0  }
0x163: {  	[tilespmem:$0x1B88] =	vst v0  }
0x164: {  	[tilespmem:$0x1B78] =	vst v0  }
0x165: {  	[tilespmem:$0x1B68] =	vst v0  }
0x166: {  	[tilespmem:$0x1B58] =	vst v0  }
0x167: {  	[tilespmem:$0x1B48] =	vst v0  }
0x168: {  	[tilespmem:$0x1B38] =	vst v0  }
0x169: {  	[tilespmem:$0x1B28] =	vst v0  }
0x16a: {  	[tilespmem:$0x1B18] =	vst v0  }
0x16b: {  	[tilespmem:$0x1B08] =	vst v0  }
0x16c: {  	[tilespmem:$0x1AF8] =	vst v0  }
0x16d: {  	[tilespmem:$0x1AE8] =	vst v0  }
0x16e: {  	[tilespmem:$0x1AD8] =	vst v0  }
0x16f: {  	[tilespmem:$0x1AC8] =	vst v0  }
0x170: {  	[tilespmem:$0x1AB8] =	vst v0  }
0x171: {  	[tilespmem:$0x1AA8] =	vst v0  }
0x172: {  	[tilespmem:$0x1A98] =	vst v0  }
0x173: {  	[tilespmem:$0x1A88] =	vst v0  }
0x174: {  	[tilespmem:$0x1A78] =	vst v0  }
0x175: {  	[tilespmem:$0x1A68] =	vst v0  }
0x176: {  	[tilespmem:$0x1A58] =	vst v0  }
0x177: {  	[tilespmem:$0x1A48] =	vst v0  }
0x178: {  	[tilespmem:$0x1A38] =	vst v0  }
0x179: {  	[tilespmem:$0x1A28] =	vst v0  }
0x17a: {  	[tilespmem:$0x1A18] =	vst v0  }
0x17b: {  	[tilespmem:$0x1A08] =	vst v0  }
0x17c: {  	[tilespmem:$0x19F8] =	vst v0  }
0x17d: {  	[tilespmem:$0x19E8] =	vst v0  }
0x17e: {  	[tilespmem:$0x19D8] =	vst v0  }
0x17f: {  	[tilespmem:$0x19C8] =	vst v0  }
0x180: {  	[tilespmem:$0x19B8] =	vst v0  }
0x181: {  	[tilespmem:$0x19A8] =	vst v0  }
0x182: {  	[tilespmem:$0x1998] =	vst v0  }
0x183: {  	[tilespmem:$0x1988] =	vst v0  }
0x184: {  	[tilespmem:$0x1978] =	vst v0  }
0x185: {  	[tilespmem:$0x1968] =	vst v0  }
0x186: {  	[tilespmem:$0x1958] =	vst v0  }
0x187: {  	[tilespmem:$0x1948] =	vst v0  }
0x188: {  	[tilespmem:$0x1938] =	vst v0  }
0x189: {  	[tilespmem:$0x1928] =	vst v0  }
0x18a: {  	[tilespmem:$0x1918] =	vst v0  }
0x18b: {  	[tilespmem:$0x1908] =	vst v0  }
0x18c: {  	[tilespmem:$0x18F8] =	vst v0  }
0x18d: {  	[tilespmem:$0x18E8] =	vst v0  }
0x18e: {  	[tilespmem:$0x18D8] =	vst v0  }
0x18f: {  	[tilespmem:$0x18C8] =	vst v0  }
0x190: {  	[tilespmem:$0x18B8] =	vst v0  }
0x191: {  	[tilespmem:$0x18A8] =	vst v0  }
0x192: {  	[tilespmem:$0x1898] =	vst v0  }
0x193: {  	[tilespmem:$0x1888] =	vst v0  }
0x194: {  	[tilespmem:$0x1878] =	vst v0  }
0x195: {  	[tilespmem:$0x1868] =	vst v0  }
0x196: {  	[tilespmem:$0x1858] =	vst v0  }
0x197: {  	[tilespmem:$0x1848] =	vst v0  }
0x198: {  	[tilespmem:$0x1838] =	vst v0  }
0x199: {  	[tilespmem:$0x1828] =	vst v0  }
0x19a: {  	[tilespmem:$0x1818] =	vst v0  }
0x19b: {  	[tilespmem:$0x1808] =	vst v0  }
0x19c: {  	[tilespmem:$0x17F8] =	vst v0  }
0x19d: {  	[tilespmem:$0x17E8] =	vst v0  }
0x19e: {  	[tilespmem:$0x17D8] =	vst v0  }
0x19f: {  	[tilespmem:$0x17C8] =	vst v0  }
0x1a0: {  	[tilespmem:$0x17B8] =	vst v0  }
0x1a1: {  	[tilespmem:$0x17A8] =	vst v0  }
0x1a2: {  	[tilespmem:$0x1798] =	vst v0  }
0x1a3: {  	[tilespmem:$0x1788] =	vst v0  }
0x1a4: {  	[tilespmem:$0x1778] =	vst v0  }
0x1a5: {  	[tilespmem:$0x1768] =	vst v0  }
0x1a6: {  	[tilespmem:$0x1758] =	vst v0  }
0x1a7: {  	[tilespmem:$0x1748] =	vst v0  }
0x1a8: {  	[tilespmem:$0x1738] =	vst v0  }
0x1a9: {  	[tilespmem:$0x1728] =	vst v0  }
0x1aa: {  	[tilespmem:$0x1718] =	vst v0  }
0x1ab: {  	[tilespmem:$0x1708] =	vst v0  }
0x1ac: {  	[tilespmem:$0x16F8] =	vst v0  }
0x1ad: {  	[tilespmem:$0x16E8] =	vst v0  }
0x1ae: {  	[tilespmem:$0x16D8] =	vst v0  }
0x1af: {  	[tilespmem:$0x16C8] =	vst v0  }
0x1b0: {  	[tilespmem:$0x16B8] =	vst v0  }
0x1b1: {  	[tilespmem:$0x16A8] =	vst v0  }
0x1b2: {  	[tilespmem:$0x1698] =	vst v0  }
0x1b3: {  	[tilespmem:$0x1688] =	vst v0  }
0x1b4: {  	[tilespmem:$0x1678] =	vst v0  }
0x1b5: {  	[tilespmem:$0x1668] =	vst v0  }
0x1b6: {  	[tilespmem:$0x1658] =	vst v0  }
0x1b7: {  	[tilespmem:$0x1648] =	vst v0  }
0x1b8: {  	[tilespmem:$0x1638] =	vst v0  }
0x1b9: {  	[tilespmem:$0x1628] =	vst v0  }
0x1ba: {  	[tilespmem:$0x1618] =	vst v0  }
0x1bb: {  	[tilespmem:$0x1608] =	vst v0  }
0x1bc: {  	[tilespmem:$0x15F8] =	vst v0  }
0x1bd: {  	[tilespmem:$0x15E8] =	vst v0  }
0x1be: {  	[tilespmem:$0x15D8] =	vst v0  }
0x1bf: {  	[tilespmem:$0x15C8] =	vst v0  }
0x1c0: {  	[tilespmem:$0x15B8] =	vst v0  }
0x1c1: {  	[tilespmem:$0x15A8] =	vst v0  }
0x1c2: {  	[tilespmem:$0x1598] =	vst v0  }
0x1c3: {  	[tilespmem:$0x1588] =	vst v0  }
0x1c4: {  	[tilespmem:$0x1578] =	vst v0  }
0x1c5: {  	[tilespmem:$0x1568] =	vst v0  }
0x1c6: {  	[tilespmem:$0x1558] =	vst v0  }
0x1c7: {  	[tilespmem:$0x1548] =	vst v0  }
0x1c8: {  	[tilespmem:$0x1538] =	vst v0  }
0x1c9: {  	[tilespmem:$0x1528] =	vst v0  }
0x1ca: {  	[tilespmem:$0x1518] =	vst v0  }
0x1cb: {  	[tilespmem:$0x1508] =	vst v0  }
0x1cc: {  	[tilespmem:$0x14F8] =	vst v0  }
0x1cd: {  	[tilespmem:$0x14E8] =	vst v0  }
0x1ce: {  	[tilespmem:$0x14D8] =	vst v0  }
0x1cf: {  	[tilespmem:$0x14C8] =	vst v0  }
0x1d0: {  	[tilespmem:$0x14B8] =	vst v0  }
0x1d1: {  	[tilespmem:$0x14A8] =	vst v0  }
0x1d2: {  	[tilespmem:$0x1498] =	vst v0  }
0x1d3: {  	[tilespmem:$0x1488] =	vst v0  }
0x1d4: {  	[tilespmem:$0x1478] =	vst v0  }
0x1d5: {  	[tilespmem:$0x1468] =	vst v0  }
0x1d6: {  	[tilespmem:$0x1458] =	vst v0  }
0x1d7: {  	[tilespmem:$0x1448] =	vst v0  }
0x1d8: {  	[tilespmem:$0x1438] =	vst v0  }
0x1d9: {  	[tilespmem:$0x1428] =	vst v0  }
0x1da: {  	[tilespmem:$0x1418] =	vst v0  }
0x1db: {  	[tilespmem:$0x1408] =	vst v0  }
0x1dc: {  	[tilespmem:$0x13F8] =	vst v0  }
0x1dd: {  	[tilespmem:$0x13E8] =	vst v0  }
0x1de: {  	[tilespmem:$0x13D8] =	vst v0  }
0x1df: {  	[tilespmem:$0x13C8] =	vst v0  }
0x1e0: {  	[tilespmem:$0x13B8] =	vst v0  }
0x1e1: {  	[tilespmem:$0x13A8] =	vst v0  }
0x1e2: {  	[tilespmem:$0x1398] =	vst v0  }
0x1e3: {  	[tilespmem:$0x1388] =	vst v0  }
0x1e4: {  	[tilespmem:$0x1378] =	vst v0  }
0x1e5: {  	[tilespmem:$0x1368] =	vst v0  }
0x1e6: {  	[tilespmem:$0x1358] =	vst v0  }
0x1e7: {  	[tilespmem:$0x1348] =	vst v0  }
0x1e8: {  	[tilespmem:$0x1338] =	vst v0  }
0x1e9: {  	[tilespmem:$0x1328] =	vst v0  }
0x1ea: {  	[tilespmem:$0x1318] =	vst v0  }
0x1eb: {  	[tilespmem:$0x1308] =	vst v0  }
0x1ec: {  	[tilespmem:$0x12F8] =	vst v0  }
0x1ed: {  	[tilespmem:$0x12E8] =	vst v0  }
0x1ee: {  	[tilespmem:$0x12D8] =	vst v0  }
0x1ef: {  	[tilespmem:$0x12C8] =	vst v0  }
0x1f0: {  	[tilespmem:$0x12B8] =	vst v0  }
0x1f1: {  	[tilespmem:$0x12A8] =	vst v0  }
0x1f2: {  	[tilespmem:$0x1298] =	vst v0  }
0x1f3: {  	[tilespmem:$0x1288] =	vst v0  }
0x1f4: {  	[tilespmem:$0x1278] =	vst v0  }
0x1f5: {  	[tilespmem:$0x1268] =	vst v0  }
0x1f6: {  	[tilespmem:$0x1258] =	vst v0  }
0x1f7: {  	[tilespmem:$0x1248] =	vst v0  }
0x1f8: {  	[tilespmem:$0x1238] =	vst v0  }
0x1f9: {  	[tilespmem:$0x1228] =	vst v0  }
0x1fa: {  	[tilespmem:$0x1218] =	vst v0  }
0x1fb: {  	[tilespmem:$0x1208] =	vst v0  }
0x1fc: {  	[tilespmem:$0x11F8] =	vst v0  }
0x1fd: {  	[tilespmem:$0x11E8] =	vst v0  }
0x1fe: {  	[tilespmem:$0x11D8] =	vst v0  }
0x1ff: {  	[tilespmem:$0x11C8] =	vst v0  }
0x200: {  	[tilespmem:$0x11B8] =	vst v0  }
0x201: {  	[tilespmem:$0x11A8] =	vst v0  }
0x202: {  	[tilespmem:$0x1198] =	vst v0  }
0x203: {  	[tilespmem:$0x1188] =	vst v0  }
0x204: {  	[tilespmem:$0x1178] =	vst v0  }
0x205: {  	[tilespmem:$0x1168] =	vst v0  }
0x206: {  	[tilespmem:$0x1158] =	vst v0  }
0x207: {  	s3 =	srdreg.scid;
	[tilespmem:$0x1148] =	vst v0  }
0x208: {  	s3 =	sshll.u32 s3, $0x4;
	[tilespmem:$0x1138] =	vst v0  }
0x209: {  	s4 =	stileid.u32;
	s3 =	sand.u32 $0x10, s3;
	[tilespmem:$0x1128] =	vst v0  }
0x20a: {  	[tilespmem:$0x1118] =	vst v0;
	s3 =	sor.u32 s4, s3  }
0x20b: {  	[tilespmem:$0x1108] =	vst v0;
	s7 =	smul.u32 $0xB, s3  }
0x20c: {  	s8 =	smin.u32 s3, $0x6;
	[tilespmem:$0x10F8] =	vst v0  }
0x20d: {  	[tilespmem:$0x10C8] =	vst v0;
	s7 =	sadd.s32 s8, s7  }
0x20e: {  	[tilespmem:$0x10D8] =	vst v0;
	p0 =	slt.u32 s3, $0x6;
	s8 =	simm.s32 $0x1500;
	s7 =	smul.u32 $0x1C0, s7  }
0x20f: {  	s8 =	simm.s32 @!p0 $0x1340;
	[tilespmem:$0x10B8] =	vst v0  }
0x210: {  	[tilespmem:$0x1048] =	vst v0;
	s29 =	sadd.s32 s8, s7  }
0x211: {  	[tilespmem:$0x10A8] =	vst v0;
	s8 =	smin.u32 s29, $0x27280  }
0x212: {  	[tilespmem:$0x1098] =	vst v0;
	s12 =	ssub.s32 s8, s7  }
0x213: {  	[tilespmem:$0x1088] =	vst v0;
	p0 =	sgt.s32 s12, $0x0  }
0x214: {  	[tilespmem:$0x1078] =	vst v0;
	s12 =	simm.s32 @!p0 $0x0  }
0x215: {  	[tilespmem:$0x1068] =	vst v0;
	s30 =	smulhi.u32 $0x92492493, s12  }
0x216: {  	[tilespmem:$0x1058] =	vst v0  }
0x217: {  	s9 =	simm.s32 $0x2;
	[tilespmem:$0x1028] =	vst v0;
	s13 =	sshrl.u32 s30, $0x8  }
0x218: {  	s11 =	simm.s32 $0x9;
	s15 =	simm.s32 $0x0;
	[tilespmem:$0x1038] =	vst v0;
	s14 =	smul.u32 $0x1C0, s13  }
.Ltmp7:
0x219: {  	s31 =	sshll.u32 s4, $0x5;
	[tilespmem:$0x1018] =	vst v0;
	[sflag:s9] =	ssyncpa.u1 $0x0;
	v0 =	vimm.s32 $0xFFFFFFFF;
	(pc) =	sbr.rel .LBB3_1-.Ltmp7, $4  }
0x21a: {  	s10 =	sadd.s32 $0x10C00, s6;
	[dreg:$0x4] =	wrdreg s31;
	[tilespmem:$0x3848] =	vst v0;
	[sflag:s11] =	ssyncpa.u1 $0x0  }
0x21b: {  	s3 =	sadd.s32 $0xA16200, s6;
	s6 =	sadd.s32 $0x77E000, s6;
	p0 =	sne.s32 s12, s14  }
0x21c: {  	s12 =	simm.s32 $0xA;
	s14 =	simm.s32 $0x0;
	s5 =	simm.s32 @!p0 $0x0  }
0x21d: {  	v0 =	vlaneseq.u32;
	p0 =	por $0x0, $0x0;
	s5 =	sadd.s32 s5, s13;
	s13 =	smov.u32 s7  }
.LBB3_12:
0x21e: {  	_ =	swait.ge [sflag:s9], $0x0  }
0x21f: {  	s16 =	simm.s32 $0x0;
	[sflag:s9] =	ssyncset.done $0x0  }
.LBB3_13:
0x220: {  	_ =	swait.ge [sflag:s12], s16  }
0x221: {  	s0 =	ssub.s32 $0x0, s16;
	v1 =	vmov s17;
	vm0 =	veq.s32 v0, $0x0;
	[sflag:s12] =	ssyncset.done $0x0  }
0x222: {  	vm15 =	veq.s32 v0, $0x2;
	v1 =	vsel vm0, s22, v1;
	[sflag:s12] =	ssyncadd.s32 s0  }
0x223: {  	v1 =	vsel vm15, s15, v1;
	[sflag:s12] =	ssyncpa.u1 $0x1  }
0x224: {  	[tilespmem:$0x3848] =	vst v1  }
.LBB3_14:
0x225: {  	s0 =	sadd.s32 $0x1C0, s13  }
0x226: {  	s1 =	smov.u32 s7;
	p1 =	slt.s32 s0, s8  }
0x227: {  	s1 =	smov.u32 @p1 s0;
	p1 =	sne.s32 s14, s5  }
.Ltmp8:
0x228: {  	_ = 	snop;
	(pc) =	sbr.rel @!p1 .LBB3_15-.Ltmp8, $3  }
0x229: {  	_ =	sdelay $0x1  }
0x22a: {  	s31 =	sadd.s32 $0x1, s14;
	s15 =	smov.u32 s13  }
0x22b: {  	p0 =	por !p0, !p0;
	s14 =	smov.u32 s31;
	s13 =	smov.u32 s1  }
.LBB3_1:
0x22c: {  	p1 =	sge.u32 s14, s5  }
0x22d: {  	p2 =	sgt.s32 @!p1 s13, $0x270C0  }
0x22e: {  	s16 =	smov.u32 s13;
	s17 =	sshra.s32 @!p1 s13, $0x1F;
	p2 =	por !p2, p1  }
0x22f: {  	s17 =	sand.u32 @!p1 s17, s13;
	s16 =	simm.s32 @p2 $0x270C0  }
0x230: {  	s16 =	ssub.s32 @!p1 s16, s17  }
0x231: {  	s17 =	sxor.u32 @!p1 $0xFFFFFFFF, s14;
	s16 =	sadd.s32 @!p1 $0xFFFD8F40, s16  }
0x232: {  	s17 =	sand.u32 @!p1 $0x1, s17;
	s18 =	sshll.u32 @!p1 s16, $0x2  }
0x233: {  	p2 =	sgt.s32 @!p1 s16, $0x1BF;
	s16 =	ssub.s32 @!p1 $0x700, s18;
	s18 =	smul.u32 @!p1 $0x700, s17  }
0x234: {  	s19 =	sshrl.u32 @!p1 s13, $0x3;
	s20 =	sand.u32 @!p1 $0x7, s13  }
0x235: {  	p2 =	por !p2, p1;
	s16 =	sshrl.u32 @!p1 s16, $0x2;
	s18 =	sshrl.u32 @!p1 s18, $0x2  }
0x236: {  	s19 =	sadd.s32 @!p1 s10, s19;
	s16 =	simm.s32 @!p2 $0x0;
	s18 =	sadd.s32 @!p1 $0x3A88, s18  }
0x237: {  	[tilespmem:s18], [sflag:$0x9] =	stream.linear.gather @!p1 [hbm4b:s19+s20], s16, $0x38;
	[tilespmem:$0x1FE08] =	vst v63  }
0x238: {  	s16 =	ssub.s32 @!p1 $0x27100, s13  }
0x239: {  	p2 =	sgt.s32 @!p1 s16, $0x0  }
0x23a: {  	s17 =	smul.u32 @!p1 $0x38000, s17;
	p2 =	por !p2, p1  }
0x23b: {  	s16 =	simm.s32 @p2 $0x0  }
0x23c: {  	s17 =	sshrl.u32 @!p1 s17, $0x2;
	s18 =	sshll.u32 @!p1 s13, $0x4;
	s16 =	smin.u32 @!p1 s16, $0x1C0  }
0x23d: {  	s17 =	sadd.s32 @!p1 $0x3E08, s17;
	s18 =	sadd.s32 @!p1 s6, s18;
	s16 =	sshll.u32 @!p1 s16, $0x7  }
0x23e: {  	[tilespmem:s17], [sflag:$0x9] =	stream.linear.gather @!p1 [hbm:s18], s16, $0x38;
	[tilespmem:$0x1FE08] =	vst v63  }
0x23f: {  	p1 =	seq.s32 s14, $0x0  }
.Ltmp9:
0x240: {  	_ = 	snop;
	(pc) =	sbr.rel @p1 .LBB3_14-.Ltmp9, $1  }
0x241: {  	_ =	sdelay $0x3  }
0x242: {  	p1 =	sgt.s32 s15, $0x270C0  }
0x243: {  	s16 =	smov.u32 s15;
	s17 =	sshra.s32 s15, $0x1F;
	s21 =	ssub.s32 $0x27100, s15  }
0x244: {  	s16 =	simm.s32 @!p1 $0x270C0;
	s17 =	sand.u32 s17, s15;
	p1 =	sgt.s32 s21, $0x0  }
0x245: {  	s16 =	ssub.s32 s16, s17;
	s21 =	simm.s32 @!p1 $0x0  }
0x246: {  	s16 =	sadd.s32 $0xFFFD8F40, s16;
	s29 =	smin.u32 s21, $0x1C0  }
0x247: {  	s18 =	sshll.u32 s16, $0x2;
	s17 =	sshll.u32 s29, $0x7  }
0x248: {  	p1 =	sgt.s32 s16, $0x1BF;
	s30 =	ssub.s32 $0x700, s18;
	_ =	swait.ge [sflag:s11], s17  }
0x249: {  	s17 =	ssub.s32 $0x0, s17;
	[sflag:s11] =	ssyncset.done $0x0;
	s16 =	sshrl.u32 s30, $0x2  }
0x24a: {  	[sflag:s11] =	ssyncadd.s32 s17;
	s16 =	simm.s32 @p1 $0x0  }
0x24b: {  	_ =	swait.ge [sflag:s11], s16  }
0x24c: {  	s16 =	ssub.s32 $0x0, s16;
	[sflag:s11] =	ssyncset.done $0x0  }
0x24d: {  	[sflag:s11] =	ssyncadd.s32 s16  }
0x24e: {  	v1 =	vld [tilespmem:$0x3848];
	_ =	sdelay $0x4  }
0x24f: {  	(v2sf) =	vpush v1, $0x0  }
0x250: {  	(v2sf) =	vpush v1, $0x1  }
0x251: {  	(v2sf) =	vpush v1, $0x2;
	_ =	sdelay $0x3  }
0x252: {  	s16 =	sadd.s32 $0x1C0, s15  }
0x253: {  	p1 =	slt.s32 s8, s16  }
0x254: {  	s16 =	smov.u32 @p1 s8  }
0x255: {  	s20 =	ssub.s32 s16, s15  }
0x256: {  	p1 =	slt.s32 s21, s20  }
0x257: {  	s20 =	smov.u32 @p1 s21  }
0x258: {  	s18 =	simm.s32 $0x1;
	p1 =	slt.s32 s20, $0x1  }
.Ltmp10:
0x259: {  	s18 =	simm.s32 @!p0 $0x0;
	(pc) =	sbr.rel @p1 .LBB3_6-.Ltmp10, $4  }
0x25a: {  	s31 =	smul.u32 $0x700, s18  }
0x25b: {  	s19 =	spop (v2sf)  }
0x25c: {  	s15 =	sshrl.u32 s31, $0x2;
	s21 =	spop (v2sf)  }
0x25d: {  	s16 =	sadd.s32 $0x3A88, s15;
	s15 =	spop (v2sf)  }
0x25e: {  	s17 =	smin.u32 s20, $0x10  }
0x25f: {  	v1 =	vmov s17  }
0x260: {  	p2 =	sgt.s32 s20, $0x10;
	vm1 =	vgt.u32 v1, v0  }
.Ltmp11:
0x261: {  	_ = 	snop;
	(pc) =	sbr.rel @!p2 .LBB3_5-.Ltmp11, $2  }
0x262: {  	_ =	sdelay $0x2  }
0x263: {  	s22 =	simm.s32 $0x10;
	s23 =	sadd.s32 $0xFFFFFFF0, s20;
	s17 =	smov.u32 s16;
	vm0 =	vmmov vm1  }
.LBB3_4:
0x264: {  	s24 =	smin.u32 s23, $0x10;
	s22 =	sadd.s32 $0x10, s22;
	v1 =	vld.msk [tilespmem:s17+$0x0 ss:$0x1], vm1  }
0x265: {  	v2 =	vmov s24;
	p2 =	slt.s32 s22, s20  }
0x266: {  	vm1 =	vgt.u32 v2, v0  }
.Ltmp12:
0x267: {  	(pc) =	sbr.rel @p2 .LBB3_4-.Ltmp12, $3  }
0x268: {  	_ =	sdelay $0x1  }
0x269: {  	v1 =	vshll.u32 v1, $0x4  }
0x26a: {  	s23 =	sadd.s32 $0xFFFFFFF0, s23;
	[tilespmem:s17+$0x0] =	vst.msk vm0, v1;
	s17 =	sadd.s32 $0x10, s17;
	vm0 =	vmmov vm1  }
.LBB3_5:
0x26b: {  	_ =	sdelay $0x4  }
0x26c: {  	v1 =	vld.msk [tilespmem:s17+$0x0 ss:$0x1], vm1;
	_ =	sdelay $0x4  }
0x26d: {  	v1 =	vshll.u32 v1, $0x4  }
0x26e: {  	[tilespmem:s17+$0x0] =	vst.msk vm0, v1  }
.LBB3_6:
0x26f: {  	s17 =	sand.u32 $0x1, s14  }
0x270: {  	s17 =	smul.u32 $0x1C0, s17  }
0x271: {  	p2 =	sne.s32 s21, $0xFFFFFFFF  }
0x272: {  	v1 =	vld.msk @!p2 [tilespmem:s17+$0x3A88], $0x1;
	_ =	sdelay $0x4  }
0x273: {  	(v2sf) =	vpush @!p2 v1, $0x0;
	_ =	sdelay $0xc  }
.Ltmp13:
0x274: {  	_ = 	snop;
	(pc) =	sbr.rel @p1 .LBB3_12-.Ltmp13, $4  }
0x275: {  	_ = 	snop  }
0x276: {  	s22 =	spop @!p2 (v2sf)  }
0x277: {  	s15 =	simm.s32 @!p2 $0x0;
	s17 =	smov.u32 s22  }
0x278: {  	[sflag:s12] =	ssyncpa.u1 $0x0;
	s22 =	smov.u32 @p2 s19;
	s17 =	smov.u32 @p2 s21  }
0x279: {  	v1 =	vld.msk [tilespmem:s16+$0x0], $0x1;
	_ =	sdelay $0x4  }
0x27a: {  	(v2sf) =	vpush v1, $0x0;
	_ =	sdelay $0xe  }
0x27b: {  	s24 =	spop (v2sf)  }
0x27c: {  	p1 =	seq.s32 s22, s24  }
0x27d: {  	p2 =	sgt.s32 @!p1 s22, $0x0  }
0x27e: {  	s23 =	smov.u32 s22;
	s21 =	sadd.s32 $0xFFFFFFFF, s20;
	p2 =	por !p2, p1  }
0x27f: {  	s18 =	smul.u32 $0x38000, s18;
	s23 =	simm.s32 @p2 $0x0;
	p2 =	sne.s32 s21, $0x0  }
.Ltmp14:
0x280: {  	_ = 	snop;
	(pc) =	sbr.rel @!p2 .LBB3_9-.Ltmp14, $4  }
0x281: {  	s19 =	simm.s32 $0x0;
	s18 =	sshrl.u32 s18, $0x2  }
0x282: {  	s18 =	sadd.s32 $0x3E08, s18;
	s25 =	simm.s32 @!p1 $0x1;
	s23 =	smin.u32 @!p1 s23, $0x270FF  }
0x283: {  	s26 =	simm.s32 @!p1 $0x1C38;
	s25 =	smov.u32 @p1 s19;
	s29 =	sand.u32 @!p1 $0x3FFF8, s23  }
0x284: {  	s28 =	sand.u32 @!p1 $0x7, s23;
	s23 =	sadd.s32 $0x1, s16;
	s29 =	sadd.s32 @!p1 s3, s29  }
.LBB3_8:
0x285: {  	s30 =	smov.u32 s25  }
0x286: {  	[tilespmem:s26], [sflag:$0x2] =	stream.linear.gather @!p1 [hbm4b:s29+s28], $0x4, $0x38;
	[tilespmem:$0x1FE08] =	vst v63  }
0x287: {  	s21 =	sadd.s32 $0xFFFFFFFF, s21;
	s28 =	smov.u32 s24;
	v1 =	vld.msk [tilespmem:s23+$0x0], $0x1  }
0x288: {  	p2 =	sne.s32 s21, $0x0;
	_ =	sdelay $0x3  }
0x289: {  	(v2sf) =	vpush v1, $0x0;
	_ =	sdelay $0xe  }
0x28a: {  	s24 =	spop (v2sf)  }
0x28b: {  	p1 =	seq.s32 s28, s24  }
0x28c: {  	p3 =	sgt.s32 @!p1 s28, $0x0;
	s26 =	sshll.u32 @!p1 s25, $0x6;
	s25 =	sadd.s32 @!p1 $0x1, s25  }
.Ltmp15:
0x28d: {  	p3 =	por !p3, p1;
	s26 =	sshra.s32 @!p1 s26, $0x2;
	(pc) =	sbr.rel @p2 .LBB3_8-.Ltmp15, $4  }
0x28e: {  	s25 =	smov.u32 @p1 s30;
	s28 =	simm.s32 @p3 $0x0;
	s26 =	sadd.s32 @!p1 $0x1C38, s26  }
0x28f: {  	s28 =	smin.u32 @!p1 s28, $0x270FF  }
0x290: {  	s29 =	sand.u32 @!p1 $0x3FFF8, s28;
	s28 =	sand.u32 @!p1 $0x7, s28  }
0x291: {  	s23 =	sadd.s32 $0x1, s23;
	s29 =	sadd.s32 @!p1 s3, s29  }
.LBB3_9:
0x292: {  	[tilespmem:s26], [sflag:$0x2] =	stream.linear.gather @!p1 [hbm4b:s29+s28], $0x4, $0x38;
	[tilespmem:$0x1FE08] =	vst v63  }
0x293: {  	s21 =	sshll.u32 s25, $0x2  }
0x294: {  	s21 =	sand.u32 $0x3FFFFFFC, s21  }
0x295: {  	_ =	swait.ge [sflag:s9], s21  }
0x296: {  	s21 =	ssub.s32 $0x0, s21;
	[sflag:s9] =	ssyncset.done $0x0  }
0x297: {  	[sflag:s9] =	ssyncadd.s32 s21  }
0x298: {  	v1 =	vld.msk [tilespmem:s16+$0x0], $0x1;
	_ =	sdelay $0x4  }
0x299: {  	(v2sf) =	vpush v1, $0x0;
	_ =	sdelay $0xe  }
0x29a: {  	s21 =	spop (v2sf)  }
0x29b: {  	p1 =	sne.s32 s22, s21  }
0x29c: {  	p3 =	sne.s32 @p1 s22, s17  }
0x29d: {  	p2 =	por !p3, !p1  }
0x29e: {  	s23 =	simm.s32 @!p2 $0x0  }
0x29f: {  	v1 =	vld.msk @!p2 [tilespmem:s23+$0x1C38], $0xf  }
0x2a0: {  	p4 =	sgt.u32 @!p2 s22, $0x270FF  }
0x2a1: {  	s24 =	sshll.u32 @!p2 s15, $0x6;
	p5 =	por @p1 p4, !p3  }
0x2a2: {  	s24 =	sshra.s32 @!p2 s24, $0x2;
	p6 =	por p5, !p1;
	p5 =	por p3, !p1  }
0x2a3: {  	s25 =	sadd.s32 @!p2 $0x28, s24;
	s26 =	sand.u32 @!p6 $0x3FFF8, s22;
	s28 =	sshll.u32 @!p5 s15, $0x6  }
0x2a4: {  	s22 =	sand.u32 @!p6 $0x7, s22;
	[tilespmem:s24+$0x28] =	vst.add.f32.msk @!p2 $0xf, v1;
	s24 =	sadd.s32 @!p6 s3, s26;
	s26 =	sshra.s32 @!p5 s28, $0x2  }
0x2a5: {  	[hbm4b:s24+s22] =	stream.linear.scatter @!p6 [tilespmem:s25], [sflag:$0xA], $0x4, $0x38;
	[tilespmem:$0x1FE08] =	vst v63  }
0x2a6: {  	s23 =	rddreg [dreg:$0x4];
	s22 =	sadd.s32 @!p5 $0x28, s26;
	s24 =	simm.s32 @!p5 $0x1  }
0x2a7: {  	[spmem:s23] =	stream.linear.scatter @!p5 [tilespmem:s22], [sflag:$0x1], $0x4, $0x38;
	[tilespmem:$0x1FE08] =	vst v63  }
0x2a8: {  	s22 =	sadd.s32 @p1 $0x1, s15;
	_ =	swait.ge @!p5 [sflag:s24], $0x4  }
0x2a9: {  	s23 =	sshrl.u32 @p1 s22, $0x6;
	[sflag:s24] =	ssyncset.done @!p5 $0x0  }
0x2aa: {  	s23 =	smulhi.u32 @p1 $0x24924925, s23;
	[sflag:s24] =	ssyncadd.s32 @!p5 $0xFFFFFFFC  }
0x2ab: {  	s20 =	sadd.s32 $0xFFFFFFFF, s20;
	v1 =	vld.msk @p1 [tilespmem:s18+$0x0], $0xf  }
0x2ac: {  	p4 =	por @p1 !p4, !p3;
	p3 =	sne.s32 s20, $0x0;
	s23 =	smul.u32 @p1 $0x1C0, s23  }
.Ltmp16:
0x2ad: {  	p4 =	por !p4, !p1;
	s24 =	simm.s32 @!p2 $0x0;
	(pc) =	sbr.rel @!p3 .LBB3_11-.Ltmp16, $4  }
0x2ae: {  	s25 =	sshll.u32 @!p1 s15, $0x6;
	s24 =	simm.s32 @!p4 $0x10;
	s22 =	ssub.s32 @p1 s22, s23  }
0x2af: {  	s26 =	simm.s32 @p1 $0x1;
	s24 =	sadd.s32 @!p2 $0x0, s24;
	s23 =	sshll.u32 @p1 s22, $0x4  }
0x2b0: {  	s24 =	smov.u32 @p2 s19;
	s15 =	smov.u32 @p1 s22;
	s22 =	simm.s32 $0x0;
	[tilespmem:s23+$0x28] =	vst.msk @p1 $0xf, v1  }
0x2b1: {  	s19 =	smov.u32 @p1 s26;
	s22 =	smov.u32 @p1 s24;
	s23 =	sshra.s32 @!p1 s25, $0x2;
	v1 =	vld.msk @!p1 [tilespmem:s18+$0x0], $0xf  }
.LBB3_10:
0x2b2: {  	_ =	sdelay $0x3  }
0x2b3: {  	s16 =	sadd.s32 $0x1, s16;
	[tilespmem:s23+$0x28] =	vst.add.f32.msk @!p1 $0xf, v1  }
0x2b4: {  	v1 =	vld.msk [tilespmem:s16+$0x0], $0x1;
	_ =	sdelay $0x4  }
0x2b5: {  	(v2sf) =	vpush v1, $0x0;
	_ =	sdelay $0xe  }
0x2b6: {  	s24 =	smov.u32 s21;
	s21 =	spop (v2sf)  }
0x2b7: {  	p1 =	sne.s32 s24, s21  }
0x2b8: {  	p4 =	sne.s32 @p1 s24, s17  }
0x2b9: {  	p3 =	por !p4, !p1  }
0x2ba: {  	s29 =	sshll.u32 @!p3 s19, $0x6  }
0x2bb: {  	s29 =	sshra.s32 @!p3 s29, $0x2  }
0x2bc: {  	p5 =	sgt.u32 @!p3 s24, $0x270FF;
	v1 =	vld.msk @!p3 [tilespmem:s29+$0x1C38], $0xf  }
0x2bd: {  	s30 =	sshll.u32 @!p3 s15, $0x6;
	p6 =	por @p1 p5, !p4;
	p5 =	por @p1 !p5, !p4  }
0x2be: {  	s31 =	simm.s32 @!p3 $0x0;
	s30 =	sshra.s32 @!p3 s30, $0x2;
	p5 =	por !p5, !p1  }
0x2bf: {  	p4 =	por p4, !p1;
	s31 =	simm.s32 @!p5 $0x10;
	p5 =	por p6, !p1  }
0x2c0: {  	s29 =	sadd.s32 @!p3 $0x28, s30;
	s2 =	sshll.u32 @!p4 s15, $0x6;
	s1 =	sand.u32 @!p5 $0x3FFF8, s24  }
0x2c1: {  	s2 =	sshra.s32 @!p4 s2, $0x2;
	s24 =	sand.u32 @!p5 $0x7, s24;
	s1 =	sadd.s32 @!p5 s3, s1;
	[tilespmem:s30+$0x28] =	vst.add.f32.msk @!p3 $0xf, v1  }
0x2c2: {  	[hbm4b:s1+s24] =	stream.linear.scatter @!p5 [tilespmem:s29], [sflag:$0xA], $0x4, $0x38;
	[tilespmem:$0x1FE08] =	vst v63  }
0x2c3: {  	s25 =	rddreg [dreg:$0x4];
	s1 =	sadd.s32 @!p4 $0x28, s2;
	s2 =	simm.s32 @!p4 $0x1  }
0x2c4: {  	[spmem:s25] =	stream.linear.scatter @!p4 [tilespmem:s1], [sflag:$0x1], $0x4, $0x38;
	[tilespmem:$0x1FE08] =	vst v63  }
0x2c5: {  	s26 =	sadd.s32 @p1 $0x1, s15;
	_ =	swait.ge @!p4 [sflag:s2], $0x4  }
0x2c6: {  	s28 =	sshrl.u32 @p1 s26, $0x6;
	[sflag:s2] =	ssyncset.done @!p4 $0x0  }
0x2c7: {  	s18 =	sadd.s32 $0x80, s18;
	s28 =	smulhi.u32 @p1 $0x24924925, s28;
	[sflag:s2] =	ssyncadd.s32 @!p4 $0xFFFFFFFC  }
0x2c8: {  	s20 =	sadd.s32 $0xFFFFFFFF, s20;
	v1 =	vld.msk @p1 [tilespmem:s18+$0x0], $0xf  }
0x2c9: {  	p2 =	sne.s32 s20, $0x0;
	s28 =	smul.u32 @p1 $0x1C0, s28  }
.Ltmp17:
0x2ca: {  	_ = 	snop;
	(pc) =	sbr.rel @p2 .LBB3_10-.Ltmp17, $4  }
0x2cb: {  	s26 =	ssub.s32 @p1 s26, s28  }
0x2cc: {  	s23 =	sshll.u32 @!p1 s15, $0x6;
	s31 =	sadd.s32 @!p3 s31, s22;
	s24 =	sshll.u32 @p1 s26, $0x4  }
0x2cd: {  	s0 =	sadd.s32 @p1 $0x1, s19;
	s23 =	sshra.s32 @!p1 s23, $0x2;
	s31 =	smov.u32 @p3 s22;
	[tilespmem:s24+$0x28] =	vst.msk @p1 $0xf, v1  }
0x2ce: {  	s19 =	smov.u32 @p1 s0;
	s15 =	smov.u32 @p1 s26;
	s22 =	smov.u32 @p1 s31;
	v1 =	vld.msk @!p1 [tilespmem:s18+$0x0], $0xf  }
.LBB3_11:
.Ltmp18:
0x2cf: {  	_ = 	snop;
	(pc) =	sbr.rel .LBB3_13-.Ltmp18, $2  }
0x2d0: {  	_ =	sdelay $0x2  }
0x2d1: {  	s16 =	sshrl.u32 s22, $0x2;
	s22 =	smov.u32 s21;
	[tilespmem:s23+$0x28] =	vst.add.f32.msk @!p1 $0xf, v1  }
.LBB3_15:
0x2d2: {  	_ =	sfence.sel $0x180000  }
0x2d3: {  	s0 =	simm.s32 $0x9;
	[bflag:$0x0] =	sbarrier.arrive $0xFFFF  }
0x2d4: {  	s26 =	simm.s32 $0x2;
	[sflag:s0] =	ssyncpa.u1 $0x1  }
0x2d5: {  	[sflag:s26] =	ssyncpa.u1 $0x1  }
0x2d6: {  	v0 =	vld [tilespmem:$0x3848];
	_ =	sdelay $0x4  }
0x2d7: {  	(v2sf) =	vpush v0, $0x0  }
0x2d8: {  	(v2sf) =	vpush v0, $0x1;
	_ =	sdelay $0x1  }
0x2d9: {  	(v2sf) =	vpush v0, $0x2;
	_ =	sdelay $0xb  }
0x2da: {  	s0 =	spop (v2sf)  }
0x2db: {  	s1 =	spop (v2sf)  }
0x2dc: {  	s2 =	smov.u32 s0;
	p0 =	sne.s32 s0, s1  }
0x2dd: {  	s5 =	spop (v2sf);
	s2 =	simm.s32 @!p0 $0xFFFFFFFF  }
0x2de: {  	v2 =	vimm.s32 $0x1;
	v3 =	vlaneseq.u32;
	p0 =	seq.s32 s5, $0xFFFFFFFF;
	v1 =	vmov s2  }
0x2df: {  	v0 =	vperm.xlane v0, v2;
	p1 =	sne.s32 @!p0 s0, s1;
	v1 =	vperm.xlane v1, v3  }
0x2e0: {  	vm0 =	vcmask $0x3F04;
	s7 =	simm.s32 $0x3848;
	s0 =	simm.s32 @!p0 $0x1;
	p1 =	por !p1, p0  }
0x2e1: {  	s2 =	sshll.u32 s4, $0x1;
	s1 =	sshll.u32 @!p0 s5, $0x6;
	s0 =	simm.s32 @p1 $0x0;
	v0 =	vsel vm0, v1, v0  }
0x2e2: {  	s6 =	sor.u32 $0x200, s2;
	s1 =	sshra.s32 @!p0 s1, $0x2;
	s0 =	sor.u32 @!p0 s0, s2;
	[tilespmem:$0x3848] =	vst v0  }
0x2e3: {  	[spmem:s6] =	stream.linear.scatter [tilespmem:s7], [sflag:$0x1], $0x2, $0x38;
	[tilespmem:$0x1FE08] =	vst v63  }
0x2e4: {  	s1 =	sadd.s32 @!p0 $0x28, s1;
	s0 =	sshll.u32 @!p0 s0, $0x4  }
0x2e5: {  	[spmem:s0] =	stream.linear.scatter @!p0 [tilespmem:s1], [sflag:$0x1], $0x10, $0x38;
	[tilespmem:$0x1FE08] =	vst v63  }
0x2e6: {  	s0 =	simm.s32 @!p0 $0x12  }
0x2e7: {  	s28 =	simm.s32 $0x1;
	s0 =	simm.s32 @p0 $0x2  }
0x2e8: {  	_ =	swait.ge [sflag:s28], s0  }
0x2e9: {  	s0 =	ssub.s32 $0x0, s0;
	[sflag:s28] =	ssyncset.done $0x0  }
0x2ea: {  	[sflag:s28] =	ssyncadd.s32 s0  }
0x2eb: {  	p0 =	sne.s32 s4, $0x0;
	_ =	sfence.stream.spmem  }
.Ltmp19:
0x2ec: {  	s29 =	simm.s32 $0x3;
	[bflag:$0x0] =	sbarrier.arrive $0xFFFF;
	(pc) =	sbr.rel @p0 .LBB3_32-.Ltmp19, $4  }
0x2ed: {  	s30 =	simm.s32 $0x4;
	[sflag:s29] =	ssyncpa.u1 $0x1  }
0x2ee: {  	[sflag:s30] =	ssyncpa.u1 $0x1  }
0x2ef: {  	s31 =	simm.s32 $0x3C;
	s16 =	rddreg [dreg:$0x1]  }
0x2f0: {  	[sflag:s31] =	ssyncpa.u1 $0x1;
	s5 =	sand.u32 $0x1, s16  }
0x2f1: {  	_ =	sfence.stream.spmem;
	s0 =	simm.s32 $0x5  }
0x2f2: {  	s1 =	simm.s32 $0x200;
	s2 =	simm.s32 $0x3858;
	[sflag:s0] =	ssyncpa.u1 $0x0  }
0x2f3: {  	[tilespmem:s2], [sflag:$0x5] =	stream.linear.gather [spmem:s1], $0x20, $0x38;
	[tilespmem:$0x1FE08] =	vst v63  }
0x2f4: {  	s26 =	simm.s32 $0x0;
	s28 =	simm.s32 $0x3878  }
0x2f5: {  	[tilespmem:s28], [sflag:$0x5] =	stream.linear.gather [spmem:s26], $0x200, $0x38;
	[tilespmem:$0x1FE08] =	vst v63  }
0x2f6: {  	_ =	swait.ge [sflag:s0], $0x220  }
0x2f7: {  	[sflag:s0] =	ssyncset.done $0x0  }
0x2f8: {  	s29 =	simm.s32 $0x0;
	[sflag:s0] =	ssyncadd.s32 $0xFFFFFDE0  }
0x2f9: {  	v0 =	vld.msk [tilespmem:s29+$0x3858], $0x1;
	_ =	sdelay $0x1  }
0x2fa: {  	s30 =	simm.s32 $0x1  }
0x2fb: {  	v1 =	vld.msk [tilespmem:s30+$0x3858], $0x1;
	_ =	sdelay $0x1  }
0x2fc: {  	(v2sf) =	vpush v0, $0x0;
	_ =	sdelay $0x2  }
0x2fd: {  	(v2sf) =	vpush v1, $0x0;
	_ =	sdelay $0x2  }
0x2fe: {  	s31 =	simm.s32 $0x2  }
0x2ff: {  	v0 =	vld.msk [tilespmem:s31+$0x3858], $0x1;
	_ =	sdelay $0x2  }
0x300: {  	s7 =	simm.s32 $0xFFFFFFFF;
	s6 =	simm.s32 $0xC;
	s8 =	simm.s32 $0xFFFFFFFF  }
.LBB3_17:
0x301: {  	s0 =	smov.u32 s8;
	s1 =	smov.u32 s7  }
0x302: {  	s2 =	sshra.s32 s6, $0x2;
	p1 =	sne.s32 s6, $0x7C;
	s6 =	sadd.s32 $0x4, s6;
	(v2sf) =	vpush v0, $0x0  }
0x303: {  	v0 =	vld.msk [tilespmem:s2+$0x3858], $0x1  }
.Ltmp20:
0x304: {  	(pc) =	sbr.rel @p1 .LBB3_17-.Ltmp20, $4  }
0x305: {  	s8 =	spop (v2sf)  }
0x306: {  	p2 =	sne.s32 s7, $0xFFFFFFFF;
	s7 =	smov.u32 s8  }
0x307: {  	p3 =	seq.s32 s8, $0xFFFFFFFF;
	s7 =	smov.u32 @p2 s1  }
0x308: {  	s8 =	smov.u32 @p3 s0;
	s7 =	smov.u32 @p3 s1  }
0x309: {  	(v2sf) =	vpush v0, $0x0;
	_ =	sdelay $0x8  }
0x30a: {  	s0 =	spop (v2sf)  }
0x30b: {  	p1 =	sne.s32 s7, $0xFFFFFFFF;
	s1 =	smov.u32 s0  }
0x30c: {  	s9 =	simm.s32 $0x6;
	p2 =	seq.s32 s0, $0xFFFFFFFF;
	s1 =	smov.u32 @p1 s7  }
0x30d: {  	s10 =	simm.s32 $0x3838;
	s1 =	smov.u32 @p2 s7;
	s2 =	spop (v2sf)  }
0x30e: {  	s0 =	smov.u32 @p2 s8;
	p1 =	sne.s32 s1, $0xFFFFFFFF;
	s6 =	smov.u32 s2  }
.Ltmp21:
0x30f: {  	p2 =	seq.s32 s2, $0xFFFFFFFF;
	s6 =	smov.u32 @p1 s1;
	(pc) =	sbr.rel .LBB3_19-.Ltmp21, $4  }
0x310: {  	s11 =	simm.s32 $0x0;
	s6 =	smov.u32 @p2 s1;
	s7 =	spop (v2sf)  }
0x311: {  	[sflag:s9] =	ssyncpa.u1 $0x0;
	p1 =	sne.s32 s6, $0xFFFFFFFF;
	s8 =	smov.u32 s7  }
0x312: {  	s2 =	smov.u32 @p2 s0;
	p2 =	seq.s32 s7, $0xFFFFFFFF;
	s8 =	smov.u32 @p1 s6  }
0x313: {  	s7 =	smov.u32 @p2 s2;
	s8 =	smov.u32 @p2 s6;
	s6 =	simm.s32 $0x0  }
.LBB3_24:
0x314: {  	p1 =	sgt.u32 s12, $0x270FF  }
0x315: {  	p2 =	seq.s32 @!p1 s12, s8  }
0x316: {  	p1 =	por p1, p2  }
0x317: {  	p2 =	sne.s32 @!p1 s12, s7  }
0x318: {  	p1 =	por p1, !p2  }
0x319: {  	s12 =	sshll.u32 @p1 s11, $0x6  }
0x31a: {  	s0 =	sand.u32 @!p1 $0x3FFF8, s12  }
0x31b: {  	s1 =	sand.u32 @!p1 $0x7, s12;
	s0 =	sadd.s32 @!p1 s3, s0  }
0x31c: {  	[tilespmem:s10], [sflag:$0x6] =	stream.linear.gather @!p1 [hbm4b:s0+s1], $0x4, $0x38;
	[tilespmem:$0x1FE08] =	vst v63  }
0x31d: {  	_ =	swait.ge @!p1 [sflag:s9], $0x4  }
0x31e: {  	[sflag:s9] =	ssyncset.done @!p1 $0x0  }
0x31f: {  	[sflag:s9] =	ssyncadd.s32 @!p1 $0xFFFFFFFC  }
0x320: {  	v1 =	vld @!p1 [tilespmem:$0x3838];
	_ =	sdelay $0x2  }
0x321: {  	s12 =	sshll.u32 @!p1 s11, $0x6  }
0x322: {  	s0 =	sshrl.u32 @!p1 s12, $0x2  }
0x323: {  	[tilespmem:s0+$0x3878] =	vst.add.f32.msk @!p1 $0xffff, v1  }
0x324: {  	s30 =	sshrl.u32 s12, $0x2;
	[tilespmem:s6+$0x3858] =	vst.msk $0x1, v0  }
0x325: {  	v0 =	vld [tilespmem:s30+$0x3878];
	_ =	sdelay $0x2  }
0x326: {  	s31 =	sshll.u32 s6, $0x6  }
0x327: {  	s0 =	sshra.s32 s31, $0x2  }
0x328: {  	s6 =	sadd.s32 $0x1, s6;
	[tilespmem:s0+$0x3878] =	vst v0  }
.LBB3_26:
0x329: {  	s11 =	sadd.s32 $0x1, s11  }
0x32a: {  	p1 =	sne.s32 s11, $0x20  }
.Ltmp22:
0x32b: {  	_ = 	snop;
	(pc) =	sbr.rel @!p1 .LBB3_27-.Ltmp22, $1  }
0x32c: {  	_ =	sdelay $0x3  }
.LBB3_19:
0x32d: {  	v0 =	vld.msk [tilespmem:s11+$0x3858], $0x1;
	_ =	sdelay $0x4  }
0x32e: {  	(v2sf) =	vpush v0, $0x0;
	_ =	sdelay $0xe  }
0x32f: {  	s12 =	spop (v2sf)  }
0x330: {  	p1 =	seq.s32 s12, $0xFFFFFFFF  }
.Ltmp23:
0x331: {  	_ = 	snop;
	(pc) =	sbr.rel @p1 .LBB3_26-.Ltmp23, $1  }
0x332: {  	_ =	sdelay $0x3  }
0x333: {  	p1 =	slt.s32 s6, $0x1  }
.Ltmp24:
0x334: {  	_ = 	snop;
	(pc) =	sbr.rel @p1 .LBB3_24-.Ltmp24, $1  }
0x335: {  	_ =	sdelay $0x3  }
0x336: {  	s13 =	simm.s32 $0x3858;
	p1 =	por $0x0, $0x0  }
0x337: {  	v1 =	vld.msk @!p1 [tilespmem:s13+$0x0], $0x1;
	_ =	sdelay $0x4  }
0x338: {  	(v2sf) =	vpush @!p1 v1, $0x0;
	_ =	sdelay $0xd  }
0x339: {  	p3 =	sne.s32 s6, $0x1  }
.Ltmp25:
0x33a: {  	s0 =	spop @!p1 (v2sf);
	(pc) =	sbr.rel @!p3 .LBB3_23-.Ltmp25, $4  }
0x33b: {  	p2 =	seq.s32 @!p1 s12, s0  }
0x33c: {  	s14 =	simm.s32 $0x0;
	p2 =	por !p2, p1  }
0x33d: {  	s0 =	simm.s32 $0xFFFFFFFF;
	s14 =	simm.s32 @p2 $0xFFFFFFFF  }
0x33e: {  	s15 =	simm.s32 $0x1;
	s14 =	smov.u32 @p1 s0  }
.LBB3_22:
0x33f: {  	s0 =	smov.u32 s14;
	p1 =	sne.s32 s14, $0xFFFFFFFF  }
0x340: {  	s13 =	sadd.s32 $0x1, s13;
	s14 =	smov.u32 s15;
	s15 =	sadd.s32 $0x1, s15  }
0x341: {  	p2 =	sne.s32 s6, s15;
	v1 =	vld.msk @!p1 [tilespmem:s13+$0x0], $0x1;
	_ =	sdelay $0x4  }
0x342: {  	(v2sf) =	vpush @!p1 v1, $0x0;
	_ =	sdelay $0xe  }
.Ltmp26:
0x343: {  	s1 =	spop @!p1 (v2sf);
	(pc) =	sbr.rel @p2 .LBB3_22-.Ltmp26, $4  }
0x344: {  	p3 =	seq.s32 @!p1 s12, s1  }
0x345: {  	p3 =	por !p3, p1  }
0x346: {  	s14 =	simm.s32 @p3 $0xFFFFFFFF  }
0x347: {  	s14 =	smov.u32 @p1 s0  }
.LBB3_23:
0x348: {  	p1 =	sne.s32 s14, $0xFFFFFFFF  }
.Ltmp27:
0x349: {  	_ = 	snop;
	(pc) =	sbr.rel @!p1 .LBB3_24-.Ltmp27, $1  }
0x34a: {  	_ =	sdelay $0x3  }
0x34b: {  	s0 =	sshll.u32 s11, $0x4  }
0x34c: {  	s0 =	sand.u32 $0x3FFFFFF0, s0  }
0x34d: {  	v0 =	vld [tilespmem:s0+$0x3878]  }
.Ltmp28:
0x34e: {  	_ = 	snop;
	(pc) =	sbr.rel .LBB3_26-.Ltmp28, $4  }
0x34f: {  	_ = 	snop  }
0x350: {  	s31 =	sshll.u32 s14, $0x6  }
0x351: {  	s0 =	sshra.s32 s31, $0x2  }
0x352: {  	[tilespmem:s0+$0x3878] =	vst.add.f32.msk $0xffff, v0  }
.LBB3_27:
0x353: {  	s0 =	simm.s32 $0x6;
	p1 =	seq.s32 s6, $0x0  }
0x354: {  	[sflag:s0] =	ssyncpa.u1 $0x1;
	v0 =	vimm.s32 @p1 $0xFFFFFFFF  }
0x355: {  	s9 =	sadd.s32 $0xFFFFFFFF, s6;
	[tilespmem:$0x3A78] =	vst @p1 v0  }
0x356: {  	v0 =	vld.msk @!p1 [tilespmem:s9+$0x3858], $0x1;
	_ =	sdelay $0x1  }
0x357: {  	v1 =	vld.msk @!p1 [tilespmem:$0x3858], $0x1;
	_ =	sdelay $0x2  }
0x358: {  	p2 =	seq.s32 @!p1 s9, $0x0;
	v0 =	vbroadcast @!p1 v0, $0x0  }
0x359: {  	vm0 =	vmmov @!p1 $0x1;
	p2 =	por !p2, p1  }
0x35a: {  	v1 =	vnsel @!p1 vm0, $0xFFFFFFFF, v1;
	vm0 =	vcmask @!p1 $0x308;
	v0 =	vpsel !p2, $0xFFFFFFFF, v0  }
0x35b: {  	p2 =	sne.s32 @!p1 s8, s7;
	v0 =	vsel @!p1 vm0, v1, v0  }
0x35c: {  	s0 =	simm.s32 @!p1 $0x3878;
	s1 =	simm.s32 @!p1 $0x0;
	p3 =	por !p2, p1;
	[tilespmem:$0x3A78] =	vst @!p1 v0  }
0x35d: {  	[spmem:s1] =	stream.linear.scatter @!p1 [tilespmem:s0], [sflag:$0x1], $0x10, $0x38;
	[tilespmem:$0x1FE08] =	vst v63  }
0x35e: {  	s0 =	sshll.u32 @!p3 s9, $0x6  }
0x35f: {  	s0 =	sshra.s32 @!p3 s0, $0x2  }
0x360: {  	s1 =	simm.s32 @!p3 $0x10;
	s0 =	sadd.s32 @!p3 $0x3878, s0  }
0x361: {  	[spmem:s1] =	stream.linear.scatter @!p3 [tilespmem:s0], [sflag:$0x1], $0x10, $0x38;
	[tilespmem:$0x1FE08] =	vst v63  }
0x362: {  	s0 =	simm.s32 @!p3 $0x1  }
0x363: {  	_ =	swait.ge @!p3 [sflag:s0], $0x20  }
0x364: {  	p1 =	por p2, p1;
	[sflag:s0] =	ssyncset.done @!p3 $0x0  }
0x365: {  	[sflag:s0] =	ssyncadd.s32 @!p3 $0xFFFFFFE0;
	s0 =	simm.s32 @!p1 $0x1  }
0x366: {  	_ =	swait.ge @!p1 [sflag:s0], $0x10  }
0x367: {  	s29 =	simm.s32 $0x3A78;
	[sflag:s0] =	ssyncset.done @!p1 $0x0  }
0x368: {  	s30 =	simm.s32 $0x200;
	s31 =	simm.s32 $0x1;
	[sflag:s0] =	ssyncadd.s32 @!p1 $0xFFFFFFF0  }
0x369: {  	[spmem:s30] =	stream.linear.scatter [tilespmem:s29], [sflag:$0x1], $0x10, $0x38;
	[tilespmem:$0x1FE08] =	vst v63  }
0x36a: {  	_ =	swait.ge [sflag:s31], $0x10  }
0x36b: {  	[sflag:s31] =	ssyncset.done $0x0  }
0x36c: {  	p1 =	seq.s32 s5, $0x0;
	[sflag:s31] =	ssyncadd.s32 $0xFFFFFFF0  }
0x36d: {  	s1 =	sshll.u32 @p1 s16, $0xE;
	s10 =	rddreg [dreg:$0x2]  }
0x36e: {  	s0 =	sadd.s32 @p1 $0x15C3C, s1;
	s1 =	sshll.u32 @p1 s10, $0x11  }
0x36f: {  	_ =	sfence.stream.spmem;
	s0 =	sor.u32 @p1 s1, s0  }
0x370: {  	[sflag:s0] =	ssyncadd.remote.s32 @p1 $0x1;
	s0 =	simm.s32 @p1 $0x4  }
0x371: {  	s2 =	simm.s32 @!p1 $0x3C;
	s1 =	sand.u32 $0xFFFFFFFE, s16;
	_ =	swait.ge @p1 [sflag:s0], $0x6  }
0x372: {  	s7 =	simm.s32 @!p1 $0x0;
	s1 =	sadd.s32 @!p1 $0x4, s1;
	[sflag:s0] =	ssyncset.done @p1 $0x0  }
0x373: {  	s8 =	simm.s32 @!p1 $0x20;
	[sflag:s0] =	ssyncadd.s32 @p1 $0xFFFFFFFA;
	s0 =	sshll.u32 @!p1 s1, $0x1A  }
0x374: {  	s1 =	sshll.u32 @!p1 s1, $0xD;
	s0 =	sor.u32 @!p1 s0, s10;
	_ =	swait.eq @!p1 [sflag:s2], $0x1  }
0x375: {  	s1 =	sor.u32 @!p1 $0x1C04, s1;
	s2 =	simm.s32 @!p1 $0x1C03;
	s0 =	sor.u32 @!p1 $0x80004000, s0  }
0x376: {  	[spmem:s8], [sflag:s1] =	dma.general @!p1 [spmem:s7], [sflag:s2], length:$0x4, [dreg:$0x0], stride_count:$0x0, ici_dest:s0, dma_misc:DstOpCode:WRITE  }
0x377: {  	p2 =	slt.s32 s9, $0x2;
	s7 =	simm.s32 @!p1 $0x40;
	s8 =	simm.s32 @!p1 $0x42  }
0x378: {  	[spmem:s8], [sflag:s1] =	dma.general @!p1 [spmem:s7], [sflag:s2], length:$0x2, [dreg:$0x0], stride_count:$0x0, ici_dest:s0, dma_misc:DstOpCode:WRITE  }
.Ltmp29:
0x379: {  	s0 =	simm.s32 @!p1 $0x3;
	(pc) =	sbr.rel @p2 .LBB3_31-.Ltmp29, $4  }
0x37a: {  	s1 =	sshll.u32 @!p1 s16, $0xE;
	_ =	swait.ge @!p1 [sflag:s0], $0x6  }
0x37b: {  	s2 =	sshll.u32 @!p1 s10, $0x11;
	s1 =	sadd.s32 @!p1 $0x11C3C, s1;
	[sflag:s0] =	ssyncset.done @!p1 $0x0  }
0x37c: {  	[sflag:s0] =	ssyncadd.s32 @!p1 $0xFFFFFFFA;
	s0 =	sor.u32 @!p1 s2, s1  }
0x37d: {  	s1 =	simm.s32 $0x0;
	[sflag:s0] =	ssyncadd.remote.s32 @!p1 $0xFFFFFFFF  }
0x37e: {  	s0 =	simm.s32 $0x3859  }
0x37f: {  	v0 =	vld.msk [tilespmem:s0+$0x0], $0x1;
	_ =	sdelay $0x4  }
0x380: {  	(v2sf) =	vpush v0, $0x0;
	_ =	sdelay $0xc  }
0x381: {  	s2 =	sadd.s32 $0xFFFFFFFE, s6  }
0x382: {  	s2 =	sadd.s32 $0xFFFFFFFF, s2  }
0x383: {  	p2 =	sne.s32 s2, $0x0;
	s0 =	spop (v2sf)  }
.Ltmp30:
0x384: {  	p1 =	sgt.u32 s0, $0x270FF;
	(pc) =	sbr.rel @!p2 .LBB3_30-.Ltmp30, $4  }
0x385: {  	s1 =	simm.s32 $0x3888;
	s6 =	sand.u32 @!p1 $0x3FFF8, s0  }
0x386: {  	s8 =	simm.s32 $0x0;
	s0 =	sand.u32 @!p1 $0x7, s0;
	s6 =	sadd.s32 @!p1 s3, s6  }
0x387: {  	[hbm4b:s6+s0] =	stream.linear.scatter @!p1 [tilespmem:s1], [sflag:$0x5], $0x4, $0x38;
	[tilespmem:$0x1FE08] =	vst v63  }
0x388: {  	s7 =	simm.s32 $0x385A;
	s8 =	simm.s32 @!p1 $0x10;
	s6 =	simm.s32 $0x0  }
.LBB3_29:
0x389: {  	v0 =	vld.msk [tilespmem:s7+$0x0], $0x1;
	s2 =	sadd.s32 $0xFFFFFFFF, s2;
	s6 =	sadd.s32 s6, s8  }
0x38a: {  	p1 =	sne.s32 s2, $0x0;
	_ =	sdelay $0x3  }
0x38b: {  	(v2sf) =	vpush v0, $0x0;
	_ =	sdelay $0xe  }
.Ltmp31:
0x38c: {  	s0 =	spop (v2sf);
	(pc) =	sbr.rel @p1 .LBB3_29-.Ltmp31, $4  }
0x38d: {  	s8 =	simm.s32 $0x0;
	p2 =	sgt.u32 s0, $0x270FF  }
0x38e: {  	s1 =	sadd.s32 $0x10, s1;
	s8 =	simm.s32 @!p2 $0x10;
	s9 =	sand.u32 @!p2 $0x3FFF8, s0  }
0x38f: {  	s7 =	sadd.s32 $0x1, s7;
	s0 =	sand.u32 @!p2 $0x7, s0;
	s9 =	sadd.s32 @!p2 s3, s9  }
0x390: {  	[hbm4b:s9+s0] =	stream.linear.scatter @!p2 [tilespmem:s1], [sflag:$0x5], $0x4, $0x38;
	[tilespmem:$0x1FE08] =	vst v63  }
.LBB3_30:
0x391: {  	s0 =	sadd.s32 s6, s8  }
0x392: {  	s1 =	sshrl.u32 s0, $0x2  }
.LBB3_31:
0x393: {  	s0 =	simm.s32 $0x5  }
0x394: {  	_ =	swait.ge [sflag:s0], s1  }
0x395: {  	s31 =	ssub.s32 $0x0, s1;
	[sflag:s0] =	ssyncset.done $0x0  }
0x396: {  	[sflag:s0] =	ssyncadd.s32 s31  }
0x397: {  	[sflag:s0] =	ssyncpa.u1 $0x1  }
.LBB3_32:
0x398: {  	s0 =	sor.u32 s5, s4  }
0x399: {  	p1 =	sne.s32 s0, $0x0  }
.Ltmp32:
0x39a: {  	_ = 	snop;
	(pc) =	sbr.rel @p1 .LBB3_47-.Ltmp32, $3  }
0x39b: {  	_ =	sdelay $0x1  }
0x39c: {  	[bflag:$0x0] =	sbarrier.arrive $0xFFFF  }
0x39d: {  	_ =	sfence  }
0x39e: {  	s0 =	simm.s32 $0x7  }
0x39f: {  	s1 =	simm.s32 $0x200;
	s2 =	simm.s32 $0x3858;
	[sflag:s0] =	ssyncpa.u1 $0x0  }
0x3a0: {  	[tilespmem:s2], [sflag:$0x7] =	stream.linear.gather [spmem:s1], $0x20, $0x38;
	[tilespmem:$0x1FE08] =	vst v63  }
0x3a1: {  	s30 =	simm.s32 $0x3878;
	s1 =	simm.s32 $0x0  }
0x3a2: {  	[tilespmem:s30], [sflag:$0x7] =	stream.linear.gather [spmem:s1], $0x200, $0x38;
	[tilespmem:$0x1FE08] =	vst v63  }
.Ltmp33:
0x3a3: {  	_ = 	snop;
	(pc) =	sbr.rel .LBB3_34-.Ltmp33, $4  }
0x3a4: {  	_ =	swait.ge [sflag:s0], $0x220  }
0x3a5: {  	[sflag:s0] =	ssyncset.done $0x0  }
0x3a6: {  	s31 =	simm.s32 $0x8;
	[sflag:s0] =	ssyncadd.s32 $0xFFFFFDE0  }
0x3a7: {  	s2 =	simm.s32 $0x0;
	[sflag:s31] =	ssyncpa.u1 $0x0  }
.LBB3_39:
0x3a8: {  	p1 =	slt.u32 s4, $0x27100  }
0x3a9: {  	s0 =	sand.u32 @p1 $0x3FFF8, s4  }
0x3aa: {  	s4 =	sand.u32 @p1 $0x7, s4;
	s5 =	simm.s32 @p1 $0x3838;
	s0 =	sadd.s32 @p1 s3, s0  }
0x3ab: {  	[tilespmem:s5], [sflag:$0x8] =	stream.linear.gather @p1 [hbm4b:s0+s4], $0x4, $0x38;
	[tilespmem:$0x1FE08] =	vst v63  }
0x3ac: {  	s0 =	simm.s32 @p1 $0x8  }
0x3ad: {  	_ =	swait.ge @p1 [sflag:s0], $0x4  }
0x3ae: {  	[sflag:s0] =	ssyncset.done @p1 $0x0  }
0x3af: {  	[sflag:s0] =	ssyncadd.s32 @p1 $0xFFFFFFFC  }
0x3b0: {  	v1 =	vld @p1 [tilespmem:$0x3838];
	_ =	sdelay $0x2  }
0x3b1: {  	s0 =	sshll.u32 @p1 s2, $0x6  }
0x3b2: {  	s5 =	sshll.u32 @!p1 s2, $0x6;
	s4 =	sshrl.u32 @p1 s0, $0x2  }
0x3b3: {  	s5 =	smov.u32 @p1 s0;
	[tilespmem:s4+$0x3878] =	vst.add.f32.msk @p1 $0xffff, v1  }
0x3b4: {  	s0 =	sshrl.u32 s5, $0x2;
	[tilespmem:s1+$0x3858] =	vst.msk $0x1, v0  }
0x3b5: {  	v0 =	vld [tilespmem:s0+$0x3878];
	_ =	sdelay $0x2  }
0x3b6: {  	s31 =	sshll.u32 s1, $0x6  }
0x3b7: {  	s0 =	sshra.s32 s31, $0x2  }
0x3b8: {  	s1 =	sadd.s32 $0x1, s1;
	[tilespmem:s0+$0x3878] =	vst v0  }
.LBB3_41:
0x3b9: {  	s2 =	sadd.s32 $0x1, s2  }
0x3ba: {  	p1 =	sne.s32 s2, $0x20  }
.Ltmp34:
0x3bb: {  	_ = 	snop;
	(pc) =	sbr.rel @!p1 .LBB3_42-.Ltmp34, $1  }
0x3bc: {  	_ =	sdelay $0x3  }
.LBB3_34:
0x3bd: {  	v0 =	vld.msk [tilespmem:s2+$0x3858], $0x1;
	_ =	sdelay $0x4  }
0x3be: {  	(v2sf) =	vpush v0, $0x0;
	_ =	sdelay $0xe  }
0x3bf: {  	s4 =	spop (v2sf)  }
0x3c0: {  	p1 =	seq.s32 s4, $0xFFFFFFFF  }
.Ltmp35:
0x3c1: {  	_ = 	snop;
	(pc) =	sbr.rel @p1 .LBB3_41-.Ltmp35, $1  }
0x3c2: {  	_ =	sdelay $0x3  }
0x3c3: {  	p1 =	slt.s32 s1, $0x1  }
.Ltmp36:
0x3c4: {  	_ = 	snop;
	(pc) =	sbr.rel @p1 .LBB3_39-.Ltmp36, $1  }
0x3c5: {  	_ =	sdelay $0x3  }
0x3c6: {  	s5 =	simm.s32 $0x3858;
	p1 =	por $0x0, $0x0  }
0x3c7: {  	v1 =	vld.msk @!p1 [tilespmem:s5+$0x0], $0x1;
	_ =	sdelay $0x4  }
0x3c8: {  	(v2sf) =	vpush @!p1 v1, $0x0;
	_ =	sdelay $0xd  }
0x3c9: {  	p3 =	sne.s32 s1, $0x1  }
.Ltmp37:
0x3ca: {  	s0 =	spop @!p1 (v2sf);
	(pc) =	sbr.rel @!p3 .LBB3_38-.Ltmp37, $4  }
0x3cb: {  	p2 =	seq.s32 @!p1 s4, s0  }
0x3cc: {  	s6 =	simm.s32 $0x0;
	p2 =	por !p2, p1  }
0x3cd: {  	s0 =	simm.s32 $0xFFFFFFFF;
	s6 =	simm.s32 @p2 $0xFFFFFFFF  }
0x3ce: {  	s7 =	simm.s32 $0x1;
	s6 =	smov.u32 @p1 s0  }
.LBB3_37:
0x3cf: {  	s0 =	smov.u32 s6;
	p1 =	sne.s32 s6, $0xFFFFFFFF  }
0x3d0: {  	s5 =	sadd.s32 $0x1, s5;
	s6 =	smov.u32 s7;
	s7 =	sadd.s32 $0x1, s7  }
0x3d1: {  	p2 =	sne.s32 s1, s7;
	v1 =	vld.msk @!p1 [tilespmem:s5+$0x0], $0x1;
	_ =	sdelay $0x4  }
0x3d2: {  	(v2sf) =	vpush @!p1 v1, $0x0;
	_ =	sdelay $0xe  }
.Ltmp38:
0x3d3: {  	s8 =	spop @!p1 (v2sf);
	(pc) =	sbr.rel @p2 .LBB3_37-.Ltmp38, $4  }
0x3d4: {  	p3 =	seq.s32 @!p1 s4, s8  }
0x3d5: {  	p3 =	por !p3, p1  }
0x3d6: {  	s6 =	simm.s32 @p3 $0xFFFFFFFF  }
0x3d7: {  	s6 =	smov.u32 @p1 s0  }
.LBB3_38:
0x3d8: {  	p1 =	sne.s32 s6, $0xFFFFFFFF  }
.Ltmp39:
0x3d9: {  	_ = 	snop;
	(pc) =	sbr.rel @!p1 .LBB3_39-.Ltmp39, $1  }
0x3da: {  	_ =	sdelay $0x3  }
0x3db: {  	s0 =	sshll.u32 s2, $0x4  }
0x3dc: {  	s0 =	sand.u32 $0x3FFFFFF0, s0  }
0x3dd: {  	v0 =	vld [tilespmem:s0+$0x3878]  }
.Ltmp40:
0x3de: {  	_ = 	snop;
	(pc) =	sbr.rel .LBB3_41-.Ltmp40, $4  }
0x3df: {  	_ = 	snop  }
0x3e0: {  	s31 =	sshll.u32 s6, $0x6  }
0x3e1: {  	s0 =	sshra.s32 s31, $0x2  }
0x3e2: {  	[tilespmem:s0+$0x3878] =	vst.add.f32.msk $0xffff, v0  }
.LBB3_42:
0x3e3: {  	p1 =	slt.s32 s1, $0x1  }
.Ltmp41:
0x3e4: {  	_ = 	snop;
	(pc) =	sbr.rel @p1 .LBB3_46-.Ltmp41, $3  }
0x3e5: {  	_ =	sdelay $0x1  }
0x3e6: {  	s0 =	simm.s32 $0x8  }
0x3e7: {  	s2 =	simm.s32 $0x0;
	[sflag:s0] =	ssyncpa.u1 $0x1  }
0x3e8: {  	s0 =	simm.s32 $0x3858  }
0x3e9: {  	v0 =	vld.msk [tilespmem:s0+$0x0], $0x1;
	_ =	sdelay $0x4  }
0x3ea: {  	(v2sf) =	vpush v0, $0x0;
	_ =	sdelay $0xd  }
0x3eb: {  	s1 =	sadd.s32 $0xFFFFFFFF, s1  }
0x3ec: {  	p2 =	sne.s32 s1, $0x0;
	s0 =	spop (v2sf)  }
.Ltmp42:
0x3ed: {  	p1 =	sgt.u32 s0, $0x270FF;
	(pc) =	sbr.rel @!p2 .LBB3_45-.Ltmp42, $4  }
0x3ee: {  	s4 =	simm.s32 $0x3878;
	s5 =	sand.u32 @!p1 $0x3FFF8, s0  }
0x3ef: {  	s6 =	simm.s32 $0x0;
	s0 =	sand.u32 @!p1 $0x7, s0;
	s5 =	sadd.s32 @!p1 s3, s5  }
0x3f0: {  	[hbm4b:s5+s0] =	stream.linear.scatter @!p1 [tilespmem:s4], [sflag:$0x7], $0x4, $0x38;
	[tilespmem:$0x1FE08] =	vst v63  }
0x3f1: {  	s6 =	simm.s32 @!p1 $0x10;
	s5 =	simm.s32 $0x3859  }
.LBB3_44:
0x3f2: {  	v0 =	vld.msk [tilespmem:s5+$0x0], $0x1;
	s1 =	sadd.s32 $0xFFFFFFFF, s1;
	s2 =	sadd.s32 s2, s6  }
0x3f3: {  	p1 =	sne.s32 s1, $0x0;
	_ =	sdelay $0x3  }
0x3f4: {  	(v2sf) =	vpush v0, $0x0;
	_ =	sdelay $0xe  }
.Ltmp43:
0x3f5: {  	s0 =	spop (v2sf);
	(pc) =	sbr.rel @p1 .LBB3_44-.Ltmp43, $4  }
0x3f6: {  	s6 =	simm.s32 $0x0;
	p2 =	sgt.u32 s0, $0x270FF  }
0x3f7: {  	s4 =	sadd.s32 $0x10, s4;
	s6 =	simm.s32 @!p2 $0x10;
	s7 =	sand.u32 @!p2 $0x3FFF8, s0  }
0x3f8: {  	s5 =	sadd.s32 $0x1, s5;
	s0 =	sand.u32 @!p2 $0x7, s0;
	s7 =	sadd.s32 @!p2 s3, s7  }
0x3f9: {  	[hbm4b:s7+s0] =	stream.linear.scatter @!p2 [tilespmem:s4], [sflag:$0x7], $0x4, $0x38;
	[tilespmem:$0x1FE08] =	vst v63  }
.LBB3_45:
0x3fa: {  	s0 =	sadd.s32 s2, s6  }
0x3fb: {  	s2 =	sshrl.u32 s0, $0x2  }
.LBB3_46:
0x3fc: {  	s0 =	simm.s32 $0x7  }
0x3fd: {  	_ =	swait.ge [sflag:s0], s2  }
0x3fe: {  	s1 =	ssub.s32 $0x0, s2;
	[sflag:s0] =	ssyncset.done $0x0  }
0x3ff: {  	[sflag:s0] =	ssyncadd.s32 s1  }
0x400: {  	[sflag:s0] =	ssyncpa.u1 $0x1  }
.LBB3_47:
0x401: {  	_ =	sfence;
	s0 =	simm.s32 $0x1  }
0x402: {  	[sflag:s0] =	ssyncpa.u1 $0x1  }
0x403: {  	_ =	strace $0x90000053  }
0x404: {  	[bflag:$0x2] =	sbarrier.arrive $0xFFFF  }
0x405: {  	s0 =	rddreg [dreg:$0x3]  }
0x406: {  	s0 =	sadd.s32 @!p0 $0x100000, s0  }
0x407: {  	[sflag:s0] =	ssyncadd.tile.s32 @!p0 $0x1;
	_ =	shalt  }
.Lfunc_end3:
_tile_overlayer_lowered:
.L_overlay_start_3:
0x408: {  	(tag) =	ssettag $0x3  }
0x409: {  	s0 =	rddreg [dreg:$0x0];
	s2 =	stileid.u32  }
0x40a: {  	s1 =	rddreg [dreg:$0x1];
	p0 =	sne.s32 s2, $0x0  }
0x40b: {  	s3 =	rddreg [dreg:$0x2];
	[bflag:$0x3] =	sbarrier.arrive $0xFFFF;
	s2 =	simm.s32 @!p0 $0x1C01  }
0x40c: {  	[timem:s3], [sflag:s2] =	dma.local @!p0 [hbm:s0], s1  }
0x40d: {  	s0 =	simm.s32 @!p0 $0x1  }
0x40e: {  	_ =	swait.ge @!p0 [sflag:s0], s1  }
0x40f: {  	s1 =	ssub.s32 @!p0 $0x0, s1;
	[sflag:s0] =	ssyncset.done @!p0 $0x0  }
0x410: {  	[sflag:s0] =	ssyncadd.s32 @!p0 s1  }
0x411: {  	[bflag:$0x3] =	sbarrier.arrive $0xFFFF  }
0x412: {  	_ =	shalt  }

// kernel: scatter_offload_async_start.2
scs
__scs_entry_jumppad:
0x0: {  	(pc) =	sbr.rel $0x88, $3  }
0x1: {  	(tag) =	ssettag $0x0;
	lr =	simm.s32 $0x1  }
0x2: {  	[smem:$0x3F86] =	sst lr;
	_ =	strace $0xD0000000  }
0x3: {  	_ = 	snop  }
0x4: {  	_ = 	snop  }
0x5: {  	_ = 	snop  }
0x6: {  	_ = 	snop  }
0x7: {  	_ = 	snop  }
__scs_overlays_trampoline_lowered:
0x8: {  	[smem:$0x3F95] =	sst s0  }
0x9: {  	[smem:$0x3F96] =	sst s1  }
0xa: {  	[smem:$0x3F97] =	sst s2  }
0xb: {  	[smem:$0x3F98] =	sst s3  }
0xc: {  	[smem:$0x3F99] =	sst s4  }
0xd: {  	[smem:$0x3F9A] =	sst s5  }
0xe: {  	[smem:$0x3F9B] =	sst s6  }
0xf: {  	[smem:$0x3F9C] =	sst s7  }
0x10: {  	[smem:$0x3F9D] =	sst s8  }
0x11: {  	[smem:$0x3F9E] =	sst s9;
	s0 =	simm.s32 @!p0 $0x0  }
0x12: {  	s1 =	sld [smem:$0x3F84];
	s0 =	simm.s32 @p0 $0x1  }
0x13: {  	[smem:$0x3F9F] =	sst s0;
	s0 =	simm.s32 @!p1 $0x0  }
0x14: {  	s2 =	sld [smem:$0x3F83];
	s0 =	simm.s32 @p1 $0x1  }
0x15: {  	[smem:$0x3FA0] =	sst s0;
	s0 =	simm.s32 @!p2 $0x0  }
0x16: {  	s3 =	sld [smem:$0x3FDB];
	s0 =	simm.s32 @p2 $0x1  }
0x17: {  	s4 =	simm.s32 $0x1BF5;
	[smem:$0x3FA2] =	sst s0  }
0x18: {  	s0 =	sld [smem:$0x3F85];
	_ =	swait.ge [sflag:s4], $0x0  }
0x19: {  	s7 =	sld [smem:$0x3F86]  }
0x1a: {  	s8 =	sadd.s32 $0xFFFFE003, lr  }
0x1b: {  	s9 =	sadd.s32 $0xFFFFFEF7, lr;
	s5 =	simm.s32 $0xFFFFFFFF;
	p2 =	slt.u32 s8, $0xFFFFF086  }
0x1c: {  	p1 =	slt.u32 s9, $0xF7A;
	s5 =	simm.s32 @!p2 $0x0  }
0x1d: {  	s5 =	simm.s32 @p1 $0x1;
	p0 =	seq.s32 s7, s2  }
0x1e: {  	s7 =	smul.u32 @!p0 $0xF7A, s2;
	p2 =	seq.s32 @!p0 s5, $0x0  }
0x1f: {  	s9 =	smul.u32 $0xF7A, s1;
	s8 =	simm.s32 @!p0 $0x1BF5;
	p2 =	por !p2, p0  }
0x20: {  	[sflag:s8] =	ssyncset.s32 @!p0 $0xFFFFF086;
	s6 =	sadd.s32 @!p0 s3, s7;
	s7 =	simm.s32 @!p0 $0x108  }
0x21: {  	s3 =	sadd.s32 s3, s9;
	s6 =	sadd.s32 @!p0 $0x88, s6;
	s7 =	simm.s32 @p2 $0x1082  }
0x22: {  	[simem:s7], [sflag:s8] =	dma.local @!p0 [hbm:s6], $0xF7A  }
0x23: {  	s9 =	sor.u32 $0xD0000000, s2;
	s6 =	simm.s32 $0x108;
	_ =	swait.ge @!p0 [sflag:s8], $0x0  }
0x24: {  	s3 =	sadd.s32 $0x88, s3;
	s6 =	simm.s32 @!p1 $0x1082;
	[sflag:s4] =	ssyncset.s32 $0xFFFFF086  }
0x25: {  	[simem:s6], [sflag:s4] =	dma.local [hbm:s3], $0xF7A  }
0x26: {  	[smem:$0x3F86] =	sst s1;
	(tag) =	ssettag s2;
	_ =	strace s9  }
0x27: {  	s1 =	sld [smem:$0x3F96]  }
0x28: {  	s2 =	sld [smem:$0x3F97]  }
0x29: {  	s4 =	sld [smem:$0x3F99]  }
0x2a: {  	p0 =	seq.s32 s5, $0x0;
	s5 =	sld [smem:$0x3F9A]  }
0x2b: {  	s6 =	sld [smem:$0x3F9B]  }
0x2c: {  	s7 =	sld [smem:$0x3F9C]  }
0x2d: {  	s3 =	simm.s32 $0x108;
	s8 =	sld [smem:$0x3F9D]  }
0x2e: {  	s3 =	simm.s32 @!p0 $0x1082;
	s9 =	sld [smem:$0x3F9E]  }
0x2f: {  	lr =	sadd.s32 s0, s3;
	s0 =	sld [smem:$0x3F95]  }
0x30: {  	s3 =	sld [smem:$0x3F98]  }
0x31: {  	[smem:$0x3FA1] =	sst s10  }
0x32: {  	s10 =	sld [smem:$0x3F9F];
	_ =	sdelay $0x3  }
0x33: {  	p0 =	seq.s32 s10, $0x1;
	s10 =	sld [smem:$0x3FA1];
	_ =	sdelay $0x3  }
0x34: {  	[smem:$0x3FA1] =	sst s10  }
0x35: {  	s10 =	sld [smem:$0x3FA0];
	_ =	sdelay $0x3  }
0x36: {  	p1 =	seq.s32 s10, $0x1;
	s10 =	sld [smem:$0x3FA1];
	_ =	sdelay $0x3  }
0x37: {  	[smem:$0x3FA1] =	sst s10  }
0x38: {  	s10 =	sld [smem:$0x3FA2]  }
0x39: {  	_ = 	snop;
	(pc) =	sbr.ind lr, $3  }
0x3a: {  	_ = 	snop  }
0x3b: {  	_ = 	snop  }
0x3c: {  	p2 =	seq.s32 s10, $0x1;
	s10 =	sld [smem:$0x3FA1]  }
0x3d: {  	_ =	shalt  }
0x3e: {  	_ =	shalt  }
0x3f: {  	_ =	shalt  }
0x40: {  	_ =	shalt  }
0x41: {  	_ =	shalt  }
0x42: {  	_ =	shalt  }
0x43: {  	_ =	shalt  }
0x44: {  	_ =	shalt  }
0x45: {  	_ =	shalt  }
0x46: {  	_ =	shalt  }
0x47: {  	_ =	shalt  }
0x48: {  	_ =	shalt  }
0x49: {  	_ =	shalt  }
0x4a: {  	_ =	shalt  }
0x4b: {  	_ =	shalt  }
0x4c: {  	_ =	shalt  }
0x4d: {  	_ =	shalt  }
0x4e: {  	_ =	shalt  }
0x4f: {  	_ =	shalt  }
0x50: {  	_ =	shalt  }
0x51: {  	_ =	shalt  }
0x52: {  	_ =	shalt  }
0x53: {  	_ =	shalt  }
0x54: {  	_ =	shalt  }
0x55: {  	_ =	shalt  }
0x56: {  	_ =	shalt  }
0x57: {  	_ =	shalt  }
0x58: {  	_ =	shalt  }
0x59: {  	_ =	shalt  }
0x5a: {  	_ =	shalt  }
0x5b: {  	_ =	shalt  }
0x5c: {  	_ =	shalt  }
0x5d: {  	_ =	shalt  }
0x5e: {  	_ =	shalt  }
0x5f: {  	_ =	shalt  }
0x60: {  	_ =	shalt  }
0x61: {  	_ =	shalt  }
0x62: {  	_ =	shalt  }
0x63: {  	_ =	shalt  }
0x64: {  	_ =	shalt  }
0x65: {  	_ =	shalt  }
0x66: {  	_ =	shalt  }
0x67: {  	_ =	shalt  }
0x68: {  	_ =	shalt  }
0x69: {  	_ =	shalt  }
0x6a: {  	_ =	shalt  }
0x6b: {  	_ =	shalt  }
0x6c: {  	_ =	shalt  }
0x6d: {  	_ =	shalt  }
0x6e: {  	_ =	shalt  }
0x6f: {  	_ =	shalt  }
0x70: {  	_ =	shalt  }
0x71: {  	_ =	shalt  }
0x72: {  	_ =	shalt  }
0x73: {  	_ =	shalt  }
0x74: {  	_ =	shalt  }
0x75: {  	_ =	shalt  }
0x76: {  	_ =	shalt  }
0x77: {  	_ =	shalt  }
0x78: {  	_ =	shalt  }
0x79: {  	_ =	shalt  }
0x7a: {  	_ =	shalt  }
0x7b: {  	_ =	shalt  }
0x7c: {  	_ =	shalt  }
0x7d: {  	_ =	shalt  }
0x7e: {  	_ =	shalt  }
0x7f: {  	_ =	shalt  }
0x80: {  	_ =	shalt  }
0x81: {  	_ =	shalt  }
0x82: {  	_ =	shalt  }
0x83: {  	_ =	shalt  }
0x84: {  	_ =	shalt  }
0x85: {  	_ =	shalt  }
0x86: {  	_ =	shalt  }
0x87: {  	_ =	shalt  }
.Lfunc_end0:
.L_simem_size_0:
called_computation.2_lowered:
.L_overlay_start_0:
0x88: {  	s2 =	sld [smem:$0x3FD9]  }
0x89: {  	s3 =	sld [smem:$0x3FFE];
	_ =	sdelay $0x1  }
0x8a: {  	s1 =	srdreg.scid  }
0x8b: {  	s0 =	sand.u32 $0x1, s1  }
0x8c: {  	s15 =	sshll.u32 s0, $0xA;
	s2 =	sadd.s32 s3, s2  }
0x8d: {  	s2 =	sadd.s32 s2, s15  }
0x8e: {  	[smem:$0x3FAD] =	sst s2  }
0x8f: {  	_ = 	snop  }
0x90: {  	(tm) =	ssettm $0x1  }
0x91: {  	s16 =	sld [smem:$0x3FFB];
	_ =	sdelay $0x3  }
0x92: {  	_ =	strace s16  }
0x93: {  	s2 =	sld [smem:$0x3FFC];
	_ =	sdelay $0x3  }
0x94: {  	_ =	strace s2  }
0x95: {  	s2 =	sld [smem:$0x3FFD];
	_ =	sdelay $0x3  }
0x96: {  	_ =	strace s2  }
0x97: {  	_ =	strace $0x8FFFFFFF  }
0x98: {  	s17 =	sld [smem:$0x3FDB];
	_ =	sdelay $0x1  }
0x99: {  	s18 =	simm.s32 $_scs_section_size  }
0x9a: {  	s4 =	simm.s32 $_size__tile_overlayer_lowered;
	s5 =	simm.s32 $_tile_overlayer_lowered  }
0x9b: {  	s21 =	simm.s32 $0x1BFF;
	s20 =	sshll.u32 s5, $0x1;
	s2 =	sadd.s32 s18, s17  }
0x9c: {  	s6 =	simm.s32 $0x0;
	s19 =	sshll.u32 s4, $0x1;
	s4 =	sadd.s32 s20, s2  }
0x9d: {  	[timem:s6], [sflag:s21] =	dma.local [hbm:s4], s19  }
0x9e: {  	_ =	swait.ge [sflag:s21], s19  }
0x9f: {  	s3 =	ssub.s32 $0x0, s19;
	[sflag:s21] =	ssyncset.done $0x0  }
0xa0: {  	[sflag:s21] =	ssyncadd.s32 s3;
	_ =	sdelay $0x1  }
0xa1: {  	s22 =	simm.s32 $0x1B8B  }
0xa2: {  	_ =	swait.ge [sflag:s22], $0x1  }
0xa3: {  	[sflag:s22] =	ssyncset.done $0x0  }
0xa4: {  	s23 =	sld [smem:$0x3FFE];
	[sflag:s22] =	ssyncadd.s32 $0xFFFFFFFF  }
0xa5: {  	s25 =	simm.s32 $0x1B8E;
	s24 =	sld [smem:$0x0]  }
0xa6: {  	s26 =	simm.s32 $execute0_lowered;
	[smem:$0x3FD2] =	sst s25  }
0xa7: {  	s5 =	sshll.u32 s26, $0x1;
	_ =	strace $0x80000055;
	[dreg:$0x1] =	wrdreg $0xFFFFFFFF  }
0xa8: {  	s28 =	simm.s32 $_size_execute0_lowered;
	s2 =	sadd.s32 s2, s5;
	[dreg:$0x0] =	wrdreg $0x0  }
0xa9: {  	s5 =	sshll.u32 s28, $0x1;
	[dreg:$0x2] =	wrdreg s2  }
0xaa: {  	[dreg:$0x3] =	wrdreg s5  }
0xab: {  	[dreg:$0x4] =	wrdreg $0xC0  }
0xac: {  	_ =	task [dreg:s6], $0x5FFFF  }
0xad: {  	[dreg:$0x1] =	wrdreg $0xFFFFFFFF  }
0xae: {  	[dreg:$0x0] =	wrdreg $0x60  }
0xaf: {  	[dreg:$0x2] =	wrdreg s23  }
0xb0: {  	[dreg:$0x3] =	wrdreg s1  }
0xb1: {  	[dreg:$0x4] =	wrdreg s24  }
0xb2: {  	[dreg:$0x5] =	wrdreg $0x9  }
0xb3: {  	_ =	task.clear_ibuf [dreg:s6], $0x6FFFF;
	_ =	strace $0x90000055  }
0xb4: {  	s29 =	simm.s32 $0x9;
	_ =	strace $0x80000057  }
0xb5: {  	_ =	swait.ge [sflag:s29], $0x1  }
0xb6: {  	[sflag:s29] =	ssyncadd.s32 $0xFFFFFFFF  }
0xb7: {  	_ =	strace $0x90000057  }
0xb8: {  	_ =	sfence  }
0xb9: {  	s30 =	sld [smem:$0x0];
	_ =	sdelay $0x2  }
0xba: {  	s31 =	sshll.u32 s1, $0xD;
	s1 =	sshrl.u32 s1, $0x2  }
0xbb: {  	s3 =	sand.u32 $0x4000, s31;
	s1 =	sadd.s32 s1, s30  }
0xbc: {  	s0 =	sor.u32 s3, s0;
	s1 =	sshll.u32 s1, $0x11  }
0xbd: {  	s0 =	sor.u32 s1, s0  }
0xbe: {  	s0 =	sadd.s32 $0x8F2B, s0  }
0xbf: {  	[sflag:s0] =	ssyncadd.remote.s32 $0x1  }
0xc0: {  	_ =	sfence.sel $0xFFFF  }
0xc1: {  	[dreg:$0x0] =	wrdreg $0xFFFFFFFF;
	(pc) =	sbr.abs _section_cstart, $3  }
0xc2: {  	[dreg:$0x1] =	wrdreg $0xFFFFFFFF  }
0xc3: {  	_ =	task.clear_ibuf [dreg:s6], $0x2FFFF;
	_ =	strace $0x9FFFFFFF  }
0xc4: {  	(tm) =	ssettm $0x7FFFFFFF  }
0xc5: {  	_ =	shalt  }
tec
execute0_lowered:
.L_overlay_start_1:
0x0: {  	(tag) =	ssettag $0x1  }
0x1: {  	s6 =	rddreg [dreg:$0x0];
	_ =	strace $0x80000056;
	s5 =	simm.s32 $0x1  }
0x2: {  	v0 =	vimm.s32 $0x0;
	[sflag:s5] =	ssyncpa.u1 $0x0  }
0x3: {  	[tilespmem:$0x28] =	vst v0  }
0x4: {  	[tilespmem:$0x38] =	vst v0  }
0x5: {  	[tilespmem:$0x48] =	vst v0  }
0x6: {  	[tilespmem:$0x58] =	vst v0  }
0x7: {  	[tilespmem:$0x68] =	vst v0  }
0x8: {  	[tilespmem:$0x78] =	vst v0  }
0x9: {  	[tilespmem:$0x88] =	vst v0  }
0xa: {  	[tilespmem:$0x98] =	vst v0  }
0xb: {  	[tilespmem:$0xA8] =	vst v0  }
0xc: {  	[tilespmem:$0xB8] =	vst v0  }
0xd: {  	[tilespmem:$0xC8] =	vst v0  }
0xe: {  	[tilespmem:$0xD8] =	vst v0  }
0xf: {  	[tilespmem:$0xE8] =	vst v0  }
0x10: {  	[tilespmem:$0xF8] =	vst v0  }
0x11: {  	[tilespmem:$0x108] =	vst v0  }
0x12: {  	[tilespmem:$0x118] =	vst v0  }
0x13: {  	[tilespmem:$0x128] =	vst v0  }
0x14: {  	[tilespmem:$0x138] =	vst v0  }
0x15: {  	[tilespmem:$0x148] =	vst v0  }
0x16: {  	[tilespmem:$0x158] =	vst v0  }
0x17: {  	[tilespmem:$0x168] =	vst v0  }
0x18: {  	[tilespmem:$0x178] =	vst v0  }
0x19: {  	[tilespmem:$0x188] =	vst v0  }
0x1a: {  	[tilespmem:$0x198] =	vst v0  }
0x1b: {  	[tilespmem:$0x1A8] =	vst v0  }
0x1c: {  	[tilespmem:$0x1B8] =	vst v0  }
0x1d: {  	[tilespmem:$0x1C8] =	vst v0  }
0x1e: {  	[tilespmem:$0x1D8] =	vst v0  }
0x1f: {  	[tilespmem:$0x1E8] =	vst v0  }
0x20: {  	[tilespmem:$0x1F8] =	vst v0  }
0x21: {  	[tilespmem:$0x208] =	vst v0  }
0x22: {  	[tilespmem:$0x218] =	vst v0  }
0x23: {  	[tilespmem:$0x228] =	vst v0  }
0x24: {  	[tilespmem:$0x238] =	vst v0  }
0x25: {  	[tilespmem:$0x248] =	vst v0  }
0x26: {  	[tilespmem:$0x258] =	vst v0  }
0x27: {  	[tilespmem:$0x268] =	vst v0  }
0x28: {  	[tilespmem:$0x278] =	vst v0  }
0x29: {  	[tilespmem:$0x288] =	vst v0  }
0x2a: {  	[tilespmem:$0x298] =	vst v0  }
0x2b: {  	[tilespmem:$0x2A8] =	vst v0  }
0x2c: {  	[tilespmem:$0x2B8] =	vst v0  }
0x2d: {  	[tilespmem:$0x2C8] =	vst v0  }
0x2e: {  	[tilespmem:$0x2D8] =	vst v0  }
0x2f: {  	[tilespmem:$0x2E8] =	vst v0  }
0x30: {  	[tilespmem:$0x2F8] =	vst v0  }
0x31: {  	[tilespmem:$0x308] =	vst v0  }
0x32: {  	[tilespmem:$0x318] =	vst v0  }
0x33: {  	[tilespmem:$0x328] =	vst v0  }
0x34: {  	[tilespmem:$0x338] =	vst v0  }
0x35: {  	[tilespmem:$0x348] =	vst v0  }
0x36: {  	[tilespmem:$0x358] =	vst v0  }
0x37: {  	[tilespmem:$0x368] =	vst v0  }
0x38: {  	[tilespmem:$0x378] =	vst v0  }
0x39: {  	[tilespmem:$0x388] =	vst v0  }
0x3a: {  	[tilespmem:$0x398] =	vst v0  }
0x3b: {  	[tilespmem:$0x3A8] =	vst v0  }
0x3c: {  	[tilespmem:$0x3B8] =	vst v0  }
0x3d: {  	[tilespmem:$0x3C8] =	vst v0  }
0x3e: {  	[tilespmem:$0x3D8] =	vst v0  }
0x3f: {  	[tilespmem:$0x3E8] =	vst v0  }
0x40: {  	[tilespmem:$0x3F8] =	vst v0  }
0x41: {  	[tilespmem:$0x408] =	vst v0  }
0x42: {  	[tilespmem:$0x418] =	vst v0  }
0x43: {  	[tilespmem:$0x428] =	vst v0  }
0x44: {  	[tilespmem:$0x438] =	vst v0  }
0x45: {  	[tilespmem:$0x448] =	vst v0  }
0x46: {  	[tilespmem:$0x458] =	vst v0  }
0x47: {  	[tilespmem:$0x468] =	vst v0  }
0x48: {  	[tilespmem:$0x478] =	vst v0  }
0x49: {  	[tilespmem:$0x488] =	vst v0  }
0x4a: {  	[tilespmem:$0x498] =	vst v0  }
0x4b: {  	[tilespmem:$0x4A8] =	vst v0  }
0x4c: {  	[tilespmem:$0x4B8] =	vst v0  }
0x4d: {  	[tilespmem:$0x4C8] =	vst v0  }
0x4e: {  	[tilespmem:$0x4D8] =	vst v0  }
0x4f: {  	[tilespmem:$0x4E8] =	vst v0  }
0x50: {  	[tilespmem:$0x4F8] =	vst v0  }
0x51: {  	[tilespmem:$0x508] =	vst v0  }
0x52: {  	[tilespmem:$0x518] =	vst v0  }
0x53: {  	[tilespmem:$0x528] =	vst v0  }
0x54: {  	[tilespmem:$0x538] =	vst v0  }
0x55: {  	[tilespmem:$0x548] =	vst v0  }
0x56: {  	[tilespmem:$0x558] =	vst v0  }
0x57: {  	[tilespmem:$0x568] =	vst v0  }
0x58: {  	[tilespmem:$0x578] =	vst v0  }
0x59: {  	[tilespmem:$0x588] =	vst v0  }
0x5a: {  	[tilespmem:$0x598] =	vst v0  }
0x5b: {  	[tilespmem:$0x5A8] =	vst v0  }
0x5c: {  	[tilespmem:$0x5B8] =	vst v0  }
0x5d: {  	[tilespmem:$0x5C8] =	vst v0  }
0x5e: {  	[tilespmem:$0x5D8] =	vst v0  }
0x5f: {  	[tilespmem:$0x5E8] =	vst v0  }
0x60: {  	[tilespmem:$0x5F8] =	vst v0  }
0x61: {  	[tilespmem:$0x608] =	vst v0  }
0x62: {  	[tilespmem:$0x618] =	vst v0  }
0x63: {  	[tilespmem:$0x628] =	vst v0  }
0x64: {  	[tilespmem:$0x638] =	vst v0  }
0x65: {  	[tilespmem:$0x648] =	vst v0  }
0x66: {  	[tilespmem:$0x658] =	vst v0  }
0x67: {  	[tilespmem:$0x668] =	vst v0  }
0x68: {  	[tilespmem:$0x678] =	vst v0  }
0x69: {  	[tilespmem:$0x688] =	vst v0  }
0x6a: {  	[tilespmem:$0x698] =	vst v0  }
0x6b: {  	[tilespmem:$0x6A8] =	vst v0  }
0x6c: {  	[tilespmem:$0x6B8] =	vst v0  }
0x6d: {  	[tilespmem:$0x6C8] =	vst v0  }
0x6e: {  	[tilespmem:$0x6D8] =	vst v0  }
0x6f: {  	[tilespmem:$0x6E8] =	vst v0  }
0x70: {  	[tilespmem:$0x6F8] =	vst v0  }
0x71: {  	[tilespmem:$0x708] =	vst v0  }
0x72: {  	[tilespmem:$0x718] =	vst v0  }
0x73: {  	[tilespmem:$0x728] =	vst v0  }
0x74: {  	[tilespmem:$0x738] =	vst v0  }
0x75: {  	[tilespmem:$0x748] =	vst v0  }
0x76: {  	[tilespmem:$0x758] =	vst v0  }
0x77: {  	[tilespmem:$0x768] =	vst v0  }
0x78: {  	[tilespmem:$0x778] =	vst v0  }
0x79: {  	[tilespmem:$0x788] =	vst v0  }
0x7a: {  	[tilespmem:$0x798] =	vst v0  }
0x7b: {  	[tilespmem:$0x7A8] =	vst v0  }
0x7c: {  	[tilespmem:$0x7B8] =	vst v0  }
0x7d: {  	[tilespmem:$0x7C8] =	vst v0  }
0x7e: {  	[tilespmem:$0x7D8] =	vst v0  }
0x7f: {  	[tilespmem:$0x7E8] =	vst v0  }
0x80: {  	[tilespmem:$0x7F8] =	vst v0  }
0x81: {  	[tilespmem:$0x808] =	vst v0  }
0x82: {  	[tilespmem:$0x818] =	vst v0  }
0x83: {  	[tilespmem:$0x828] =	vst v0  }
0x84: {  	[tilespmem:$0x838] =	vst v0  }
0x85: {  	[tilespmem:$0x848] =	vst v0  }
0x86: {  	[tilespmem:$0x858] =	vst v0  }
0x87: {  	[tilespmem:$0x868] =	vst v0  }
0x88: {  	[tilespmem:$0x878] =	vst v0  }
0x89: {  	[tilespmem:$0x888] =	vst v0  }
0x8a: {  	[tilespmem:$0x898] =	vst v0  }
0x8b: {  	[tilespmem:$0x8A8] =	vst v0  }
0x8c: {  	[tilespmem:$0x8B8] =	vst v0  }
0x8d: {  	[tilespmem:$0x8C8] =	vst v0  }
0x8e: {  	[tilespmem:$0x8D8] =	vst v0  }
0x8f: {  	[tilespmem:$0x8E8] =	vst v0  }
0x90: {  	[tilespmem:$0x8F8] =	vst v0  }
0x91: {  	[tilespmem:$0x908] =	vst v0  }
0x92: {  	[tilespmem:$0x918] =	vst v0  }
0x93: {  	[tilespmem:$0x928] =	vst v0  }
0x94: {  	[tilespmem:$0x938] =	vst v0  }
0x95: {  	[tilespmem:$0x948] =	vst v0  }
0x96: {  	[tilespmem:$0x958] =	vst v0  }
0x97: {  	[tilespmem:$0x968] =	vst v0  }
0x98: {  	[tilespmem:$0x978] =	vst v0  }
0x99: {  	[tilespmem:$0x988] =	vst v0  }
0x9a: {  	[tilespmem:$0x998] =	vst v0  }
0x9b: {  	[tilespmem:$0x9A8] =	vst v0  }
0x9c: {  	[tilespmem:$0x9B8] =	vst v0  }
0x9d: {  	[tilespmem:$0x9C8] =	vst v0  }
0x9e: {  	[tilespmem:$0x9D8] =	vst v0  }
0x9f: {  	[tilespmem:$0x9E8] =	vst v0  }
0xa0: {  	[tilespmem:$0x9F8] =	vst v0  }
0xa1: {  	[tilespmem:$0xA08] =	vst v0  }
0xa2: {  	[tilespmem:$0xA18] =	vst v0  }
0xa3: {  	[tilespmem:$0xA28] =	vst v0  }
0xa4: {  	[tilespmem:$0xA38] =	vst v0  }
0xa5: {  	[tilespmem:$0xA48] =	vst v0  }
0xa6: {  	[tilespmem:$0xA58] =	vst v0  }
0xa7: {  	[tilespmem:$0xA68] =	vst v0  }
0xa8: {  	[tilespmem:$0xA78] =	vst v0  }
0xa9: {  	[tilespmem:$0xA88] =	vst v0  }
0xaa: {  	[tilespmem:$0xA98] =	vst v0  }
0xab: {  	[tilespmem:$0xAA8] =	vst v0  }
0xac: {  	[tilespmem:$0xAB8] =	vst v0  }
0xad: {  	[tilespmem:$0xAC8] =	vst v0  }
0xae: {  	[tilespmem:$0xAD8] =	vst v0  }
0xaf: {  	[tilespmem:$0xAE8] =	vst v0  }
0xb0: {  	[tilespmem:$0xAF8] =	vst v0  }
0xb1: {  	[tilespmem:$0xB08] =	vst v0  }
0xb2: {  	[tilespmem:$0xB18] =	vst v0  }
0xb3: {  	[tilespmem:$0xB28] =	vst v0  }
0xb4: {  	[tilespmem:$0xB38] =	vst v0  }
0xb5: {  	[tilespmem:$0xB48] =	vst v0  }
0xb6: {  	[tilespmem:$0xB58] =	vst v0  }
0xb7: {  	[tilespmem:$0xB68] =	vst v0  }
0xb8: {  	[tilespmem:$0xB78] =	vst v0  }
0xb9: {  	[tilespmem:$0xB88] =	vst v0  }
0xba: {  	[tilespmem:$0xB98] =	vst v0  }
0xbb: {  	[tilespmem:$0xBA8] =	vst v0  }
0xbc: {  	[tilespmem:$0xBB8] =	vst v0  }
0xbd: {  	[tilespmem:$0xBC8] =	vst v0  }
0xbe: {  	[tilespmem:$0xBD8] =	vst v0  }
0xbf: {  	[tilespmem:$0xBE8] =	vst v0  }
0xc0: {  	[tilespmem:$0xBF8] =	vst v0  }
0xc1: {  	[tilespmem:$0xC08] =	vst v0  }
0xc2: {  	[tilespmem:$0xC18] =	vst v0  }
0xc3: {  	[tilespmem:$0xC28] =	vst v0  }
0xc4: {  	[tilespmem:$0xC38] =	vst v0  }
0xc5: {  	[tilespmem:$0xC48] =	vst v0  }
0xc6: {  	[tilespmem:$0xC58] =	vst v0  }
0xc7: {  	[tilespmem:$0xC68] =	vst v0  }
0xc8: {  	[tilespmem:$0xC78] =	vst v0  }
0xc9: {  	[tilespmem:$0xC88] =	vst v0  }
0xca: {  	[tilespmem:$0xC98] =	vst v0  }
0xcb: {  	[tilespmem:$0xCA8] =	vst v0  }
0xcc: {  	[tilespmem:$0xCB8] =	vst v0  }
0xcd: {  	[tilespmem:$0xCC8] =	vst v0  }
0xce: {  	[tilespmem:$0xCD8] =	vst v0  }
0xcf: {  	[tilespmem:$0xCE8] =	vst v0  }
0xd0: {  	[tilespmem:$0xCF8] =	vst v0  }
0xd1: {  	[tilespmem:$0xD08] =	vst v0  }
0xd2: {  	[tilespmem:$0xD18] =	vst v0  }
0xd3: {  	[tilespmem:$0xD28] =	vst v0  }
0xd4: {  	[tilespmem:$0xD38] =	vst v0  }
0xd5: {  	[tilespmem:$0xD48] =	vst v0  }
0xd6: {  	[tilespmem:$0xD58] =	vst v0  }
0xd7: {  	[tilespmem:$0xD68] =	vst v0  }
0xd8: {  	[tilespmem:$0xD78] =	vst v0  }
0xd9: {  	[tilespmem:$0xD88] =	vst v0  }
0xda: {  	[tilespmem:$0xD98] =	vst v0  }
0xdb: {  	[tilespmem:$0xDA8] =	vst v0  }
0xdc: {  	[tilespmem:$0xDB8] =	vst v0  }
0xdd: {  	[tilespmem:$0xDC8] =	vst v0  }
0xde: {  	[tilespmem:$0xDD8] =	vst v0  }
0xdf: {  	[tilespmem:$0xDE8] =	vst v0  }
0xe0: {  	[tilespmem:$0xDF8] =	vst v0  }
0xe1: {  	[tilespmem:$0xE08] =	vst v0  }
0xe2: {  	[tilespmem:$0xE18] =	vst v0  }
0xe3: {  	[tilespmem:$0xE28] =	vst v0  }
0xe4: {  	[tilespmem:$0xE38] =	vst v0  }
0xe5: {  	[tilespmem:$0xE48] =	vst v0  }
0xe6: {  	[tilespmem:$0xE58] =	vst v0  }
0xe7: {  	[tilespmem:$0xE68] =	vst v0  }
0xe8: {  	[tilespmem:$0xE78] =	vst v0  }
0xe9: {  	[tilespmem:$0xE88] =	vst v0  }
0xea: {  	[tilespmem:$0xE98] =	vst v0  }
0xeb: {  	[tilespmem:$0xEA8] =	vst v0  }
0xec: {  	[tilespmem:$0xEB8] =	vst v0  }
0xed: {  	[tilespmem:$0xEC8] =	vst v0  }
0xee: {  	[tilespmem:$0xED8] =	vst v0  }
0xef: {  	[tilespmem:$0xEE8] =	vst v0  }
0xf0: {  	[tilespmem:$0xEF8] =	vst v0  }
0xf1: {  	[tilespmem:$0xF08] =	vst v0  }
0xf2: {  	[tilespmem:$0xF18] =	vst v0  }
0xf3: {  	[tilespmem:$0xF28] =	vst v0  }
0xf4: {  	[tilespmem:$0xF38] =	vst v0  }
0xf5: {  	[tilespmem:$0xF48] =	vst v0  }
0xf6: {  	[tilespmem:$0xF58] =	vst v0  }
0xf7: {  	[tilespmem:$0xF68] =	vst v0  }
0xf8: {  	[tilespmem:$0xF78] =	vst v0  }
0xf9: {  	[tilespmem:$0xF88] =	vst v0  }
0xfa: {  	[tilespmem:$0xF98] =	vst v0  }
0xfb: {  	[tilespmem:$0xFA8] =	vst v0  }
0xfc: {  	[tilespmem:$0xFB8] =	vst v0  }
0xfd: {  	[tilespmem:$0xFC8] =	vst v0  }
0xfe: {  	[tilespmem:$0xFD8] =	vst v0  }
0xff: {  	[tilespmem:$0xFE8] =	vst v0  }
0x100: {  	[tilespmem:$0xFF8] =	vst v0  }
0x101: {  	[tilespmem:$0x1008] =	vst v0  }
0x102: {  	[tilespmem:$0x10E8] =	vst v0  }
0x103: {  	[tilespmem:$0x1C28] =	vst v0  }
0x104: {  	[tilespmem:$0x1C18] =	vst v0  }
0x105: {  	[tilespmem:$0x1C08] =	vst v0  }
0x106: {  	[tilespmem:$0x1BF8] =	vst v0  }
0x107: {  	[tilespmem:$0x1BE8] =	vst v0  }
0x108: {  	[tilespmem:$0x1BD8] =	vst v0  }
0x109: {  	[tilespmem:$0x1BC8] =	vst v0  }
0x10a: {  	[tilespmem:$0x1BB8] =	vst v0  }
0x10b: {  	[tilespmem:$0x1BA8] =	vst v0  }
0x10c: {  	[tilespmem:$0x1B98] =	vst v0  }
0x10d: {  	[tilespmem:$0x1B88] =	vst v0  }
0x10e: {  	[tilespmem:$0x1B78] =	vst v0  }
0x10f: {  	[tilespmem:$0x1B68] =	vst v0  }
0x110: {  	[tilespmem:$0x1B58] =	vst v0  }
0x111: {  	[tilespmem:$0x1B48] =	vst v0  }
0x112: {  	[tilespmem:$0x1B38] =	vst v0  }
0x113: {  	[tilespmem:$0x1B28] =	vst v0  }
0x114: {  	[tilespmem:$0x1B18] =	vst v0  }
0x115: {  	[tilespmem:$0x1B08] =	vst v0  }
0x116: {  	[tilespmem:$0x1AF8] =	vst v0  }
0x117: {  	[tilespmem:$0x1AE8] =	vst v0  }
0x118: {  	[tilespmem:$0x1AD8] =	vst v0  }
0x119: {  	[tilespmem:$0x1AC8] =	vst v0  }
0x11a: {  	[tilespmem:$0x1AB8] =	vst v0  }
0x11b: {  	[tilespmem:$0x1AA8] =	vst v0  }
0x11c: {  	[tilespmem:$0x1A98] =	vst v0  }
0x11d: {  	[tilespmem:$0x1A88] =	vst v0  }
0x11e: {  	[tilespmem:$0x1A78] =	vst v0  }
0x11f: {  	[tilespmem:$0x1A68] =	vst v0  }
0x120: {  	[tilespmem:$0x1A58] =	vst v0  }
0x121: {  	[tilespmem:$0x1A48] =	vst v0  }
0x122: {  	[tilespmem:$0x1A38] =	vst v0  }
0x123: {  	[tilespmem:$0x1A28] =	vst v0  }
0x124: {  	[tilespmem:$0x1A18] =	vst v0  }
0x125: {  	[tilespmem:$0x1A08] =	vst v0  }
0x126: {  	[tilespmem:$0x19F8] =	vst v0  }
0x127: {  	[tilespmem:$0x19E8] =	vst v0  }
0x128: {  	[tilespmem:$0x19D8] =	vst v0  }
0x129: {  	[tilespmem:$0x19C8] =	vst v0  }
0x12a: {  	[tilespmem:$0x19B8] =	vst v0  }
0x12b: {  	[tilespmem:$0x19A8] =	vst v0  }
0x12c: {  	[tilespmem:$0x1998] =	vst v0  }
0x12d: {  	[tilespmem:$0x1988] =	vst v0  }
0x12e: {  	[tilespmem:$0x1978] =	vst v0  }
0x12f: {  	[tilespmem:$0x1968] =	vst v0  }
0x130: {  	[tilespmem:$0x1958] =	vst v0  }
0x131: {  	[tilespmem:$0x1948] =	vst v0  }
0x132: {  	[tilespmem:$0x1938] =	vst v0  }
0x133: {  	[tilespmem:$0x1928] =	vst v0  }
0x134: {  	[tilespmem:$0x1918] =	vst v0  }
0x135: {  	[tilespmem:$0x1908] =	vst v0  }
0x136: {  	[tilespmem:$0x18F8] =	vst v0  }
0x137: {  	[tilespmem:$0x18E8] =	vst v0  }
0x138: {  	[tilespmem:$0x18D8] =	vst v0  }
0x139: {  	[tilespmem:$0x18C8] =	vst v0  }
0x13a: {  	[tilespmem:$0x18B8] =	vst v0  }
0x13b: {  	[tilespmem:$0x18A8] =	vst v0  }
0x13c: {  	[tilespmem:$0x1898] =	vst v0  }
0x13d: {  	[tilespmem:$0x1888] =	vst v0  }
0x13e: {  	[tilespmem:$0x1878] =	vst v0  }
0x13f: {  	[tilespmem:$0x1868] =	vst v0  }
0x140: {  	[tilespmem:$0x1858] =	vst v0  }
0x141: {  	[tilespmem:$0x1848] =	vst v0  }
0x142: {  	[tilespmem:$0x1838] =	vst v0  }
0x143: {  	[tilespmem:$0x1828] =	vst v0  }
0x144: {  	[tilespmem:$0x1818] =	vst v0  }
0x145: {  	[tilespmem:$0x1808] =	vst v0  }
0x146: {  	[tilespmem:$0x17F8] =	vst v0  }
0x147: {  	[tilespmem:$0x17E8] =	vst v0  }
0x148: {  	[tilespmem:$0x17D8] =	vst v0  }
0x149: {  	[tilespmem:$0x17C8] =	vst v0  }
0x14a: {  	[tilespmem:$0x17B8] =	vst v0  }
0x14b: {  	[tilespmem:$0x17A8] =	vst v0  }
0x14c: {  	[tilespmem:$0x1798] =	vst v0  }
0x14d: {  	[tilespmem:$0x1788] =	vst v0  }
0x14e: {  	[tilespmem:$0x1778] =	vst v0  }
0x14f: {  	[tilespmem:$0x1768] =	vst v0  }
0x150: {  	[tilespmem:$0x1758] =	vst v0  }
0x151: {  	[tilespmem:$0x1748] =	vst v0  }
0x152: {  	[tilespmem:$0x1738] =	vst v0  }
0x153: {  	[tilespmem:$0x1728] =	vst v0  }
0x154: {  	[tilespmem:$0x1718] =	vst v0  }
0x155: {  	[tilespmem:$0x1708] =	vst v0  }
0x156: {  	[tilespmem:$0x16F8] =	vst v0  }
0x157: {  	[tilespmem:$0x16E8] =	vst v0  }
0x158: {  	[tilespmem:$0x16D8] =	vst v0  }
0x159: {  	[tilespmem:$0x16C8] =	vst v0  }
0x15a: {  	[tilespmem:$0x16B8] =	vst v0  }
0x15b: {  	[tilespmem:$0x16A8] =	vst v0  }
0x15c: {  	[tilespmem:$0x1698] =	vst v0  }
0x15d: {  	[tilespmem:$0x1688] =	vst v0  }
0x15e: {  	[tilespmem:$0x1678] =	vst v0  }
0x15f: {  	[tilespmem:$0x1668] =	vst v0  }
0x160: {  	[tilespmem:$0x1658] =	vst v0  }
0x161: {  	[tilespmem:$0x1648] =	vst v0  }
0x162: {  	[tilespmem:$0x1638] =	vst v0  }
0x163: {  	[tilespmem:$0x1628] =	vst v0  }
0x164: {  	[tilespmem:$0x1618] =	vst v0  }
0x165: {  	[tilespmem:$0x1608] =	vst v0  }
0x166: {  	[tilespmem:$0x15F8] =	vst v0  }
0x167: {  	[tilespmem:$0x15E8] =	vst v0  }
0x168: {  	[tilespmem:$0x15D8] =	vst v0  }
0x169: {  	[tilespmem:$0x15C8] =	vst v0  }
0x16a: {  	[tilespmem:$0x15B8] =	vst v0  }
0x16b: {  	[tilespmem:$0x15A8] =	vst v0  }
0x16c: {  	[tilespmem:$0x1598] =	vst v0  }
0x16d: {  	[tilespmem:$0x1588] =	vst v0  }
0x16e: {  	[tilespmem:$0x1578] =	vst v0  }
0x16f: {  	[tilespmem:$0x1568] =	vst v0  }
0x170: {  	[tilespmem:$0x1558] =	vst v0  }
0x171: {  	[tilespmem:$0x1548] =	vst v0  }
0x172: {  	[tilespmem:$0x1538] =	vst v0  }
0x173: {  	[tilespmem:$0x1528] =	vst v0  }
0x174: {  	[tilespmem:$0x1518] =	vst v0  }
0x175: {  	[tilespmem:$0x1508] =	vst v0  }
0x176: {  	[tilespmem:$0x14F8] =	vst v0  }
0x177: {  	[tilespmem:$0x14E8] =	vst v0  }
0x178: {  	[tilespmem:$0x14D8] =	vst v0  }
0x179: {  	[tilespmem:$0x14C8] =	vst v0  }
0x17a: {  	[tilespmem:$0x14B8] =	vst v0  }
0x17b: {  	[tilespmem:$0x14A8] =	vst v0  }
0x17c: {  	[tilespmem:$0x1498] =	vst v0  }
0x17d: {  	[tilespmem:$0x1488] =	vst v0  }
0x17e: {  	[tilespmem:$0x1478] =	vst v0  }
0x17f: {  	[tilespmem:$0x1468] =	vst v0  }
0x180: {  	[tilespmem:$0x1458] =	vst v0  }
0x181: {  	[tilespmem:$0x1448] =	vst v0  }
0x182: {  	[tilespmem:$0x1438] =	vst v0  }
0x183: {  	[tilespmem:$0x1428] =	vst v0  }
0x184: {  	[tilespmem:$0x1418] =	vst v0  }
0x185: {  	[tilespmem:$0x1408] =	vst v0  }
0x186: {  	[tilespmem:$0x13F8] =	vst v0  }
0x187: {  	[tilespmem:$0x13E8] =	vst v0  }
0x188: {  	[tilespmem:$0x13D8] =	vst v0  }
0x189: {  	[tilespmem:$0x13C8] =	vst v0  }
0x18a: {  	[tilespmem:$0x13B8] =	vst v0  }
0x18b: {  	[tilespmem:$0x13A8] =	vst v0  }
0x18c: {  	[tilespmem:$0x1398] =	vst v0  }
0x18d: {  	[tilespmem:$0x1388] =	vst v0  }
0x18e: {  	[tilespmem:$0x1378] =	vst v0  }
0x18f: {  	[tilespmem:$0x1368] =	vst v0  }
0x190: {  	[tilespmem:$0x1358] =	vst v0  }
0x191: {  	[tilespmem:$0x1348] =	vst v0  }
0x192: {  	[tilespmem:$0x1338] =	vst v0  }
0x193: {  	[tilespmem:$0x1328] =	vst v0  }
0x194: {  	[tilespmem:$0x1318] =	vst v0  }
0x195: {  	[tilespmem:$0x1308] =	vst v0  }
0x196: {  	[tilespmem:$0x12F8] =	vst v0  }
0x197: {  	[tilespmem:$0x12E8] =	vst v0  }
0x198: {  	[tilespmem:$0x12D8] =	vst v0  }
0x199: {  	[tilespmem:$0x12C8] =	vst v0  }
0x19a: {  	[tilespmem:$0x12B8] =	vst v0  }
0x19b: {  	[tilespmem:$0x12A8] =	vst v0  }
0x19c: {  	[tilespmem:$0x1298] =	vst v0  }
0x19d: {  	[tilespmem:$0x1288] =	vst v0  }
0x19e: {  	[tilespmem:$0x1278] =	vst v0  }
0x19f: {  	[tilespmem:$0x1268] =	vst v0  }
0x1a0: {  	[tilespmem:$0x1258] =	vst v0  }
0x1a1: {  	[tilespmem:$0x1248] =	vst v0  }
0x1a2: {  	[tilespmem:$0x1238] =	vst v0  }
0x1a3: {  	[tilespmem:$0x1228] =	vst v0  }
0x1a4: {  	[tilespmem:$0x1218] =	vst v0  }
0x1a5: {  	[tilespmem:$0x1208] =	vst v0  }
0x1a6: {  	[tilespmem:$0x11F8] =	vst v0  }
0x1a7: {  	[tilespmem:$0x11E8] =	vst v0  }
0x1a8: {  	[tilespmem:$0x11D8] =	vst v0  }
0x1a9: {  	[tilespmem:$0x11C8] =	vst v0  }
0x1aa: {  	[tilespmem:$0x11B8] =	vst v0  }
0x1ab: {  	[tilespmem:$0x11A8] =	vst v0  }
0x1ac: {  	[tilespmem:$0x1198] =	vst v0  }
0x1ad: {  	[tilespmem:$0x1188] =	vst v0  }
0x1ae: {  	[tilespmem:$0x1178] =	vst v0  }
0x1af: {  	[tilespmem:$0x1168] =	vst v0  }
0x1b0: {  	[tilespmem:$0x1158] =	vst v0  }
0x1b1: {  	s3 =	srdreg.scid;
	[tilespmem:$0x1148] =	vst v0  }
0x1b2: {  	s3 =	sshll.u32 s3, $0x4;
	[tilespmem:$0x1138] =	vst v0  }
0x1b3: {  	s4 =	stileid.u32;
	s3 =	sand.u32 $0x10, s3;
	[tilespmem:$0x1128] =	vst v0  }
0x1b4: {  	[tilespmem:$0x1118] =	vst v0;
	s3 =	sor.u32 s4, s3  }
0x1b5: {  	[tilespmem:$0x1108] =	vst v0;
	s7 =	smul.u32 $0xB, s3  }
0x1b6: {  	s8 =	smin.u32 s3, $0x6;
	[tilespmem:$0x10F8] =	vst v0  }
0x1b7: {  	[tilespmem:$0x10C8] =	vst v0;
	s7 =	sadd.s32 s8, s7  }
0x1b8: {  	[tilespmem:$0x10D8] =	vst v0;
	p0 =	slt.u32 s3, $0x6;
	s8 =	simm.s32 $0x1500;
	s7 =	smul.u32 $0x1C0, s7  }
0x1b9: {  	s8 =	simm.s32 @!p0 $0x1340;
	[tilespmem:$0x10B8] =	vst v0  }
0x1ba: {  	[tilespmem:$0x1048] =	vst v0;
	s29 =	sadd.s32 s8, s7  }
0x1bb: {  	[tilespmem:$0x10A8] =	vst v0;
	s8 =	smin.u32 s29, $0x27280  }
0x1bc: {  	[tilespmem:$0x1098] =	vst v0;
	s12 =	ssub.s32 s8, s7  }
0x1bd: {  	[tilespmem:$0x1088] =	vst v0;
	p0 =	sgt.s32 s12, $0x0  }
0x1be: {  	[tilespmem:$0x1078] =	vst v0;
	s12 =	simm.s32 @!p0 $0x0  }
0x1bf: {  	[tilespmem:$0x1068] =	vst v0;
	s30 =	smulhi.u32 $0x92492493, s12  }
0x1c0: {  	[tilespmem:$0x1058] =	vst v0  }
0x1c1: {  	s9 =	simm.s32 $0x2;
	[tilespmem:$0x1028] =	vst v0;
	s13 =	sshrl.u32 s30, $0x8  }
0x1c2: {  	s11 =	simm.s32 $0x9;
	s15 =	simm.s32 $0x0;
	[tilespmem:$0x1038] =	vst v0;
	s14 =	smul.u32 $0x1C0, s13  }
.Ltmp0:
0x1c3: {  	s31 =	sshll.u32 s4, $0x5;
	[tilespmem:$0x1018] =	vst v0;
	[sflag:s9] =	ssyncpa.u1 $0x0;
	v0 =	vimm.s32 $0xFFFFFFFF;
	(pc) =	sbr.rel .LBB2_1-.Ltmp0, $4  }
0x1c4: {  	s10 =	sadd.s32 $0x10C00, s6;
	[dreg:$0x4] =	wrdreg s31;
	[tilespmem:$0x3848] =	vst v0;
	[sflag:s11] =	ssyncpa.u1 $0x0  }
0x1c5: {  	s3 =	sadd.s32 $0x9EF000, s6;
	s6 =	sadd.s32 $0x286C00, s6;
	p0 =	sne.s32 s12, s14  }
0x1c6: {  	s12 =	simm.s32 $0xA;
	s14 =	simm.s32 $0x0;
	s5 =	simm.s32 @!p0 $0x0  }
0x1c7: {  	v0 =	vlaneseq.u32;
	p0 =	por $0x0, $0x0;
	s5 =	sadd.s32 s5, s13;
	s13 =	smov.u32 s7  }
.LBB2_12:
0x1c8: {  	_ =	swait.ge [sflag:s9], $0x0  }
0x1c9: {  	s16 =	simm.s32 $0x0;
	[sflag:s9] =	ssyncset.done $0x0  }
.LBB2_13:
0x1ca: {  	_ =	swait.ge [sflag:s12], s16  }
0x1cb: {  	s0 =	ssub.s32 $0x0, s16;
	v1 =	vmov s17;
	vm0 =	veq.s32 v0, $0x0;
	[sflag:s12] =	ssyncset.done $0x0  }
0x1cc: {  	vm15 =	veq.s32 v0, $0x2;
	v1 =	vsel vm0, s22, v1;
	[sflag:s12] =	ssyncadd.s32 s0  }
0x1cd: {  	v1 =	vsel vm15, s15, v1;
	[sflag:s12] =	ssyncpa.u1 $0x1  }
0x1ce: {  	[tilespmem:$0x3848] =	vst v1  }
.LBB2_14:
0x1cf: {  	s0 =	sadd.s32 $0x1C0, s13  }
0x1d0: {  	s1 =	smov.u32 s7;
	p1 =	slt.s32 s0, s8  }
0x1d1: {  	s1 =	smov.u32 @p1 s0;
	p1 =	sne.s32 s14, s5  }
.Ltmp1:
0x1d2: {  	_ = 	snop;
	(pc) =	sbr.rel @!p1 .LBB2_15-.Ltmp1, $3  }
0x1d3: {  	_ =	sdelay $0x1  }
0x1d4: {  	s31 =	sadd.s32 $0x1, s14;
	s15 =	smov.u32 s13  }
0x1d5: {  	p0 =	por !p0, !p0;
	s14 =	smov.u32 s31;
	s13 =	smov.u32 s1  }
.LBB2_1:
0x1d6: {  	p1 =	sge.u32 s14, s5  }
0x1d7: {  	p2 =	sgt.s32 @!p1 s13, $0x270C0  }
0x1d8: {  	s16 =	smov.u32 s13;
	s17 =	sshra.s32 @!p1 s13, $0x1F;
	p2 =	por !p2, p1  }
0x1d9: {  	s17 =	sand.u32 @!p1 s17, s13;
	s16 =	simm.s32 @p2 $0x270C0  }
0x1da: {  	s16 =	ssub.s32 @!p1 s16, s17  }
0x1db: {  	s17 =	sxor.u32 @!p1 $0xFFFFFFFF, s14;
	s16 =	sadd.s32 @!p1 $0xFFFD8F40, s16  }
0x1dc: {  	s17 =	sand.u32 @!p1 $0x1, s17;
	s18 =	sshll.u32 @!p1 s16, $0x2  }
0x1dd: {  	p2 =	sgt.s32 @!p1 s16, $0x1BF;
	s16 =	ssub.s32 @!p1 $0x700, s18;
	s18 =	smul.u32 @!p1 $0x700, s17  }
0x1de: {  	s19 =	sshrl.u32 @!p1 s13, $0x3;
	s20 =	sand.u32 @!p1 $0x7, s13  }
0x1df: {  	p2 =	por !p2, p1;
	s16 =	sshrl.u32 @!p1 s16, $0x2;
	s18 =	sshrl.u32 @!p1 s18, $0x2  }
0x1e0: {  	s19 =	sadd.s32 @!p1 s10, s19;
	s16 =	simm.s32 @!p2 $0x0;
	s18 =	sadd.s32 @!p1 $0x3A88, s18  }
0x1e1: {  	[tilespmem:s18], [sflag:$0x9] =	stream.linear.gather @!p1 [hbm4b:s19+s20], s16, $0x38;
	[tilespmem:$0x1FE08] =	vst v63  }
0x1e2: {  	s16 =	ssub.s32 @!p1 $0x27100, s13  }
0x1e3: {  	p2 =	sgt.s32 @!p1 s16, $0x0  }
0x1e4: {  	s17 =	smul.u32 @!p1 $0x38000, s17;
	p2 =	por !p2, p1  }
0x1e5: {  	s16 =	simm.s32 @p2 $0x0  }
0x1e6: {  	s17 =	sshrl.u32 @!p1 s17, $0x2;
	s18 =	sshll.u32 @!p1 s13, $0x4;
	s16 =	smin.u32 @!p1 s16, $0x1C0  }
0x1e7: {  	s17 =	sadd.s32 @!p1 $0x3E08, s17;
	s18 =	sadd.s32 @!p1 s6, s18;
	s16 =	sshll.u32 @!p1 s16, $0x7  }
0x1e8: {  	[tilespmem:s17], [sflag:$0x9] =	stream.linear.gather @!p1 [hbm:s18], s16, $0x38;
	[tilespmem:$0x1FE08] =	vst v63  }
0x1e9: {  	p1 =	seq.s32 s14, $0x0  }
.Ltmp2:
0x1ea: {  	_ = 	snop;
	(pc) =	sbr.rel @p1 .LBB2_14-.Ltmp2, $1  }
0x1eb: {  	_ =	sdelay $0x3  }
0x1ec: {  	p1 =	sgt.s32 s15, $0x270C0  }
0x1ed: {  	s16 =	smov.u32 s15;
	s17 =	sshra.s32 s15, $0x1F;
	s21 =	ssub.s32 $0x27100, s15  }
0x1ee: {  	s16 =	simm.s32 @!p1 $0x270C0;
	s17 =	sand.u32 s17, s15;
	p1 =	sgt.s32 s21, $0x0  }
0x1ef: {  	s16 =	ssub.s32 s16, s17;
	s21 =	simm.s32 @!p1 $0x0  }
0x1f0: {  	s16 =	sadd.s32 $0xFFFD8F40, s16;
	s29 =	smin.u32 s21, $0x1C0  }
0x1f1: {  	s18 =	sshll.u32 s16, $0x2;
	s17 =	sshll.u32 s29, $0x7  }
0x1f2: {  	p1 =	sgt.s32 s16, $0x1BF;
	s30 =	ssub.s32 $0x700, s18;
	_ =	swait.ge [sflag:s11], s17  }
0x1f3: {  	s17 =	ssub.s32 $0x0, s17;
	[sflag:s11] =	ssyncset.done $0x0;
	s16 =	sshrl.u32 s30, $0x2  }
0x1f4: {  	[sflag:s11] =	ssyncadd.s32 s17;
	s16 =	simm.s32 @p1 $0x0  }
0x1f5: {  	_ =	swait.ge [sflag:s11], s16  }
0x1f6: {  	s16 =	ssub.s32 $0x0, s16;
	[sflag:s11] =	ssyncset.done $0x0  }
0x1f7: {  	[sflag:s11] =	ssyncadd.s32 s16  }
0x1f8: {  	v1 =	vld [tilespmem:$0x3848];
	_ =	sdelay $0x4  }
0x1f9: {  	(v2sf) =	vpush v1, $0x0  }
0x1fa: {  	(v2sf) =	vpush v1, $0x1  }
0x1fb: {  	(v2sf) =	vpush v1, $0x2;
	_ =	sdelay $0x3  }
0x1fc: {  	s16 =	sadd.s32 $0x1C0, s15  }
0x1fd: {  	p1 =	slt.s32 s8, s16  }
0x1fe: {  	s16 =	smov.u32 @p1 s8  }
0x1ff: {  	s20 =	ssub.s32 s16, s15  }
0x200: {  	p1 =	slt.s32 s21, s20  }
0x201: {  	s20 =	smov.u32 @p1 s21  }
0x202: {  	s18 =	simm.s32 $0x1;
	p1 =	slt.s32 s20, $0x1  }
.Ltmp3:
0x203: {  	s18 =	simm.s32 @!p0 $0x0;
	(pc) =	sbr.rel @p1 .LBB2_6-.Ltmp3, $4  }
0x204: {  	s31 =	smul.u32 $0x700, s18  }
0x205: {  	s19 =	spop (v2sf)  }
0x206: {  	s15 =	sshrl.u32 s31, $0x2;
	s21 =	spop (v2sf)  }
0x207: {  	s16 =	sadd.s32 $0x3A88, s15;
	s15 =	spop (v2sf)  }
0x208: {  	s17 =	smin.u32 s20, $0x10  }
0x209: {  	v1 =	vmov s17  }
0x20a: {  	p2 =	sgt.s32 s20, $0x10;
	vm1 =	vgt.u32 v1, v0  }
.Ltmp4:
0x20b: {  	_ = 	snop;
	(pc) =	sbr.rel @!p2 .LBB2_5-.Ltmp4, $2  }
0x20c: {  	_ =	sdelay $0x2  }
0x20d: {  	s22 =	simm.s32 $0x10;
	s23 =	sadd.s32 $0xFFFFFFF0, s20;
	s17 =	smov.u32 s16;
	vm0 =	vmmov vm1  }
.LBB2_4:
0x20e: {  	s24 =	smin.u32 s23, $0x10;
	s22 =	sadd.s32 $0x10, s22;
	v1 =	vld.msk [tilespmem:s17+$0x0 ss:$0x1], vm1  }
0x20f: {  	v2 =	vmov s24;
	p2 =	slt.s32 s22, s20  }
0x210: {  	vm1 =	vgt.u32 v2, v0  }
.Ltmp5:
0x211: {  	(pc) =	sbr.rel @p2 .LBB2_4-.Ltmp5, $3  }
0x212: {  	_ =	sdelay $0x1  }
0x213: {  	v1 =	vshll.u32 v1, $0x4  }
0x214: {  	s23 =	sadd.s32 $0xFFFFFFF0, s23;
	[tilespmem:s17+$0x0] =	vst.msk vm0, v1;
	s17 =	sadd.s32 $0x10, s17;
	vm0 =	vmmov vm1  }
.LBB2_5:
0x215: {  	_ =	sdelay $0x4  }
0x216: {  	v1 =	vld.msk [tilespmem:s17+$0x0 ss:$0x1], vm1;
	_ =	sdelay $0x4  }
0x217: {  	v1 =	vshll.u32 v1, $0x4  }
0x218: {  	[tilespmem:s17+$0x0] =	vst.msk vm0, v1  }
.LBB2_6:
0x219: {  	s17 =	sand.u32 $0x1, s14  }
0x21a: {  	s17 =	smul.u32 $0x1C0, s17  }
0x21b: {  	p2 =	sne.s32 s21, $0xFFFFFFFF  }
0x21c: {  	v1 =	vld.msk @!p2 [tilespmem:s17+$0x3A88], $0x1;
	_ =	sdelay $0x4  }
0x21d: {  	(v2sf) =	vpush @!p2 v1, $0x0;
	_ =	sdelay $0xc  }
.Ltmp6:
0x21e: {  	_ = 	snop;
	(pc) =	sbr.rel @p1 .LBB2_12-.Ltmp6, $4  }
0x21f: {  	_ = 	snop  }
0x220: {  	s22 =	spop @!p2 (v2sf)  }
0x221: {  	s15 =	simm.s32 @!p2 $0x0;
	s17 =	smov.u32 s22  }
0x222: {  	[sflag:s12] =	ssyncpa.u1 $0x0;
	s22 =	smov.u32 @p2 s19;
	s17 =	smov.u32 @p2 s21  }
0x223: {  	v1 =	vld.msk [tilespmem:s16+$0x0], $0x1;
	_ =	sdelay $0x4  }
0x224: {  	(v2sf) =	vpush v1, $0x0;
	_ =	sdelay $0xe  }
0x225: {  	s24 =	spop (v2sf)  }
0x226: {  	p1 =	seq.s32 s22, s24  }
0x227: {  	p2 =	sgt.s32 @!p1 s22, $0x0  }
0x228: {  	s23 =	smov.u32 s22;
	s21 =	sadd.s32 $0xFFFFFFFF, s20;
	p2 =	por !p2, p1  }
0x229: {  	s18 =	smul.u32 $0x38000, s18;
	s23 =	simm.s32 @p2 $0x0;
	p2 =	sne.s32 s21, $0x0  }
.Ltmp7:
0x22a: {  	_ = 	snop;
	(pc) =	sbr.rel @!p2 .LBB2_9-.Ltmp7, $4  }
0x22b: {  	s19 =	simm.s32 $0x0;
	s18 =	sshrl.u32 s18, $0x2  }
0x22c: {  	s18 =	sadd.s32 $0x3E08, s18;
	s25 =	simm.s32 @!p1 $0x1;
	s23 =	smin.u32 @!p1 s23, $0x270FF  }
0x22d: {  	s26 =	simm.s32 @!p1 $0x1C38;
	s25 =	smov.u32 @p1 s19;
	s29 =	sand.u32 @!p1 $0x3FFF8, s23  }
0x22e: {  	s28 =	sand.u32 @!p1 $0x7, s23;
	s23 =	sadd.s32 $0x1, s16;
	s29 =	sadd.s32 @!p1 s3, s29  }
.LBB2_8:
0x22f: {  	s30 =	smov.u32 s25  }
0x230: {  	[tilespmem:s26], [sflag:$0x2] =	stream.linear.gather @!p1 [hbm4b:s29+s28], $0x4, $0x38;
	[tilespmem:$0x1FE08] =	vst v63  }
0x231: {  	s21 =	sadd.s32 $0xFFFFFFFF, s21;
	s28 =	smov.u32 s24;
	v1 =	vld.msk [tilespmem:s23+$0x0], $0x1  }
0x232: {  	p2 =	sne.s32 s21, $0x0;
	_ =	sdelay $0x3  }
0x233: {  	(v2sf) =	vpush v1, $0x0;
	_ =	sdelay $0xe  }
0x234: {  	s24 =	spop (v2sf)  }
0x235: {  	p1 =	seq.s32 s28, s24  }
0x236: {  	p3 =	sgt.s32 @!p1 s28, $0x0;
	s26 =	sshll.u32 @!p1 s25, $0x6;
	s25 =	sadd.s32 @!p1 $0x1, s25  }
.Ltmp8:
0x237: {  	p3 =	por !p3, p1;
	s26 =	sshra.s32 @!p1 s26, $0x2;
	(pc) =	sbr.rel @p2 .LBB2_8-.Ltmp8, $4  }
0x238: {  	s25 =	smov.u32 @p1 s30;
	s28 =	simm.s32 @p3 $0x0;
	s26 =	sadd.s32 @!p1 $0x1C38, s26  }
0x239: {  	s28 =	smin.u32 @!p1 s28, $0x270FF  }
0x23a: {  	s29 =	sand.u32 @!p1 $0x3FFF8, s28;
	s28 =	sand.u32 @!p1 $0x7, s28  }
0x23b: {  	s23 =	sadd.s32 $0x1, s23;
	s29 =	sadd.s32 @!p1 s3, s29  }
.LBB2_9:
0x23c: {  	[tilespmem:s26], [sflag:$0x2] =	stream.linear.gather @!p1 [hbm4b:s29+s28], $0x4, $0x38;
	[tilespmem:$0x1FE08] =	vst v63  }
0x23d: {  	s21 =	sshll.u32 s25, $0x2  }
0x23e: {  	s21 =	sand.u32 $0x3FFFFFFC, s21  }
0x23f: {  	_ =	swait.ge [sflag:s9], s21  }
0x240: {  	s21 =	ssub.s32 $0x0, s21;
	[sflag:s9] =	ssyncset.done $0x0  }
0x241: {  	[sflag:s9] =	ssyncadd.s32 s21  }
0x242: {  	v1 =	vld.msk [tilespmem:s16+$0x0], $0x1;
	_ =	sdelay $0x4  }
0x243: {  	(v2sf) =	vpush v1, $0x0;
	_ =	sdelay $0xe  }
0x244: {  	s21 =	spop (v2sf)  }
0x245: {  	p1 =	sne.s32 s22, s21  }
0x246: {  	p3 =	sne.s32 @p1 s22, s17  }
0x247: {  	p2 =	por !p3, !p1  }
0x248: {  	s23 =	simm.s32 @!p2 $0x0  }
0x249: {  	v1 =	vld.msk @!p2 [tilespmem:s23+$0x1C38], $0xf  }
0x24a: {  	p4 =	sgt.u32 @!p2 s22, $0x270FF  }
0x24b: {  	s24 =	sshll.u32 @!p2 s15, $0x6;
	p5 =	por @p1 p4, !p3  }
0x24c: {  	s24 =	sshra.s32 @!p2 s24, $0x2;
	p6 =	por p5, !p1;
	p5 =	por p3, !p1  }
0x24d: {  	s25 =	sadd.s32 @!p2 $0x28, s24;
	s26 =	sand.u32 @!p6 $0x3FFF8, s22;
	s28 =	sshll.u32 @!p5 s15, $0x6  }
0x24e: {  	s22 =	sand.u32 @!p6 $0x7, s22;
	[tilespmem:s24+$0x28] =	vst.add.f32.msk @!p2 $0xf, v1;
	s24 =	sadd.s32 @!p6 s3, s26;
	s26 =	sshra.s32 @!p5 s28, $0x2  }
0x24f: {  	[hbm4b:s24+s22] =	stream.linear.scatter @!p6 [tilespmem:s25], [sflag:$0xA], $0x4, $0x38;
	[tilespmem:$0x1FE08] =	vst v63  }
0x250: {  	s23 =	rddreg [dreg:$0x4];
	s22 =	sadd.s32 @!p5 $0x28, s26;
	s24 =	simm.s32 @!p5 $0x1  }
0x251: {  	[spmem:s23] =	stream.linear.scatter @!p5 [tilespmem:s22], [sflag:$0x1], $0x4, $0x38;
	[tilespmem:$0x1FE08] =	vst v63  }
0x252: {  	s22 =	sadd.s32 @p1 $0x1, s15;
	_ =	swait.ge @!p5 [sflag:s24], $0x4  }
0x253: {  	s23 =	sshrl.u32 @p1 s22, $0x6;
	[sflag:s24] =	ssyncset.done @!p5 $0x0  }
0x254: {  	s23 =	smulhi.u32 @p1 $0x24924925, s23;
	[sflag:s24] =	ssyncadd.s32 @!p5 $0xFFFFFFFC  }
0x255: {  	s20 =	sadd.s32 $0xFFFFFFFF, s20;
	v1 =	vld.msk @p1 [tilespmem:s18+$0x0], $0xf  }
0x256: {  	p4 =	por @p1 !p4, !p3;
	p3 =	sne.s32 s20, $0x0;
	s23 =	smul.u32 @p1 $0x1C0, s23  }
.Ltmp9:
0x257: {  	p4 =	por !p4, !p1;
	s24 =	simm.s32 @!p2 $0x0;
	(pc) =	sbr.rel @!p3 .LBB2_11-.Ltmp9, $4  }
0x258: {  	s25 =	sshll.u32 @!p1 s15, $0x6;
	s24 =	simm.s32 @!p4 $0x10;
	s22 =	ssub.s32 @p1 s22, s23  }
0x259: {  	s26 =	simm.s32 @p1 $0x1;
	s24 =	sadd.s32 @!p2 $0x0, s24;
	s23 =	sshll.u32 @p1 s22, $0x4  }
0x25a: {  	s24 =	smov.u32 @p2 s19;
	s15 =	smov.u32 @p1 s22;
	s22 =	simm.s32 $0x0;
	[tilespmem:s23+$0x28] =	vst.msk @p1 $0xf, v1  }
0x25b: {  	s19 =	smov.u32 @p1 s26;
	s22 =	smov.u32 @p1 s24;
	s23 =	sshra.s32 @!p1 s25, $0x2;
	v1 =	vld.msk @!p1 [tilespmem:s18+$0x0], $0xf  }
.LBB2_10:
0x25c: {  	_ =	sdelay $0x3  }
0x25d: {  	s16 =	sadd.s32 $0x1, s16;
	[tilespmem:s23+$0x28] =	vst.add.f32.msk @!p1 $0xf, v1  }
0x25e: {  	v1 =	vld.msk [tilespmem:s16+$0x0], $0x1;
	_ =	sdelay $0x4  }
0x25f: {  	(v2sf) =	vpush v1, $0x0;
	_ =	sdelay $0xe  }
0x260: {  	s24 =	smov.u32 s21;
	s21 =	spop (v2sf)  }
0x261: {  	p1 =	sne.s32 s24, s21  }
0x262: {  	p4 =	sne.s32 @p1 s24, s17  }
0x263: {  	p3 =	por !p4, !p1  }
0x264: {  	s29 =	sshll.u32 @!p3 s19, $0x6  }
0x265: {  	s29 =	sshra.s32 @!p3 s29, $0x2  }
0x266: {  	p5 =	sgt.u32 @!p3 s24, $0x270FF;
	v1 =	vld.msk @!p3 [tilespmem:s29+$0x1C38], $0xf  }
0x267: {  	s30 =	sshll.u32 @!p3 s15, $0x6;
	p6 =	por @p1 p5, !p4;
	p5 =	por @p1 !p5, !p4  }
0x268: {  	s31 =	simm.s32 @!p3 $0x0;
	s30 =	sshra.s32 @!p3 s30, $0x2;
	p5 =	por !p5, !p1  }
0x269: {  	p4 =	por p4, !p1;
	s31 =	simm.s32 @!p5 $0x10;
	p5 =	por p6, !p1  }
0x26a: {  	s29 =	sadd.s32 @!p3 $0x28, s30;
	s2 =	sshll.u32 @!p4 s15, $0x6;
	s1 =	sand.u32 @!p5 $0x3FFF8, s24  }
0x26b: {  	s2 =	sshra.s32 @!p4 s2, $0x2;
	s24 =	sand.u32 @!p5 $0x7, s24;
	s1 =	sadd.s32 @!p5 s3, s1;
	[tilespmem:s30+$0x28] =	vst.add.f32.msk @!p3 $0xf, v1  }
0x26c: {  	[hbm4b:s1+s24] =	stream.linear.scatter @!p5 [tilespmem:s29], [sflag:$0xA], $0x4, $0x38;
	[tilespmem:$0x1FE08] =	vst v63  }
0x26d: {  	s25 =	rddreg [dreg:$0x4];
	s1 =	sadd.s32 @!p4 $0x28, s2;
	s2 =	simm.s32 @!p4 $0x1  }
0x26e: {  	[spmem:s25] =	stream.linear.scatter @!p4 [tilespmem:s1], [sflag:$0x1], $0x4, $0x38;
	[tilespmem:$0x1FE08] =	vst v63  }
0x26f: {  	s26 =	sadd.s32 @p1 $0x1, s15;
	_ =	swait.ge @!p4 [sflag:s2], $0x4  }
0x270: {  	s28 =	sshrl.u32 @p1 s26, $0x6;
	[sflag:s2] =	ssyncset.done @!p4 $0x0  }
0x271: {  	s18 =	sadd.s32 $0x80, s18;
	s28 =	smulhi.u32 @p1 $0x24924925, s28;
	[sflag:s2] =	ssyncadd.s32 @!p4 $0xFFFFFFFC  }
0x272: {  	s20 =	sadd.s32 $0xFFFFFFFF, s20;
	v1 =	vld.msk @p1 [tilespmem:s18+$0x0], $0xf  }
0x273: {  	p2 =	sne.s32 s20, $0x0;
	s28 =	smul.u32 @p1 $0x1C0, s28  }
.Ltmp10:
0x274: {  	_ = 	snop;
	(pc) =	sbr.rel @p2 .LBB2_10-.Ltmp10, $4  }
0x275: {  	s26 =	ssub.s32 @p1 s26, s28  }
0x276: {  	s23 =	sshll.u32 @!p1 s15, $0x6;
	s31 =	sadd.s32 @!p3 s31, s22;
	s24 =	sshll.u32 @p1 s26, $0x4  }
0x277: {  	s0 =	sadd.s32 @p1 $0x1, s19;
	s23 =	sshra.s32 @!p1 s23, $0x2;
	s31 =	smov.u32 @p3 s22;
	[tilespmem:s24+$0x28] =	vst.msk @p1 $0xf, v1  }
0x278: {  	s19 =	smov.u32 @p1 s0;
	s15 =	smov.u32 @p1 s26;
	s22 =	smov.u32 @p1 s31;
	v1 =	vld.msk @!p1 [tilespmem:s18+$0x0], $0xf  }
.LBB2_11:
.Ltmp11:
0x279: {  	_ = 	snop;
	(pc) =	sbr.rel .LBB2_13-.Ltmp11, $2  }
0x27a: {  	_ =	sdelay $0x2  }
0x27b: {  	s16 =	sshrl.u32 s22, $0x2;
	s22 =	smov.u32 s21;
	[tilespmem:s23+$0x28] =	vst.add.f32.msk @!p1 $0xf, v1  }
.LBB2_15:
0x27c: {  	_ =	sfence.sel $0x180000  }
0x27d: {  	s0 =	simm.s32 $0x9;
	[bflag:$0x0] =	sbarrier.arrive $0xFFFF  }
0x27e: {  	s26 =	simm.s32 $0x2;
	[sflag:s0] =	ssyncpa.u1 $0x1  }
0x27f: {  	[sflag:s26] =	ssyncpa.u1 $0x1  }
0x280: {  	v0 =	vld [tilespmem:$0x3848];
	_ =	sdelay $0x4  }
0x281: {  	(v2sf) =	vpush v0, $0x0  }
0x282: {  	(v2sf) =	vpush v0, $0x1;
	_ =	sdelay $0x1  }
0x283: {  	(v2sf) =	vpush v0, $0x2;
	_ =	sdelay $0xb  }
0x284: {  	s0 =	spop (v2sf)  }
0x285: {  	s1 =	spop (v2sf)  }
0x286: {  	s2 =	smov.u32 s0;
	p0 =	sne.s32 s0, s1  }
0x287: {  	s5 =	spop (v2sf);
	s2 =	simm.s32 @!p0 $0xFFFFFFFF  }
0x288: {  	v2 =	vimm.s32 $0x1;
	v3 =	vlaneseq.u32;
	p0 =	seq.s32 s5, $0xFFFFFFFF;
	v1 =	vmov s2  }
0x289: {  	v0 =	vperm.xlane v0, v2;
	p1 =	sne.s32 @!p0 s0, s1;
	v1 =	vperm.xlane v1, v3  }
0x28a: {  	vm0 =	vcmask $0x3F04;
	s7 =	simm.s32 $0x3848;
	s0 =	simm.s32 @!p0 $0x1;
	p1 =	por !p1, p0  }
0x28b: {  	s2 =	sshll.u32 s4, $0x1;
	s1 =	sshll.u32 @!p0 s5, $0x6;
	s0 =	simm.s32 @p1 $0x0;
	v0 =	vsel vm0, v1, v0  }
0x28c: {  	s6 =	sor.u32 $0x200, s2;
	s1 =	sshra.s32 @!p0 s1, $0x2;
	s0 =	sor.u32 @!p0 s0, s2;
	[tilespmem:$0x3848] =	vst v0  }
0x28d: {  	[spmem:s6] =	stream.linear.scatter [tilespmem:s7], [sflag:$0x1], $0x2, $0x38;
	[tilespmem:$0x1FE08] =	vst v63  }
0x28e: {  	s1 =	sadd.s32 @!p0 $0x28, s1;
	s0 =	sshll.u32 @!p0 s0, $0x4  }
0x28f: {  	[spmem:s0] =	stream.linear.scatter @!p0 [tilespmem:s1], [sflag:$0x1], $0x10, $0x38;
	[tilespmem:$0x1FE08] =	vst v63  }
0x290: {  	s0 =	simm.s32 @!p0 $0x12  }
0x291: {  	s28 =	simm.s32 $0x1;
	s0 =	simm.s32 @p0 $0x2  }
0x292: {  	_ =	swait.ge [sflag:s28], s0  }
0x293: {  	s0 =	ssub.s32 $0x0, s0;
	[sflag:s28] =	ssyncset.done $0x0  }
0x294: {  	[sflag:s28] =	ssyncadd.s32 s0  }
0x295: {  	p0 =	sne.s32 s4, $0x0;
	_ =	sfence.stream.spmem  }
.Ltmp12:
0x296: {  	s29 =	simm.s32 $0x3;
	[bflag:$0x0] =	sbarrier.arrive $0xFFFF;
	(pc) =	sbr.rel @p0 .LBB2_32-.Ltmp12, $4  }
0x297: {  	s30 =	simm.s32 $0x4;
	[sflag:s29] =	ssyncpa.u1 $0x1  }
0x298: {  	[sflag:s30] =	ssyncpa.u1 $0x1  }
0x299: {  	s31 =	simm.s32 $0x3C;
	s16 =	rddreg [dreg:$0x1]  }
0x29a: {  	[sflag:s31] =	ssyncpa.u1 $0x1;
	s5 =	sand.u32 $0x1, s16  }
0x29b: {  	_ =	sfence.stream.spmem;
	s0 =	simm.s32 $0x5  }
0x29c: {  	s1 =	simm.s32 $0x200;
	s2 =	simm.s32 $0x3858;
	[sflag:s0] =	ssyncpa.u1 $0x0  }
0x29d: {  	[tilespmem:s2], [sflag:$0x5] =	stream.linear.gather [spmem:s1], $0x20, $0x38;
	[tilespmem:$0x1FE08] =	vst v63  }
0x29e: {  	s26 =	simm.s32 $0x0;
	s28 =	simm.s32 $0x3878  }
0x29f: {  	[tilespmem:s28], [sflag:$0x5] =	stream.linear.gather [spmem:s26], $0x200, $0x38;
	[tilespmem:$0x1FE08] =	vst v63  }
0x2a0: {  	_ =	swait.ge [sflag:s0], $0x220  }
0x2a1: {  	[sflag:s0] =	ssyncset.done $0x0  }
0x2a2: {  	s29 =	simm.s32 $0x0;
	[sflag:s0] =	ssyncadd.s32 $0xFFFFFDE0  }
0x2a3: {  	v0 =	vld.msk [tilespmem:s29+$0x3858], $0x1;
	_ =	sdelay $0x1  }
0x2a4: {  	s30 =	simm.s32 $0x1  }
0x2a5: {  	v1 =	vld.msk [tilespmem:s30+$0x3858], $0x1;
	_ =	sdelay $0x1  }
0x2a6: {  	(v2sf) =	vpush v0, $0x0;
	_ =	sdelay $0x2  }
0x2a7: {  	(v2sf) =	vpush v1, $0x0;
	_ =	sdelay $0x2  }
0x2a8: {  	s31 =	simm.s32 $0x2  }
0x2a9: {  	v0 =	vld.msk [tilespmem:s31+$0x3858], $0x1;
	_ =	sdelay $0x2  }
0x2aa: {  	s7 =	simm.s32 $0xFFFFFFFF;
	s6 =	simm.s32 $0xC;
	s8 =	simm.s32 $0xFFFFFFFF  }
.LBB2_17:
0x2ab: {  	s0 =	smov.u32 s8;
	s1 =	smov.u32 s7  }
0x2ac: {  	s2 =	sshra.s32 s6, $0x2;
	p1 =	sne.s32 s6, $0x7C;
	s6 =	sadd.s32 $0x4, s6;
	(v2sf) =	vpush v0, $0x0  }
0x2ad: {  	v0 =	vld.msk [tilespmem:s2+$0x3858], $0x1  }
.Ltmp13:
0x2ae: {  	(pc) =	sbr.rel @p1 .LBB2_17-.Ltmp13, $4  }
0x2af: {  	s8 =	spop (v2sf)  }
0x2b0: {  	p2 =	sne.s32 s7, $0xFFFFFFFF;
	s7 =	smov.u32 s8  }
0x2b1: {  	p3 =	seq.s32 s8, $0xFFFFFFFF;
	s7 =	smov.u32 @p2 s1  }
0x2b2: {  	s8 =	smov.u32 @p3 s0;
	s7 =	smov.u32 @p3 s1  }
0x2b3: {  	(v2sf) =	vpush v0, $0x0;
	_ =	sdelay $0x8  }
0x2b4: {  	s0 =	spop (v2sf)  }
0x2b5: {  	p1 =	sne.s32 s7, $0xFFFFFFFF;
	s1 =	smov.u32 s0  }
0x2b6: {  	s9 =	simm.s32 $0x6;
	p2 =	seq.s32 s0, $0xFFFFFFFF;
	s1 =	smov.u32 @p1 s7  }
0x2b7: {  	s10 =	simm.s32 $0x3838;
	s1 =	smov.u32 @p2 s7;
	s2 =	spop (v2sf)  }
0x2b8: {  	s0 =	smov.u32 @p2 s8;
	p1 =	sne.s32 s1, $0xFFFFFFFF;
	s6 =	smov.u32 s2  }
.Ltmp14:
0x2b9: {  	p2 =	seq.s32 s2, $0xFFFFFFFF;
	s6 =	smov.u32 @p1 s1;
	(pc) =	sbr.rel .LBB2_19-.Ltmp14, $4  }
0x2ba: {  	s11 =	simm.s32 $0x0;
	s6 =	smov.u32 @p2 s1;
	s7 =	spop (v2sf)  }
0x2bb: {  	[sflag:s9] =	ssyncpa.u1 $0x0;
	p1 =	sne.s32 s6, $0xFFFFFFFF;
	s8 =	smov.u32 s7  }
0x2bc: {  	s2 =	smov.u32 @p2 s0;
	p2 =	seq.s32 s7, $0xFFFFFFFF;
	s8 =	smov.u32 @p1 s6  }
0x2bd: {  	s7 =	smov.u32 @p2 s2;
	s8 =	smov.u32 @p2 s6;
	s6 =	simm.s32 $0x0  }
.LBB2_24:
0x2be: {  	p1 =	sgt.u32 s12, $0x270FF  }
0x2bf: {  	p2 =	seq.s32 @!p1 s12, s8  }
0x2c0: {  	p1 =	por p1, p2  }
0x2c1: {  	p2 =	sne.s32 @!p1 s12, s7  }
0x2c2: {  	p1 =	por p1, !p2  }
0x2c3: {  	s12 =	sshll.u32 @p1 s11, $0x6  }
0x2c4: {  	s0 =	sand.u32 @!p1 $0x3FFF8, s12  }
0x2c5: {  	s1 =	sand.u32 @!p1 $0x7, s12;
	s0 =	sadd.s32 @!p1 s3, s0  }
0x2c6: {  	[tilespmem:s10], [sflag:$0x6] =	stream.linear.gather @!p1 [hbm4b:s0+s1], $0x4, $0x38;
	[tilespmem:$0x1FE08] =	vst v63  }
0x2c7: {  	_ =	swait.ge @!p1 [sflag:s9], $0x4  }
0x2c8: {  	[sflag:s9] =	ssyncset.done @!p1 $0x0  }
0x2c9: {  	[sflag:s9] =	ssyncadd.s32 @!p1 $0xFFFFFFFC  }
0x2ca: {  	v1 =	vld @!p1 [tilespmem:$0x3838];
	_ =	sdelay $0x2  }
0x2cb: {  	s12 =	sshll.u32 @!p1 s11, $0x6  }
0x2cc: {  	s0 =	sshrl.u32 @!p1 s12, $0x2  }
0x2cd: {  	[tilespmem:s0+$0x3878] =	vst.add.f32.msk @!p1 $0xffff, v1  }
0x2ce: {  	s30 =	sshrl.u32 s12, $0x2;
	[tilespmem:s6+$0x3858] =	vst.msk $0x1, v0  }
0x2cf: {  	v0 =	vld [tilespmem:s30+$0x3878];
	_ =	sdelay $0x2  }
0x2d0: {  	s31 =	sshll.u32 s6, $0x6  }
0x2d1: {  	s0 =	sshra.s32 s31, $0x2  }
0x2d2: {  	s6 =	sadd.s32 $0x1, s6;
	[tilespmem:s0+$0x3878] =	vst v0  }
.LBB2_26:
0x2d3: {  	s11 =	sadd.s32 $0x1, s11  }
0x2d4: {  	p1 =	sne.s32 s11, $0x20  }
.Ltmp15:
0x2d5: {  	_ = 	snop;
	(pc) =	sbr.rel @!p1 .LBB2_27-.Ltmp15, $1  }
0x2d6: {  	_ =	sdelay $0x3  }
.LBB2_19:
0x2d7: {  	v0 =	vld.msk [tilespmem:s11+$0x3858], $0x1;
	_ =	sdelay $0x4  }
0x2d8: {  	(v2sf) =	vpush v0, $0x0;
	_ =	sdelay $0xe  }
0x2d9: {  	s12 =	spop (v2sf)  }
0x2da: {  	p1 =	seq.s32 s12, $0xFFFFFFFF  }
.Ltmp16:
0x2db: {  	_ = 	snop;
	(pc) =	sbr.rel @p1 .LBB2_26-.Ltmp16, $1  }
0x2dc: {  	_ =	sdelay $0x3  }
0x2dd: {  	p1 =	slt.s32 s6, $0x1  }
.Ltmp17:
0x2de: {  	_ = 	snop;
	(pc) =	sbr.rel @p1 .LBB2_24-.Ltmp17, $1  }
0x2df: {  	_ =	sdelay $0x3  }
0x2e0: {  	s13 =	simm.s32 $0x3858;
	p1 =	por $0x0, $0x0  }
0x2e1: {  	v1 =	vld.msk @!p1 [tilespmem:s13+$0x0], $0x1;
	_ =	sdelay $0x4  }
0x2e2: {  	(v2sf) =	vpush @!p1 v1, $0x0;
	_ =	sdelay $0xd  }
0x2e3: {  	p3 =	sne.s32 s6, $0x1  }
.Ltmp18:
0x2e4: {  	s0 =	spop @!p1 (v2sf);
	(pc) =	sbr.rel @!p3 .LBB2_23-.Ltmp18, $4  }
0x2e5: {  	p2 =	seq.s32 @!p1 s12, s0  }
0x2e6: {  	s14 =	simm.s32 $0x0;
	p2 =	por !p2, p1  }
0x2e7: {  	s0 =	simm.s32 $0xFFFFFFFF;
	s14 =	simm.s32 @p2 $0xFFFFFFFF  }
0x2e8: {  	s15 =	simm.s32 $0x1;
	s14 =	smov.u32 @p1 s0  }
.LBB2_22:
0x2e9: {  	s0 =	smov.u32 s14;
	p1 =	sne.s32 s14, $0xFFFFFFFF  }
0x2ea: {  	s13 =	sadd.s32 $0x1, s13;
	s14 =	smov.u32 s15;
	s15 =	sadd.s32 $0x1, s15  }
0x2eb: {  	p2 =	sne.s32 s6, s15;
	v1 =	vld.msk @!p1 [tilespmem:s13+$0x0], $0x1;
	_ =	sdelay $0x4  }
0x2ec: {  	(v2sf) =	vpush @!p1 v1, $0x0;
	_ =	sdelay $0xe  }
.Ltmp19:
0x2ed: {  	s1 =	spop @!p1 (v2sf);
	(pc) =	sbr.rel @p2 .LBB2_22-.Ltmp19, $4  }
0x2ee: {  	p3 =	seq.s32 @!p1 s12, s1  }
0x2ef: {  	p3 =	por !p3, p1  }
0x2f0: {  	s14 =	simm.s32 @p3 $0xFFFFFFFF  }
0x2f1: {  	s14 =	smov.u32 @p1 s0  }
.LBB2_23:
0x2f2: {  	p1 =	sne.s32 s14, $0xFFFFFFFF  }
.Ltmp20:
0x2f3: {  	_ = 	snop;
	(pc) =	sbr.rel @!p1 .LBB2_24-.Ltmp20, $1  }
0x2f4: {  	_ =	sdelay $0x3  }
0x2f5: {  	s0 =	sshll.u32 s11, $0x4  }
0x2f6: {  	s0 =	sand.u32 $0x3FFFFFF0, s0  }
0x2f7: {  	v0 =	vld [tilespmem:s0+$0x3878]  }
.Ltmp21:
0x2f8: {  	_ = 	snop;
	(pc) =	sbr.rel .LBB2_26-.Ltmp21, $4  }
0x2f9: {  	_ = 	snop  }
0x2fa: {  	s31 =	sshll.u32 s14, $0x6  }
0x2fb: {  	s0 =	sshra.s32 s31, $0x2  }
0x2fc: {  	[tilespmem:s0+$0x3878] =	vst.add.f32.msk $0xffff, v0  }
.LBB2_27:
0x2fd: {  	s0 =	simm.s32 $0x6;
	p1 =	seq.s32 s6, $0x0  }
0x2fe: {  	[sflag:s0] =	ssyncpa.u1 $0x1;
	v0 =	vimm.s32 @p1 $0xFFFFFFFF  }
0x2ff: {  	s9 =	sadd.s32 $0xFFFFFFFF, s6;
	[tilespmem:$0x3A78] =	vst @p1 v0  }
0x300: {  	v0 =	vld.msk @!p1 [tilespmem:s9+$0x3858], $0x1;
	_ =	sdelay $0x1  }
0x301: {  	v1 =	vld.msk @!p1 [tilespmem:$0x3858], $0x1;
	_ =	sdelay $0x2  }
0x302: {  	p2 =	seq.s32 @!p1 s9, $0x0;
	v0 =	vbroadcast @!p1 v0, $0x0  }
0x303: {  	vm0 =	vmmov @!p1 $0x1;
	p2 =	por !p2, p1  }
0x304: {  	v1 =	vnsel @!p1 vm0, $0xFFFFFFFF, v1;
	vm0 =	vcmask @!p1 $0x308;
	v0 =	vpsel !p2, $0xFFFFFFFF, v0  }
0x305: {  	p2 =	sne.s32 @!p1 s8, s7;
	v0 =	vsel @!p1 vm0, v1, v0  }
0x306: {  	s0 =	simm.s32 @!p1 $0x3878;
	s1 =	simm.s32 @!p1 $0x0;
	p3 =	por !p2, p1;
	[tilespmem:$0x3A78] =	vst @!p1 v0  }
0x307: {  	[spmem:s1] =	stream.linear.scatter @!p1 [tilespmem:s0], [sflag:$0x1], $0x10, $0x38;
	[tilespmem:$0x1FE08] =	vst v63  }
0x308: {  	s0 =	sshll.u32 @!p3 s9, $0x6  }
0x309: {  	s0 =	sshra.s32 @!p3 s0, $0x2  }
0x30a: {  	s1 =	simm.s32 @!p3 $0x10;
	s0 =	sadd.s32 @!p3 $0x3878, s0  }
0x30b: {  	[spmem:s1] =	stream.linear.scatter @!p3 [tilespmem:s0], [sflag:$0x1], $0x10, $0x38;
	[tilespmem:$0x1FE08] =	vst v63  }
0x30c: {  	s0 =	simm.s32 @!p3 $0x1  }
0x30d: {  	_ =	swait.ge @!p3 [sflag:s0], $0x20  }
0x30e: {  	p1 =	por p2, p1;
	[sflag:s0] =	ssyncset.done @!p3 $0x0  }
0x30f: {  	[sflag:s0] =	ssyncadd.s32 @!p3 $0xFFFFFFE0;
	s0 =	simm.s32 @!p1 $0x1  }
0x310: {  	_ =	swait.ge @!p1 [sflag:s0], $0x10  }
0x311: {  	s29 =	simm.s32 $0x3A78;
	[sflag:s0] =	ssyncset.done @!p1 $0x0  }
0x312: {  	s30 =	simm.s32 $0x200;
	s31 =	simm.s32 $0x1;
	[sflag:s0] =	ssyncadd.s32 @!p1 $0xFFFFFFF0  }
0x313: {  	[spmem:s30] =	stream.linear.scatter [tilespmem:s29], [sflag:$0x1], $0x10, $0x38;
	[tilespmem:$0x1FE08] =	vst v63  }
0x314: {  	_ =	swait.ge [sflag:s31], $0x10  }
0x315: {  	[sflag:s31] =	ssyncset.done $0x0  }
0x316: {  	p1 =	seq.s32 s5, $0x0;
	[sflag:s31] =	ssyncadd.s32 $0xFFFFFFF0  }
0x317: {  	s1 =	sshll.u32 @p1 s16, $0xE;
	s10 =	rddreg [dreg:$0x2]  }
0x318: {  	s0 =	sadd.s32 @p1 $0x15C3C, s1;
	s1 =	sshll.u32 @p1 s10, $0x11  }
0x319: {  	_ =	sfence.stream.spmem;
	s0 =	sor.u32 @p1 s1, s0  }
0x31a: {  	[sflag:s0] =	ssyncadd.remote.s32 @p1 $0x1;
	s0 =	simm.s32 @p1 $0x4  }
0x31b: {  	s2 =	simm.s32 @!p1 $0x3C;
	s1 =	sand.u32 $0xFFFFFFFE, s16;
	_ =	swait.ge @p1 [sflag:s0], $0x6  }
0x31c: {  	s7 =	simm.s32 @!p1 $0x0;
	s1 =	sadd.s32 @!p1 $0x4, s1;
	[sflag:s0] =	ssyncset.done @p1 $0x0  }
0x31d: {  	s8 =	simm.s32 @!p1 $0x20;
	[sflag:s0] =	ssyncadd.s32 @p1 $0xFFFFFFFA;
	s0 =	sshll.u32 @!p1 s1, $0x1A  }
0x31e: {  	s1 =	sshll.u32 @!p1 s1, $0xD;
	s0 =	sor.u32 @!p1 s0, s10;
	_ =	swait.eq @!p1 [sflag:s2], $0x1  }
0x31f: {  	s1 =	sor.u32 @!p1 $0x1C04, s1;
	s2 =	simm.s32 @!p1 $0x1C03;
	s0 =	sor.u32 @!p1 $0x80004000, s0  }
0x320: {  	[spmem:s8], [sflag:s1] =	dma.general @!p1 [spmem:s7], [sflag:s2], length:$0x4, [dreg:$0x0], stride_count:$0x0, ici_dest:s0, dma_misc:DstOpCode:WRITE  }
0x321: {  	p2 =	slt.s32 s9, $0x2;
	s7 =	simm.s32 @!p1 $0x40;
	s8 =	simm.s32 @!p1 $0x42  }
0x322: {  	[spmem:s8], [sflag:s1] =	dma.general @!p1 [spmem:s7], [sflag:s2], length:$0x2, [dreg:$0x0], stride_count:$0x0, ici_dest:s0, dma_misc:DstOpCode:WRITE  }
.Ltmp22:
0x323: {  	s0 =	simm.s32 @!p1 $0x3;
	(pc) =	sbr.rel @p2 .LBB2_31-.Ltmp22, $4  }
0x324: {  	s1 =	sshll.u32 @!p1 s16, $0xE;
	_ =	swait.ge @!p1 [sflag:s0], $0x6  }
0x325: {  	s2 =	sshll.u32 @!p1 s10, $0x11;
	s1 =	sadd.s32 @!p1 $0x11C3C, s1;
	[sflag:s0] =	ssyncset.done @!p1 $0x0  }
0x326: {  	[sflag:s0] =	ssyncadd.s32 @!p1 $0xFFFFFFFA;
	s0 =	sor.u32 @!p1 s2, s1  }
0x327: {  	s1 =	simm.s32 $0x0;
	[sflag:s0] =	ssyncadd.remote.s32 @!p1 $0xFFFFFFFF  }
0x328: {  	s0 =	simm.s32 $0x3859  }
0x329: {  	v0 =	vld.msk [tilespmem:s0+$0x0], $0x1;
	_ =	sdelay $0x4  }
0x32a: {  	(v2sf) =	vpush v0, $0x0;
	_ =	sdelay $0xc  }
0x32b: {  	s2 =	sadd.s32 $0xFFFFFFFE, s6  }
0x32c: {  	s2 =	sadd.s32 $0xFFFFFFFF, s2  }
0x32d: {  	p2 =	sne.s32 s2, $0x0;
	s0 =	spop (v2sf)  }
.Ltmp23:
0x32e: {  	p1 =	sgt.u32 s0, $0x270FF;
	(pc) =	sbr.rel @!p2 .LBB2_30-.Ltmp23, $4  }
0x32f: {  	s1 =	simm.s32 $0x3888;
	s6 =	sand.u32 @!p1 $0x3FFF8, s0  }
0x330: {  	s8 =	simm.s32 $0x0;
	s0 =	sand.u32 @!p1 $0x7, s0;
	s6 =	sadd.s32 @!p1 s3, s6  }
0x331: {  	[hbm4b:s6+s0] =	stream.linear.scatter @!p1 [tilespmem:s1], [sflag:$0x5], $0x4, $0x38;
	[tilespmem:$0x1FE08] =	vst v63  }
0x332: {  	s7 =	simm.s32 $0x385A;
	s8 =	simm.s32 @!p1 $0x10;
	s6 =	simm.s32 $0x0  }
.LBB2_29:
0x333: {  	v0 =	vld.msk [tilespmem:s7+$0x0], $0x1;
	s2 =	sadd.s32 $0xFFFFFFFF, s2;
	s6 =	sadd.s32 s6, s8  }
0x334: {  	p1 =	sne.s32 s2, $0x0;
	_ =	sdelay $0x3  }
0x335: {  	(v2sf) =	vpush v0, $0x0;
	_ =	sdelay $0xe  }
.Ltmp24:
0x336: {  	s0 =	spop (v2sf);
	(pc) =	sbr.rel @p1 .LBB2_29-.Ltmp24, $4  }
0x337: {  	s8 =	simm.s32 $0x0;
	p2 =	sgt.u32 s0, $0x270FF  }
0x338: {  	s1 =	sadd.s32 $0x10, s1;
	s8 =	simm.s32 @!p2 $0x10;
	s9 =	sand.u32 @!p2 $0x3FFF8, s0  }
0x339: {  	s7 =	sadd.s32 $0x1, s7;
	s0 =	sand.u32 @!p2 $0x7, s0;
	s9 =	sadd.s32 @!p2 s3, s9  }
0x33a: {  	[hbm4b:s9+s0] =	stream.linear.scatter @!p2 [tilespmem:s1], [sflag:$0x5], $0x4, $0x38;
	[tilespmem:$0x1FE08] =	vst v63  }
.LBB2_30:
0x33b: {  	s0 =	sadd.s32 s6, s8  }
0x33c: {  	s1 =	sshrl.u32 s0, $0x2  }
.LBB2_31:
0x33d: {  	s0 =	simm.s32 $0x5  }
0x33e: {  	_ =	swait.ge [sflag:s0], s1  }
0x33f: {  	s31 =	ssub.s32 $0x0, s1;
	[sflag:s0] =	ssyncset.done $0x0  }
0x340: {  	[sflag:s0] =	ssyncadd.s32 s31  }
0x341: {  	[sflag:s0] =	ssyncpa.u1 $0x1  }
.LBB2_32:
0x342: {  	s0 =	sor.u32 s5, s4  }
0x343: {  	p1 =	sne.s32 s0, $0x0  }
.Ltmp25:
0x344: {  	_ = 	snop;
	(pc) =	sbr.rel @p1 .LBB2_47-.Ltmp25, $3  }
0x345: {  	_ =	sdelay $0x1  }
0x346: {  	[bflag:$0x0] =	sbarrier.arrive $0xFFFF  }
0x347: {  	_ =	sfence  }
0x348: {  	s0 =	simm.s32 $0x7  }
0x349: {  	s1 =	simm.s32 $0x200;
	s2 =	simm.s32 $0x3858;
	[sflag:s0] =	ssyncpa.u1 $0x0  }
0x34a: {  	[tilespmem:s2], [sflag:$0x7] =	stream.linear.gather [spmem:s1], $0x20, $0x38;
	[tilespmem:$0x1FE08] =	vst v63  }
0x34b: {  	s30 =	simm.s32 $0x3878;
	s1 =	simm.s32 $0x0  }
0x34c: {  	[tilespmem:s30], [sflag:$0x7] =	stream.linear.gather [spmem:s1], $0x200, $0x38;
	[tilespmem:$0x1FE08] =	vst v63  }
.Ltmp26:
0x34d: {  	_ = 	snop;
	(pc) =	sbr.rel .LBB2_34-.Ltmp26, $4  }
0x34e: {  	_ =	swait.ge [sflag:s0], $0x220  }
0x34f: {  	[sflag:s0] =	ssyncset.done $0x0  }
0x350: {  	s31 =	simm.s32 $0x8;
	[sflag:s0] =	ssyncadd.s32 $0xFFFFFDE0  }
0x351: {  	s2 =	simm.s32 $0x0;
	[sflag:s31] =	ssyncpa.u1 $0x0  }
.LBB2_39:
0x352: {  	p1 =	slt.u32 s4, $0x27100  }
0x353: {  	s0 =	sand.u32 @p1 $0x3FFF8, s4  }
0x354: {  	s4 =	sand.u32 @p1 $0x7, s4;
	s5 =	simm.s32 @p1 $0x3838;
	s0 =	sadd.s32 @p1 s3, s0  }
0x355: {  	[tilespmem:s5], [sflag:$0x8] =	stream.linear.gather @p1 [hbm4b:s0+s4], $0x4, $0x38;
	[tilespmem:$0x1FE08] =	vst v63  }
0x356: {  	s0 =	simm.s32 @p1 $0x8  }
0x357: {  	_ =	swait.ge @p1 [sflag:s0], $0x4  }
0x358: {  	[sflag:s0] =	ssyncset.done @p1 $0x0  }
0x359: {  	[sflag:s0] =	ssyncadd.s32 @p1 $0xFFFFFFFC  }
0x35a: {  	v1 =	vld @p1 [tilespmem:$0x3838];
	_ =	sdelay $0x2  }
0x35b: {  	s0 =	sshll.u32 @p1 s2, $0x6  }
0x35c: {  	s5 =	sshll.u32 @!p1 s2, $0x6;
	s4 =	sshrl.u32 @p1 s0, $0x2  }
0x35d: {  	s5 =	smov.u32 @p1 s0;
	[tilespmem:s4+$0x3878] =	vst.add.f32.msk @p1 $0xffff, v1  }
0x35e: {  	s0 =	sshrl.u32 s5, $0x2;
	[tilespmem:s1+$0x3858] =	vst.msk $0x1, v0  }
0x35f: {  	v0 =	vld [tilespmem:s0+$0x3878];
	_ =	sdelay $0x2  }
0x360: {  	s31 =	sshll.u32 s1, $0x6  }
0x361: {  	s0 =	sshra.s32 s31, $0x2  }
0x362: {  	s1 =	sadd.s32 $0x1, s1;
	[tilespmem:s0+$0x3878] =	vst v0  }
.LBB2_41:
0x363: {  	s2 =	sadd.s32 $0x1, s2  }
0x364: {  	p1 =	sne.s32 s2, $0x20  }
.Ltmp27:
0x365: {  	_ = 	snop;
	(pc) =	sbr.rel @!p1 .LBB2_42-.Ltmp27, $1  }
0x366: {  	_ =	sdelay $0x3  }
.LBB2_34:
0x367: {  	v0 =	vld.msk [tilespmem:s2+$0x3858], $0x1;
	_ =	sdelay $0x4  }
0x368: {  	(v2sf) =	vpush v0, $0x0;
	_ =	sdelay $0xe  }
0x369: {  	s4 =	spop (v2sf)  }
0x36a: {  	p1 =	seq.s32 s4, $0xFFFFFFFF  }
.Ltmp28:
0x36b: {  	_ = 	snop;
	(pc) =	sbr.rel @p1 .LBB2_41-.Ltmp28, $1  }
0x36c: {  	_ =	sdelay $0x3  }
0x36d: {  	p1 =	slt.s32 s1, $0x1  }
.Ltmp29:
0x36e: {  	_ = 	snop;
	(pc) =	sbr.rel @p1 .LBB2_39-.Ltmp29, $1  }
0x36f: {  	_ =	sdelay $0x3  }
0x370: {  	s5 =	simm.s32 $0x3858;
	p1 =	por $0x0, $0x0  }
0x371: {  	v1 =	vld.msk @!p1 [tilespmem:s5+$0x0], $0x1;
	_ =	sdelay $0x4  }
0x372: {  	(v2sf) =	vpush @!p1 v1, $0x0;
	_ =	sdelay $0xd  }
0x373: {  	p3 =	sne.s32 s1, $0x1  }
.Ltmp30:
0x374: {  	s0 =	spop @!p1 (v2sf);
	(pc) =	sbr.rel @!p3 .LBB2_38-.Ltmp30, $4  }
0x375: {  	p2 =	seq.s32 @!p1 s4, s0  }
0x376: {  	s6 =	simm.s32 $0x0;
	p2 =	por !p2, p1  }
0x377: {  	s0 =	simm.s32 $0xFFFFFFFF;
	s6 =	simm.s32 @p2 $0xFFFFFFFF  }
0x378: {  	s7 =	simm.s32 $0x1;
	s6 =	smov.u32 @p1 s0  }
.LBB2_37:
0x379: {  	s0 =	smov.u32 s6;
	p1 =	sne.s32 s6, $0xFFFFFFFF  }
0x37a: {  	s5 =	sadd.s32 $0x1, s5;
	s6 =	smov.u32 s7;
	s7 =	sadd.s32 $0x1, s7  }
0x37b: {  	p2 =	sne.s32 s1, s7;
	v1 =	vld.msk @!p1 [tilespmem:s5+$0x0], $0x1;
	_ =	sdelay $0x4  }
0x37c: {  	(v2sf) =	vpush @!p1 v1, $0x0;
	_ =	sdelay $0xe  }
.Ltmp31:
0x37d: {  	s8 =	spop @!p1 (v2sf);
	(pc) =	sbr.rel @p2 .LBB2_37-.Ltmp31, $4  }
0x37e: {  	p3 =	seq.s32 @!p1 s4, s8  }
0x37f: {  	p3 =	por !p3, p1  }
0x380: {  	s6 =	simm.s32 @p3 $0xFFFFFFFF  }
0x381: {  	s6 =	smov.u32 @p1 s0  }
.LBB2_38:
0x382: {  	p1 =	sne.s32 s6, $0xFFFFFFFF  }
.Ltmp32:
0x383: {  	_ = 	snop;
	(pc) =	sbr.rel @!p1 .LBB2_39-.Ltmp32, $1  }
0x384: {  	_ =	sdelay $0x3  }
0x385: {  	s0 =	sshll.u32 s2, $0x4  }
0x386: {  	s0 =	sand.u32 $0x3FFFFFF0, s0  }
0x387: {  	v0 =	vld [tilespmem:s0+$0x3878]  }
.Ltmp33:
0x388: {  	_ = 	snop;
	(pc) =	sbr.rel .LBB2_41-.Ltmp33, $4  }
0x389: {  	_ = 	snop  }
0x38a: {  	s31 =	sshll.u32 s6, $0x6  }
0x38b: {  	s0 =	sshra.s32 s31, $0x2  }
0x38c: {  	[tilespmem:s0+$0x3878] =	vst.add.f32.msk $0xffff, v0  }
.LBB2_42:
0x38d: {  	p1 =	slt.s32 s1, $0x1  }
.Ltmp34:
0x38e: {  	_ = 	snop;
	(pc) =	sbr.rel @p1 .LBB2_46-.Ltmp34, $3  }
0x38f: {  	_ =	sdelay $0x1  }
0x390: {  	s0 =	simm.s32 $0x8  }
0x391: {  	s2 =	simm.s32 $0x0;
	[sflag:s0] =	ssyncpa.u1 $0x1  }
0x392: {  	s0 =	simm.s32 $0x3858  }
0x393: {  	v0 =	vld.msk [tilespmem:s0+$0x0], $0x1;
	_ =	sdelay $0x4  }
0x394: {  	(v2sf) =	vpush v0, $0x0;
	_ =	sdelay $0xd  }
0x395: {  	s1 =	sadd.s32 $0xFFFFFFFF, s1  }
0x396: {  	p2 =	sne.s32 s1, $0x0;
	s0 =	spop (v2sf)  }
.Ltmp35:
0x397: {  	p1 =	sgt.u32 s0, $0x270FF;
	(pc) =	sbr.rel @!p2 .LBB2_45-.Ltmp35, $4  }
0x398: {  	s4 =	simm.s32 $0x3878;
	s5 =	sand.u32 @!p1 $0x3FFF8, s0  }
0x399: {  	s6 =	simm.s32 $0x0;
	s0 =	sand.u32 @!p1 $0x7, s0;
	s5 =	sadd.s32 @!p1 s3, s5  }
0x39a: {  	[hbm4b:s5+s0] =	stream.linear.scatter @!p1 [tilespmem:s4], [sflag:$0x7], $0x4, $0x38;
	[tilespmem:$0x1FE08] =	vst v63  }
0x39b: {  	s6 =	simm.s32 @!p1 $0x10;
	s5 =	simm.s32 $0x3859  }
.LBB2_44:
0x39c: {  	v0 =	vld.msk [tilespmem:s5+$0x0], $0x1;
	s1 =	sadd.s32 $0xFFFFFFFF, s1;
	s2 =	sadd.s32 s2, s6  }
0x39d: {  	p1 =	sne.s32 s1, $0x0;
	_ =	sdelay $0x3  }
0x39e: {  	(v2sf) =	vpush v0, $0x0;
	_ =	sdelay $0xe  }
.Ltmp36:
0x39f: {  	s0 =	spop (v2sf);
	(pc) =	sbr.rel @p1 .LBB2_44-.Ltmp36, $4  }
0x3a0: {  	s6 =	simm.s32 $0x0;
	p2 =	sgt.u32 s0, $0x270FF  }
0x3a1: {  	s4 =	sadd.s32 $0x10, s4;
	s6 =	simm.s32 @!p2 $0x10;
	s7 =	sand.u32 @!p2 $0x3FFF8, s0  }
0x3a2: {  	s5 =	sadd.s32 $0x1, s5;
	s0 =	sand.u32 @!p2 $0x7, s0;
	s7 =	sadd.s32 @!p2 s3, s7  }
0x3a3: {  	[hbm4b:s7+s0] =	stream.linear.scatter @!p2 [tilespmem:s4], [sflag:$0x7], $0x4, $0x38;
	[tilespmem:$0x1FE08] =	vst v63  }
.LBB2_45:
0x3a4: {  	s0 =	sadd.s32 s2, s6  }
0x3a5: {  	s2 =	sshrl.u32 s0, $0x2  }
.LBB2_46:
0x3a6: {  	s0 =	simm.s32 $0x7  }
0x3a7: {  	_ =	swait.ge [sflag:s0], s2  }
0x3a8: {  	s1 =	ssub.s32 $0x0, s2;
	[sflag:s0] =	ssyncset.done $0x0  }
0x3a9: {  	[sflag:s0] =	ssyncadd.s32 s1  }
0x3aa: {  	[sflag:s0] =	ssyncpa.u1 $0x1  }
.LBB2_47:
0x3ab: {  	_ =	sfence;
	s0 =	simm.s32 $0x1  }
0x3ac: {  	[sflag:s0] =	ssyncpa.u1 $0x1  }
0x3ad: {  	_ =	strace $0x90000056  }
0x3ae: {  	[bflag:$0x2] =	sbarrier.arrive $0xFFFF  }
0x3af: {  	s0 =	rddreg [dreg:$0x3]  }
0x3b0: {  	s0 =	sadd.s32 @!p0 $0x100000, s0  }
0x3b1: {  	[sflag:s0] =	ssyncadd.tile.s32 @!p0 $0x1;
	_ =	shalt  }
.Lfunc_end2:
_tile_overlayer_lowered:
.L_overlay_start_2:
0x3b2: {  	(tag) =	ssettag $0x2  }
0x3b3: {  	s0 =	rddreg [dreg:$0x0];
	s2 =	stileid.u32  }
0x3b4: {  	s1 =	rddreg [dreg:$0x1];
	p0 =	sne.s32 s2, $0x0  }
0x3b5: {  	s3 =	rddreg [dreg:$0x2];
	[bflag:$0x3] =	sbarrier.arrive $0xFFFF;
	s2 =	simm.s32 @!p0 $0x1C01  }
0x3b6: {  	[timem:s3], [sflag:s2] =	dma.local @!p0 [hbm:s0], s1  }
0x3b7: {  	s0 =	simm.s32 @!p0 $0x1  }
0x3b8: {  	_ =	swait.ge @!p0 [sflag:s0], s1  }
0x3b9: {  	s1 =	ssub.s32 @!p0 $0x0, s1;
	[sflag:s0] =	ssyncset.done @!p0 $0x0  }
0x3ba: {  	[sflag:s0] =	ssyncadd.s32 @!p0 s1  }
0x3bb: {  	[bflag:$0x3] =	sbarrier.arrive $0xFFFF  }
0x3bc: {  	_ =	shalt  }

// kernel: scatter_offload_async_start.3
scs
__scs_entry_jumppad:
0x0: {  	(pc) =	sbr.rel $0x88, $3  }
0x1: {  	(tag) =	ssettag $0x0;
	lr =	simm.s32 $0x1  }
0x2: {  	[smem:$0x3F86] =	sst lr;
	_ =	strace $0xD0000000  }
0x3: {  	_ = 	snop  }
0x4: {  	_ = 	snop  }
0x5: {  	_ = 	snop  }
0x6: {  	_ = 	snop  }
0x7: {  	_ = 	snop  }
__scs_overlays_trampoline_lowered:
0x8: {  	[smem:$0x3F95] =	sst s0  }
0x9: {  	[smem:$0x3F96] =	sst s1  }
0xa: {  	[smem:$0x3F97] =	sst s2  }
0xb: {  	[smem:$0x3F98] =	sst s3  }
0xc: {  	[smem:$0x3F99] =	sst s4  }
0xd: {  	[smem:$0x3F9A] =	sst s5  }
0xe: {  	[smem:$0x3F9B] =	sst s6  }
0xf: {  	[smem:$0x3F9C] =	sst s7  }
0x10: {  	[smem:$0x3F9D] =	sst s8  }
0x11: {  	[smem:$0x3F9E] =	sst s9;
	s0 =	simm.s32 @!p0 $0x0  }
0x12: {  	s1 =	sld [smem:$0x3F84];
	s0 =	simm.s32 @p0 $0x1  }
0x13: {  	[smem:$0x3F9F] =	sst s0;
	s0 =	simm.s32 @!p1 $0x0  }
0x14: {  	s2 =	sld [smem:$0x3F83];
	s0 =	simm.s32 @p1 $0x1  }
0x15: {  	[smem:$0x3FA0] =	sst s0;
	s0 =	simm.s32 @!p2 $0x0  }
0x16: {  	s3 =	sld [smem:$0x3FDB];
	s0 =	simm.s32 @p2 $0x1  }
0x17: {  	s4 =	simm.s32 $0x1BF5;
	[smem:$0x3FA2] =	sst s0  }
0x18: {  	s0 =	sld [smem:$0x3F85];
	_ =	swait.ge [sflag:s4], $0x0  }
0x19: {  	s7 =	sld [smem:$0x3F86]  }
0x1a: {  	s8 =	sadd.s32 $0xFFFFE003, lr  }
0x1b: {  	s9 =	sadd.s32 $0xFFFFFEF7, lr;
	s5 =	simm.s32 $0xFFFFFFFF;
	p2 =	slt.u32 s8, $0xFFFFF086  }
0x1c: {  	p1 =	slt.u32 s9, $0xF7A;
	s5 =	simm.s32 @!p2 $0x0  }
0x1d: {  	s5 =	simm.s32 @p1 $0x1;
	p0 =	seq.s32 s7, s2  }
0x1e: {  	s7 =	smul.u32 @!p0 $0xF7A, s2;
	p2 =	seq.s32 @!p0 s5, $0x0  }
0x1f: {  	s9 =	smul.u32 $0xF7A, s1;
	s8 =	simm.s32 @!p0 $0x1BF5;
	p2 =	por !p2, p0  }
0x20: {  	[sflag:s8] =	ssyncset.s32 @!p0 $0xFFFFF086;
	s6 =	sadd.s32 @!p0 s3, s7;
	s7 =	simm.s32 @!p0 $0x108  }
0x21: {  	s3 =	sadd.s32 s3, s9;
	s6 =	sadd.s32 @!p0 $0x88, s6;
	s7 =	simm.s32 @p2 $0x1082  }
0x22: {  	[simem:s7], [sflag:s8] =	dma.local @!p0 [hbm:s6], $0xF7A  }
0x23: {  	s9 =	sor.u32 $0xD0000000, s2;
	s6 =	simm.s32 $0x108;
	_ =	swait.ge @!p0 [sflag:s8], $0x0  }
0x24: {  	s3 =	sadd.s32 $0x88, s3;
	s6 =	simm.s32 @!p1 $0x1082;
	[sflag:s4] =	ssyncset.s32 $0xFFFFF086  }
0x25: {  	[simem:s6], [sflag:s4] =	dma.local [hbm:s3], $0xF7A  }
0x26: {  	[smem:$0x3F86] =	sst s1;
	(tag) =	ssettag s2;
	_ =	strace s9  }
0x27: {  	s1 =	sld [smem:$0x3F96]  }
0x28: {  	s2 =	sld [smem:$0x3F97]  }
0x29: {  	s4 =	sld [smem:$0x3F99]  }
0x2a: {  	p0 =	seq.s32 s5, $0x0;
	s5 =	sld [smem:$0x3F9A]  }
0x2b: {  	s6 =	sld [smem:$0x3F9B]  }
0x2c: {  	s7 =	sld [smem:$0x3F9C]  }
0x2d: {  	s3 =	simm.s32 $0x108;
	s8 =	sld [smem:$0x3F9D]  }
0x2e: {  	s3 =	simm.s32 @!p0 $0x1082;
	s9 =	sld [smem:$0x3F9E]  }
0x2f: {  	lr =	sadd.s32 s0, s3;
	s0 =	sld [smem:$0x3F95]  }
0x30: {  	s3 =	sld [smem:$0x3F98]  }
0x31: {  	[smem:$0x3FA1] =	sst s10  }
0x32: {  	s10 =	sld [smem:$0x3F9F];
	_ =	sdelay $0x3  }
0x33: {  	p0 =	seq.s32 s10, $0x1;
	s10 =	sld [smem:$0x3FA1];
	_ =	sdelay $0x3  }
0x34: {  	[smem:$0x3FA1] =	sst s10  }
0x35: {  	s10 =	sld [smem:$0x3FA0];
	_ =	sdelay $0x3  }
0x36: {  	p1 =	seq.s32 s10, $0x1;
	s10 =	sld [smem:$0x3FA1];
	_ =	sdelay $0x3  }
0x37: {  	[smem:$0x3FA1] =	sst s10  }
0x38: {  	s10 =	sld [smem:$0x3FA2]  }
0x39: {  	_ = 	snop;
	(pc) =	sbr.ind lr, $3  }
0x3a: {  	_ = 	snop  }
0x3b: {  	_ = 	snop  }
0x3c: {  	p2 =	seq.s32 s10, $0x1;
	s10 =	sld [smem:$0x3FA1]  }
0x3d: {  	_ =	shalt  }
0x3e: {  	_ =	shalt  }
0x3f: {  	_ =	shalt  }
0x40: {  	_ =	shalt  }
0x41: {  	_ =	shalt  }
0x42: {  	_ =	shalt  }
0x43: {  	_ =	shalt  }
0x44: {  	_ =	shalt  }
0x45: {  	_ =	shalt  }
0x46: {  	_ =	shalt  }
0x47: {  	_ =	shalt  }
0x48: {  	_ =	shalt  }
0x49: {  	_ =	shalt  }
0x4a: {  	_ =	shalt  }
0x4b: {  	_ =	shalt  }
0x4c: {  	_ =	shalt  }
0x4d: {  	_ =	shalt  }
0x4e: {  	_ =	shalt  }
0x4f: {  	_ =	shalt  }
0x50: {  	_ =	shalt  }
0x51: {  	_ =	shalt  }
0x52: {  	_ =	shalt  }
0x53: {  	_ =	shalt  }
0x54: {  	_ =	shalt  }
0x55: {  	_ =	shalt  }
0x56: {  	_ =	shalt  }
0x57: {  	_ =	shalt  }
0x58: {  	_ =	shalt  }
0x59: {  	_ =	shalt  }
0x5a: {  	_ =	shalt  }
0x5b: {  	_ =	shalt  }
0x5c: {  	_ =	shalt  }
0x5d: {  	_ =	shalt  }
0x5e: {  	_ =	shalt  }
0x5f: {  	_ =	shalt  }
0x60: {  	_ =	shalt  }
0x61: {  	_ =	shalt  }
0x62: {  	_ =	shalt  }
0x63: {  	_ =	shalt  }
0x64: {  	_ =	shalt  }
0x65: {  	_ =	shalt  }
0x66: {  	_ =	shalt  }
0x67: {  	_ =	shalt  }
0x68: {  	_ =	shalt  }
0x69: {  	_ =	shalt  }
0x6a: {  	_ =	shalt  }
0x6b: {  	_ =	shalt  }
0x6c: {  	_ =	shalt  }
0x6d: {  	_ =	shalt  }
0x6e: {  	_ =	shalt  }
0x6f: {  	_ =	shalt  }
0x70: {  	_ =	shalt  }
0x71: {  	_ =	shalt  }
0x72: {  	_ =	shalt  }
0x73: {  	_ =	shalt  }
0x74: {  	_ =	shalt  }
0x75: {  	_ =	shalt  }
0x76: {  	_ =	shalt  }
0x77: {  	_ =	shalt  }
0x78: {  	_ =	shalt  }
0x79: {  	_ =	shalt  }
0x7a: {  	_ =	shalt  }
0x7b: {  	_ =	shalt  }
0x7c: {  	_ =	shalt  }
0x7d: {  	_ =	shalt  }
0x7e: {  	_ =	shalt  }
0x7f: {  	_ =	shalt  }
0x80: {  	_ =	shalt  }
0x81: {  	_ =	shalt  }
0x82: {  	_ =	shalt  }
0x83: {  	_ =	shalt  }
0x84: {  	_ =	shalt  }
0x85: {  	_ =	shalt  }
0x86: {  	_ =	shalt  }
0x87: {  	_ =	shalt  }
.Lfunc_end0:
.L_simem_size_0:
called_computation.3_lowered:
.L_overlay_start_0:
0x88: {  	s2 =	sld [smem:$0x3FD9]  }
0x89: {  	s3 =	sld [smem:$0x3FFE];
	_ =	sdelay $0x1  }
0x8a: {  	s1 =	srdreg.scid  }
0x8b: {  	s0 =	sand.u32 $0x1, s1  }
0x8c: {  	s17 =	sshll.u32 s0, $0xA;
	s2 =	sadd.s32 s3, s2  }
0x8d: {  	s2 =	sadd.s32 s2, s17  }
0x8e: {  	[smem:$0x3FAD] =	sst s2  }
0x8f: {  	_ = 	snop  }
0x90: {  	(tm) =	ssettm $0x1  }
0x91: {  	s18 =	sld [smem:$0x3FFB];
	_ =	sdelay $0x3  }
0x92: {  	_ =	strace s18  }
0x93: {  	s2 =	sld [smem:$0x3FFC];
	_ =	sdelay $0x3  }
0x94: {  	_ =	strace s2  }
0x95: {  	s2 =	sld [smem:$0x3FFD];
	_ =	sdelay $0x3  }
0x96: {  	_ =	strace s2  }
0x97: {  	_ =	strace $0x8FFFFFFF  }
0x98: {  	s19 =	sld [smem:$0x3FDB];
	_ =	sdelay $0x1  }
0x99: {  	s20 =	simm.s32 $_scs_section_size  }
0x9a: {  	s4 =	simm.s32 $_size__tile_overlayer_lowered;
	s5 =	simm.s32 $_tile_overlayer_lowered  }
0x9b: {  	s6 =	simm.s32 $0x1BFF;
	s21 =	sshll.u32 s5, $0x1;
	s3 =	sadd.s32 s20, s19  }
0x9c: {  	s22 =	simm.s32 $0x0;
	s4 =	sshll.u32 s4, $0x1;
	s5 =	sadd.s32 s21, s3  }
0x9d: {  	[timem:s22], [sflag:s6] =	dma.local [hbm:s5], s4  }
0x9e: {  	_ =	swait.ge [sflag:s6], s4  }
0x9f: {  	s4 =	ssub.s32 $0x0, s4;
	[sflag:s6] =	ssyncset.done $0x0  }
0xa0: {  	[sflag:s6] =	ssyncadd.s32 s4;
	_ =	sdelay $0x1  }
0xa1: {  	s23 =	simm.s32 $0x1B8B  }
0xa2: {  	_ =	swait.ge [sflag:s23], $0x1  }
0xa3: {  	[sflag:s23] =	ssyncset.done $0x0  }
0xa4: {  	[sflag:s23] =	ssyncadd.s32 $0xFFFFFFFF  }
0xa5: {  	s4 =	sld [smem:$0x0]  }
0xa6: {  	s5 =	sand.u32 $0xFFFFFFFE, s1  }
0xa7: {  	p0 =	sne.s32 s1, s5  }
0xa8: {  	s5 =	sshll.u32 @p0 s5, $0xE  }
0xa9: {  	s5 =	sadd.s32 @p0 $0x11B8D, s5;
	s6 =	sshll.u32 @p0 s4, $0x11  }
0xaa: {  	s5 =	sor.u32 @p0 s6, s5  }
0xab: {  	[sflag:s5] =	ssyncadd.remote.s32 @p0 $0x1;
	_ =	sdelay $0x1  }
0xac: {  	s5 =	simm.s32 @p0 $0x1B8D  }
0xad: {  	_ =	swait.eq @p0 [sflag:s5], $0x1  }
0xae: {  	[sflag:s5] =	ssyncadd.s32 @p0 $0xFFFFFFFF  }
0xaf: {  	s6 =	sshll.u32 @!p0 s1, $0xE  }
0xb0: {  	s6 =	sor.u32 @!p0 $0x4000, s6;
	s5 =	simm.s32 @!p0 $0x1B8D  }
0xb1: {  	s7 =	sshll.u32 @!p0 s4, $0x11;
	s6 =	sadd.s32 @!p0 $0x11B8D, s6;
	_ =	swait.eq @!p0 [sflag:s5], $0x1  }
0xb2: {  	[sflag:s5] =	ssyncadd.s32 @!p0 $0xFFFFFFFF;
	s5 =	sor.u32 @!p0 s7, s6  }
0xb3: {  	s25 =	simm.s32 $0x1B8E;
	s24 =	sld [smem:$0x3FFE];
	[sflag:s5] =	ssyncadd.remote.s32 @!p0 $0x1  }
0xb4: {  	s26 =	simm.s32 $execute0_lowered;
	[smem:$0x3FD2] =	sst s25  }
0xb5: {  	s6 =	sshll.u32 s26, $0x1;
	_ =	strace $0x8000005B;
	[dreg:$0x1] =	wrdreg $0xFFFFFFFF  }
0xb6: {  	s28 =	simm.s32 $_size_execute0_lowered;
	s3 =	sadd.s32 s3, s6;
	[dreg:$0x0] =	wrdreg $0x0  }
0xb7: {  	s6 =	sshll.u32 s28, $0x1;
	[dreg:$0x2] =	wrdreg s3  }
0xb8: {  	[dreg:$0x3] =	wrdreg s6  }
0xb9: {  	[dreg:$0x4] =	wrdreg $0xC0  }
0xba: {  	_ =	task [dreg:s22], $0x5FFFF  }
0xbb: {  	[dreg:$0x1] =	wrdreg $0xFFFFFFFF  }
0xbc: {  	[dreg:$0x0] =	wrdreg $0x60  }
0xbd: {  	[dreg:$0x2] =	wrdreg s24  }
0xbe: {  	[dreg:$0x3] =	wrdreg s1  }
0xbf: {  	[dreg:$0x4] =	wrdreg s4  }
0xc0: {  	[dreg:$0x5] =	wrdreg $0x9  }
0xc1: {  	_ =	task.clear_ibuf [dreg:s22], $0x6FFFF;
	_ =	strace $0x9000005B  }
0xc2: {  	s29 =	simm.s32 $0x9;
	_ =	strace $0x8000005D  }
0xc3: {  	_ =	swait.ge [sflag:s29], $0x1  }
0xc4: {  	[sflag:s29] =	ssyncadd.s32 $0xFFFFFFFF  }
0xc5: {  	_ =	strace $0x9000005D  }
0xc6: {  	_ =	sfence  }
0xc7: {  	s30 =	sld [smem:$0x0];
	_ =	sdelay $0x2  }
0xc8: {  	s31 =	sshll.u32 s1, $0xD;
	s1 =	sshrl.u32 s1, $0x2  }
0xc9: {  	s4 =	sand.u32 $0x4000, s31;
	s1 =	sadd.s32 s1, s30  }
0xca: {  	s0 =	sor.u32 s4, s0;
	s1 =	sshll.u32 s1, $0x11  }
0xcb: {  	s0 =	sor.u32 s1, s0  }
0xcc: {  	s0 =	sadd.s32 $0x8F2B, s0  }
0xcd: {  	[sflag:s0] =	ssyncadd.remote.s32 $0x1  }
0xce: {  	_ =	sfence.sel $0xFFFF  }
0xcf: {  	[dreg:$0x0] =	wrdreg $0xFFFFFFFF;
	(pc) =	sbr.abs _section_cstart, $3  }
0xd0: {  	[dreg:$0x1] =	wrdreg $0xFFFFFFFF  }
0xd1: {  	_ =	task.clear_ibuf [dreg:s22], $0x2FFFF;
	_ =	strace $0x9FFFFFFF  }
0xd2: {  	(tm) =	ssettm $0x7FFFFFFF  }
0xd3: {  	_ =	shalt  }
tec
execute0_lowered:
.L_overlay_start_1:
0x0: {  	(tag) =	ssettag $0x1  }
0x1: {  	s6 =	rddreg [dreg:$0x0];
	_ =	strace $0x8000005C;
	s5 =	simm.s32 $0x1  }
0x2: {  	v0 =	vimm.s32 $0x0;
	[sflag:s5] =	ssyncpa.u1 $0x0  }
0x3: {  	[tilespmem:$0x28] =	vst v0  }
0x4: {  	[tilespmem:$0x38] =	vst v0  }
0x5: {  	[tilespmem:$0x48] =	vst v0  }
0x6: {  	[tilespmem:$0x58] =	vst v0  }
0x7: {  	[tilespmem:$0x68] =	vst v0  }
0x8: {  	[tilespmem:$0x78] =	vst v0  }
0x9: {  	[tilespmem:$0x88] =	vst v0  }
0xa: {  	[tilespmem:$0x98] =	vst v0  }
0xb: {  	[tilespmem:$0xA8] =	vst v0  }
0xc: {  	[tilespmem:$0xB8] =	vst v0  }
0xd: {  	[tilespmem:$0xC8] =	vst v0  }
0xe: {  	[tilespmem:$0xD8] =	vst v0  }
0xf: {  	[tilespmem:$0xE8] =	vst v0  }
0x10: {  	[tilespmem:$0xF8] =	vst v0  }
0x11: {  	[tilespmem:$0x108] =	vst v0  }
0x12: {  	[tilespmem:$0x118] =	vst v0  }
0x13: {  	[tilespmem:$0x128] =	vst v0  }
0x14: {  	[tilespmem:$0x138] =	vst v0  }
0x15: {  	[tilespmem:$0x148] =	vst v0  }
0x16: {  	[tilespmem:$0x158] =	vst v0  }
0x17: {  	[tilespmem:$0x168] =	vst v0  }
0x18: {  	[tilespmem:$0x178] =	vst v0  }
0x19: {  	[tilespmem:$0x188] =	vst v0  }
0x1a: {  	[tilespmem:$0x198] =	vst v0  }
0x1b: {  	[tilespmem:$0x1A8] =	vst v0  }
0x1c: {  	[tilespmem:$0x1B8] =	vst v0  }
0x1d: {  	[tilespmem:$0x1C8] =	vst v0  }
0x1e: {  	[tilespmem:$0x1D8] =	vst v0  }
0x1f: {  	[tilespmem:$0x1E8] =	vst v0  }
0x20: {  	[tilespmem:$0x1F8] =	vst v0  }
0x21: {  	[tilespmem:$0x208] =	vst v0  }
0x22: {  	[tilespmem:$0x218] =	vst v0  }
0x23: {  	[tilespmem:$0x228] =	vst v0  }
0x24: {  	[tilespmem:$0x238] =	vst v0  }
0x25: {  	[tilespmem:$0x248] =	vst v0  }
0x26: {  	[tilespmem:$0x258] =	vst v0  }
0x27: {  	[tilespmem:$0x268] =	vst v0  }
0x28: {  	[tilespmem:$0x278] =	vst v0  }
0x29: {  	[tilespmem:$0x288] =	vst v0  }
0x2a: {  	[tilespmem:$0x298] =	vst v0  }
0x2b: {  	[tilespmem:$0x2A8] =	vst v0  }
0x2c: {  	[tilespmem:$0x2B8] =	vst v0  }
0x2d: {  	[tilespmem:$0x2C8] =	vst v0  }
0x2e: {  	[tilespmem:$0x2D8] =	vst v0  }
0x2f: {  	[tilespmem:$0x2E8] =	vst v0  }
0x30: {  	[tilespmem:$0x2F8] =	vst v0  }
0x31: {  	[tilespmem:$0x308] =	vst v0  }
0x32: {  	[tilespmem:$0x318] =	vst v0  }
0x33: {  	[tilespmem:$0x328] =	vst v0  }
0x34: {  	[tilespmem:$0x338] =	vst v0  }
0x35: {  	[tilespmem:$0x348] =	vst v0  }
0x36: {  	[tilespmem:$0x358] =	vst v0  }
0x37: {  	[tilespmem:$0x368] =	vst v0  }
0x38: {  	[tilespmem:$0x378] =	vst v0  }
0x39: {  	[tilespmem:$0x388] =	vst v0  }
0x3a: {  	[tilespmem:$0x398] =	vst v0  }
0x3b: {  	[tilespmem:$0x3A8] =	vst v0  }
0x3c: {  	[tilespmem:$0x3B8] =	vst v0  }
0x3d: {  	[tilespmem:$0x3C8] =	vst v0  }
0x3e: {  	[tilespmem:$0x3D8] =	vst v0  }
0x3f: {  	[tilespmem:$0x3E8] =	vst v0  }
0x40: {  	[tilespmem:$0x3F8] =	vst v0  }
0x41: {  	[tilespmem:$0x408] =	vst v0  }
0x42: {  	[tilespmem:$0x418] =	vst v0  }
0x43: {  	[tilespmem:$0x428] =	vst v0  }
0x44: {  	[tilespmem:$0x438] =	vst v0  }
0x45: {  	[tilespmem:$0x448] =	vst v0  }
0x46: {  	[tilespmem:$0x458] =	vst v0  }
0x47: {  	[tilespmem:$0x468] =	vst v0  }
0x48: {  	[tilespmem:$0x478] =	vst v0  }
0x49: {  	[tilespmem:$0x488] =	vst v0  }
0x4a: {  	[tilespmem:$0x498] =	vst v0  }
0x4b: {  	[tilespmem:$0x4A8] =	vst v0  }
0x4c: {  	[tilespmem:$0x4B8] =	vst v0  }
0x4d: {  	[tilespmem:$0x4C8] =	vst v0  }
0x4e: {  	[tilespmem:$0x4D8] =	vst v0  }
0x4f: {  	[tilespmem:$0x4E8] =	vst v0  }
0x50: {  	[tilespmem:$0x4F8] =	vst v0  }
0x51: {  	[tilespmem:$0x508] =	vst v0  }
0x52: {  	[tilespmem:$0x518] =	vst v0  }
0x53: {  	[tilespmem:$0x528] =	vst v0  }
0x54: {  	[tilespmem:$0x538] =	vst v0  }
0x55: {  	[tilespmem:$0x548] =	vst v0  }
0x56: {  	[tilespmem:$0x558] =	vst v0  }
0x57: {  	[tilespmem:$0x568] =	vst v0  }
0x58: {  	[tilespmem:$0x578] =	vst v0  }
0x59: {  	[tilespmem:$0x588] =	vst v0  }
0x5a: {  	[tilespmem:$0x598] =	vst v0  }
0x5b: {  	[tilespmem:$0x5A8] =	vst v0  }
0x5c: {  	[tilespmem:$0x5B8] =	vst v0  }
0x5d: {  	[tilespmem:$0x5C8] =	vst v0  }
0x5e: {  	[tilespmem:$0x5D8] =	vst v0  }
0x5f: {  	[tilespmem:$0x5E8] =	vst v0  }
0x60: {  	[tilespmem:$0x5F8] =	vst v0  }
0x61: {  	[tilespmem:$0x608] =	vst v0  }
0x62: {  	[tilespmem:$0x618] =	vst v0  }
0x63: {  	[tilespmem:$0x628] =	vst v0  }
0x64: {  	[tilespmem:$0x638] =	vst v0  }
0x65: {  	[tilespmem:$0x648] =	vst v0  }
0x66: {  	[tilespmem:$0x658] =	vst v0  }
0x67: {  	[tilespmem:$0x668] =	vst v0  }
0x68: {  	[tilespmem:$0x678] =	vst v0  }
0x69: {  	[tilespmem:$0x688] =	vst v0  }
0x6a: {  	[tilespmem:$0x698] =	vst v0  }
0x6b: {  	[tilespmem:$0x6A8] =	vst v0  }
0x6c: {  	[tilespmem:$0x6B8] =	vst v0  }
0x6d: {  	[tilespmem:$0x6C8] =	vst v0  }
0x6e: {  	[tilespmem:$0x6D8] =	vst v0  }
0x6f: {  	[tilespmem:$0x6E8] =	vst v0  }
0x70: {  	[tilespmem:$0x6F8] =	vst v0  }
0x71: {  	[tilespmem:$0x708] =	vst v0  }
0x72: {  	[tilespmem:$0x718] =	vst v0  }
0x73: {  	[tilespmem:$0x728] =	vst v0  }
0x74: {  	[tilespmem:$0x738] =	vst v0  }
0x75: {  	[tilespmem:$0x748] =	vst v0  }
0x76: {  	[tilespmem:$0x758] =	vst v0  }
0x77: {  	[tilespmem:$0x768] =	vst v0  }
0x78: {  	[tilespmem:$0x778] =	vst v0  }
0x79: {  	[tilespmem:$0x788] =	vst v0  }
0x7a: {  	[tilespmem:$0x798] =	vst v0  }
0x7b: {  	[tilespmem:$0x7A8] =	vst v0  }
0x7c: {  	[tilespmem:$0x7B8] =	vst v0  }
0x7d: {  	[tilespmem:$0x7C8] =	vst v0  }
0x7e: {  	[tilespmem:$0x7D8] =	vst v0  }
0x7f: {  	[tilespmem:$0x7E8] =	vst v0  }
0x80: {  	[tilespmem:$0x7F8] =	vst v0  }
0x81: {  	[tilespmem:$0x808] =	vst v0  }
0x82: {  	[tilespmem:$0x818] =	vst v0  }
0x83: {  	[tilespmem:$0x828] =	vst v0  }
0x84: {  	[tilespmem:$0x838] =	vst v0  }
0x85: {  	[tilespmem:$0x848] =	vst v0  }
0x86: {  	[tilespmem:$0x858] =	vst v0  }
0x87: {  	[tilespmem:$0x868] =	vst v0  }
0x88: {  	[tilespmem:$0x878] =	vst v0  }
0x89: {  	[tilespmem:$0x888] =	vst v0  }
0x8a: {  	[tilespmem:$0x898] =	vst v0  }
0x8b: {  	[tilespmem:$0x8A8] =	vst v0  }
0x8c: {  	[tilespmem:$0x8B8] =	vst v0  }
0x8d: {  	[tilespmem:$0x8C8] =	vst v0  }
0x8e: {  	[tilespmem:$0x8D8] =	vst v0  }
0x8f: {  	[tilespmem:$0x8E8] =	vst v0  }
0x90: {  	[tilespmem:$0x8F8] =	vst v0  }
0x91: {  	[tilespmem:$0x908] =	vst v0  }
0x92: {  	[tilespmem:$0x918] =	vst v0  }
0x93: {  	[tilespmem:$0x928] =	vst v0  }
0x94: {  	[tilespmem:$0x938] =	vst v0  }
0x95: {  	[tilespmem:$0x948] =	vst v0  }
0x96: {  	[tilespmem:$0x958] =	vst v0  }
0x97: {  	[tilespmem:$0x968] =	vst v0  }
0x98: {  	[tilespmem:$0x978] =	vst v0  }
0x99: {  	[tilespmem:$0x988] =	vst v0  }
0x9a: {  	[tilespmem:$0x998] =	vst v0  }
0x9b: {  	[tilespmem:$0x9A8] =	vst v0  }
0x9c: {  	[tilespmem:$0x9B8] =	vst v0  }
0x9d: {  	[tilespmem:$0x9C8] =	vst v0  }
0x9e: {  	[tilespmem:$0x9D8] =	vst v0  }
0x9f: {  	[tilespmem:$0x9E8] =	vst v0  }
0xa0: {  	[tilespmem:$0x9F8] =	vst v0  }
0xa1: {  	[tilespmem:$0xA08] =	vst v0  }
0xa2: {  	[tilespmem:$0xA18] =	vst v0  }
0xa3: {  	[tilespmem:$0xA28] =	vst v0  }
0xa4: {  	[tilespmem:$0xA38] =	vst v0  }
0xa5: {  	[tilespmem:$0xA48] =	vst v0  }
0xa6: {  	[tilespmem:$0xA58] =	vst v0  }
0xa7: {  	[tilespmem:$0xA68] =	vst v0  }
0xa8: {  	[tilespmem:$0xA78] =	vst v0  }
0xa9: {  	[tilespmem:$0xA88] =	vst v0  }
0xaa: {  	[tilespmem:$0xA98] =	vst v0  }
0xab: {  	[tilespmem:$0xAA8] =	vst v0  }
0xac: {  	[tilespmem:$0xAB8] =	vst v0  }
0xad: {  	[tilespmem:$0xAC8] =	vst v0  }
0xae: {  	[tilespmem:$0xAD8] =	vst v0  }
0xaf: {  	[tilespmem:$0xAE8] =	vst v0  }
0xb0: {  	[tilespmem:$0xAF8] =	vst v0  }
0xb1: {  	[tilespmem:$0xB08] =	vst v0  }
0xb2: {  	[tilespmem:$0xB18] =	vst v0  }
0xb3: {  	[tilespmem:$0xB28] =	vst v0  }
0xb4: {  	[tilespmem:$0xB38] =	vst v0  }
0xb5: {  	[tilespmem:$0xB48] =	vst v0  }
0xb6: {  	[tilespmem:$0xB58] =	vst v0  }
0xb7: {  	[tilespmem:$0xB68] =	vst v0  }
0xb8: {  	[tilespmem:$0xB78] =	vst v0  }
0xb9: {  	[tilespmem:$0xB88] =	vst v0  }
0xba: {  	[tilespmem:$0xB98] =	vst v0  }
0xbb: {  	[tilespmem:$0xBA8] =	vst v0  }
0xbc: {  	[tilespmem:$0xBB8] =	vst v0  }
0xbd: {  	[tilespmem:$0xBC8] =	vst v0  }
0xbe: {  	[tilespmem:$0xBD8] =	vst v0  }
0xbf: {  	[tilespmem:$0xBE8] =	vst v0  }
0xc0: {  	[tilespmem:$0xBF8] =	vst v0  }
0xc1: {  	[tilespmem:$0xC08] =	vst v0  }
0xc2: {  	[tilespmem:$0xC18] =	vst v0  }
0xc3: {  	[tilespmem:$0xC28] =	vst v0  }
0xc4: {  	[tilespmem:$0xC38] =	vst v0  }
0xc5: {  	[tilespmem:$0xC48] =	vst v0  }
0xc6: {  	[tilespmem:$0xC58] =	vst v0  }
0xc7: {  	[tilespmem:$0xC68] =	vst v0  }
0xc8: {  	[tilespmem:$0xC78] =	vst v0  }
0xc9: {  	[tilespmem:$0xC88] =	vst v0  }
0xca: {  	[tilespmem:$0xC98] =	vst v0  }
0xcb: {  	[tilespmem:$0xCA8] =	vst v0  }
0xcc: {  	[tilespmem:$0xCB8] =	vst v0  }
0xcd: {  	[tilespmem:$0xCC8] =	vst v0  }
0xce: {  	[tilespmem:$0xCD8] =	vst v0  }
0xcf: {  	[tilespmem:$0xCE8] =	vst v0  }
0xd0: {  	[tilespmem:$0xCF8] =	vst v0  }
0xd1: {  	[tilespmem:$0xD08] =	vst v0  }
0xd2: {  	[tilespmem:$0xD18] =	vst v0  }
0xd3: {  	[tilespmem:$0xD28] =	vst v0  }
0xd4: {  	[tilespmem:$0xD38] =	vst v0  }
0xd5: {  	[tilespmem:$0xD48] =	vst v0  }
0xd6: {  	[tilespmem:$0xD58] =	vst v0  }
0xd7: {  	[tilespmem:$0xD68] =	vst v0  }
0xd8: {  	[tilespmem:$0xD78] =	vst v0  }
0xd9: {  	[tilespmem:$0xD88] =	vst v0  }
0xda: {  	[tilespmem:$0xD98] =	vst v0  }
0xdb: {  	[tilespmem:$0xDA8] =	vst v0  }
0xdc: {  	[tilespmem:$0xDB8] =	vst v0  }
0xdd: {  	[tilespmem:$0xDC8] =	vst v0  }
0xde: {  	[tilespmem:$0xDD8] =	vst v0  }
0xdf: {  	[tilespmem:$0xDE8] =	vst v0  }
0xe0: {  	[tilespmem:$0xDF8] =	vst v0  }
0xe1: {  	[tilespmem:$0xE08] =	vst v0  }
0xe2: {  	[tilespmem:$0xE18] =	vst v0  }
0xe3: {  	[tilespmem:$0xE28] =	vst v0  }
0xe4: {  	[tilespmem:$0xE38] =	vst v0  }
0xe5: {  	[tilespmem:$0xE48] =	vst v0  }
0xe6: {  	[tilespmem:$0xE58] =	vst v0  }
0xe7: {  	[tilespmem:$0xE68] =	vst v0  }
0xe8: {  	[tilespmem:$0xE78] =	vst v0  }
0xe9: {  	[tilespmem:$0xE88] =	vst v0  }
0xea: {  	[tilespmem:$0xE98] =	vst v0  }
0xeb: {  	[tilespmem:$0xEA8] =	vst v0  }
0xec: {  	[tilespmem:$0xEB8] =	vst v0  }
0xed: {  	[tilespmem:$0xEC8] =	vst v0  }
0xee: {  	[tilespmem:$0xED8] =	vst v0  }
0xef: {  	[tilespmem:$0xEE8] =	vst v0  }
0xf0: {  	[tilespmem:$0xEF8] =	vst v0  }
0xf1: {  	[tilespmem:$0xF08] =	vst v0  }
0xf2: {  	[tilespmem:$0xF18] =	vst v0  }
0xf3: {  	[tilespmem:$0xF28] =	vst v0  }
0xf4: {  	[tilespmem:$0xF38] =	vst v0  }
0xf5: {  	[tilespmem:$0xF48] =	vst v0  }
0xf6: {  	[tilespmem:$0xF58] =	vst v0  }
0xf7: {  	[tilespmem:$0xF68] =	vst v0  }
0xf8: {  	[tilespmem:$0xF78] =	vst v0  }
0xf9: {  	[tilespmem:$0xF88] =	vst v0  }
0xfa: {  	[tilespmem:$0xF98] =	vst v0  }
0xfb: {  	[tilespmem:$0xFA8] =	vst v0  }
0xfc: {  	[tilespmem:$0xFB8] =	vst v0  }
0xfd: {  	[tilespmem:$0xFC8] =	vst v0  }
0xfe: {  	[tilespmem:$0xFD8] =	vst v0  }
0xff: {  	[tilespmem:$0xFE8] =	vst v0  }
0x100: {  	[tilespmem:$0xFF8] =	vst v0  }
0x101: {  	[tilespmem:$0x1008] =	vst v0  }
0x102: {  	[tilespmem:$0x10E8] =	vst v0  }
0x103: {  	[tilespmem:$0x1C28] =	vst v0  }
0x104: {  	[tilespmem:$0x1C18] =	vst v0  }
0x105: {  	[tilespmem:$0x1C08] =	vst v0  }
0x106: {  	[tilespmem:$0x1BF8] =	vst v0  }
0x107: {  	[tilespmem:$0x1BE8] =	vst v0  }
0x108: {  	[tilespmem:$0x1BD8] =	vst v0  }
0x109: {  	[tilespmem:$0x1BC8] =	vst v0  }
0x10a: {  	[tilespmem:$0x1BB8] =	vst v0  }
0x10b: {  	[tilespmem:$0x1BA8] =	vst v0  }
0x10c: {  	[tilespmem:$0x1B98] =	vst v0  }
0x10d: {  	[tilespmem:$0x1B88] =	vst v0  }
0x10e: {  	[tilespmem:$0x1B78] =	vst v0  }
0x10f: {  	[tilespmem:$0x1B68] =	vst v0  }
0x110: {  	[tilespmem:$0x1B58] =	vst v0  }
0x111: {  	[tilespmem:$0x1B48] =	vst v0  }
0x112: {  	[tilespmem:$0x1B38] =	vst v0  }
0x113: {  	[tilespmem:$0x1B28] =	vst v0  }
0x114: {  	[tilespmem:$0x1B18] =	vst v0  }
0x115: {  	[tilespmem:$0x1B08] =	vst v0  }
0x116: {  	[tilespmem:$0x1AF8] =	vst v0  }
0x117: {  	[tilespmem:$0x1AE8] =	vst v0  }
0x118: {  	[tilespmem:$0x1AD8] =	vst v0  }
0x119: {  	[tilespmem:$0x1AC8] =	vst v0  }
0x11a: {  	[tilespmem:$0x1AB8] =	vst v0  }
0x11b: {  	[tilespmem:$0x1AA8] =	vst v0  }
0x11c: {  	[tilespmem:$0x1A98] =	vst v0  }
0x11d: {  	[tilespmem:$0x1A88] =	vst v0  }
0x11e: {  	[tilespmem:$0x1A78] =	vst v0  }
0x11f: {  	[tilespmem:$0x1A68] =	vst v0  }
0x120: {  	[tilespmem:$0x1A58] =	vst v0  }
0x121: {  	[tilespmem:$0x1A48] =	vst v0  }
0x122: {  	[tilespmem:$0x1A38] =	vst v0  }
0x123: {  	[tilespmem:$0x1A28] =	vst v0  }
0x124: {  	[tilespmem:$0x1A18] =	vst v0  }
0x125: {  	[tilespmem:$0x1A08] =	vst v0  }
0x126: {  	[tilespmem:$0x19F8] =	vst v0  }
0x127: {  	[tilespmem:$0x19E8] =	vst v0  }
0x128: {  	[tilespmem:$0x19D8] =	vst v0  }
0x129: {  	[tilespmem:$0x19C8] =	vst v0  }
0x12a: {  	[tilespmem:$0x19B8] =	vst v0  }
0x12b: {  	[tilespmem:$0x19A8] =	vst v0  }
0x12c: {  	[tilespmem:$0x1998] =	vst v0  }
0x12d: {  	[tilespmem:$0x1988] =	vst v0  }
0x12e: {  	[tilespmem:$0x1978] =	vst v0  }
0x12f: {  	[tilespmem:$0x1968] =	vst v0  }
0x130: {  	[tilespmem:$0x1958] =	vst v0  }
0x131: {  	[tilespmem:$0x1948] =	vst v0  }
0x132: {  	[tilespmem:$0x1938] =	vst v0  }
0x133: {  	[tilespmem:$0x1928] =	vst v0  }
0x134: {  	[tilespmem:$0x1918] =	vst v0  }
0x135: {  	[tilespmem:$0x1908] =	vst v0  }
0x136: {  	[tilespmem:$0x18F8] =	vst v0  }
0x137: {  	[tilespmem:$0x18E8] =	vst v0  }
0x138: {  	[tilespmem:$0x18D8] =	vst v0  }
0x139: {  	[tilespmem:$0x18C8] =	vst v0  }
0x13a: {  	[tilespmem:$0x18B8] =	vst v0  }
0x13b: {  	[tilespmem:$0x18A8] =	vst v0  }
0x13c: {  	[tilespmem:$0x1898] =	vst v0  }
0x13d: {  	[tilespmem:$0x1888] =	vst v0  }
0x13e: {  	[tilespmem:$0x1878] =	vst v0  }
0x13f: {  	[tilespmem:$0x1868] =	vst v0  }
0x140: {  	[tilespmem:$0x1858] =	vst v0  }
0x141: {  	[tilespmem:$0x1848] =	vst v0  }
0x142: {  	[tilespmem:$0x1838] =	vst v0  }
0x143: {  	[tilespmem:$0x1828] =	vst v0  }
0x144: {  	[tilespmem:$0x1818] =	vst v0  }
0x145: {  	[tilespmem:$0x1808] =	vst v0  }
0x146: {  	[tilespmem:$0x17F8] =	vst v0  }
0x147: {  	[tilespmem:$0x17E8] =	vst v0  }
0x148: {  	[tilespmem:$0x17D8] =	vst v0  }
0x149: {  	[tilespmem:$0x17C8] =	vst v0  }
0x14a: {  	[tilespmem:$0x17B8] =	vst v0  }
0x14b: {  	[tilespmem:$0x17A8] =	vst v0  }
0x14c: {  	[tilespmem:$0x1798] =	vst v0  }
0x14d: {  	[tilespmem:$0x1788] =	vst v0  }
0x14e: {  	[tilespmem:$0x1778] =	vst v0  }
0x14f: {  	[tilespmem:$0x1768] =	vst v0  }
0x150: {  	[tilespmem:$0x1758] =	vst v0  }
0x151: {  	[tilespmem:$0x1748] =	vst v0  }
0x152: {  	[tilespmem:$0x1738] =	vst v0  }
0x153: {  	[tilespmem:$0x1728] =	vst v0  }
0x154: {  	[tilespmem:$0x1718] =	vst v0  }
0x155: {  	[tilespmem:$0x1708] =	vst v0  }
0x156: {  	[tilespmem:$0x16F8] =	vst v0  }
0x157: {  	[tilespmem:$0x16E8] =	vst v0  }
0x158: {  	[tilespmem:$0x16D8] =	vst v0  }
0x159: {  	[tilespmem:$0x16C8] =	vst v0  }
0x15a: {  	[tilespmem:$0x16B8] =	vst v0  }
0x15b: {  	[tilespmem:$0x16A8] =	vst v0  }
0x15c: {  	[tilespmem:$0x1698] =	vst v0  }
0x15d: {  	[tilespmem:$0x1688] =	vst v0  }
0x15e: {  	[tilespmem:$0x1678] =	vst v0  }
0x15f: {  	[tilespmem:$0x1668] =	vst v0  }
0x160: {  	[tilespmem:$0x1658] =	vst v0  }
0x161: {  	[tilespmem:$0x1648] =	vst v0  }
0x162: {  	[tilespmem:$0x1638] =	vst v0  }
0x163: {  	[tilespmem:$0x1628] =	vst v0  }
0x164: {  	[tilespmem:$0x1618] =	vst v0  }
0x165: {  	[tilespmem:$0x1608] =	vst v0  }
0x166: {  	[tilespmem:$0x15F8] =	vst v0  }
0x167: {  	[tilespmem:$0x15E8] =	vst v0  }
0x168: {  	[tilespmem:$0x15D8] =	vst v0  }
0x169: {  	[tilespmem:$0x15C8] =	vst v0  }
0x16a: {  	[tilespmem:$0x15B8] =	vst v0  }
0x16b: {  	[tilespmem:$0x15A8] =	vst v0  }
0x16c: {  	[tilespmem:$0x1598] =	vst v0  }
0x16d: {  	[tilespmem:$0x1588] =	vst v0  }
0x16e: {  	[tilespmem:$0x1578] =	vst v0  }
0x16f: {  	[tilespmem:$0x1568] =	vst v0  }
0x170: {  	[tilespmem:$0x1558] =	vst v0  }
0x171: {  	[tilespmem:$0x1548] =	vst v0  }
0x172: {  	[tilespmem:$0x1538] =	vst v0  }
0x173: {  	[tilespmem:$0x1528] =	vst v0  }
0x174: {  	[tilespmem:$0x1518] =	vst v0  }
0x175: {  	[tilespmem:$0x1508] =	vst v0  }
0x176: {  	[tilespmem:$0x14F8] =	vst v0  }
0x177: {  	[tilespmem:$0x14E8] =	vst v0  }
0x178: {  	[tilespmem:$0x14D8] =	vst v0  }
0x179: {  	[tilespmem:$0x14C8] =	vst v0  }
0x17a: {  	[tilespmem:$0x14B8] =	vst v0  }
0x17b: {  	[tilespmem:$0x14A8] =	vst v0  }
0x17c: {  	[tilespmem:$0x1498] =	vst v0  }
0x17d: {  	[tilespmem:$0x1488] =	vst v0  }
0x17e: {  	[tilespmem:$0x1478] =	vst v0  }
0x17f: {  	[tilespmem:$0x1468] =	vst v0  }
0x180: {  	[tilespmem:$0x1458] =	vst v0  }
0x181: {  	[tilespmem:$0x1448] =	vst v0  }
0x182: {  	[tilespmem:$0x1438] =	vst v0  }
0x183: {  	[tilespmem:$0x1428] =	vst v0  }
0x184: {  	[tilespmem:$0x1418] =	vst v0  }
0x185: {  	[tilespmem:$0x1408] =	vst v0  }
0x186: {  	[tilespmem:$0x13F8] =	vst v0  }
0x187: {  	[tilespmem:$0x13E8] =	vst v0  }
0x188: {  	[tilespmem:$0x13D8] =	vst v0  }
0x189: {  	[tilespmem:$0x13C8] =	vst v0  }
0x18a: {  	[tilespmem:$0x13B8] =	vst v0  }
0x18b: {  	[tilespmem:$0x13A8] =	vst v0  }
0x18c: {  	[tilespmem:$0x1398] =	vst v0  }
0x18d: {  	[tilespmem:$0x1388] =	vst v0  }
0x18e: {  	[tilespmem:$0x1378] =	vst v0  }
0x18f: {  	[tilespmem:$0x1368] =	vst v0  }
0x190: {  	[tilespmem:$0x1358] =	vst v0  }
0x191: {  	[tilespmem:$0x1348] =	vst v0  }
0x192: {  	[tilespmem:$0x1338] =	vst v0  }
0x193: {  	[tilespmem:$0x1328] =	vst v0  }
0x194: {  	[tilespmem:$0x1318] =	vst v0  }
0x195: {  	[tilespmem:$0x1308] =	vst v0  }
0x196: {  	[tilespmem:$0x12F8] =	vst v0  }
0x197: {  	[tilespmem:$0x12E8] =	vst v0  }
0x198: {  	[tilespmem:$0x12D8] =	vst v0  }
0x199: {  	[tilespmem:$0x12C8] =	vst v0  }
0x19a: {  	[tilespmem:$0x12B8] =	vst v0  }
0x19b: {  	[tilespmem:$0x12A8] =	vst v0  }
0x19c: {  	[tilespmem:$0x1298] =	vst v0  }
0x19d: {  	[tilespmem:$0x1288] =	vst v0  }
0x19e: {  	[tilespmem:$0x1278] =	vst v0  }
0x19f: {  	[tilespmem:$0x1268] =	vst v0  }
0x1a0: {  	[tilespmem:$0x1258] =	vst v0  }
0x1a1: {  	[tilespmem:$0x1248] =	vst v0  }
0x1a2: {  	[tilespmem:$0x1238] =	vst v0  }
0x1a3: {  	[tilespmem:$0x1228] =	vst v0  }
0x1a4: {  	[tilespmem:$0x1218] =	vst v0  }
0x1a5: {  	[tilespmem:$0x1208] =	vst v0  }
0x1a6: {  	[tilespmem:$0x11F8] =	vst v0  }
0x1a7: {  	[tilespmem:$0x11E8] =	vst v0  }
0x1a8: {  	[tilespmem:$0x11D8] =	vst v0  }
0x1a9: {  	[tilespmem:$0x11C8] =	vst v0  }
0x1aa: {  	[tilespmem:$0x11B8] =	vst v0  }
0x1ab: {  	[tilespmem:$0x11A8] =	vst v0  }
0x1ac: {  	[tilespmem:$0x1198] =	vst v0  }
0x1ad: {  	[tilespmem:$0x1188] =	vst v0  }
0x1ae: {  	[tilespmem:$0x1178] =	vst v0  }
0x1af: {  	[tilespmem:$0x1168] =	vst v0  }
0x1b0: {  	[tilespmem:$0x1158] =	vst v0  }
0x1b1: {  	s3 =	srdreg.scid;
	[tilespmem:$0x1148] =	vst v0  }
0x1b2: {  	s3 =	sshll.u32 s3, $0x4;
	[tilespmem:$0x1138] =	vst v0  }
0x1b3: {  	s4 =	stileid.u32;
	s3 =	sand.u32 $0x10, s3;
	[tilespmem:$0x1128] =	vst v0  }
0x1b4: {  	[tilespmem:$0x1118] =	vst v0;
	s3 =	sor.u32 s4, s3  }
0x1b5: {  	[tilespmem:$0x1108] =	vst v0;
	s7 =	smul.u32 $0xB, s3  }
0x1b6: {  	s8 =	smin.u32 s3, $0x6;
	[tilespmem:$0x10F8] =	vst v0  }
0x1b7: {  	[tilespmem:$0x10C8] =	vst v0;
	s7 =	sadd.s32 s8, s7  }
0x1b8: {  	[tilespmem:$0x10D8] =	vst v0;
	p0 =	slt.u32 s3, $0x6;
	s8 =	simm.s32 $0x1500;
	s7 =	smul.u32 $0x1C0, s7  }
0x1b9: {  	s8 =	simm.s32 @!p0 $0x1340;
	[tilespmem:$0x10B8] =	vst v0  }
0x1ba: {  	[tilespmem:$0x1048] =	vst v0;
	s29 =	sadd.s32 s8, s7  }
0x1bb: {  	[tilespmem:$0x10A8] =	vst v0;
	s8 =	smin.u32 s29, $0x27280  }
0x1bc: {  	[tilespmem:$0x1098] =	vst v0;
	s12 =	ssub.s32 s8, s7  }
0x1bd: {  	[tilespmem:$0x1088] =	vst v0;
	p0 =	sgt.s32 s12, $0x0  }
0x1be: {  	[tilespmem:$0x1078] =	vst v0;
	s12 =	simm.s32 @!p0 $0x0  }
0x1bf: {  	[tilespmem:$0x1068] =	vst v0;
	s30 =	smulhi.u32 $0x92492493, s12  }
0x1c0: {  	[tilespmem:$0x1058] =	vst v0  }
0x1c1: {  	s9 =	simm.s32 $0x2;
	[tilespmem:$0x1028] =	vst v0;
	s13 =	sshrl.u32 s30, $0x8  }
0x1c2: {  	s11 =	simm.s32 $0x9;
	s15 =	simm.s32 $0x0;
	[tilespmem:$0x1038] =	vst v0;
	s14 =	smul.u32 $0x1C0, s13  }
.Ltmp0:
0x1c3: {  	s31 =	sshll.u32 s4, $0x5;
	[tilespmem:$0x1018] =	vst v0;
	[sflag:s9] =	ssyncpa.u1 $0x0;
	v0 =	vimm.s32 $0xFFFFFFFF;
	(pc) =	sbr.rel .LBB2_1-.Ltmp0, $4  }
0x1c4: {  	s10 =	sadd.s32 $0x10C00, s6;
	[dreg:$0x4] =	wrdreg s31;
	[tilespmem:$0x3848] =	vst v0;
	[sflag:s11] =	ssyncpa.u1 $0x0  }
0x1c5: {  	s3 =	sadd.s32 $0x286C00, s6;
	s6 =	sadd.s32 $0x15C00, s6;
	p0 =	sne.s32 s12, s14  }
0x1c6: {  	s12 =	simm.s32 $0xA;
	s14 =	simm.s32 $0x0;
	s5 =	simm.s32 @!p0 $0x0  }
0x1c7: {  	v0 =	vlaneseq.u32;
	p0 =	por $0x0, $0x0;
	s5 =	sadd.s32 s5, s13;
	s13 =	smov.u32 s7  }
.LBB2_12:
0x1c8: {  	_ =	swait.ge [sflag:s9], $0x0  }
0x1c9: {  	s16 =	simm.s32 $0x0;
	[sflag:s9] =	ssyncset.done $0x0  }
.LBB2_13:
0x1ca: {  	_ =	swait.ge [sflag:s12], s16  }
0x1cb: {  	s0 =	ssub.s32 $0x0, s16;
	v1 =	vmov s17;
	vm0 =	veq.s32 v0, $0x0;
	[sflag:s12] =	ssyncset.done $0x0  }
0x1cc: {  	vm15 =	veq.s32 v0, $0x2;
	v1 =	vsel vm0, s22, v1;
	[sflag:s12] =	ssyncadd.s32 s0  }
0x1cd: {  	v1 =	vsel vm15, s15, v1;
	[sflag:s12] =	ssyncpa.u1 $0x1  }
0x1ce: {  	[tilespmem:$0x3848] =	vst v1  }
.LBB2_14:
0x1cf: {  	s0 =	sadd.s32 $0x1C0, s13  }
0x1d0: {  	s1 =	smov.u32 s7;
	p1 =	slt.s32 s0, s8  }
0x1d1: {  	s1 =	smov.u32 @p1 s0;
	p1 =	sne.s32 s14, s5  }
.Ltmp1:
0x1d2: {  	_ = 	snop;
	(pc) =	sbr.rel @!p1 .LBB2_15-.Ltmp1, $3  }
0x1d3: {  	_ =	sdelay $0x1  }
0x1d4: {  	s31 =	sadd.s32 $0x1, s14;
	s15 =	smov.u32 s13  }
0x1d5: {  	p0 =	por !p0, !p0;
	s14 =	smov.u32 s31;
	s13 =	smov.u32 s1  }
.LBB2_1:
0x1d6: {  	p1 =	sge.u32 s14, s5  }
0x1d7: {  	p2 =	sgt.s32 @!p1 s13, $0x270C0  }
0x1d8: {  	s16 =	smov.u32 s13;
	s17 =	sshra.s32 @!p1 s13, $0x1F;
	p2 =	por !p2, p1  }
0x1d9: {  	s17 =	sand.u32 @!p1 s17, s13;
	s16 =	simm.s32 @p2 $0x270C0  }
0x1da: {  	s16 =	ssub.s32 @!p1 s16, s17  }
0x1db: {  	s17 =	sxor.u32 @!p1 $0xFFFFFFFF, s14;
	s16 =	sadd.s32 @!p1 $0xFFFD8F40, s16  }
0x1dc: {  	s17 =	sand.u32 @!p1 $0x1, s17;
	s18 =	sshll.u32 @!p1 s16, $0x2  }
0x1dd: {  	p2 =	sgt.s32 @!p1 s16, $0x1BF;
	s16 =	ssub.s32 @!p1 $0x700, s18;
	s18 =	smul.u32 @!p1 $0x700, s17  }
0x1de: {  	s19 =	sshrl.u32 @!p1 s13, $0x3;
	s20 =	sand.u32 @!p1 $0x7, s13  }
0x1df: {  	p2 =	por !p2, p1;
	s16 =	sshrl.u32 @!p1 s16, $0x2;
	s18 =	sshrl.u32 @!p1 s18, $0x2  }
0x1e0: {  	s19 =	sadd.s32 @!p1 s10, s19;
	s16 =	simm.s32 @!p2 $0x0;
	s18 =	sadd.s32 @!p1 $0x3A88, s18  }
0x1e1: {  	[tilespmem:s18], [sflag:$0x9] =	stream.linear.gather @!p1 [hbm4b:s19+s20], s16, $0x38;
	[tilespmem:$0x1FE08] =	vst v63  }
0x1e2: {  	s16 =	ssub.s32 @!p1 $0x27100, s13  }
0x1e3: {  	p2 =	sgt.s32 @!p1 s16, $0x0  }
0x1e4: {  	s17 =	smul.u32 @!p1 $0x38000, s17;
	p2 =	por !p2, p1  }
0x1e5: {  	s16 =	simm.s32 @p2 $0x0  }
0x1e6: {  	s17 =	sshrl.u32 @!p1 s17, $0x2;
	s18 =	sshll.u32 @!p1 s13, $0x4;
	s16 =	smin.u32 @!p1 s16, $0x1C0  }
0x1e7: {  	s17 =	sadd.s32 @!p1 $0x3E08, s17;
	s18 =	sadd.s32 @!p1 s6, s18;
	s16 =	sshll.u32 @!p1 s16, $0x7  }
0x1e8: {  	[tilespmem:s17], [sflag:$0x9] =	stream.linear.gather @!p1 [hbm:s18], s16, $0x38;
	[tilespmem:$0x1FE08] =	vst v63  }
0x1e9: {  	p1 =	seq.s32 s14, $0x0  }
.Ltmp2:
0x1ea: {  	_ = 	snop;
	(pc) =	sbr.rel @p1 .LBB2_14-.Ltmp2, $1  }
0x1eb: {  	_ =	sdelay $0x3  }
0x1ec: {  	p1 =	sgt.s32 s15, $0x270C0  }
0x1ed: {  	s16 =	smov.u32 s15;
	s17 =	sshra.s32 s15, $0x1F;
	s21 =	ssub.s32 $0x27100, s15  }
0x1ee: {  	s16 =	simm.s32 @!p1 $0x270C0;
	s17 =	sand.u32 s17, s15;
	p1 =	sgt.s32 s21, $0x0  }
0x1ef: {  	s16 =	ssub.s32 s16, s17;
	s21 =	simm.s32 @!p1 $0x0  }
0x1f0: {  	s16 =	sadd.s32 $0xFFFD8F40, s16;
	s29 =	smin.u32 s21, $0x1C0  }
0x1f1: {  	s18 =	sshll.u32 s16, $0x2;
	s17 =	sshll.u32 s29, $0x7  }
0x1f2: {  	p1 =	sgt.s32 s16, $0x1BF;
	s30 =	ssub.s32 $0x700, s18;
	_ =	swait.ge [sflag:s11], s17  }
0x1f3: {  	s17 =	ssub.s32 $0x0, s17;
	[sflag:s11] =	ssyncset.done $0x0;
	s16 =	sshrl.u32 s30, $0x2  }
0x1f4: {  	[sflag:s11] =	ssyncadd.s32 s17;
	s16 =	simm.s32 @p1 $0x0  }
0x1f5: {  	_ =	swait.ge [sflag:s11], s16  }
0x1f6: {  	s16 =	ssub.s32 $0x0, s16;
	[sflag:s11] =	ssyncset.done $0x0  }
0x1f7: {  	[sflag:s11] =	ssyncadd.s32 s16  }
0x1f8: {  	v1 =	vld [tilespmem:$0x3848];
	_ =	sdelay $0x4  }
0x1f9: {  	(v2sf) =	vpush v1, $0x0  }
0x1fa: {  	(v2sf) =	vpush v1, $0x1  }
0x1fb: {  	(v2sf) =	vpush v1, $0x2;
	_ =	sdelay $0x3  }
0x1fc: {  	s16 =	sadd.s32 $0x1C0, s15  }
0x1fd: {  	p1 =	slt.s32 s8, s16  }
0x1fe: {  	s16 =	smov.u32 @p1 s8  }
0x1ff: {  	s20 =	ssub.s32 s16, s15  }
0x200: {  	p1 =	slt.s32 s21, s20  }
0x201: {  	s20 =	smov.u32 @p1 s21  }
0x202: {  	s18 =	simm.s32 $0x1;
	p1 =	slt.s32 s20, $0x1  }
.Ltmp3:
0x203: {  	s18 =	simm.s32 @!p0 $0x0;
	(pc) =	sbr.rel @p1 .LBB2_6-.Ltmp3, $4  }
0x204: {  	s31 =	smul.u32 $0x700, s18  }
0x205: {  	s19 =	spop (v2sf)  }
0x206: {  	s15 =	sshrl.u32 s31, $0x2;
	s21 =	spop (v2sf)  }
0x207: {  	s16 =	sadd.s32 $0x3A88, s15;
	s15 =	spop (v2sf)  }
0x208: {  	s17 =	smin.u32 s20, $0x10  }
0x209: {  	v1 =	vmov s17  }
0x20a: {  	p2 =	sgt.s32 s20, $0x10;
	vm1 =	vgt.u32 v1, v0  }
.Ltmp4:
0x20b: {  	_ = 	snop;
	(pc) =	sbr.rel @!p2 .LBB2_5-.Ltmp4, $2  }
0x20c: {  	_ =	sdelay $0x2  }
0x20d: {  	s22 =	simm.s32 $0x10;
	s23 =	sadd.s32 $0xFFFFFFF0, s20;
	s17 =	smov.u32 s16;
	vm0 =	vmmov vm1  }
.LBB2_4:
0x20e: {  	s24 =	smin.u32 s23, $0x10;
	s22 =	sadd.s32 $0x10, s22;
	v1 =	vld.msk [tilespmem:s17+$0x0 ss:$0x1], vm1  }
0x20f: {  	v2 =	vmov s24;
	p2 =	slt.s32 s22, s20  }
0x210: {  	vm1 =	vgt.u32 v2, v0  }
.Ltmp5:
0x211: {  	(pc) =	sbr.rel @p2 .LBB2_4-.Ltmp5, $3  }
0x212: {  	_ =	sdelay $0x1  }
0x213: {  	v1 =	vshll.u32 v1, $0x4  }
0x214: {  	s23 =	sadd.s32 $0xFFFFFFF0, s23;
	[tilespmem:s17+$0x0] =	vst.msk vm0, v1;
	s17 =	sadd.s32 $0x10, s17;
	vm0 =	vmmov vm1  }
.LBB2_5:
0x215: {  	_ =	sdelay $0x4  }
0x216: {  	v1 =	vld.msk [tilespmem:s17+$0x0 ss:$0x1], vm1;
	_ =	sdelay $0x4  }
0x217: {  	v1 =	vshll.u32 v1, $0x4  }
0x218: {  	[tilespmem:s17+$0x0] =	vst.msk vm0, v1  }
.LBB2_6:
0x219: {  	s17 =	sand.u32 $0x1, s14  }
0x21a: {  	s17 =	smul.u32 $0x1C0, s17  }
0x21b: {  	p2 =	sne.s32 s21, $0xFFFFFFFF  }
0x21c: {  	v1 =	vld.msk @!p2 [tilespmem:s17+$0x3A88], $0x1;
	_ =	sdelay $0x4  }
0x21d: {  	(v2sf) =	vpush @!p2 v1, $0x0;
	_ =	sdelay $0xc  }
.Ltmp6:
0x21e: {  	_ = 	snop;
	(pc) =	sbr.rel @p1 .LBB2_12-.Ltmp6, $4  }
0x21f: {  	_ = 	snop  }
0x220: {  	s22 =	spop @!p2 (v2sf)  }
0x221: {  	s15 =	simm.s32 @!p2 $0x0;
	s17 =	smov.u32 s22  }
0x222: {  	[sflag:s12] =	ssyncpa.u1 $0x0;
	s22 =	smov.u32 @p2 s19;
	s17 =	smov.u32 @p2 s21  }
0x223: {  	v1 =	vld.msk [tilespmem:s16+$0x0], $0x1;
	_ =	sdelay $0x4  }
0x224: {  	(v2sf) =	vpush v1, $0x0;
	_ =	sdelay $0xe  }
0x225: {  	s24 =	spop (v2sf)  }
0x226: {  	p1 =	seq.s32 s22, s24  }
0x227: {  	p2 =	sgt.s32 @!p1 s22, $0x0  }
0x228: {  	s23 =	smov.u32 s22;
	s21 =	sadd.s32 $0xFFFFFFFF, s20;
	p2 =	por !p2, p1  }
0x229: {  	s18 =	smul.u32 $0x38000, s18;
	s23 =	simm.s32 @p2 $0x0;
	p2 =	sne.s32 s21, $0x0  }
.Ltmp7:
0x22a: {  	_ = 	snop;
	(pc) =	sbr.rel @!p2 .LBB2_9-.Ltmp7, $4  }
0x22b: {  	s19 =	simm.s32 $0x0;
	s18 =	sshrl.u32 s18, $0x2  }
0x22c: {  	s18 =	sadd.s32 $0x3E08, s18;
	s25 =	simm.s32 @!p1 $0x1;
	s23 =	smin.u32 @!p1 s23, $0x270FF  }
0x22d: {  	s26 =	simm.s32 @!p1 $0x1C38;
	s25 =	smov.u32 @p1 s19;
	s29 =	sand.u32 @!p1 $0x3FFF8, s23  }
0x22e: {  	s28 =	sand.u32 @!p1 $0x7, s23;
	s23 =	sadd.s32 $0x1, s16;
	s29 =	sadd.s32 @!p1 s3, s29  }
.LBB2_8:
0x22f: {  	s30 =	smov.u32 s25  }
0x230: {  	[tilespmem:s26], [sflag:$0x2] =	stream.linear.gather @!p1 [hbm4b:s29+s28], $0x3, $0x38;
	[tilespmem:$0x1FE08] =	vst v63  }
0x231: {  	s21 =	sadd.s32 $0xFFFFFFFF, s21;
	s28 =	smov.u32 s24;
	v1 =	vld.msk [tilespmem:s23+$0x0], $0x1  }
0x232: {  	p2 =	sne.s32 s21, $0x0;
	_ =	sdelay $0x3  }
0x233: {  	(v2sf) =	vpush v1, $0x0;
	_ =	sdelay $0xe  }
0x234: {  	s24 =	spop (v2sf)  }
0x235: {  	p1 =	seq.s32 s28, s24  }
0x236: {  	p3 =	sgt.s32 @!p1 s28, $0x0;
	s26 =	sshll.u32 @!p1 s25, $0x6;
	s25 =	sadd.s32 @!p1 $0x1, s25  }
.Ltmp8:
0x237: {  	p3 =	por !p3, p1;
	s26 =	sshra.s32 @!p1 s26, $0x2;
	(pc) =	sbr.rel @p2 .LBB2_8-.Ltmp8, $4  }
0x238: {  	s25 =	smov.u32 @p1 s30;
	s28 =	simm.s32 @p3 $0x0;
	s26 =	sadd.s32 @!p1 $0x1C38, s26  }
0x239: {  	s28 =	smin.u32 @!p1 s28, $0x270FF  }
0x23a: {  	s29 =	sand.u32 @!p1 $0x3FFF8, s28;
	s28 =	sand.u32 @!p1 $0x7, s28  }
0x23b: {  	s23 =	sadd.s32 $0x1, s23;
	s29 =	sadd.s32 @!p1 s3, s29  }
.LBB2_9:
0x23c: {  	s21 =	smul.u32 $0xC, s25  }
0x23d: {  	[tilespmem:s26], [sflag:$0x2] =	stream.linear.gather @!p1 [hbm4b:s29+s28], $0x3, $0x38;
	[tilespmem:$0x1FE08] =	vst v63  }
0x23e: {  	s21 =	sshrl.u32 s21, $0x2  }
0x23f: {  	_ =	swait.ge [sflag:s9], s21  }
0x240: {  	s21 =	ssub.s32 $0x0, s21;
	[sflag:s9] =	ssyncset.done $0x0  }
0x241: {  	[sflag:s9] =	ssyncadd.s32 s21  }
0x242: {  	v1 =	vld.msk [tilespmem:s16+$0x0], $0x1;
	_ =	sdelay $0x4  }
0x243: {  	(v2sf) =	vpush v1, $0x0;
	_ =	sdelay $0xe  }
0x244: {  	s21 =	spop (v2sf)  }
0x245: {  	p1 =	sne.s32 s22, s21  }
0x246: {  	p3 =	sne.s32 @p1 s22, s17  }
0x247: {  	p2 =	por !p3, !p1  }
0x248: {  	s23 =	simm.s32 @!p2 $0x0  }
0x249: {  	v1 =	vld.msk @!p2 [tilespmem:s23+$0x1C38], $0x7  }
0x24a: {  	p4 =	sgt.u32 @!p2 s22, $0x270FF  }
0x24b: {  	s24 =	sshll.u32 @!p2 s15, $0x6;
	p5 =	por @p1 p4, !p3  }
0x24c: {  	s24 =	sshra.s32 @!p2 s24, $0x2;
	p6 =	por p5, !p1;
	p5 =	por p3, !p1  }
0x24d: {  	s25 =	sadd.s32 @!p2 $0x28, s24;
	s26 =	sand.u32 @!p6 $0x3FFF8, s22;
	s28 =	sshll.u32 @!p5 s15, $0x6  }
0x24e: {  	s22 =	sand.u32 @!p6 $0x7, s22;
	[tilespmem:s24+$0x28] =	vst.add.f32.msk @!p2 $0x7, v1;
	s24 =	sadd.s32 @!p6 s3, s26;
	s26 =	sshra.s32 @!p5 s28, $0x2  }
0x24f: {  	[hbm4b:s24+s22] =	stream.linear.scatter @!p6 [tilespmem:s25], [sflag:$0xA], $0x3, $0x38;
	[tilespmem:$0x1FE08] =	vst v63  }
0x250: {  	s23 =	rddreg [dreg:$0x4];
	s22 =	sadd.s32 @!p5 $0x28, s26;
	s24 =	simm.s32 @!p5 $0x1  }
0x251: {  	[spmem:s23] =	stream.linear.scatter @!p5 [tilespmem:s22], [sflag:$0x1], $0x3, $0x38;
	[tilespmem:$0x1FE08] =	vst v63  }
0x252: {  	s22 =	sadd.s32 @p1 $0x1, s15;
	_ =	swait.ge @!p5 [sflag:s24], $0x3  }
0x253: {  	s23 =	sshrl.u32 @p1 s22, $0x6;
	[sflag:s24] =	ssyncset.done @!p5 $0x0  }
0x254: {  	s23 =	smulhi.u32 @p1 $0x24924925, s23;
	[sflag:s24] =	ssyncadd.s32 @!p5 $0xFFFFFFFD  }
0x255: {  	s20 =	sadd.s32 $0xFFFFFFFF, s20;
	v1 =	vld.msk @p1 [tilespmem:s18+$0x0], $0x7  }
0x256: {  	p4 =	por @p1 !p4, !p3;
	p3 =	sne.s32 s20, $0x0;
	s23 =	smul.u32 @p1 $0x1C0, s23  }
.Ltmp9:
0x257: {  	p4 =	por !p4, !p1;
	s24 =	simm.s32 @!p2 $0x0;
	(pc) =	sbr.rel @!p3 .LBB2_11-.Ltmp9, $4  }
0x258: {  	s25 =	sshll.u32 @!p1 s15, $0x6;
	s24 =	simm.s32 @!p4 $0xC;
	s22 =	ssub.s32 @p1 s22, s23  }
0x259: {  	s26 =	simm.s32 @p1 $0x1;
	s24 =	sadd.s32 @!p2 $0x0, s24;
	s23 =	sshll.u32 @p1 s22, $0x4  }
0x25a: {  	s24 =	smov.u32 @p2 s19;
	s15 =	smov.u32 @p1 s22;
	s22 =	simm.s32 $0x0;
	[tilespmem:s23+$0x28] =	vst.msk @p1 $0x7, v1  }
0x25b: {  	s19 =	smov.u32 @p1 s26;
	s22 =	smov.u32 @p1 s24;
	s23 =	sshra.s32 @!p1 s25, $0x2;
	v1 =	vld.msk @!p1 [tilespmem:s18+$0x0], $0x7  }
.LBB2_10:
0x25c: {  	_ =	sdelay $0x3  }
0x25d: {  	s16 =	sadd.s32 $0x1, s16;
	[tilespmem:s23+$0x28] =	vst.add.f32.msk @!p1 $0x7, v1  }
0x25e: {  	v1 =	vld.msk [tilespmem:s16+$0x0], $0x1;
	_ =	sdelay $0x4  }
0x25f: {  	(v2sf) =	vpush v1, $0x0;
	_ =	sdelay $0xe  }
0x260: {  	s24 =	smov.u32 s21;
	s21 =	spop (v2sf)  }
0x261: {  	p1 =	sne.s32 s24, s21  }
0x262: {  	p4 =	sne.s32 @p1 s24, s17  }
0x263: {  	p3 =	por !p4, !p1  }
0x264: {  	s29 =	sshll.u32 @!p3 s19, $0x6  }
0x265: {  	s29 =	sshra.s32 @!p3 s29, $0x2  }
0x266: {  	p5 =	sgt.u32 @!p3 s24, $0x270FF;
	v1 =	vld.msk @!p3 [tilespmem:s29+$0x1C38], $0x7  }
0x267: {  	s30 =	sshll.u32 @!p3 s15, $0x6;
	p6 =	por @p1 p5, !p4;
	p5 =	por @p1 !p5, !p4  }
0x268: {  	s31 =	simm.s32 @!p3 $0x0;
	s30 =	sshra.s32 @!p3 s30, $0x2;
	p5 =	por !p5, !p1  }
0x269: {  	p4 =	por p4, !p1;
	s31 =	simm.s32 @!p5 $0xC;
	p5 =	por p6, !p1  }
0x26a: {  	s29 =	sadd.s32 @!p3 $0x28, s30;
	s2 =	sshll.u32 @!p4 s15, $0x6;
	s1 =	sand.u32 @!p5 $0x3FFF8, s24  }
0x26b: {  	s2 =	sshra.s32 @!p4 s2, $0x2;
	s24 =	sand.u32 @!p5 $0x7, s24;
	s1 =	sadd.s32 @!p5 s3, s1;
	[tilespmem:s30+$0x28] =	vst.add.f32.msk @!p3 $0x7, v1  }
0x26c: {  	[hbm4b:s1+s24] =	stream.linear.scatter @!p5 [tilespmem:s29], [sflag:$0xA], $0x3, $0x38;
	[tilespmem:$0x1FE08] =	vst v63  }
0x26d: {  	s25 =	rddreg [dreg:$0x4];
	s1 =	sadd.s32 @!p4 $0x28, s2;
	s2 =	simm.s32 @!p4 $0x1  }
0x26e: {  	[spmem:s25] =	stream.linear.scatter @!p4 [tilespmem:s1], [sflag:$0x1], $0x3, $0x38;
	[tilespmem:$0x1FE08] =	vst v63  }
0x26f: {  	s26 =	sadd.s32 @p1 $0x1, s15;
	_ =	swait.ge @!p4 [sflag:s2], $0x3  }
0x270: {  	s28 =	sshrl.u32 @p1 s26, $0x6;
	[sflag:s2] =	ssyncset.done @!p4 $0x0  }
0x271: {  	s18 =	sadd.s32 $0x80, s18;
	s28 =	smulhi.u32 @p1 $0x24924925, s28;
	[sflag:s2] =	ssyncadd.s32 @!p4 $0xFFFFFFFD  }
0x272: {  	s20 =	sadd.s32 $0xFFFFFFFF, s20;
	v1 =	vld.msk @p1 [tilespmem:s18+$0x0], $0x7  }
0x273: {  	p2 =	sne.s32 s20, $0x0;
	s28 =	smul.u32 @p1 $0x1C0, s28  }
.Ltmp10:
0x274: {  	_ = 	snop;
	(pc) =	sbr.rel @p2 .LBB2_10-.Ltmp10, $4  }
0x275: {  	s26 =	ssub.s32 @p1 s26, s28  }
0x276: {  	s23 =	sshll.u32 @!p1 s15, $0x6;
	s31 =	sadd.s32 @!p3 s31, s22;
	s24 =	sshll.u32 @p1 s26, $0x4  }
0x277: {  	s0 =	sadd.s32 @p1 $0x1, s19;
	s23 =	sshra.s32 @!p1 s23, $0x2;
	s31 =	smov.u32 @p3 s22;
	[tilespmem:s24+$0x28] =	vst.msk @p1 $0x7, v1  }
0x278: {  	s19 =	smov.u32 @p1 s0;
	s15 =	smov.u32 @p1 s26;
	s22 =	smov.u32 @p1 s31;
	v1 =	vld.msk @!p1 [tilespmem:s18+$0x0], $0x7  }
.LBB2_11:
.Ltmp11:
0x279: {  	_ = 	snop;
	(pc) =	sbr.rel .LBB2_13-.Ltmp11, $2  }
0x27a: {  	_ =	sdelay $0x2  }
0x27b: {  	s16 =	sshrl.u32 s22, $0x2;
	s22 =	smov.u32 s21;
	[tilespmem:s23+$0x28] =	vst.add.f32.msk @!p1 $0x7, v1  }
.LBB2_15:
0x27c: {  	_ =	sfence.sel $0x180000  }
0x27d: {  	s0 =	simm.s32 $0x9;
	[bflag:$0x0] =	sbarrier.arrive $0xFFFF  }
0x27e: {  	s26 =	simm.s32 $0x2;
	[sflag:s0] =	ssyncpa.u1 $0x1  }
0x27f: {  	[sflag:s26] =	ssyncpa.u1 $0x1  }
0x280: {  	v0 =	vld [tilespmem:$0x3848];
	_ =	sdelay $0x4  }
0x281: {  	(v2sf) =	vpush v0, $0x0  }
0x282: {  	(v2sf) =	vpush v0, $0x1;
	_ =	sdelay $0x1  }
0x283: {  	(v2sf) =	vpush v0, $0x2;
	_ =	sdelay $0xb  }
0x284: {  	s0 =	spop (v2sf)  }
0x285: {  	s1 =	spop (v2sf)  }
0x286: {  	s2 =	smov.u32 s0;
	p0 =	sne.s32 s0, s1  }
0x287: {  	s5 =	spop (v2sf);
	s2 =	simm.s32 @!p0 $0xFFFFFFFF  }
0x288: {  	v2 =	vimm.s32 $0x1;
	v3 =	vlaneseq.u32;
	p0 =	seq.s32 s5, $0xFFFFFFFF;
	v1 =	vmov s2  }
0x289: {  	v0 =	vperm.xlane v0, v2;
	p1 =	sne.s32 @!p0 s0, s1;
	v1 =	vperm.xlane v1, v3  }
0x28a: {  	vm0 =	vcmask $0x3F04;
	s7 =	simm.s32 $0x3848;
	s0 =	simm.s32 @!p0 $0x1;
	p1 =	por !p1, p0  }
0x28b: {  	s2 =	sshll.u32 s4, $0x1;
	s1 =	sshll.u32 @!p0 s5, $0x6;
	s0 =	simm.s32 @p1 $0x0;
	v0 =	vsel vm0, v1, v0  }
0x28c: {  	s6 =	sor.u32 $0x200, s2;
	s1 =	sshra.s32 @!p0 s1, $0x2;
	s0 =	sor.u32 @!p0 s0, s2;
	[tilespmem:$0x3848] =	vst v0  }
0x28d: {  	[spmem:s6] =	stream.linear.scatter [tilespmem:s7], [sflag:$0x1], $0x2, $0x38;
	[tilespmem:$0x1FE08] =	vst v63  }
0x28e: {  	s1 =	sadd.s32 @!p0 $0x28, s1;
	s0 =	sshll.u32 @!p0 s0, $0x4  }
0x28f: {  	[spmem:s0] =	stream.linear.scatter @!p0 [tilespmem:s1], [sflag:$0x1], $0x10, $0x38;
	[tilespmem:$0x1FE08] =	vst v63  }
0x290: {  	s0 =	simm.s32 @!p0 $0x12  }
0x291: {  	s28 =	simm.s32 $0x1;
	s0 =	simm.s32 @p0 $0x2  }
0x292: {  	_ =	swait.ge [sflag:s28], s0  }
0x293: {  	s0 =	ssub.s32 $0x0, s0;
	[sflag:s28] =	ssyncset.done $0x0  }
0x294: {  	[sflag:s28] =	ssyncadd.s32 s0  }
0x295: {  	p0 =	sne.s32 s4, $0x0;
	_ =	sfence.stream.spmem  }
.Ltmp12:
0x296: {  	s29 =	simm.s32 $0x3;
	[bflag:$0x0] =	sbarrier.arrive $0xFFFF;
	(pc) =	sbr.rel @p0 .LBB2_32-.Ltmp12, $4  }
0x297: {  	s30 =	simm.s32 $0x4;
	[sflag:s29] =	ssyncpa.u1 $0x1  }
0x298: {  	[sflag:s30] =	ssyncpa.u1 $0x1  }
0x299: {  	s31 =	simm.s32 $0x3C;
	s16 =	rddreg [dreg:$0x1]  }
0x29a: {  	[sflag:s31] =	ssyncpa.u1 $0x1;
	s5 =	sand.u32 $0x1, s16  }
0x29b: {  	_ =	sfence.stream.spmem;
	s0 =	simm.s32 $0x5  }
0x29c: {  	s1 =	simm.s32 $0x200;
	s2 =	simm.s32 $0x3858;
	[sflag:s0] =	ssyncpa.u1 $0x0  }
0x29d: {  	[tilespmem:s2], [sflag:$0x5] =	stream.linear.gather [spmem:s1], $0x20, $0x38;
	[tilespmem:$0x1FE08] =	vst v63  }
0x29e: {  	s26 =	simm.s32 $0x0;
	s28 =	simm.s32 $0x3878  }
0x29f: {  	[tilespmem:s28], [sflag:$0x5] =	stream.linear.gather [spmem:s26], $0x200, $0x38;
	[tilespmem:$0x1FE08] =	vst v63  }
0x2a0: {  	_ =	swait.ge [sflag:s0], $0x220  }
0x2a1: {  	[sflag:s0] =	ssyncset.done $0x0  }
0x2a2: {  	s29 =	simm.s32 $0x0;
	[sflag:s0] =	ssyncadd.s32 $0xFFFFFDE0  }
0x2a3: {  	v0 =	vld.msk [tilespmem:s29+$0x3858], $0x1;
	_ =	sdelay $0x1  }
0x2a4: {  	s30 =	simm.s32 $0x1  }
0x2a5: {  	v1 =	vld.msk [tilespmem:s30+$0x3858], $0x1;
	_ =	sdelay $0x1  }
0x2a6: {  	(v2sf) =	vpush v0, $0x0;
	_ =	sdelay $0x2  }
0x2a7: {  	(v2sf) =	vpush v1, $0x0;
	_ =	sdelay $0x2  }
0x2a8: {  	s31 =	simm.s32 $0x2  }
0x2a9: {  	v0 =	vld.msk [tilespmem:s31+$0x3858], $0x1;
	_ =	sdelay $0x2  }
0x2aa: {  	s7 =	simm.s32 $0xFFFFFFFF;
	s6 =	simm.s32 $0xC;
	s8 =	simm.s32 $0xFFFFFFFF  }
.LBB2_17:
0x2ab: {  	s0 =	smov.u32 s8;
	s1 =	smov.u32 s7  }
0x2ac: {  	s2 =	sshra.s32 s6, $0x2;
	p1 =	sne.s32 s6, $0x7C;
	s6 =	sadd.s32 $0x4, s6;
	(v2sf) =	vpush v0, $0x0  }
0x2ad: {  	v0 =	vld.msk [tilespmem:s2+$0x3858], $0x1  }
.Ltmp13:
0x2ae: {  	(pc) =	sbr.rel @p1 .LBB2_17-.Ltmp13, $4  }
0x2af: {  	s8 =	spop (v2sf)  }
0x2b0: {  	p2 =	sne.s32 s7, $0xFFFFFFFF;
	s7 =	smov.u32 s8  }
0x2b1: {  	p3 =	seq.s32 s8, $0xFFFFFFFF;
	s7 =	smov.u32 @p2 s1  }
0x2b2: {  	s8 =	smov.u32 @p3 s0;
	s7 =	smov.u32 @p3 s1  }
0x2b3: {  	(v2sf) =	vpush v0, $0x0;
	_ =	sdelay $0x8  }
0x2b4: {  	s0 =	spop (v2sf)  }
0x2b5: {  	p1 =	sne.s32 s7, $0xFFFFFFFF;
	s1 =	smov.u32 s0  }
0x2b6: {  	s9 =	simm.s32 $0x6;
	p2 =	seq.s32 s0, $0xFFFFFFFF;
	s1 =	smov.u32 @p1 s7  }
0x2b7: {  	s10 =	simm.s32 $0x3838;
	s1 =	smov.u32 @p2 s7;
	s2 =	spop (v2sf)  }
0x2b8: {  	s0 =	smov.u32 @p2 s8;
	p1 =	sne.s32 s1, $0xFFFFFFFF;
	s6 =	smov.u32 s2  }
.Ltmp14:
0x2b9: {  	p2 =	seq.s32 s2, $0xFFFFFFFF;
	s6 =	smov.u32 @p1 s1;
	(pc) =	sbr.rel .LBB2_19-.Ltmp14, $4  }
0x2ba: {  	s11 =	simm.s32 $0x0;
	s6 =	smov.u32 @p2 s1;
	s7 =	spop (v2sf)  }
0x2bb: {  	[sflag:s9] =	ssyncpa.u1 $0x0;
	p1 =	sne.s32 s6, $0xFFFFFFFF;
	s8 =	smov.u32 s7  }
0x2bc: {  	s2 =	smov.u32 @p2 s0;
	p2 =	seq.s32 s7, $0xFFFFFFFF;
	s8 =	smov.u32 @p1 s6  }
0x2bd: {  	s7 =	smov.u32 @p2 s2;
	s8 =	smov.u32 @p2 s6;
	s6 =	simm.s32 $0x0  }
.LBB2_24:
0x2be: {  	p1 =	sgt.u32 s12, $0x270FF  }
0x2bf: {  	p2 =	seq.s32 @!p1 s12, s8  }
0x2c0: {  	p1 =	por p1, p2  }
0x2c1: {  	p2 =	sne.s32 @!p1 s12, s7  }
0x2c2: {  	p1 =	por p1, !p2  }
0x2c3: {  	s12 =	sshll.u32 @p1 s11, $0x6  }
0x2c4: {  	s0 =	sand.u32 @!p1 $0x3FFF8, s12  }
0x2c5: {  	s1 =	sand.u32 @!p1 $0x7, s12;
	s0 =	sadd.s32 @!p1 s3, s0  }
0x2c6: {  	[tilespmem:s10], [sflag:$0x6] =	stream.linear.gather @!p1 [hbm4b:s0+s1], $0x3, $0x38;
	[tilespmem:$0x1FE08] =	vst v63  }
0x2c7: {  	_ =	swait.ge @!p1 [sflag:s9], $0x3  }
0x2c8: {  	[sflag:s9] =	ssyncset.done @!p1 $0x0  }
0x2c9: {  	[sflag:s9] =	ssyncadd.s32 @!p1 $0xFFFFFFFD  }
0x2ca: {  	v1 =	vld @!p1 [tilespmem:$0x3838];
	_ =	sdelay $0x2  }
0x2cb: {  	s12 =	sshll.u32 @!p1 s11, $0x6  }
0x2cc: {  	s0 =	sshrl.u32 @!p1 s12, $0x2  }
0x2cd: {  	[tilespmem:s0+$0x3878] =	vst.add.f32.msk @!p1 $0xffff, v1  }
0x2ce: {  	s30 =	sshrl.u32 s12, $0x2;
	[tilespmem:s6+$0x3858] =	vst.msk $0x1, v0  }
0x2cf: {  	v0 =	vld [tilespmem:s30+$0x3878];
	_ =	sdelay $0x2  }
0x2d0: {  	s31 =	sshll.u32 s6, $0x6  }
0x2d1: {  	s0 =	sshra.s32 s31, $0x2  }
0x2d2: {  	s6 =	sadd.s32 $0x1, s6;
	[tilespmem:s0+$0x3878] =	vst v0  }
.LBB2_26:
0x2d3: {  	s11 =	sadd.s32 $0x1, s11  }
0x2d4: {  	p1 =	sne.s32 s11, $0x20  }
.Ltmp15:
0x2d5: {  	_ = 	snop;
	(pc) =	sbr.rel @!p1 .LBB2_27-.Ltmp15, $1  }
0x2d6: {  	_ =	sdelay $0x3  }
.LBB2_19:
0x2d7: {  	v0 =	vld.msk [tilespmem:s11+$0x3858], $0x1;
	_ =	sdelay $0x4  }
0x2d8: {  	(v2sf) =	vpush v0, $0x0;
	_ =	sdelay $0xe  }
0x2d9: {  	s12 =	spop (v2sf)  }
0x2da: {  	p1 =	seq.s32 s12, $0xFFFFFFFF  }
.Ltmp16:
0x2db: {  	_ = 	snop;
	(pc) =	sbr.rel @p1 .LBB2_26-.Ltmp16, $1  }
0x2dc: {  	_ =	sdelay $0x3  }
0x2dd: {  	p1 =	slt.s32 s6, $0x1  }
.Ltmp17:
0x2de: {  	_ = 	snop;
	(pc) =	sbr.rel @p1 .LBB2_24-.Ltmp17, $1  }
0x2df: {  	_ =	sdelay $0x3  }
0x2e0: {  	s13 =	simm.s32 $0x3858;
	p1 =	por $0x0, $0x0  }
0x2e1: {  	v1 =	vld.msk @!p1 [tilespmem:s13+$0x0], $0x1;
	_ =	sdelay $0x4  }
0x2e2: {  	(v2sf) =	vpush @!p1 v1, $0x0;
	_ =	sdelay $0xd  }
0x2e3: {  	p3 =	sne.s32 s6, $0x1  }
.Ltmp18:
0x2e4: {  	s0 =	spop @!p1 (v2sf);
	(pc) =	sbr.rel @!p3 .LBB2_23-.Ltmp18, $4  }
0x2e5: {  	p2 =	seq.s32 @!p1 s12, s0  }
0x2e6: {  	s14 =	simm.s32 $0x0;
	p2 =	por !p2, p1  }
0x2e7: {  	s0 =	simm.s32 $0xFFFFFFFF;
	s14 =	simm.s32 @p2 $0xFFFFFFFF  }
0x2e8: {  	s15 =	simm.s32 $0x1;
	s14 =	smov.u32 @p1 s0  }
.LBB2_22:
0x2e9: {  	s0 =	smov.u32 s14;
	p1 =	sne.s32 s14, $0xFFFFFFFF  }
0x2ea: {  	s13 =	sadd.s32 $0x1, s13;
	s14 =	smov.u32 s15;
	s15 =	sadd.s32 $0x1, s15  }
0x2eb: {  	p2 =	sne.s32 s6, s15;
	v1 =	vld.msk @!p1 [tilespmem:s13+$0x0], $0x1;
	_ =	sdelay $0x4  }
0x2ec: {  	(v2sf) =	vpush @!p1 v1, $0x0;
	_ =	sdelay $0xe  }
.Ltmp19:
0x2ed: {  	s1 =	spop @!p1 (v2sf);
	(pc) =	sbr.rel @p2 .LBB2_22-.Ltmp19, $4  }
0x2ee: {  	p3 =	seq.s32 @!p1 s12, s1  }
0x2ef: {  	p3 =	por !p3, p1  }
0x2f0: {  	s14 =	simm.s32 @p3 $0xFFFFFFFF  }
0x2f1: {  	s14 =	smov.u32 @p1 s0  }
.LBB2_23:
0x2f2: {  	p1 =	sne.s32 s14, $0xFFFFFFFF  }
.Ltmp20:
0x2f3: {  	_ = 	snop;
	(pc) =	sbr.rel @!p1 .LBB2_24-.Ltmp20, $1  }
0x2f4: {  	_ =	sdelay $0x3  }
0x2f5: {  	s0 =	sshll.u32 s11, $0x4  }
0x2f6: {  	s0 =	sand.u32 $0x3FFFFFF0, s0  }
0x2f7: {  	v0 =	vld [tilespmem:s0+$0x3878]  }
.Ltmp21:
0x2f8: {  	_ = 	snop;
	(pc) =	sbr.rel .LBB2_26-.Ltmp21, $4  }
0x2f9: {  	_ = 	snop  }
0x2fa: {  	s31 =	sshll.u32 s14, $0x6  }
0x2fb: {  	s0 =	sshra.s32 s31, $0x2  }
0x2fc: {  	[tilespmem:s0+$0x3878] =	vst.add.f32.msk $0xffff, v0  }
.LBB2_27:
0x2fd: {  	s0 =	simm.s32 $0x6;
	p1 =	seq.s32 s6, $0x0  }
0x2fe: {  	[sflag:s0] =	ssyncpa.u1 $0x1;
	v0 =	vimm.s32 @p1 $0xFFFFFFFF  }
0x2ff: {  	s9 =	sadd.s32 $0xFFFFFFFF, s6;
	[tilespmem:$0x3A78] =	vst @p1 v0  }
0x300: {  	v0 =	vld.msk @!p1 [tilespmem:s9+$0x3858], $0x1;
	_ =	sdelay $0x1  }
0x301: {  	v1 =	vld.msk @!p1 [tilespmem:$0x3858], $0x1;
	_ =	sdelay $0x2  }
0x302: {  	p2 =	seq.s32 @!p1 s9, $0x0;
	v0 =	vbroadcast @!p1 v0, $0x0  }
0x303: {  	vm0 =	vmmov @!p1 $0x1;
	p2 =	por !p2, p1  }
0x304: {  	v1 =	vnsel @!p1 vm0, $0xFFFFFFFF, v1;
	vm0 =	vcmask @!p1 $0x308;
	v0 =	vpsel !p2, $0xFFFFFFFF, v0  }
0x305: {  	p2 =	sne.s32 @!p1 s8, s7;
	v0 =	vsel @!p1 vm0, v1, v0  }
0x306: {  	s0 =	simm.s32 @!p1 $0x3878;
	s1 =	simm.s32 @!p1 $0x0;
	p3 =	por !p2, p1;
	[tilespmem:$0x3A78] =	vst @!p1 v0  }
0x307: {  	[spmem:s1] =	stream.linear.scatter @!p1 [tilespmem:s0], [sflag:$0x1], $0x10, $0x38;
	[tilespmem:$0x1FE08] =	vst v63  }
0x308: {  	s0 =	sshll.u32 @!p3 s9, $0x6  }
0x309: {  	s0 =	sshra.s32 @!p3 s0, $0x2  }
0x30a: {  	s1 =	simm.s32 @!p3 $0x10;
	s0 =	sadd.s32 @!p3 $0x3878, s0  }
0x30b: {  	[spmem:s1] =	stream.linear.scatter @!p3 [tilespmem:s0], [sflag:$0x1], $0x10, $0x38;
	[tilespmem:$0x1FE08] =	vst v63  }
0x30c: {  	s0 =	simm.s32 @!p3 $0x1  }
0x30d: {  	_ =	swait.ge @!p3 [sflag:s0], $0x20  }
0x30e: {  	p1 =	por p2, p1;
	[sflag:s0] =	ssyncset.done @!p3 $0x0  }
0x30f: {  	[sflag:s0] =	ssyncadd.s32 @!p3 $0xFFFFFFE0;
	s0 =	simm.s32 @!p1 $0x1  }
0x310: {  	_ =	swait.ge @!p1 [sflag:s0], $0x10  }
0x311: {  	s29 =	simm.s32 $0x3A78;
	[sflag:s0] =	ssyncset.done @!p1 $0x0  }
0x312: {  	s30 =	simm.s32 $0x200;
	s31 =	simm.s32 $0x1;
	[sflag:s0] =	ssyncadd.s32 @!p1 $0xFFFFFFF0  }
0x313: {  	[spmem:s30] =	stream.linear.scatter [tilespmem:s29], [sflag:$0x1], $0x10, $0x38;
	[tilespmem:$0x1FE08] =	vst v63  }
0x314: {  	_ =	swait.ge [sflag:s31], $0x10  }
0x315: {  	[sflag:s31] =	ssyncset.done $0x0  }
0x316: {  	p1 =	seq.s32 s5, $0x0;
	[sflag:s31] =	ssyncadd.s32 $0xFFFFFFF0  }
0x317: {  	s1 =	sshll.u32 @p1 s16, $0xE;
	s10 =	rddreg [dreg:$0x2]  }
0x318: {  	s0 =	sadd.s32 @p1 $0x15C3C, s1;
	s1 =	sshll.u32 @p1 s10, $0x11  }
0x319: {  	_ =	sfence.stream.spmem;
	s0 =	sor.u32 @p1 s1, s0  }
0x31a: {  	[sflag:s0] =	ssyncadd.remote.s32 @p1 $0x1;
	s0 =	simm.s32 @p1 $0x4  }
0x31b: {  	s2 =	simm.s32 @!p1 $0x3C;
	s1 =	sand.u32 $0xFFFFFFFE, s16;
	_ =	swait.ge @p1 [sflag:s0], $0x6  }
0x31c: {  	s7 =	simm.s32 @!p1 $0x0;
	s1 =	sadd.s32 @!p1 $0x4, s1;
	[sflag:s0] =	ssyncset.done @p1 $0x0  }
0x31d: {  	s8 =	simm.s32 @!p1 $0x20;
	[sflag:s0] =	ssyncadd.s32 @p1 $0xFFFFFFFA;
	s0 =	sshll.u32 @!p1 s1, $0x1A  }
0x31e: {  	s1 =	sshll.u32 @!p1 s1, $0xD;
	s0 =	sor.u32 @!p1 s0, s10;
	_ =	swait.eq @!p1 [sflag:s2], $0x1  }
0x31f: {  	s1 =	sor.u32 @!p1 $0x1C04, s1;
	s2 =	simm.s32 @!p1 $0x1C03;
	s0 =	sor.u32 @!p1 $0x80004000, s0  }
0x320: {  	[spmem:s8], [sflag:s1] =	dma.general @!p1 [spmem:s7], [sflag:s2], length:$0x4, [dreg:$0x0], stride_count:$0x0, ici_dest:s0, dma_misc:DstOpCode:WRITE  }
0x321: {  	p2 =	slt.s32 s9, $0x2;
	s7 =	simm.s32 @!p1 $0x40;
	s8 =	simm.s32 @!p1 $0x42  }
0x322: {  	[spmem:s8], [sflag:s1] =	dma.general @!p1 [spmem:s7], [sflag:s2], length:$0x2, [dreg:$0x0], stride_count:$0x0, ici_dest:s0, dma_misc:DstOpCode:WRITE  }
.Ltmp22:
0x323: {  	s0 =	simm.s32 @!p1 $0x3;
	(pc) =	sbr.rel @p2 .LBB2_31-.Ltmp22, $4  }
0x324: {  	s1 =	sshll.u32 @!p1 s16, $0xE;
	_ =	swait.ge @!p1 [sflag:s0], $0x6  }
0x325: {  	s2 =	sshll.u32 @!p1 s10, $0x11;
	s1 =	sadd.s32 @!p1 $0x11C3C, s1;
	[sflag:s0] =	ssyncset.done @!p1 $0x0  }
0x326: {  	[sflag:s0] =	ssyncadd.s32 @!p1 $0xFFFFFFFA;
	s0 =	sor.u32 @!p1 s2, s1  }
0x327: {  	s1 =	simm.s32 $0x0;
	[sflag:s0] =	ssyncadd.remote.s32 @!p1 $0xFFFFFFFF  }
0x328: {  	s0 =	simm.s32 $0x3859  }
0x329: {  	v0 =	vld.msk [tilespmem:s0+$0x0], $0x1;
	_ =	sdelay $0x4  }
0x32a: {  	(v2sf) =	vpush v0, $0x0;
	_ =	sdelay $0xc  }
0x32b: {  	s2 =	sadd.s32 $0xFFFFFFFE, s6  }
0x32c: {  	s2 =	sadd.s32 $0xFFFFFFFF, s2  }
0x32d: {  	p2 =	sne.s32 s2, $0x0;
	s0 =	spop (v2sf)  }
.Ltmp23:
0x32e: {  	p1 =	sgt.u32 s0, $0x270FF;
	(pc) =	sbr.rel @!p2 .LBB2_30-.Ltmp23, $4  }
0x32f: {  	s1 =	simm.s32 $0x3888;
	s6 =	sand.u32 @!p1 $0x3FFF8, s0  }
0x330: {  	s8 =	simm.s32 $0x0;
	s0 =	sand.u32 @!p1 $0x7, s0;
	s6 =	sadd.s32 @!p1 s3, s6  }
0x331: {  	[hbm4b:s6+s0] =	stream.linear.scatter @!p1 [tilespmem:s1], [sflag:$0x5], $0x3, $0x38;
	[tilespmem:$0x1FE08] =	vst v63  }
0x332: {  	s7 =	simm.s32 $0x385A;
	s8 =	simm.s32 @!p1 $0xC;
	s6 =	simm.s32 $0x0  }
.LBB2_29:
0x333: {  	v0 =	vld.msk [tilespmem:s7+$0x0], $0x1;
	s2 =	sadd.s32 $0xFFFFFFFF, s2;
	s6 =	sadd.s32 s6, s8  }
0x334: {  	p1 =	sne.s32 s2, $0x0;
	_ =	sdelay $0x3  }
0x335: {  	(v2sf) =	vpush v0, $0x0;
	_ =	sdelay $0xe  }
.Ltmp24:
0x336: {  	s0 =	spop (v2sf);
	(pc) =	sbr.rel @p1 .LBB2_29-.Ltmp24, $4  }
0x337: {  	s8 =	simm.s32 $0x0;
	p2 =	sgt.u32 s0, $0x270FF  }
0x338: {  	s1 =	sadd.s32 $0x10, s1;
	s8 =	simm.s32 @!p2 $0xC;
	s9 =	sand.u32 @!p2 $0x3FFF8, s0  }
0x339: {  	s7 =	sadd.s32 $0x1, s7;
	s0 =	sand.u32 @!p2 $0x7, s0;
	s9 =	sadd.s32 @!p2 s3, s9  }
0x33a: {  	[hbm4b:s9+s0] =	stream.linear.scatter @!p2 [tilespmem:s1], [sflag:$0x5], $0x3, $0x38;
	[tilespmem:$0x1FE08] =	vst v63  }
.LBB2_30:
0x33b: {  	s0 =	sadd.s32 s6, s8  }
0x33c: {  	s1 =	sshrl.u32 s0, $0x2  }
.LBB2_31:
0x33d: {  	s0 =	simm.s32 $0x5  }
0x33e: {  	_ =	swait.ge [sflag:s0], s1  }
0x33f: {  	s31 =	ssub.s32 $0x0, s1;
	[sflag:s0] =	ssyncset.done $0x0  }
0x340: {  	[sflag:s0] =	ssyncadd.s32 s31  }
0x341: {  	[sflag:s0] =	ssyncpa.u1 $0x1  }
.LBB2_32:
0x342: {  	s0 =	sor.u32 s5, s4  }
0x343: {  	p1 =	sne.s32 s0, $0x0  }
.Ltmp25:
0x344: {  	_ = 	snop;
	(pc) =	sbr.rel @p1 .LBB2_47-.Ltmp25, $3  }
0x345: {  	_ =	sdelay $0x1  }
0x346: {  	[bflag:$0x0] =	sbarrier.arrive $0xFFFF  }
0x347: {  	_ =	sfence  }
0x348: {  	s0 =	simm.s32 $0x7  }
0x349: {  	s1 =	simm.s32 $0x200;
	s2 =	simm.s32 $0x3858;
	[sflag:s0] =	ssyncpa.u1 $0x0  }
0x34a: {  	[tilespmem:s2], [sflag:$0x7] =	stream.linear.gather [spmem:s1], $0x20, $0x38;
	[tilespmem:$0x1FE08] =	vst v63  }
0x34b: {  	s30 =	simm.s32 $0x3878;
	s1 =	simm.s32 $0x0  }
0x34c: {  	[tilespmem:s30], [sflag:$0x7] =	stream.linear.gather [spmem:s1], $0x200, $0x38;
	[tilespmem:$0x1FE08] =	vst v63  }
.Ltmp26:
0x34d: {  	_ = 	snop;
	(pc) =	sbr.rel .LBB2_34-.Ltmp26, $4  }
0x34e: {  	_ =	swait.ge [sflag:s0], $0x220  }
0x34f: {  	[sflag:s0] =	ssyncset.done $0x0  }
0x350: {  	s31 =	simm.s32 $0x8;
	[sflag:s0] =	ssyncadd.s32 $0xFFFFFDE0  }
0x351: {  	s2 =	simm.s32 $0x0;
	[sflag:s31] =	ssyncpa.u1 $0x0  }
.LBB2_39:
0x352: {  	p1 =	slt.u32 s4, $0x27100  }
0x353: {  	s0 =	sand.u32 @p1 $0x3FFF8, s4  }
0x354: {  	s4 =	sand.u32 @p1 $0x7, s4;
	s5 =	simm.s32 @p1 $0x3838;
	s0 =	sadd.s32 @p1 s3, s0  }
0x355: {  	[tilespmem:s5], [sflag:$0x8] =	stream.linear.gather @p1 [hbm4b:s0+s4], $0x3, $0x38;
	[tilespmem:$0x1FE08] =	vst v63  }
0x356: {  	s0 =	simm.s32 @p1 $0x8  }
0x357: {  	_ =	swait.ge @p1 [sflag:s0], $0x3  }
0x358: {  	[sflag:s0] =	ssyncset.done @p1 $0x0  }
0x359: {  	[sflag:s0] =	ssyncadd.s32 @p1 $0xFFFFFFFD  }
0x35a: {  	v1 =	vld @p1 [tilespmem:$0x3838];
	_ =	sdelay $0x2  }
0x35b: {  	s0 =	sshll.u32 @p1 s2, $0x6  }
0x35c: {  	s5 =	sshll.u32 @!p1 s2, $0x6;
	s4 =	sshrl.u32 @p1 s0, $0x2  }
0x35d: {  	s5 =	smov.u32 @p1 s0;
	[tilespmem:s4+$0x3878] =	vst.add.f32.msk @p1 $0xffff, v1  }
0x35e: {  	s0 =	sshrl.u32 s5, $0x2;
	[tilespmem:s1+$0x3858] =	vst.msk $0x1, v0  }
0x35f: {  	v0 =	vld [tilespmem:s0+$0x3878];
	_ =	sdelay $0x2  }
0x360: {  	s31 =	sshll.u32 s1, $0x6  }
0x361: {  	s0 =	sshra.s32 s31, $0x2  }
0x362: {  	s1 =	sadd.s32 $0x1, s1;
	[tilespmem:s0+$0x3878] =	vst v0  }
.LBB2_41:
0x363: {  	s2 =	sadd.s32 $0x1, s2  }
0x364: {  	p1 =	sne.s32 s2, $0x20  }
.Ltmp27:
0x365: {  	_ = 	snop;
	(pc) =	sbr.rel @!p1 .LBB2_42-.Ltmp27, $1  }
0x366: {  	_ =	sdelay $0x3  }
.LBB2_34:
0x367: {  	v0 =	vld.msk [tilespmem:s2+$0x3858], $0x1;
	_ =	sdelay $0x4  }
0x368: {  	(v2sf) =	vpush v0, $0x0;
	_ =	sdelay $0xe  }
0x369: {  	s4 =	spop (v2sf)  }
0x36a: {  	p1 =	seq.s32 s4, $0xFFFFFFFF  }
.Ltmp28:
0x36b: {  	_ = 	snop;
	(pc) =	sbr.rel @p1 .LBB2_41-.Ltmp28, $1  }
0x36c: {  	_ =	sdelay $0x3  }
0x36d: {  	p1 =	slt.s32 s1, $0x1  }
.Ltmp29:
0x36e: {  	_ = 	snop;
	(pc) =	sbr.rel @p1 .LBB2_39-.Ltmp29, $1  }
0x36f: {  	_ =	sdelay $0x3  }
0x370: {  	s5 =	simm.s32 $0x3858;
	p1 =	por $0x0, $0x0  }
0x371: {  	v1 =	vld.msk @!p1 [tilespmem:s5+$0x0], $0x1;
	_ =	sdelay $0x4  }
0x372: {  	(v2sf) =	vpush @!p1 v1, $0x0;
	_ =	sdelay $0xd  }
0x373: {  	p3 =	sne.s32 s1, $0x1  }
.Ltmp30:
0x374: {  	s0 =	spop @!p1 (v2sf);
	(pc) =	sbr.rel @!p3 .LBB2_38-.Ltmp30, $4  }
0x375: {  	p2 =	seq.s32 @!p1 s4, s0  }
0x376: {  	s6 =	simm.s32 $0x0;
	p2 =	por !p2, p1  }
0x377: {  	s0 =	simm.s32 $0xFFFFFFFF;
	s6 =	simm.s32 @p2 $0xFFFFFFFF  }
0x378: {  	s7 =	simm.s32 $0x1;
	s6 =	smov.u32 @p1 s0  }
.LBB2_37:
0x379: {  	s0 =	smov.u32 s6;
	p1 =	sne.s32 s6, $0xFFFFFFFF  }
0x37a: {  	s5 =	sadd.s32 $0x1, s5;
	s6 =	smov.u32 s7;
	s7 =	sadd.s32 $0x1, s7  }
0x37b: {  	p2 =	sne.s32 s1, s7;
	v1 =	vld.msk @!p1 [tilespmem:s5+$0x0], $0x1;
	_ =	sdelay $0x4  }
0x37c: {  	(v2sf) =	vpush @!p1 v1, $0x0;
	_ =	sdelay $0xe  }
.Ltmp31:
0x37d: {  	s8 =	spop @!p1 (v2sf);
	(pc) =	sbr.rel @p2 .LBB2_37-.Ltmp31, $4  }
0x37e: {  	p3 =	seq.s32 @!p1 s4, s8  }
0x37f: {  	p3 =	por !p3, p1  }
0x380: {  	s6 =	simm.s32 @p3 $0xFFFFFFFF  }
0x381: {  	s6 =	smov.u32 @p1 s0  }
.LBB2_38:
0x382: {  	p1 =	sne.s32 s6, $0xFFFFFFFF  }
.Ltmp32:
0x383: {  	_ = 	snop;
	(pc) =	sbr.rel @!p1 .LBB2_39-.Ltmp32, $1  }
0x384: {  	_ =	sdelay $0x3  }
0x385: {  	s0 =	sshll.u32 s2, $0x4  }
0x386: {  	s0 =	sand.u32 $0x3FFFFFF0, s0  }
0x387: {  	v0 =	vld [tilespmem:s0+$0x3878]  }
.Ltmp33:
0x388: {  	_ = 	snop;
	(pc) =	sbr.rel .LBB2_41-.Ltmp33, $4  }
0x389: {  	_ = 	snop  }
0x38a: {  	s31 =	sshll.u32 s6, $0x6  }
0x38b: {  	s0 =	sshra.s32 s31, $0x2  }
0x38c: {  	[tilespmem:s0+$0x3878] =	vst.add.f32.msk $0xffff, v0  }
.LBB2_42:
0x38d: {  	p1 =	slt.s32 s1, $0x1  }
.Ltmp34:
0x38e: {  	_ = 	snop;
	(pc) =	sbr.rel @p1 .LBB2_46-.Ltmp34, $3  }
0x38f: {  	_ =	sdelay $0x1  }
0x390: {  	s0 =	simm.s32 $0x8  }
0x391: {  	s2 =	simm.s32 $0x0;
	[sflag:s0] =	ssyncpa.u1 $0x1  }
0x392: {  	s0 =	simm.s32 $0x3858  }
0x393: {  	v0 =	vld.msk [tilespmem:s0+$0x0], $0x1;
	_ =	sdelay $0x4  }
0x394: {  	(v2sf) =	vpush v0, $0x0;
	_ =	sdelay $0xd  }
0x395: {  	s1 =	sadd.s32 $0xFFFFFFFF, s1  }
0x396: {  	p2 =	sne.s32 s1, $0x0;
	s0 =	spop (v2sf)  }
.Ltmp35:
0x397: {  	p1 =	sgt.u32 s0, $0x270FF;
	(pc) =	sbr.rel @!p2 .LBB2_45-.Ltmp35, $4  }
0x398: {  	s4 =	simm.s32 $0x3878;
	s5 =	sand.u32 @!p1 $0x3FFF8, s0  }
0x399: {  	s6 =	simm.s32 $0x0;
	s0 =	sand.u32 @!p1 $0x7, s0;
	s5 =	sadd.s32 @!p1 s3, s5  }
0x39a: {  	[hbm4b:s5+s0] =	stream.linear.scatter @!p1 [tilespmem:s4], [sflag:$0x7], $0x3, $0x38;
	[tilespmem:$0x1FE08] =	vst v63  }
0x39b: {  	s6 =	simm.s32 @!p1 $0xC;
	s5 =	simm.s32 $0x3859  }
.LBB2_44:
0x39c: {  	v0 =	vld.msk [tilespmem:s5+$0x0], $0x1;
	s1 =	sadd.s32 $0xFFFFFFFF, s1;
	s2 =	sadd.s32 s2, s6  }
0x39d: {  	p1 =	sne.s32 s1, $0x0;
	_ =	sdelay $0x3  }
0x39e: {  	(v2sf) =	vpush v0, $0x0;
	_ =	sdelay $0xe  }
.Ltmp36:
0x39f: {  	s0 =	spop (v2sf);
	(pc) =	sbr.rel @p1 .LBB2_44-.Ltmp36, $4  }
0x3a0: {  	s6 =	simm.s32 $0x0;
	p2 =	sgt.u32 s0, $0x270FF  }
0x3a1: {  	s4 =	sadd.s32 $0x10, s4;
	s6 =	simm.s32 @!p2 $0xC;
	s7 =	sand.u32 @!p2 $0x3FFF8, s0  }
0x3a2: {  	s5 =	sadd.s32 $0x1, s5;
	s0 =	sand.u32 @!p2 $0x7, s0;
	s7 =	sadd.s32 @!p2 s3, s7  }
0x3a3: {  	[hbm4b:s7+s0] =	stream.linear.scatter @!p2 [tilespmem:s4], [sflag:$0x7], $0x3, $0x38;
	[tilespmem:$0x1FE08] =	vst v63  }
.LBB2_45:
0x3a4: {  	s0 =	sadd.s32 s2, s6  }
0x3a5: {  	s2 =	sshrl.u32 s0, $0x2  }
.LBB2_46:
0x3a6: {  	s0 =	simm.s32 $0x7  }
0x3a7: {  	_ =	swait.ge [sflag:s0], s2  }
0x3a8: {  	s1 =	ssub.s32 $0x0, s2;
	[sflag:s0] =	ssyncset.done $0x0  }
0x3a9: {  	[sflag:s0] =	ssyncadd.s32 s1  }
0x3aa: {  	[sflag:s0] =	ssyncpa.u1 $0x1  }
.LBB2_47:
0x3ab: {  	_ =	sfence;
	s0 =	simm.s32 $0x1  }
0x3ac: {  	[sflag:s0] =	ssyncpa.u1 $0x1  }
0x3ad: {  	_ =	strace $0x9000005C  }
0x3ae: {  	[bflag:$0x2] =	sbarrier.arrive $0xFFFF  }
0x3af: {  	s0 =	rddreg [dreg:$0x3]  }
0x3b0: {  	s0 =	sadd.s32 @!p0 $0x100000, s0  }
0x3b1: {  	[sflag:s0] =	ssyncadd.tile.s32 @!p0 $0x1;
	_ =	shalt  }
.Lfunc_end2:
_tile_overlayer_lowered:
.L_overlay_start_2:
0x3b2: {  	(tag) =	ssettag $0x2  }
0x3b3: {  	s0 =	rddreg [dreg:$0x0];
	s2 =	stileid.u32  }
0x3b4: {  	s1 =	rddreg [dreg:$0x1];
	p0 =	sne.s32 s2, $0x0  }
0x3b5: {  	s3 =	rddreg [dreg:$0x2];
	[bflag:$0x3] =	sbarrier.arrive $0xFFFF;
	s2 =	simm.s32 @!p0 $0x1C01  }
0x3b6: {  	[timem:s3], [sflag:s2] =	dma.local @!p0 [hbm:s0], s1  }
0x3b7: {  	s0 =	simm.s32 @!p0 $0x1  }
0x3b8: {  	_ =	swait.ge @!p0 [sflag:s0], s1  }
0x3b9: {  	s1 =	ssub.s32 @!p0 $0x0, s1;
	[sflag:s0] =	ssyncset.done @!p0 $0x0  }
0x3ba: {  	[sflag:s0] =	ssyncadd.s32 @!p0 s1  }
0x3bb: {  	[bflag:$0x3] =	sbarrier.arrive $0xFFFF  }
0x3bc: {  	_ =	shalt  }

// kernel: scatter_offload_async_start.4
scs
__scs_entry_jumppad:
0x0: {  	(pc) =	sbr.rel $0x88, $3  }
0x1: {  	(tag) =	ssettag $0x0;
	lr =	simm.s32 $0x1  }
0x2: {  	[smem:$0x3F86] =	sst lr;
	_ =	strace $0xD0000000  }
0x3: {  	_ = 	snop  }
0x4: {  	_ = 	snop  }
0x5: {  	_ = 	snop  }
0x6: {  	_ = 	snop  }
0x7: {  	_ = 	snop  }
__scs_overlays_trampoline_lowered:
0x8: {  	[smem:$0x3F95] =	sst s0  }
0x9: {  	[smem:$0x3F96] =	sst s1  }
0xa: {  	[smem:$0x3F97] =	sst s2  }
0xb: {  	[smem:$0x3F98] =	sst s3  }
0xc: {  	[smem:$0x3F99] =	sst s4  }
0xd: {  	[smem:$0x3F9A] =	sst s5  }
0xe: {  	[smem:$0x3F9B] =	sst s6  }
0xf: {  	[smem:$0x3F9C] =	sst s7  }
0x10: {  	[smem:$0x3F9D] =	sst s8  }
0x11: {  	[smem:$0x3F9E] =	sst s9;
	s0 =	simm.s32 @!p0 $0x0  }
0x12: {  	s1 =	sld [smem:$0x3F84];
	s0 =	simm.s32 @p0 $0x1  }
0x13: {  	[smem:$0x3F9F] =	sst s0;
	s0 =	simm.s32 @!p1 $0x0  }
0x14: {  	s2 =	sld [smem:$0x3F83];
	s0 =	simm.s32 @p1 $0x1  }
0x15: {  	[smem:$0x3FA0] =	sst s0;
	s0 =	simm.s32 @!p2 $0x0  }
0x16: {  	s3 =	sld [smem:$0x3FDB];
	s0 =	simm.s32 @p2 $0x1  }
0x17: {  	s4 =	simm.s32 $0x1BF5;
	[smem:$0x3FA2] =	sst s0  }
0x18: {  	s0 =	sld [smem:$0x3F85];
	_ =	swait.ge [sflag:s4], $0x0  }
0x19: {  	s7 =	sld [smem:$0x3F86]  }
0x1a: {  	s8 =	sadd.s32 $0xFFFFE003, lr  }
0x1b: {  	s9 =	sadd.s32 $0xFFFFFEF7, lr;
	s5 =	simm.s32 $0xFFFFFFFF;
	p2 =	slt.u32 s8, $0xFFFFF086  }
0x1c: {  	p1 =	slt.u32 s9, $0xF7A;
	s5 =	simm.s32 @!p2 $0x0  }
0x1d: {  	s5 =	simm.s32 @p1 $0x1;
	p0 =	seq.s32 s7, s2  }
0x1e: {  	s7 =	smul.u32 @!p0 $0xF7A, s2;
	p2 =	seq.s32 @!p0 s5, $0x0  }
0x1f: {  	s9 =	smul.u32 $0xF7A, s1;
	s8 =	simm.s32 @!p0 $0x1BF5;
	p2 =	por !p2, p0  }
0x20: {  	[sflag:s8] =	ssyncset.s32 @!p0 $0xFFFFF086;
	s6 =	sadd.s32 @!p0 s3, s7;
	s7 =	simm.s32 @!p0 $0x108  }
0x21: {  	s3 =	sadd.s32 s3, s9;
	s6 =	sadd.s32 @!p0 $0x88, s6;
	s7 =	simm.s32 @p2 $0x1082  }
0x22: {  	[simem:s7], [sflag:s8] =	dma.local @!p0 [hbm:s6], $0xF7A  }
0x23: {  	s9 =	sor.u32 $0xD0000000, s2;
	s6 =	simm.s32 $0x108;
	_ =	swait.ge @!p0 [sflag:s8], $0x0  }
0x24: {  	s3 =	sadd.s32 $0x88, s3;
	s6 =	simm.s32 @!p1 $0x1082;
	[sflag:s4] =	ssyncset.s32 $0xFFFFF086  }
0x25: {  	[simem:s6], [sflag:s4] =	dma.local [hbm:s3], $0xF7A  }
0x26: {  	[smem:$0x3F86] =	sst s1;
	(tag) =	ssettag s2;
	_ =	strace s9  }
0x27: {  	s1 =	sld [smem:$0x3F96]  }
0x28: {  	s2 =	sld [smem:$0x3F97]  }
0x29: {  	s4 =	sld [smem:$0x3F99]  }
0x2a: {  	p0 =	seq.s32 s5, $0x0;
	s5 =	sld [smem:$0x3F9A]  }
0x2b: {  	s6 =	sld [smem:$0x3F9B]  }
0x2c: {  	s7 =	sld [smem:$0x3F9C]  }
0x2d: {  	s3 =	simm.s32 $0x108;
	s8 =	sld [smem:$0x3F9D]  }
0x2e: {  	s3 =	simm.s32 @!p0 $0x1082;
	s9 =	sld [smem:$0x3F9E]  }
0x2f: {  	lr =	sadd.s32 s0, s3;
	s0 =	sld [smem:$0x3F95]  }
0x30: {  	s3 =	sld [smem:$0x3F98]  }
0x31: {  	[smem:$0x3FA1] =	sst s10  }
0x32: {  	s10 =	sld [smem:$0x3F9F];
	_ =	sdelay $0x3  }
0x33: {  	p0 =	seq.s32 s10, $0x1;
	s10 =	sld [smem:$0x3FA1];
	_ =	sdelay $0x3  }
0x34: {  	[smem:$0x3FA1] =	sst s10  }
0x35: {  	s10 =	sld [smem:$0x3FA0];
	_ =	sdelay $0x3  }
0x36: {  	p1 =	seq.s32 s10, $0x1;
	s10 =	sld [smem:$0x3FA1];
	_ =	sdelay $0x3  }
0x37: {  	[smem:$0x3FA1] =	sst s10  }
0x38: {  	s10 =	sld [smem:$0x3FA2]  }
0x39: {  	_ = 	snop;
	(pc) =	sbr.ind lr, $3  }
0x3a: {  	_ = 	snop  }
0x3b: {  	_ = 	snop  }
0x3c: {  	p2 =	seq.s32 s10, $0x1;
	s10 =	sld [smem:$0x3FA1]  }
0x3d: {  	_ =	shalt  }
0x3e: {  	_ =	shalt  }
0x3f: {  	_ =	shalt  }
0x40: {  	_ =	shalt  }
0x41: {  	_ =	shalt  }
0x42: {  	_ =	shalt  }
0x43: {  	_ =	shalt  }
0x44: {  	_ =	shalt  }
0x45: {  	_ =	shalt  }
0x46: {  	_ =	shalt  }
0x47: {  	_ =	shalt  }
0x48: {  	_ =	shalt  }
0x49: {  	_ =	shalt  }
0x4a: {  	_ =	shalt  }
0x4b: {  	_ =	shalt  }
0x4c: {  	_ =	shalt  }
0x4d: {  	_ =	shalt  }
0x4e: {  	_ =	shalt  }
0x4f: {  	_ =	shalt  }
0x50: {  	_ =	shalt  }
0x51: {  	_ =	shalt  }
0x52: {  	_ =	shalt  }
0x53: {  	_ =	shalt  }
0x54: {  	_ =	shalt  }
0x55: {  	_ =	shalt  }
0x56: {  	_ =	shalt  }
0x57: {  	_ =	shalt  }
0x58: {  	_ =	shalt  }
0x59: {  	_ =	shalt  }
0x5a: {  	_ =	shalt  }
0x5b: {  	_ =	shalt  }
0x5c: {  	_ =	shalt  }
0x5d: {  	_ =	shalt  }
0x5e: {  	_ =	shalt  }
0x5f: {  	_ =	shalt  }
0x60: {  	_ =	shalt  }
0x61: {  	_ =	shalt  }
0x62: {  	_ =	shalt  }
0x63: {  	_ =	shalt  }
0x64: {  	_ =	shalt  }
0x65: {  	_ =	shalt  }
0x66: {  	_ =	shalt  }
0x67: {  	_ =	shalt  }
0x68: {  	_ =	shalt  }
0x69: {  	_ =	shalt  }
0x6a: {  	_ =	shalt  }
0x6b: {  	_ =	shalt  }
0x6c: {  	_ =	shalt  }
0x6d: {  	_ =	shalt  }
0x6e: {  	_ =	shalt  }
0x6f: {  	_ =	shalt  }
0x70: {  	_ =	shalt  }
0x71: {  	_ =	shalt  }
0x72: {  	_ =	shalt  }
0x73: {  	_ =	shalt  }
0x74: {  	_ =	shalt  }
0x75: {  	_ =	shalt  }
0x76: {  	_ =	shalt  }
0x77: {  	_ =	shalt  }
0x78: {  	_ =	shalt  }
0x79: {  	_ =	shalt  }
0x7a: {  	_ =	shalt  }
0x7b: {  	_ =	shalt  }
0x7c: {  	_ =	shalt  }
0x7d: {  	_ =	shalt  }
0x7e: {  	_ =	shalt  }
0x7f: {  	_ =	shalt  }
0x80: {  	_ =	shalt  }
0x81: {  	_ =	shalt  }
0x82: {  	_ =	shalt  }
0x83: {  	_ =	shalt  }
0x84: {  	_ =	shalt  }
0x85: {  	_ =	shalt  }
0x86: {  	_ =	shalt  }
0x87: {  	_ =	shalt  }
.Lfunc_end0:
.L_simem_size_0:
called_computation.4_lowered:
.L_overlay_start_0:
0x88: {  	s0 =	sld [smem:$0x3FD9]  }
0x89: {  	s1 =	sld [smem:$0x3FFE];
	_ =	sdelay $0x3  }
0x8a: {  	s0 =	sadd.s32 s1, s0  }
0x8b: {  	[smem:$0x3FAD] =	sst s0  }
0x8c: {  	_ = 	snop  }
0x8d: {  	(tm) =	ssettm $0x1  }
0x8e: {  	s15 =	sld [smem:$0x3FFB];
	_ =	sdelay $0x3  }
0x8f: {  	_ =	strace s15  }
0x90: {  	s0 =	sld [smem:$0x3FFC];
	_ =	sdelay $0x3  }
0x91: {  	_ =	strace s0  }
0x92: {  	s0 =	sld [smem:$0x3FFD];
	_ =	sdelay $0x3  }
0x93: {  	_ =	strace s0  }
0x94: {  	_ =	strace $0x8FFFFFFF  }
0x95: {  	s16 =	sld [smem:$0x3FDB];
	_ =	sdelay $0x1  }
0x96: {  	s17 =	simm.s32 $_scs_section_size  }
0x97: {  	s2 =	simm.s32 $_size__tile_overlayer_lowered;
	s3 =	simm.s32 $_tile_overlayer_lowered  }
0x98: {  	s20 =	simm.s32 $0x1BFF;
	s19 =	sshll.u32 s3, $0x1;
	s0 =	sadd.s32 s17, s16  }
0x99: {  	s4 =	simm.s32 $0x0;
	s18 =	sshll.u32 s2, $0x1;
	s2 =	sadd.s32 s19, s0  }
0x9a: {  	[timem:s4], [sflag:s20] =	dma.local [hbm:s2], s18  }
0x9b: {  	_ =	swait.ge [sflag:s20], s18  }
0x9c: {  	s1 =	ssub.s32 $0x0, s18;
	[sflag:s20] =	ssyncset.done $0x0  }
0x9d: {  	[sflag:s20] =	ssyncadd.s32 s1;
	_ =	sdelay $0x1  }
0x9e: {  	s21 =	simm.s32 $0x1B8B  }
0x9f: {  	_ =	swait.ge [sflag:s21], $0x1  }
0xa0: {  	[sflag:s21] =	ssyncset.done $0x0  }
0xa1: {  	s23 =	simm.s32 $0x1B8E;
	s22 =	sld [smem:$0x3FFE];
	[sflag:s21] =	ssyncadd.s32 $0xFFFFFFFF  }
0xa2: {  	s24 =	simm.s32 $execute0_lowered;
	[smem:$0x3FD2] =	sst s23  }
0xa3: {  	s2 =	sshll.u32 s24, $0x1;
	_ =	strace $0x80000058;
	[dreg:$0x1] =	wrdreg $0xFFFFFFFF  }
0xa4: {  	s25 =	simm.s32 $_size_execute0_lowered;
	s0 =	sadd.s32 s0, s2;
	[dreg:$0x0] =	wrdreg $0x0  }
0xa5: {  	s2 =	sshll.u32 s25, $0x1;
	[dreg:$0x2] =	wrdreg s0  }
0xa6: {  	[dreg:$0x3] =	wrdreg s2  }
0xa7: {  	[dreg:$0x4] =	wrdreg $0xC0  }
0xa8: {  	_ =	task [dreg:s4], $0x5FFFF  }
0xa9: {  	[dreg:$0x1] =	wrdreg $0xFFFFFFFF  }
0xaa: {  	[dreg:$0x0] =	wrdreg $0x60  }
0xab: {  	[dreg:$0x2] =	wrdreg s22  }
0xac: {  	[dreg:$0x3] =	wrdreg $0xA  }
0xad: {  	_ =	task.clear_ibuf [dreg:s4], $0x4FFFF;
	_ =	strace $0x90000058  }
0xae: {  	s26 =	simm.s32 $0xA;
	_ =	strace $0x8000005A  }
0xaf: {  	_ =	swait.ge [sflag:s26], $0x1  }
0xb0: {  	[sflag:s26] =	ssyncadd.s32 $0xFFFFFFFF  }
0xb1: {  	_ =	strace $0x9000005A  }
0xb2: {  	_ =	sfence  }
0xb3: {  	s28 =	sld [smem:$0x0];
	_ =	sdelay $0x1  }
0xb4: {  	s29 =	srdreg.scid  }
0xb5: {  	s30 =	sshll.u32 s29, $0xD;
	s31 =	sshrl.u32 s29, $0x2  }
0xb6: {  	s1 =	sand.u32 $0x1, s29;
	s2 =	sand.u32 $0x4000, s30;
	s0 =	sadd.s32 s31, s28  }
0xb7: {  	s1 =	sor.u32 s2, s1;
	s0 =	sshll.u32 s0, $0x11  }
0xb8: {  	s0 =	sor.u32 s0, s1  }
0xb9: {  	s0 =	sadd.s32 $0x8F2B, s0  }
0xba: {  	[sflag:s0] =	ssyncadd.remote.s32 $0x1  }
0xbb: {  	_ =	sfence.sel $0xFFFF  }
0xbc: {  	[dreg:$0x0] =	wrdreg $0xFFFFFFFF;
	(pc) =	sbr.abs _section_cstart, $3  }
0xbd: {  	[dreg:$0x1] =	wrdreg $0xFFFFFFFF  }
0xbe: {  	_ =	task.clear_ibuf [dreg:s4], $0x2FFFF;
	_ =	strace $0x9FFFFFFF  }
0xbf: {  	(tm) =	ssettm $0x7FFFFFFF  }
tec
execute0_lowered:
.L_overlay_start_1:
0x0: {  	(tag) =	ssettag $0x1  }
0x1: {  	s0 =	rddreg [dreg:$0x0]  }
0x2: {  	s14 =	stileid.u32;
	_ =	strace $0x80000059;
	s2 =	simm.s32 $0x1  }
0x3: {  	v1 =	vimm.s32 $0xFFFFFFFF;
	s1 =	smin.u32 s14, $0x4;
	[sflag:s2] =	ssyncpa.u1 $0x0  }
0x4: {  	s1 =	sadd.s32 s14, s1;
	[tilespmem:$0x10] =	vst v1  }
0x5: {  	v0 =	vimm.f32 $0.0e+00;
	p0 =	slt.u32 s14, $0x4;
	[tilespmem:$0x20] =	vst v1;
	s3 =	smul.u32 $0x1F40, s1;
	s1 =	simm.s32 $0x3E80  }
0x6: {  	[tilespmem:$0x30] =	vst v0;
	s1 =	simm.s32 @!p0 $0x1F40  }
0x7: {  	[tilespmem:$0x40] =	vst v0;
	s1 =	sadd.s32 s1, s3  }
0x8: {  	[tilespmem:$0x50] =	vst v0;
	s4 =	smin.u32 s1, $0x27100  }
0x9: {  	[tilespmem:$0x60] =	vst v1;
	s9 =	ssub.s32 s4, s3  }
0xa: {  	s7 =	simm.s32 $0x2;
	s8 =	simm.s32 $0x8;
	[tilespmem:$0x70] =	vst v1;
	p0 =	sgt.s32 s9, $0x0  }
0xb: {  	s31 =	simm.s32 $0x9;
	s16 =	simm.s32 $0x0;
	[tilespmem:$0x80] =	vst v1;
	s9 =	simm.s32 @!p0 $0x0  }
0xc: {  	s17 =	simm.s32 $0xF0;
	s18 =	simm.s32 $0xFFFFFFFF;
	v1 =	vimm.s32 $0x0;
	[tilespmem:$0xB0] =	vst v0;
	s5 =	smulhi.u32 $0x10624DD3, s9  }
0xd: {  	s19 =	simm.s32 $0xFFFFC280;
	s20 =	simm.s32 $0xFFFFFFFE;
	s21 =	simm.s32 $0xF;
	[tilespmem:$0x90] =	vst v1  }
0xe: {  	[tilespmem:$0xA0] =	vst v1;
	[sflag:s7] =	ssyncpa.u1 $0x0;
	s7 =	simm.s32 $0x7;
	s10 =	sshrl.u32 s5, $0x9  }
0xf: {  	s25 =	simm.s32 $0x0;
	[sflag:s7] =	ssyncpa.u1 $0x0;
	s11 =	smul.u32 $0x1F40, s10  }
0x10: {  	s24 =	simm.s32 $0x0;
	s6 =	sadd.s32 $0x5600, s0;
	[sflag:s8] =	ssyncpa.u1 $0x0  }
.Ltmp0:
0x11: {  	s23 =	smov.u32 s3;
	p0 =	sne.s32 s9, s11;
	(pc) =	sbr.rel .LBB2_1-.Ltmp0, $4  }
0x12: {  	s1 =	sadd.s32 $0xA600, s0;
	[sflag:s31] =	ssyncpa.u1 $0x0;
	s2 =	simm.s32 @!p0 $0x0  }
0x13: {  	s5 =	sadd.s32 $0x10C00, s0;
	p0 =	por $0x0, $0x0;
	s9 =	sadd.s32 s2, s10  }
0x14: {  	vm0 =	vmmov $0xffff;
	v2 =	vlaneseq.u32;
	s10 =	sshll.u32 s14, $0x1;
	s14 =	sshllo.u32 s14, $0x1;
	s11 =	sadd.s32 $0x1, s9  }
0x15: {  	vm1 =	vmxor vm1, vm1;
	vm2 =	vmmov $0x1;
	vm3 =	vcmask $0x3F3C;
	s12 =	sadd.s32 $0x2, s9;
	s13 =	sor.u32 $0x81, s10;
	s15 =	sor.u32 $0x80, s10  }
.LBB2_9:
0x16: {  	p1 =	slt.u32 s24, $0x3  }
0x17: {  	s0 =	simm.s32 @!p1 $0x2  }
0x18: {  	_ =	swait.ge @!p1 [sflag:s0], $0x1F40  }
0x19: {  	[sflag:s0] =	ssyncset.done @!p1 $0x0  }
0x1a: {  	[sflag:s0] =	ssyncadd.s32 @!p1 $0xFFFFE0C0;
	s0 =	simm.s32 @!p1 $0x9  }
0x1b: {  	_ =	swait.ge @!p1 [sflag:s0], $0x10  }
0x1c: {  	[sflag:s0] =	ssyncset.done @!p1 $0x0  }
0x1d: {  	[sflag:s0] =	ssyncadd.s32 @!p1 $0xFFFFFFF0;
	p1 =	sne.s32 s24, s12  }
.Ltmp1:
0x1e: {  	s2 =	sadd.s32 $0x1F40, s23;
	(pc) =	sbr.rel @!p1 .LBB2_10-.Ltmp1, $4  }
0x1f: {  	s22 =	smov.u32 s3;
	s31 =	sadd.s32 $0x1, s24;
	s17 =	sadd.s32 $0x1F40, s17  }
0x20: {  	s18 =	sadd.s32 $0x1, s18;
	s25 =	smov.u32 s23;
	p2 =	slt.s32 s2, s4  }
0x21: {  	p0 =	por !p0, !p0;
	s19 =	sadd.s32 $0x1F40, s19;
	s22 =	smov.u32 @p2 s2  }
0x22: {  	s20 =	sadd.s32 $0x1, s20;
	s23 =	smov.u32 s22;
	s24 =	smov.u32 s31  }
.LBB2_1:
0x23: {  	p1 =	sge.u32 s24, s9  }
0x24: {  	s0 =	smulhi.u32 @!p1 $0xAAAAAAAB, s24;
	_ =	sdelay $0x1  }
0x25: {  	s0 =	sshrl.u32 @!p1 s0, $0x1  }
0x26: {  	s0 =	smul.u32 @!p1 $0x3, s0;
	_ =	sdelay $0x1  }
0x27: {  	s0 =	ssub.s32 @!p1 s24, s0  }
0x28: {  	s0 =	smul.u32 @!p1 $0x7D00, s0;
	_ =	sdelay $0x1  }
0x29: {  	s2 =	sshrl.u32 @!p1 s23, $0x3;
	s0 =	sshrl.u32 @!p1 s0, $0x2  }
0x2a: {  	s22 =	sand.u32 @!p1 $0x7, s23;
	s2 =	sadd.s32 @!p1 s5, s2;
	s0 =	sadd.s32 @!p1 $0x100, s0  }
0x2b: {  	[tilespmem:s0], [sflag:$0x7] =	stream.linear.gather @!p1 [hbm4b:s2+s22], $0x1F40, $0x38;
	[tilespmem:$0x11A60] =	vst v63  }
0x2c: {  	s0 =	sadd.s32 $0xFFFFFFFF, s24  }
0x2d: {  	p1 =	sge.u32 s0, s9  }
.Ltmp2:
0x2e: {  	_ = 	snop;
	(pc) =	sbr.rel @p1 .LBB2_5-.Ltmp2, $1  }
0x2f: {  	_ =	sdelay $0x3  }
0x30: {  	s2 =	smulhi.u32 $0xAAAAAAAB, s0;
	_ =	sdelay $0x1  }
0x31: {  	s2 =	sshrl.u32 s2, $0x1  }
0x32: {  	s2 =	smul.u32 $0x3, s2;
	_ =	sdelay $0x1  }
0x33: {  	s2 =	ssub.s32 s0, s2  }
0x34: {  	s2 =	smul.u32 $0x7D00, s2  }
0x35: {  	_ =	swait.ge [sflag:s7], $0x1F40  }
0x36: {  	[sflag:s7] =	ssyncset.done $0x0;
	s2 =	sshrl.u32 s2, $0x2  }
0x37: {  	[sflag:s7] =	ssyncadd.s32 $0xFFFFE0C0;
	(ifvalue) =	ssetifvalue $0xFFFFFFFF;
	v3 =	vld.msk [tilespmem:s2+$0x100 ss:$0x1], $0xffff;
	_ =	sdelay $0x2  }
0x38: {  	s30 =	smulhi.u32 $0xAAAAAAAB, s18;
	p1 =	sne.s32 s24, $0x1  }
0x39: {  	v4 =	vimm.s32 @!p1 $0x0  }
0x3a: {  	s2 =	sshrl.u32 s30, $0x1;
	v4 =	vperm.xlane @!p1 v3, v4  }
0x3b: {  	s22 =	sshll.u32 s24, $0x4;
	s2 =	smul.u32 $0xFFFE8900, s2;
	vm4 =	vlt.u32 v3, $0x2800  }
0x3c: {  	s22 =	sand.u32 $0x10, s22;
	v3 =	vnsel vm4, $0xFFFFFFFE, v3;
	vm4 =	vlt.u32 @!p1 v4, $0x2800  }
0x3d: {  	s2 =	sshra.s32 s2, $0x2;
	[tilespmem:s22+$0x60] =	vst v3;
	v3 =	vnsel @!p1 vm4, $0xFFFFFFFE, v4  }
0x3e: {  	s28 =	sadd.s32 s2, s17;
	[tilespmem:$0x80] =	vst @!p1 v3  }
0x3f: {  	v3 =	vld.msk [tilespmem:s28+$0x0 ss:$0x1], $0xffff;
	_ =	sdelay $0x4  }
0x40: {  	(xrf1) =	vunique.msk.u32 $0xffff, v3;
	_ =	sdelay $0xd  }
0x41: {  	v4 =	vimm.s32 $0xFFFFFFFF;
	v5, _, _ =	vpop (xrf1)  }
0x42: {  	vm5 =	vne.s32 v3, v4;
	vm4 =	veq.s32 v5, v2  }
0x43: {  	vm6 =	vlt.u32 v3, $0x2800;
	vm4 =	vmand vm5, vm4  }
0x44: {  	vm4 =	vmand vm6, vm4  }
0x45: {  	v4 =	vnsel vm4, $0xFFFFFFFF, v3  }
0x46: {  	s31 =	sand.u32 $0x1, s0  }
0x47: {  	s0 =	simm.s32 $0x1F40;
	p1 =	seq.s32 s31, $0x1  }
0x48: {  	s0 =	simm.s32 @!p1 $0x0  }
0x49: {  	s26 =	sadd.s32 $0x7DF0, s0;
	(ifvalue) =	ssetifvalue $0xFFFFFFFF  }
0x4a: {  	v3 =	vperm.xlane v3, v1;
	[tilespmem:s26], [sflag:$0x8] =	stream.indirect_vreg.gather [hbm4b:s1+s16], $0x1, v4, vm0, $0x4038;
	v4 =	vnsel vm6, $0xFFFFFFFE, v4;
	[tilespmem:$0x11A60] =	vst v63  }
0x4b: {  	s2 =	simm.s32 $0x0;
	s22 =	sadd.s32 $0xFFFFFFF0, s28;
	[tilespmem:s28+$0x0] =	vst v4  }
.LBB2_3:
0x4c: {  	v4 =	vld.msk [tilespmem:s22+$0x0 ss:$0x1], $0xffff;
	s2 =	sadd.s32 $0x10, s2;
	v5 =	vmov v3;
	s28 =	smov.u32 s22  }
0x4d: {  	p1 =	slt.u32 s2, $0x1F30;
	_ =	sdelay $0x4  }
0x4e: {  	v3 =	vperm.xlane v4, v1;
	(xrf1) =	vunique.msk.u32 $0xffff, v4;
	_ =	sdelay $0xd  }
0x4f: {  	v6, _, _ =	vpop (xrf1)  }
0x50: {  	vm5 =	vne.s32 v4, v5;
	vm4 =	veq.s32 v6, v2  }
0x51: {  	vm6 =	vlt.u32 v4, $0x2800;
	vm4 =	vmand vm5, vm4  }
0x52: {  	vm4 =	vmand vm6, vm4  }
0x53: {  	v4 =	vnsel vm4, $0xFFFFFFFF, v4  }
.Ltmp3:
0x54: {  	v5 =	vnsel vm6, $0xFFFFFFFE, v4;
	(pc) =	sbr.rel @p1 .LBB2_3-.Ltmp3, $3  }
0x55: {  	_ =	sdelay $0x1  }
0x56: {  	s22 =	sadd.s32 $0xFFFFFFF0, s22;
	s26 =	sadd.s32 $0xFFFFFFF0, s26;
	(ifvalue) =	ssetifvalue $0xFFFFFFFF  }
0x57: {  	[tilespmem:s26], [sflag:$0x8] =	stream.indirect_vreg.gather [hbm4b:s1+s16], $0x1, v4, vm0, $0x4038;
	[tilespmem:s28+$0x0] =	vst v5  }
0x58: {  	s2 =	sshrl.u32 s25, $0x3  }
0x59: {  	s0 =	sadd.s32 $0x9D40, s0;
	s2 =	sadd.s32 s6, s2  }
0x5a: {  	[tilespmem:s0], [sflag:$0x8] =	stream.linear.gather [hbm:s2], $0x1F40, $0x38;
	[tilespmem:$0x11A60] =	vst v63  }
.LBB2_5:
0x5b: {  	p1 =	slt.u32 s24, $0x2  }
0x5c: {  	p2 =	sge.u32 @!p1 s24, s12  }
0x5d: {  	p1 =	por p1, p2  }
.Ltmp4:
0x5e: {  	_ = 	snop;
	(pc) =	sbr.rel @p1 .LBB2_9-.Ltmp4, $1  }
0x5f: {  	_ =	sdelay $0x3  }
0x60: {  	s0 =	sadd.s32 $0xFFFFFFFE, s24  }
0x61: {  	s2 =	smulhi.u32 $0xAAAAAAAB, s0;
	_ =	sdelay $0x1  }
0x62: {  	s2 =	sshrl.u32 s2, $0x1  }
0x63: {  	s2 =	smul.u32 $0x3, s2;
	_ =	sdelay $0x1  }
0x64: {  	s0 =	ssub.s32 s0, s2  }
0x65: {  	_ =	swait.ge [sflag:s8], $0x3E80;
	s0 =	smul.u32 $0x1F40, s0  }
0x66: {  	p1 =	sne.s32 s24, s11;
	[sflag:s8] =	ssyncset.done $0x0  }
0x67: {  	[sflag:s8] =	ssyncadd.s32 $0xFFFFC180;
	s2 =	sadd.s32 @!p1 $0x203F, s0  }
0x68: {  	[spmem:s13] =	stream.linear.scatter @!p1 [tilespmem:s2], [sflag:$0x1], $0x1, $0x38;
	[tilespmem:$0x11A60] =	vst v63  }
0x69: {  	s2 =	simm.s32 @!p1 $0x1  }
0x6a: {  	_ =	swait.ge @!p1 [sflag:s2], $0x1  }
0x6b: {  	s22 =	sshll.u32 s24, $0x4;
	[sflag:s2] =	ssyncset.done @!p1 $0x0  }
0x6c: {  	s25 =	sand.u32 $0x10, s22;
	[sflag:s2] =	ssyncadd.s32 @!p1 $0xFFFFFFFF  }
0x6d: {  	s2 =	sxor.u32 $0x10, s25;
	v4 =	vld [tilespmem:s25+$0x10]  }
0x6e: {  	v5 =	vld [tilespmem:s2+$0x60]  }
0x6f: {  	v3 =	vld [tilespmem:$0x80];
	_ =	sdelay $0x2  }
0x70: {  	(v2sf) =	vpush v4, $0x0  }
0x71: {  	(v2sf) =	vpush v5, $0x0  }
0x72: {  	(v2sf) =	vpush v3, $0x0;
	_ =	sdelay $0xc  }
0x73: {  	s22 =	spop (v2sf)  }
0x74: {  	s26 =	spop (v2sf)  }
0x75: {  	s28 =	spop (v2sf)  }
0x76: {  	p2 =	seq.s32 s22, s26;
	p3 =	seq.s32 s28, s22  }
0x77: {  	p3 =	por p2, p3  }
0x78: {  	s26 =	sand.u32 $0x1, s24;
	v4 =	vpsel p3, $0xFFFFFFFF, v4  }
0x79: {  	s29 =	smul.u32 $0x1F40, s26;
	[tilespmem:s25+$0x10] =	vst.msk $0x1, v4  }
0x7a: {  	v4 =	vld [tilespmem:$0x30]  }
0x7b: {  	v5 =	vld [tilespmem:s29+$0x9D40]  }
0x7c: {  	v6 =	vld [tilespmem:s25+$0x40];
	_ =	sdelay $0x3  }
0x7d: {  	vm4 =	vmmov vm1;
	v5 =	vadd.f32 v5, v4  }
0x7e: {  	vm5 =	vmmov vm2;
	vm4 =	vmmov @p2 vm2;
	s22 =	sshll.u32 s26, $0x4;
	v4 =	vadd.f32 v6, v4  }
0x7f: {  	s26 =	sor.u32 $0x11A40, s22;
	vm5 =	vmmov @p3 vm1;
	[tilespmem:s29+$0x9D40] =	vst.msk vm4, v5  }
0x80: {  	[tilespmem:s26+$0x0] =	vst.msk vm5, v4  }
0x81: {  	v4 =	vld [tilespmem:s29+$0x7DF0];
	_ =	sdelay $0x3  }
0x82: {  	v5 =	vimm.f32 $0.0e+00  }
0x83: {  	v4 =	vshift.insert v4, v5, s21  }
0x84: {  	s22 =	sor.u32 $0x40, s2  }
0x85: {  	[tilespmem:s22+$0x0] =	vst.msk $0x1, v4  }
0x86: {  	[tilespmem:s29+$0x7DFF] =	vst.msk $0x1, v5  }
0x87: {  	v4 =	vld [tilespmem:s0+$0x2030];
	_ =	sdelay $0x1  }
0x88: {  	s22 =	smulhi.u32 $0xAAAAAAAB, s20;
	s0 =	simm.s32 $0x1  }
0x89: {  	s0 =	simm.s32 @!p0 $0x0  }
0x8a: {  	s22 =	sshrl.u32 s22, $0x1;
	s0 =	smul.u32 $0x7D00, s0  }
0x8b: {  	s22 =	smul.u32 $0xFFFE8900, s22;
	v4 =	vshift.insert v4, v1, s21  }
0x8c: {  	s0 =	sshrl.u32 s0, $0x2  }
0x8d: {  	s22 =	sshra.s32 s22, $0x2;
	s30 =	sadd.s32 $0x9D40, s0;
	[tilespmem:s2+$0x10] =	vst.msk $0x1, v4  }
0x8e: {  	s22 =	sadd.s32 s22, s19;
	v6 =	vld [tilespmem:s30+$0x0]  }
0x8f: {  	v7 =	vld [tilespmem:s22+$0x0];
	_ =	sdelay $0x3  }
0x90: {  	v5 =	vadd.f32 v6, v5  }
0x91: {  	vm4 =	vne.s32 v7, $0xFFFFFFFF  }
0x92: {  	(xrf2) =	vadd.seg.scan.f32 vm4, v5;
	_ =	sdelay $0x3  }
0x93: {  	s31 =	sadd.s32 $0x5EC0, s0;
	v5 =	vperm.xlane v4, v1  }
0x94: {  	v6 =	vld [tilespmem:s31+$0x0]  }
0x95: {  	vm5 =	veq.s32 v7, v3;
	vm6 =	veq.s32 v7, v5  }
0x96: {  	vm7 =	vgt.u32 v7, $0xFFFFFFFD;
	vm6 =	vmor vm6, vm5  }
0x97: {  	vm6 =	vmor vm6, vm7  }
0x98: {  	v9 =	vld [tilespmem:$0xA0];
	v7 =	vsel vm6, $0xFFFFFFFF, v7  }
0x99: {  	v10 =	vld [tilespmem:$0x90];
	v6 =	vsel vm5, $0x0, v6;
	v8, _, _ =	vpop (xrf2)  }
0x9a: {  	v6 =	vadd.f32 v8, v6  }
0x9b: {  	s0 =	sadd.s32 $0xDBC0, s0  }
0x9c: {  	vm4 =	vmand vm4, vm3;
	[tilespmem:s0+$0x0] =	vst v6;
	(ifvalue) =	ssetifvalue $0xFFFFFFFF  }
0x9d: {  	vm6 =	veq.s32 v9, $0x1;
	[hbm4b:s1+s16] =	stream.indirect_vreg.scatter [tilespmem:s0], [sflag:$0x2], $0x1, v7, vm0, $0x4038;
	v7 =	vsel vm4, $0x0, v8;
	[tilespmem:$0x11A60] =	vst v63  }
0x9e: {  	s2 =	simm.s32 $0x0;
	s22 =	sadd.s32 $0x10, s22;
	vm4 =	vmor vm6, vm5;
	v6 =	vsel vm5, v8, v10;
	v7 =	vshift.insert v7, v0, s21  }
.LBB2_7:
0x9f: {  	v8 =	vld [tilespmem:s22+$0x0];
	s30 =	sadd.s32 $0x10, s30  }
0xa0: {  	s31 =	sadd.s32 $0x10, s31;
	v9 =	vld [tilespmem:s30+$0x0]  }
0xa1: {  	s2 =	sadd.s32 $0x10, s2;
	v10 =	vld [tilespmem:s31+$0x0]  }
0xa2: {  	p2 =	slt.u32 s2, $0x1F30;
	_ =	sdelay $0x2  }
0xa3: {  	v7 =	vadd.f32 v9, v7  }
0xa4: {  	vm5 =	vne.s32 v8, $0xFFFFFFFF  }
0xa5: {  	vm6 =	vmand vm5, vm3;
	(xrf2) =	vadd.seg.scan.f32 vm5, v7;
	_ =	sdelay $0x5  }
0xa6: {  	vm7 =	veq.s32 v8, v5;
	vm5 =	veq.s32 v8, v3  }
0xa7: {  	vm8 =	vgt.u32 v8, $0xFFFFFFFD;
	vm4 =	vmor vm4, vm5;
	vm7 =	vmor vm7, vm5  }
0xa8: {  	vm7 =	vmor vm7, vm8  }
0xa9: {  	v8 =	vsel vm7, $0xFFFFFFFF, v8  }
.Ltmp5:
0xaa: {  	v7 =	vsel vm5, $0x0, v10;
	v9, _, _ =	vpop (xrf2);
	(pc) =	sbr.rel @p2 .LBB2_7-.Ltmp5, $4  }
0xab: {  	v6 =	vsel vm5, v9, v6;
	v10 =	vadd.f32 v9, v7;
	v7 =	vsel vm6, $0x0, v9  }
0xac: {  	s0 =	sadd.s32 $0x10, s0;
	v7 =	vshift.insert v7, v0, s21  }
0xad: {  	s22 =	sadd.s32 $0x10, s22;
	[tilespmem:s0+$0x0] =	vst v10;
	(ifvalue) =	ssetifvalue $0xFFFFFFFF  }
0xae: {  	[hbm4b:s1+s16] =	stream.indirect_vreg.scatter [tilespmem:s0], [sflag:$0x2], $0x1, v8, vm0, $0x4038;
	[tilespmem:$0x11A60] =	vst v63  }
0xaf: {  	v3 =	vld [tilespmem:s29+$0xFAF0];
	_ =	sdelay $0x4  }
0xb0: {  	v3 =	vshift.insert v3, v0, s21  }
0xb1: {  	s0 =	simm.s32 $0x30  }
0xb2: {  	[tilespmem:s0+$0x0] =	vst.msk $0x1, v3  }
0xb3: {  	v3 =	vsel vm4, $0x1, v1;
	[tilespmem:$0x90] =	vst v6  }
0xb4: {  	s0 =	sadd.s32 @!p1 $0xFAFF, s29;
	[tilespmem:$0xA0] =	vst v3  }
0xb5: {  	[spmem:s14] =	stream.linear.scatter @!p1 [tilespmem:s0], [sflag:$0x1], $0x1, $0x38;
	[tilespmem:$0x11A60] =	vst v63  }
0xb6: {  	s0 =	simm.s32 @!p1 $0x1  }
0xb7: {  	v3 =	vmctz.xlane @!p1 vm4;
	_ =	swait.ge @!p1 [sflag:s0], $0x1  }
0xb8: {  	(v2sf) =	vpush @!p1 v4, $0x0  }
0xb9: {  	(v2sf) =	vpush @!p1 v3, $0x0;
	_ =	sdelay $0xd  }
0xba: {  	s2 =	spop @!p1 (v2sf)  }
0xbb: {  	s22 =	spop @!p1 (v2sf)  }
0xbc: {  	p2 =	sne.s32 @!p1 s28, s2;
	p3 =	slt.s32 @!p1 s22, $0xF  }
0xbd: {  	[sflag:s0] =	ssyncset.done @!p1 $0x0;
	p2 =	por p2, p1;
	p3 =	por !p3, p1  }
0xbe: {  	[sflag:s0] =	ssyncadd.s32 @!p1 $0xFFFFFFFF;
	v3 =	vimm.s32 @!p2 $0xFFFFFFFF;
	s22 =	simm.s32 @p3 $0xF  }
0xbf: {  	[tilespmem:$0x80] =	vst @!p2 v3;
	s2 =	sadd.s32 @!p1 $0x90, s22  }
0xc0: {  	[spmem:s10] =	stream.linear.scatter @!p1 [tilespmem:s2], [sflag:$0x1], $0x1, $0x38;
	[tilespmem:$0x11A60] =	vst v63  }
0xc1: {  	_ =	swait.ge @!p1 [sflag:s0], $0x1  }
0xc2: {  	[sflag:s0] =	ssyncset.done @!p1 $0x0  }
0xc3: {  	s2 =	simm.s32 @!p1 $0x80;
	[sflag:s0] =	ssyncadd.s32 @!p1 $0xFFFFFFFF  }
0xc4: {  	[spmem:s15] =	stream.linear.scatter @!p1 [tilespmem:s2], [sflag:$0x1], $0x1, $0x38;
	[tilespmem:$0x11A60] =	vst v63  }
0xc5: {  	_ =	swait.ge @!p1 [sflag:s0], $0x1  }
0xc6: {  	[sflag:s0] =	ssyncset.done @!p1 $0x0  }
0xc7: {  	[sflag:s0] =	ssyncadd.s32 @!p1 $0xFFFFFFFF;
	(ifvalue) =	ssetifvalue $0xFFFFFFFF;
	v3 =	vld [tilespmem:s25+$0x10];
	_ =	sdelay $0x3  }
.Ltmp6:
0xc8: {  	_ = 	snop;
	(pc) =	sbr.rel .LBB2_9-.Ltmp6, $3  }
0xc9: {  	_ =	sdelay $0x1  }
0xca: {  	(ifvalue) =	ssetifvalue $0xFFFFFFFF  }
0xcb: {  	[hbm4b:s1+s16] =	stream.indirect_vreg.scatter [tilespmem:s26], [sflag:$0x9], $0x1, v3, vm0, $0x4038;
	[tilespmem:$0x11A60] =	vst v63  }
.LBB2_10:
0xcc: {  	_ =	sfence.sel $0x180000  }
0xcd: {  	s0 =	simm.s32 $0x7;
	[bflag:$0x0] =	sbarrier.arrive $0xFFFF  }
0xce: {  	s26 =	simm.s32 $0x8;
	[sflag:s0] =	ssyncpa.u1 $0x1  }
0xcf: {  	s28 =	simm.s32 $0x9;
	[sflag:s26] =	ssyncpa.u1 $0x1  }
0xd0: {  	[sflag:s28] =	ssyncpa.u1 $0x1  }
0xd1: {  	_ =	sfence.stream.spmem  }
0xd2: {  	s29 =	simm.s32 $0x3;
	[bflag:$0x0] =	sbarrier.arrive $0xFFFF  }
0xd3: {  	s30 =	simm.s32 $0x4;
	[sflag:s29] =	ssyncpa.u1 $0x1  }
0xd4: {  	s31 =	simm.s32 $0x3C;
	s2 =	stileid.u32;
	[sflag:s30] =	ssyncpa.u1 $0x1  }
0xd5: {  	p0 =	sne.s32 s2, $0x0;
	[sflag:s31] =	ssyncpa.u1 $0x1  }
0xd6: {  	s0 =	simm.s32 @p0 $0x1;
	_ =	sfence @p0  }
0xd7: {  	[sflag:s0] =	ssyncpa.u1 @p0 $0x1;
	s0 =	simm.s32 @p0 $0x2  }
0xd8: {  	[sflag:s0] =	ssyncpa.u1 @p0 $0x1  }
0xd9: {  	_ =	strace @p0 $0x90000059  }
0xda: {  	[bflag:$0x2] =	sbarrier.arrive @p0 $0xFFFF  }
0xdb: {  	_ =	shalt @p0  }
.LBB2_11:
0xdc: {  	_ =	sfence.stream.spmem;
	s0 =	simm.s32 $0x5  }
0xdd: {  	s2 =	simm.s32 $0x80;
	s3 =	simm.s32 $0xC0;
	[sflag:s0] =	ssyncpa.u1 $0x0  }
0xde: {  	[tilespmem:s3], [sflag:$0x5] =	stream.linear.gather [spmem:s2], $0x20, $0x38;
	[tilespmem:$0x11A60] =	vst v63  }
0xdf: {  	s2 =	simm.s32 $0x0;
	s3 =	simm.s32 $0xE0  }
0xe0: {  	[tilespmem:s3], [sflag:$0x5] =	stream.linear.gather [spmem:s2], $0x20, $0x38;
	[tilespmem:$0x11A60] =	vst v63  }
.Ltmp7:
0xe1: {  	_ = 	snop;
	(pc) =	sbr.rel .LBB2_12-.Ltmp7, $4  }
0xe2: {  	_ =	swait.ge [sflag:s0], $0x40  }
0xe3: {  	[sflag:s0] =	ssyncset.done $0x0  }
0xe4: {  	s31 =	simm.s32 $0x6;
	[sflag:s0] =	ssyncadd.s32 $0xFFFFFFC0  }
0xe5: {  	s4 =	simm.s32 $0x0;
	[sflag:s31] =	ssyncpa.u1 $0x0  }
.LBB2_17:
0xe6: {  	p0 =	sgt.u32 s5, $0x27FF  }
0xe7: {  	s0 =	sshrl.u32 @!p0 s5, $0x3  }
0xe8: {  	s5 =	sand.u32 @!p0 $0x7, s5;
	s6 =	simm.s32 @!p0 $0xB0;
	s0 =	sadd.s32 @!p0 s1, s0  }
0xe9: {  	[tilespmem:s6], [sflag:$0x6] =	stream.linear.gather @!p0 [hbm4b:s0+s5], $0x1, $0x38;
	[tilespmem:$0x11A60] =	vst v63  }
0xea: {  	s0 =	simm.s32 @!p0 $0x6  }
0xeb: {  	_ =	swait.ge @!p0 [sflag:s0], $0x1  }
0xec: {  	[sflag:s0] =	ssyncset.done @!p0 $0x0  }
0xed: {  	[sflag:s0] =	ssyncadd.s32 @!p0 $0xFFFFFFFF  }
0xee: {  	v2 =	vmov @!p0 s4;
	v1 =	vld.msk @!p0 [tilespmem:$0xB0], $0x1;
	_ =	sdelay $0x3  }
0xef: {  	s0 =	simm.s32 @!p0 $0xE0  }
0xf0: {  	[tilespmem:v2+s0+$0x0], v1 =	vst.idx.ret.add.f32.msk @!p0 $0x1, v1  }
0xf1: {  	[tilespmem:s2+$0xC0] =	vst.msk $0x1, v0  }
0xf2: {  	v0 =	vld.msk [tilespmem:s4+$0xE0], $0x1;
	_ =	sdelay $0x4  }
0xf3: {  	[tilespmem:s2+$0xE0] =	vst.msk $0x1, v0;
	s2 =	sadd.s32 $0x1, s2  }
.LBB2_19:
0xf4: {  	s4 =	sadd.s32 $0x1, s4  }
0xf5: {  	p0 =	sne.s32 s4, $0x20  }
.Ltmp8:
0xf6: {  	_ = 	snop;
	(pc) =	sbr.rel @!p0 .LBB2_20-.Ltmp8, $1  }
0xf7: {  	_ =	sdelay $0x3  }
.LBB2_12:
0xf8: {  	v0 =	vld.msk [tilespmem:s4+$0xC0], $0x1;
	_ =	sdelay $0x4  }
0xf9: {  	(v2sf) =	vpush v0, $0x0;
	_ =	sdelay $0xe  }
0xfa: {  	s5 =	spop (v2sf)  }
0xfb: {  	p0 =	seq.s32 s5, $0xFFFFFFFF  }
.Ltmp9:
0xfc: {  	_ = 	snop;
	(pc) =	sbr.rel @p0 .LBB2_19-.Ltmp9, $1  }
0xfd: {  	_ =	sdelay $0x3  }
0xfe: {  	p0 =	slt.s32 s2, $0x1  }
.Ltmp10:
0xff: {  	_ = 	snop;
	(pc) =	sbr.rel @p0 .LBB2_17-.Ltmp10, $1  }
0x100: {  	_ =	sdelay $0x3  }
0x101: {  	s0 =	simm.s32 $0xC0;
	p0 =	por $0x0, $0x0  }
0x102: {  	v1 =	vld.msk @!p0 [tilespmem:s0+$0x0], $0x1;
	_ =	sdelay $0x4  }
0x103: {  	(v2sf) =	vpush @!p0 v1, $0x0;
	_ =	sdelay $0xd  }
0x104: {  	p2 =	sne.s32 s2, $0x1  }
.Ltmp11:
0x105: {  	s6 =	spop @!p0 (v2sf);
	(pc) =	sbr.rel @!p2 .LBB2_16-.Ltmp11, $4  }
0x106: {  	p1 =	seq.s32 @!p0 s5, s6  }
0x107: {  	s6 =	simm.s32 $0x0;
	p1 =	por !p1, p0  }
0x108: {  	s8 =	simm.s32 $0xFFFFFFFF;
	s6 =	simm.s32 @p1 $0xFFFFFFFF  }
0x109: {  	s7 =	simm.s32 $0x1;
	s6 =	smov.u32 @p0 s8  }
.LBB2_15:
0x10a: {  	s8 =	smov.u32 s6;
	p0 =	sne.s32 s6, $0xFFFFFFFF  }
0x10b: {  	s0 =	sadd.s32 $0x1, s0;
	s6 =	smov.u32 s7;
	s7 =	sadd.s32 $0x1, s7  }
0x10c: {  	p1 =	sne.s32 s2, s7;
	v1 =	vld.msk @!p0 [tilespmem:s0+$0x0], $0x1;
	_ =	sdelay $0x4  }
0x10d: {  	(v2sf) =	vpush @!p0 v1, $0x0;
	_ =	sdelay $0xe  }
.Ltmp12:
0x10e: {  	s9 =	spop @!p0 (v2sf);
	(pc) =	sbr.rel @p1 .LBB2_15-.Ltmp12, $4  }
0x10f: {  	p2 =	seq.s32 @!p0 s5, s9  }
0x110: {  	p2 =	por !p2, p0  }
0x111: {  	s6 =	simm.s32 @p2 $0xFFFFFFFF  }
0x112: {  	s6 =	smov.u32 @p0 s8  }
.LBB2_16:
0x113: {  	p0 =	sne.s32 s6, $0xFFFFFFFF  }
.Ltmp13:
0x114: {  	_ = 	snop;
	(pc) =	sbr.rel @!p0 .LBB2_17-.Ltmp13, $1  }
0x115: {  	_ =	sdelay $0x3  }
0x116: {  	v0 =	vld.msk [tilespmem:s4+$0xE0], $0x1;
	v1 =	vmov s6  }
.Ltmp14:
0x117: {  	_ = 	snop;
	(pc) =	sbr.rel .LBB2_19-.Ltmp14, $2  }
0x118: {  	_ =	sdelay $0x2  }
0x119: {  	[tilespmem:v1+s3+$0x0], v0 =	vst.idx.ret.add.f32.msk $0x1, v0  }
.LBB2_20:
0x11a: {  	p0 =	slt.s32 s2, $0x1  }
.Ltmp15:
0x11b: {  	_ = 	snop;
	(pc) =	sbr.rel @p0 .LBB2_24-.Ltmp15, $3  }
0x11c: {  	_ =	sdelay $0x1  }
0x11d: {  	s0 =	simm.s32 $0x6  }
0x11e: {  	s3 =	simm.s32 $0x0;
	[sflag:s0] =	ssyncpa.u1 $0x1  }
0x11f: {  	s0 =	simm.s32 $0xC0  }
0x120: {  	v0 =	vld.msk [tilespmem:s0+$0x0], $0x1;
	_ =	sdelay $0x4  }
0x121: {  	(v2sf) =	vpush v0, $0x0;
	_ =	sdelay $0xe  }
0x122: {  	s2 =	sadd.s32 $0xFFFFFFFF, s2;
	s4 =	spop (v2sf)  }
0x123: {  	p1 =	sne.s32 s2, $0x0;
	p0 =	sgt.u32 s4, $0x27FF  }
.Ltmp16:
0x124: {  	s5 =	sshrl.u32 @!p0 s4, $0x3;
	(pc) =	sbr.rel @!p1 .LBB2_23-.Ltmp16, $4  }
0x125: {  	s0 =	simm.s32 $0xE0;
	s4 =	sand.u32 @!p0 $0x7, s4;
	s5 =	sadd.s32 @!p0 s1, s5  }
0x126: {  	[hbm4b:s5+s4] =	stream.linear.scatter @!p0 [tilespmem:s0], [sflag:$0x5], $0x1, $0x38;
	[tilespmem:$0x11A60] =	vst v63  }
0x127: {  	s5 =	simm.s32 $0x0  }
0x128: {  	s4 =	simm.s32 $0xC1;
	s5 =	simm.s32 @!p0 $0x4  }
.LBB2_22:
0x129: {  	v0 =	vld.msk [tilespmem:s4+$0x0], $0x1;
	s2 =	sadd.s32 $0xFFFFFFFF, s2;
	s3 =	sadd.s32 s3, s5  }
0x12a: {  	p0 =	sne.s32 s2, $0x0;
	_ =	sdelay $0x3  }
0x12b: {  	(v2sf) =	vpush v0, $0x0;
	_ =	sdelay $0xe  }
.Ltmp17:
0x12c: {  	s6 =	spop (v2sf);
	(pc) =	sbr.rel @p0 .LBB2_22-.Ltmp17, $4  }
0x12d: {  	s5 =	simm.s32 $0x0;
	p1 =	sgt.u32 s6, $0x27FF  }
0x12e: {  	s0 =	sadd.s32 $0x1, s0;
	s5 =	simm.s32 @!p1 $0x4;
	s7 =	sshrl.u32 @!p1 s6, $0x3  }
0x12f: {  	s4 =	sadd.s32 $0x1, s4;
	s6 =	sand.u32 @!p1 $0x7, s6;
	s7 =	sadd.s32 @!p1 s1, s7  }
0x130: {  	[hbm4b:s7+s6] =	stream.linear.scatter @!p1 [tilespmem:s0], [sflag:$0x5], $0x1, $0x38;
	[tilespmem:$0x11A60] =	vst v63  }
.LBB2_23:
0x131: {  	s0 =	sadd.s32 s3, s5  }
0x132: {  	s3 =	sshrl.u32 s0, $0x2  }
.LBB2_24:
0x133: {  	s0 =	simm.s32 $0x5  }
0x134: {  	_ =	swait.ge [sflag:s0], s3  }
0x135: {  	s1 =	ssub.s32 $0x0, s3;
	[sflag:s0] =	ssyncset.done $0x0  }
0x136: {  	[sflag:s0] =	ssyncadd.s32 s1  }
0x137: {  	[sflag:s0] =	ssyncpa.u1 $0x1  }
0x138: {  	s29 =	simm.s32 $0x1;
	_ =	sfence  }
0x139: {  	s30 =	simm.s32 $0x2;
	[sflag:s29] =	ssyncpa.u1 $0x1  }
0x13a: {  	[sflag:s30] =	ssyncpa.u1 $0x1  }
0x13b: {  	_ =	strace $0x90000059  }
0x13c: {  	[bflag:$0x2] =	sbarrier.arrive $0xFFFF  }
0x13d: {  	s31 =	rddreg [dreg:$0x1]  }
0x13e: {  	s0 =	sadd.s32 $0x100000, s31  }
0x13f: {  	[sflag:s0] =	ssyncadd.tile.s32 $0x1;
	_ =	shalt  }
.Lfunc_end2:
_tile_overlayer_lowered:
.L_overlay_start_2:
0x140: {  	(tag) =	ssettag $0x2  }
0x141: {  	s0 =	rddreg [dreg:$0x0];
	s2 =	stileid.u32  }
0x142: {  	s1 =	rddreg [dreg:$0x1];
	p0 =	sne.s32 s2, $0x0  }
0x143: {  	s3 =	rddreg [dreg:$0x2];
	[bflag:$0x3] =	sbarrier.arrive $0xFFFF;
	s2 =	simm.s32 @!p0 $0x1C01  }
0x144: {  	[timem:s3], [sflag:s2] =	dma.local @!p0 [hbm:s0], s1  }
0x145: {  	s0 =	simm.s32 @!p0 $0x1  }
0x146: {  	_ =	swait.ge @!p0 [sflag:s0], s1  }
0x147: {  	s1 =	ssub.s32 @!p0 $0x0, s1;
	[sflag:s0] =	ssyncset.done @!p0 $0x0  }
0x148: {  	[sflag:s0] =	ssyncadd.s32 @!p0 s1  }
0x149: {  	[bflag:$0x3] =	sbarrier.arrive $0xFFFF  }
0x14a: {  	_ =	shalt  }

// kernel: scatter_offload_async_start
scs
__scs_entry_jumppad:
0x0: {  	(pc) =	sbr.rel $0x88, $3  }
0x1: {  	(tag) =	ssettag $0x0;
	lr =	simm.s32 $0x1  }
0x2: {  	[smem:$0x3F86] =	sst lr;
	_ =	strace $0xD0000000  }
0x3: {  	_ = 	snop  }
0x4: {  	_ = 	snop  }
0x5: {  	_ = 	snop  }
0x6: {  	_ = 	snop  }
0x7: {  	_ = 	snop  }
__scs_overlays_trampoline_lowered:
0x8: {  	[smem:$0x3F95] =	sst s0  }
0x9: {  	[smem:$0x3F96] =	sst s1  }
0xa: {  	[smem:$0x3F97] =	sst s2  }
0xb: {  	[smem:$0x3F98] =	sst s3  }
0xc: {  	[smem:$0x3F99] =	sst s4  }
0xd: {  	[smem:$0x3F9A] =	sst s5  }
0xe: {  	[smem:$0x3F9B] =	sst s6  }
0xf: {  	[smem:$0x3F9C] =	sst s7  }
0x10: {  	[smem:$0x3F9D] =	sst s8  }
0x11: {  	[smem:$0x3F9E] =	sst s9;
	s0 =	simm.s32 @!p0 $0x0  }
0x12: {  	s1 =	sld [smem:$0x3F84];
	s0 =	simm.s32 @p0 $0x1  }
0x13: {  	[smem:$0x3F9F] =	sst s0;
	s0 =	simm.s32 @!p1 $0x0  }
0x14: {  	s2 =	sld [smem:$0x3F83];
	s0 =	simm.s32 @p1 $0x1  }
0x15: {  	[smem:$0x3FA0] =	sst s0;
	s0 =	simm.s32 @!p2 $0x0  }
0x16: {  	s3 =	sld [smem:$0x3FDB];
	s0 =	simm.s32 @p2 $0x1  }
0x17: {  	s4 =	simm.s32 $0x1BF5;
	[smem:$0x3FA2] =	sst s0  }
0x18: {  	s0 =	sld [smem:$0x3F85];
	_ =	swait.ge [sflag:s4], $0x0  }
0x19: {  	s7 =	sld [smem:$0x3F86]  }
0x1a: {  	s8 =	sadd.s32 $0xFFFFE003, lr  }
0x1b: {  	s9 =	sadd.s32 $0xFFFFFEF7, lr;
	s5 =	simm.s32 $0xFFFFFFFF;
	p2 =	slt.u32 s8, $0xFFFFF086  }
0x1c: {  	p1 =	slt.u32 s9, $0xF7A;
	s5 =	simm.s32 @!p2 $0x0  }
0x1d: {  	s5 =	simm.s32 @p1 $0x1;
	p0 =	seq.s32 s7, s2  }
0x1e: {  	s7 =	smul.u32 @!p0 $0xF7A, s2;
	p2 =	seq.s32 @!p0 s5, $0x0  }
0x1f: {  	s9 =	smul.u32 $0xF7A, s1;
	s8 =	simm.s32 @!p0 $0x1BF5;
	p2 =	por !p2, p0  }
0x20: {  	[sflag:s8] =	ssyncset.s32 @!p0 $0xFFFFF086;
	s6 =	sadd.s32 @!p0 s3, s7;
	s7 =	simm.s32 @!p0 $0x108  }
0x21: {  	s3 =	sadd.s32 s3, s9;
	s6 =	sadd.s32 @!p0 $0x88, s6;
	s7 =	simm.s32 @p2 $0x1082  }
0x22: {  	[simem:s7], [sflag:s8] =	dma.local @!p0 [hbm:s6], $0xF7A  }
0x23: {  	s9 =	sor.u32 $0xD0000000, s2;
	s6 =	simm.s32 $0x108;
	_ =	swait.ge @!p0 [sflag:s8], $0x0  }
0x24: {  	s3 =	sadd.s32 $0x88, s3;
	s6 =	simm.s32 @!p1 $0x1082;
	[sflag:s4] =	ssyncset.s32 $0xFFFFF086  }
0x25: {  	[simem:s6], [sflag:s4] =	dma.local [hbm:s3], $0xF7A  }
0x26: {  	[smem:$0x3F86] =	sst s1;
	(tag) =	ssettag s2;
	_ =	strace s9  }
0x27: {  	s1 =	sld [smem:$0x3F96]  }
0x28: {  	s2 =	sld [smem:$0x3F97]  }
0x29: {  	s4 =	sld [smem:$0x3F99]  }
0x2a: {  	p0 =	seq.s32 s5, $0x0;
	s5 =	sld [smem:$0x3F9A]  }
0x2b: {  	s6 =	sld [smem:$0x3F9B]  }
0x2c: {  	s7 =	sld [smem:$0x3F9C]  }
0x2d: {  	s3 =	simm.s32 $0x108;
	s8 =	sld [smem:$0x3F9D]  }
0x2e: {  	s3 =	simm.s32 @!p0 $0x1082;
	s9 =	sld [smem:$0x3F9E]  }
0x2f: {  	lr =	sadd.s32 s0, s3;
	s0 =	sld [smem:$0x3F95]  }
0x30: {  	s3 =	sld [smem:$0x3F98]  }
0x31: {  	[smem:$0x3FA1] =	sst s10  }
0x32: {  	s10 =	sld [smem:$0x3F9F];
	_ =	sdelay $0x3  }
0x33: {  	p0 =	seq.s32 s10, $0x1;
	s10 =	sld [smem:$0x3FA1];
	_ =	sdelay $0x3  }
0x34: {  	[smem:$0x3FA1] =	sst s10  }
0x35: {  	s10 =	sld [smem:$0x3FA0];
	_ =	sdelay $0x3  }
0x36: {  	p1 =	seq.s32 s10, $0x1;
	s10 =	sld [smem:$0x3FA1];
	_ =	sdelay $0x3  }
0x37: {  	[smem:$0x3FA1] =	sst s10  }
0x38: {  	s10 =	sld [smem:$0x3FA2]  }
0x39: {  	_ = 	snop;
	(pc) =	sbr.ind lr, $3  }
0x3a: {  	_ = 	snop  }
0x3b: {  	_ = 	snop  }
0x3c: {  	p2 =	seq.s32 s10, $0x1;
	s10 =	sld [smem:$0x3FA1]  }
0x3d: {  	_ =	shalt  }
0x3e: {  	_ =	shalt  }
0x3f: {  	_ =	shalt  }
0x40: {  	_ =	shalt  }
0x41: {  	_ =	shalt  }
0x42: {  	_ =	shalt  }
0x43: {  	_ =	shalt  }
0x44: {  	_ =	shalt  }
0x45: {  	_ =	shalt  }
0x46: {  	_ =	shalt  }
0x47: {  	_ =	shalt  }
0x48: {  	_ =	shalt  }
0x49: {  	_ =	shalt  }
0x4a: {  	_ =	shalt  }
0x4b: {  	_ =	shalt  }
0x4c: {  	_ =	shalt  }
0x4d: {  	_ =	shalt  }
0x4e: {  	_ =	shalt  }
0x4f: {  	_ =	shalt  }
0x50: {  	_ =	shalt  }
0x51: {  	_ =	shalt  }
0x52: {  	_ =	shalt  }
0x53: {  	_ =	shalt  }
0x54: {  	_ =	shalt  }
0x55: {  	_ =	shalt  }
0x56: {  	_ =	shalt  }
0x57: {  	_ =	shalt  }
0x58: {  	_ =	shalt  }
0x59: {  	_ =	shalt  }
0x5a: {  	_ =	shalt  }
0x5b: {  	_ =	shalt  }
0x5c: {  	_ =	shalt  }
0x5d: {  	_ =	shalt  }
0x5e: {  	_ =	shalt  }
0x5f: {  	_ =	shalt  }
0x60: {  	_ =	shalt  }
0x61: {  	_ =	shalt  }
0x62: {  	_ =	shalt  }
0x63: {  	_ =	shalt  }
0x64: {  	_ =	shalt  }
0x65: {  	_ =	shalt  }
0x66: {  	_ =	shalt  }
0x67: {  	_ =	shalt  }
0x68: {  	_ =	shalt  }
0x69: {  	_ =	shalt  }
0x6a: {  	_ =	shalt  }
0x6b: {  	_ =	shalt  }
0x6c: {  	_ =	shalt  }
0x6d: {  	_ =	shalt  }
0x6e: {  	_ =	shalt  }
0x6f: {  	_ =	shalt  }
0x70: {  	_ =	shalt  }
0x71: {  	_ =	shalt  }
0x72: {  	_ =	shalt  }
0x73: {  	_ =	shalt  }
0x74: {  	_ =	shalt  }
0x75: {  	_ =	shalt  }
0x76: {  	_ =	shalt  }
0x77: {  	_ =	shalt  }
0x78: {  	_ =	shalt  }
0x79: {  	_ =	shalt  }
0x7a: {  	_ =	shalt  }
0x7b: {  	_ =	shalt  }
0x7c: {  	_ =	shalt  }
0x7d: {  	_ =	shalt  }
0x7e: {  	_ =	shalt  }
0x7f: {  	_ =	shalt  }
0x80: {  	_ =	shalt  }
0x81: {  	_ =	shalt  }
0x82: {  	_ =	shalt  }
0x83: {  	_ =	shalt  }
0x84: {  	_ =	shalt  }
0x85: {  	_ =	shalt  }
0x86: {  	_ =	shalt  }
0x87: {  	_ =	shalt  }
.Lfunc_end0:
.L_simem_size_0:
called_computation_lowered:
.L_overlay_start_0:
0x88: {  	s2 =	sld [smem:$0x3FD9]  }
0x89: {  	s3 =	sld [smem:$0x3FFE];
	_ =	sdelay $0x1  }
0x8a: {  	s1 =	srdreg.scid  }
0x8b: {  	s0 =	sand.u32 $0x1, s1  }
0x8c: {  	s15 =	sshll.u32 s0, $0xA;
	s2 =	sadd.s32 s3, s2  }
0x8d: {  	s2 =	sadd.s32 s2, s15  }
0x8e: {  	[smem:$0x3FAD] =	sst s2  }
0x8f: {  	_ = 	snop  }
0x90: {  	(tm) =	ssettm $0x1  }
0x91: {  	s16 =	sld [smem:$0x3FFB];
	_ =	sdelay $0x3  }
0x92: {  	_ =	strace s16  }
0x93: {  	s2 =	sld [smem:$0x3FFC];
	_ =	sdelay $0x3  }
0x94: {  	_ =	strace s2  }
0x95: {  	s2 =	sld [smem:$0x3FFD];
	_ =	sdelay $0x3  }
0x96: {  	_ =	strace s2  }
0x97: {  	_ =	strace $0x8FFFFFFF  }
0x98: {  	s17 =	sld [smem:$0x3FDB];
	_ =	sdelay $0x1  }
0x99: {  	s18 =	simm.s32 $_scs_section_size  }
0x9a: {  	s4 =	simm.s32 $_size__tile_overlayer_lowered;
	s5 =	simm.s32 $_tile_overlayer_lowered  }
0x9b: {  	s21 =	simm.s32 $0x1BFF;
	s20 =	sshll.u32 s5, $0x1;
	s2 =	sadd.s32 s18, s17  }
0x9c: {  	s6 =	simm.s32 $0x0;
	s19 =	sshll.u32 s4, $0x1;
	s4 =	sadd.s32 s20, s2  }
0x9d: {  	[timem:s6], [sflag:s21] =	dma.local [hbm:s4], s19  }
0x9e: {  	_ =	swait.ge [sflag:s21], s19  }
0x9f: {  	s3 =	ssub.s32 $0x0, s19;
	[sflag:s21] =	ssyncset.done $0x0  }
0xa0: {  	[sflag:s21] =	ssyncadd.s32 s3;
	_ =	sdelay $0x1  }
0xa1: {  	s22 =	simm.s32 $0x1B8B  }
0xa2: {  	_ =	swait.ge [sflag:s22], $0x1  }
0xa3: {  	[sflag:s22] =	ssyncset.done $0x0  }
0xa4: {  	s23 =	sld [smem:$0x3FFE];
	[sflag:s22] =	ssyncadd.s32 $0xFFFFFFFF  }
0xa5: {  	s25 =	simm.s32 $0x1B8E;
	s24 =	sld [smem:$0x0]  }
0xa6: {  	s26 =	simm.s32 $execute0_lowered;
	[smem:$0x3FD2] =	sst s25  }
0xa7: {  	s5 =	sshll.u32 s26, $0x1;
	_ =	strace $0x8000004C;
	[dreg:$0x1] =	wrdreg $0xFFFFFFFF  }
0xa8: {  	s28 =	simm.s32 $_size_execute0_lowered;
	s2 =	sadd.s32 s2, s5;
	[dreg:$0x0] =	wrdreg $0x0  }
0xa9: {  	s5 =	sshll.u32 s28, $0x1;
	[dreg:$0x2] =	wrdreg s2  }
0xaa: {  	[dreg:$0x3] =	wrdreg s5  }
0xab: {  	[dreg:$0x4] =	wrdreg $0xC0  }
0xac: {  	_ =	task [dreg:s6], $0x5FFFF  }
0xad: {  	[dreg:$0x1] =	wrdreg $0xFFFFFFFF  }
0xae: {  	[dreg:$0x0] =	wrdreg $0x60  }
0xaf: {  	[dreg:$0x2] =	wrdreg s23  }
0xb0: {  	[dreg:$0x3] =	wrdreg s1  }
0xb1: {  	[dreg:$0x4] =	wrdreg s24  }
0xb2: {  	[dreg:$0x5] =	wrdreg $0x9  }
0xb3: {  	_ =	task.clear_ibuf [dreg:s6], $0x6FFFF;
	_ =	strace $0x9000004C  }
0xb4: {  	s29 =	simm.s32 $0x9;
	_ =	strace $0x8000004E  }
0xb5: {  	_ =	swait.ge [sflag:s29], $0x1  }
0xb6: {  	[sflag:s29] =	ssyncadd.s32 $0xFFFFFFFF  }
0xb7: {  	_ =	strace $0x9000004E  }
0xb8: {  	_ =	sfence  }
0xb9: {  	s30 =	sld [smem:$0x0];
	_ =	sdelay $0x2  }
0xba: {  	s31 =	sshll.u32 s1, $0xD;
	s1 =	sshrl.u32 s1, $0x2  }
0xbb: {  	s3 =	sand.u32 $0x4000, s31;
	s1 =	sadd.s32 s1, s30  }
0xbc: {  	s0 =	sor.u32 s3, s0;
	s1 =	sshll.u32 s1, $0x11  }
0xbd: {  	s0 =	sor.u32 s1, s0  }
0xbe: {  	s0 =	sadd.s32 $0x8F2B, s0  }
0xbf: {  	[sflag:s0] =	ssyncadd.remote.s32 $0x1  }
0xc0: {  	_ =	sfence.sel $0xFFFF  }
0xc1: {  	[dreg:$0x0] =	wrdreg $0xFFFFFFFF;
	(pc) =	sbr.abs _section_cstart, $3  }
0xc2: {  	[dreg:$0x1] =	wrdreg $0xFFFFFFFF  }
0xc3: {  	_ =	task.clear_ibuf [dreg:s6], $0x2FFFF;
	_ =	strace $0x9FFFFFFF  }
0xc4: {  	(tm) =	ssettm $0x7FFFFFFF  }
0xc5: {  	_ =	shalt  }
tec
execute0_lowered:
.L_overlay_start_1:
0x0: {  	(tag) =	ssettag $0x1  }
0x1: {  	s6 =	rddreg [dreg:$0x0]  }
0x2: {  	s2 =	rddreg [dreg:$0x1];
	_ =	strace $0x8000004D;
	s5 =	simm.s32 $0x1  }
0x3: {  	v0 =	vimm.s32 $0x0;
	[sflag:s5] =	ssyncpa.u1 $0x0  }
0x4: {  	[tilespmem:$0x28] =	vst v0  }
0x5: {  	[tilespmem:$0x38] =	vst v0  }
0x6: {  	[tilespmem:$0x48] =	vst v0  }
0x7: {  	[tilespmem:$0x58] =	vst v0  }
0x8: {  	[tilespmem:$0x68] =	vst v0  }
0x9: {  	[tilespmem:$0x78] =	vst v0  }
0xa: {  	[tilespmem:$0x88] =	vst v0  }
0xb: {  	[tilespmem:$0x98] =	vst v0  }
0xc: {  	[tilespmem:$0xA8] =	vst v0  }
0xd: {  	[tilespmem:$0xB8] =	vst v0  }
0xe: {  	[tilespmem:$0xC8] =	vst v0  }
0xf: {  	[tilespmem:$0xD8] =	vst v0  }
0x10: {  	[tilespmem:$0xE8] =	vst v0  }
0x11: {  	[tilespmem:$0xF8] =	vst v0  }
0x12: {  	[tilespmem:$0x108] =	vst v0  }
0x13: {  	[tilespmem:$0x118] =	vst v0  }
0x14: {  	[tilespmem:$0x128] =	vst v0  }
0x15: {  	[tilespmem:$0x138] =	vst v0  }
0x16: {  	[tilespmem:$0x148] =	vst v0  }
0x17: {  	[tilespmem:$0x158] =	vst v0  }
0x18: {  	[tilespmem:$0x168] =	vst v0  }
0x19: {  	[tilespmem:$0x178] =	vst v0  }
0x1a: {  	[tilespmem:$0x188] =	vst v0  }
0x1b: {  	[tilespmem:$0x198] =	vst v0  }
0x1c: {  	[tilespmem:$0x1A8] =	vst v0  }
0x1d: {  	[tilespmem:$0x1B8] =	vst v0  }
0x1e: {  	[tilespmem:$0x1C8] =	vst v0  }
0x1f: {  	[tilespmem:$0x1D8] =	vst v0  }
0x20: {  	[tilespmem:$0x1E8] =	vst v0  }
0x21: {  	[tilespmem:$0x1F8] =	vst v0  }
0x22: {  	[tilespmem:$0x208] =	vst v0  }
0x23: {  	[tilespmem:$0x218] =	vst v0  }
0x24: {  	[tilespmem:$0x228] =	vst v0  }
0x25: {  	[tilespmem:$0x238] =	vst v0  }
0x26: {  	[tilespmem:$0x248] =	vst v0  }
0x27: {  	[tilespmem:$0x258] =	vst v0  }
0x28: {  	[tilespmem:$0x268] =	vst v0  }
0x29: {  	[tilespmem:$0x278] =	vst v0  }
0x2a: {  	[tilespmem:$0x288] =	vst v0  }
0x2b: {  	[tilespmem:$0x298] =	vst v0  }
0x2c: {  	[tilespmem:$0x2A8] =	vst v0  }
0x2d: {  	[tilespmem:$0x2B8] =	vst v0  }
0x2e: {  	[tilespmem:$0x2C8] =	vst v0  }
0x2f: {  	[tilespmem:$0x2D8] =	vst v0  }
0x30: {  	[tilespmem:$0x2E8] =	vst v0  }
0x31: {  	[tilespmem:$0x2F8] =	vst v0  }
0x32: {  	[tilespmem:$0x308] =	vst v0  }
0x33: {  	[tilespmem:$0x318] =	vst v0  }
0x34: {  	[tilespmem:$0x328] =	vst v0  }
0x35: {  	[tilespmem:$0x338] =	vst v0  }
0x36: {  	[tilespmem:$0x348] =	vst v0  }
0x37: {  	[tilespmem:$0x358] =	vst v0  }
0x38: {  	[tilespmem:$0x368] =	vst v0  }
0x39: {  	[tilespmem:$0x378] =	vst v0  }
0x3a: {  	[tilespmem:$0x388] =	vst v0  }
0x3b: {  	[tilespmem:$0x398] =	vst v0  }
0x3c: {  	[tilespmem:$0x3A8] =	vst v0  }
0x3d: {  	[tilespmem:$0x3B8] =	vst v0  }
0x3e: {  	[tilespmem:$0x3C8] =	vst v0  }
0x3f: {  	[tilespmem:$0x3D8] =	vst v0  }
0x40: {  	[tilespmem:$0x3E8] =	vst v0  }
0x41: {  	[tilespmem:$0x3F8] =	vst v0  }
0x42: {  	[tilespmem:$0x408] =	vst v0  }
0x43: {  	[tilespmem:$0x418] =	vst v0  }
0x44: {  	[tilespmem:$0x428] =	vst v0  }
0x45: {  	[tilespmem:$0x438] =	vst v0  }
0x46: {  	[tilespmem:$0x448] =	vst v0  }
0x47: {  	[tilespmem:$0x458] =	vst v0  }
0x48: {  	[tilespmem:$0x468] =	vst v0  }
0x49: {  	[tilespmem:$0x478] =	vst v0  }
0x4a: {  	[tilespmem:$0x488] =	vst v0  }
0x4b: {  	[tilespmem:$0x498] =	vst v0  }
0x4c: {  	[tilespmem:$0x4A8] =	vst v0  }
0x4d: {  	[tilespmem:$0x4B8] =	vst v0  }
0x4e: {  	[tilespmem:$0x4C8] =	vst v0  }
0x4f: {  	[tilespmem:$0x4D8] =	vst v0  }
0x50: {  	[tilespmem:$0x4E8] =	vst v0  }
0x51: {  	[tilespmem:$0x4F8] =	vst v0  }
0x52: {  	[tilespmem:$0x508] =	vst v0  }
0x53: {  	[tilespmem:$0x518] =	vst v0  }
0x54: {  	[tilespmem:$0x528] =	vst v0  }
0x55: {  	[tilespmem:$0x538] =	vst v0  }
0x56: {  	[tilespmem:$0x548] =	vst v0  }
0x57: {  	[tilespmem:$0x558] =	vst v0  }
0x58: {  	[tilespmem:$0x568] =	vst v0  }
0x59: {  	[tilespmem:$0x578] =	vst v0  }
0x5a: {  	[tilespmem:$0x588] =	vst v0  }
0x5b: {  	[tilespmem:$0x598] =	vst v0  }
0x5c: {  	[tilespmem:$0x5A8] =	vst v0  }
0x5d: {  	[tilespmem:$0x5B8] =	vst v0  }
0x5e: {  	[tilespmem:$0x5C8] =	vst v0  }
0x5f: {  	[tilespmem:$0x5D8] =	vst v0  }
0x60: {  	[tilespmem:$0x5E8] =	vst v0  }
0x61: {  	[tilespmem:$0x5F8] =	vst v0  }
0x62: {  	[tilespmem:$0x608] =	vst v0  }
0x63: {  	[tilespmem:$0x618] =	vst v0  }
0x64: {  	[tilespmem:$0x628] =	vst v0  }
0x65: {  	[tilespmem:$0x638] =	vst v0  }
0x66: {  	[tilespmem:$0x648] =	vst v0  }
0x67: {  	[tilespmem:$0x658] =	vst v0  }
0x68: {  	[tilespmem:$0x668] =	vst v0  }
0x69: {  	[tilespmem:$0x678] =	vst v0  }
0x6a: {  	[tilespmem:$0x688] =	vst v0  }
0x6b: {  	[tilespmem:$0x698] =	vst v0  }
0x6c: {  	[tilespmem:$0x6A8] =	vst v0  }
0x6d: {  	[tilespmem:$0x6B8] =	vst v0  }
0x6e: {  	[tilespmem:$0x6C8] =	vst v0  }
0x6f: {  	[tilespmem:$0x6D8] =	vst v0  }
0x70: {  	[tilespmem:$0x6E8] =	vst v0  }
0x71: {  	[tilespmem:$0x6F8] =	vst v0  }
0x72: {  	[tilespmem:$0x708] =	vst v0  }
0x73: {  	[tilespmem:$0x718] =	vst v0  }
0x74: {  	[tilespmem:$0x728] =	vst v0  }
0x75: {  	[tilespmem:$0x738] =	vst v0  }
0x76: {  	[tilespmem:$0x748] =	vst v0  }
0x77: {  	[tilespmem:$0x758] =	vst v0  }
0x78: {  	[tilespmem:$0x768] =	vst v0  }
0x79: {  	[tilespmem:$0x778] =	vst v0  }
0x7a: {  	[tilespmem:$0x788] =	vst v0  }
0x7b: {  	[tilespmem:$0x798] =	vst v0  }
0x7c: {  	[tilespmem:$0x7A8] =	vst v0  }
0x7d: {  	[tilespmem:$0x7B8] =	vst v0  }
0x7e: {  	[tilespmem:$0x7C8] =	vst v0  }
0x7f: {  	[tilespmem:$0x7D8] =	vst v0  }
0x80: {  	[tilespmem:$0x7E8] =	vst v0  }
0x81: {  	[tilespmem:$0x7F8] =	vst v0  }
0x82: {  	[tilespmem:$0x808] =	vst v0  }
0x83: {  	[tilespmem:$0x818] =	vst v0  }
0x84: {  	[tilespmem:$0x828] =	vst v0  }
0x85: {  	[tilespmem:$0x838] =	vst v0  }
0x86: {  	[tilespmem:$0x848] =	vst v0  }
0x87: {  	[tilespmem:$0x858] =	vst v0  }
0x88: {  	[tilespmem:$0x868] =	vst v0  }
0x89: {  	[tilespmem:$0x878] =	vst v0  }
0x8a: {  	[tilespmem:$0x888] =	vst v0  }
0x8b: {  	[tilespmem:$0x898] =	vst v0  }
0x8c: {  	[tilespmem:$0x8A8] =	vst v0  }
0x8d: {  	[tilespmem:$0x8B8] =	vst v0  }
0x8e: {  	[tilespmem:$0x8C8] =	vst v0  }
0x8f: {  	[tilespmem:$0x8D8] =	vst v0  }
0x90: {  	[tilespmem:$0x8E8] =	vst v0  }
0x91: {  	[tilespmem:$0x8F8] =	vst v0  }
0x92: {  	[tilespmem:$0x908] =	vst v0  }
0x93: {  	[tilespmem:$0x918] =	vst v0  }
0x94: {  	[tilespmem:$0x928] =	vst v0  }
0x95: {  	[tilespmem:$0x938] =	vst v0  }
0x96: {  	[tilespmem:$0x948] =	vst v0  }
0x97: {  	[tilespmem:$0x958] =	vst v0  }
0x98: {  	[tilespmem:$0x968] =	vst v0  }
0x99: {  	[tilespmem:$0x978] =	vst v0  }
0x9a: {  	[tilespmem:$0x988] =	vst v0  }
0x9b: {  	[tilespmem:$0x998] =	vst v0  }
0x9c: {  	[tilespmem:$0x9A8] =	vst v0  }
0x9d: {  	[tilespmem:$0x9B8] =	vst v0  }
0x9e: {  	[tilespmem:$0x9C8] =	vst v0  }
0x9f: {  	[tilespmem:$0x9D8] =	vst v0  }
0xa0: {  	[tilespmem:$0x9E8] =	vst v0  }
0xa1: {  	[tilespmem:$0x9F8] =	vst v0  }
0xa2: {  	[tilespmem:$0xA08] =	vst v0  }
0xa3: {  	[tilespmem:$0xA18] =	vst v0  }
0xa4: {  	[tilespmem:$0xA28] =	vst v0  }
0xa5: {  	[tilespmem:$0xA38] =	vst v0  }
0xa6: {  	[tilespmem:$0xA48] =	vst v0  }
0xa7: {  	[tilespmem:$0xA58] =	vst v0  }
0xa8: {  	[tilespmem:$0xA68] =	vst v0  }
0xa9: {  	[tilespmem:$0xA78] =	vst v0  }
0xaa: {  	[tilespmem:$0xA88] =	vst v0  }
0xab: {  	[tilespmem:$0xA98] =	vst v0  }
0xac: {  	[tilespmem:$0xAA8] =	vst v0  }
0xad: {  	[tilespmem:$0xAB8] =	vst v0  }
0xae: {  	[tilespmem:$0xAC8] =	vst v0  }
0xaf: {  	[tilespmem:$0xAD8] =	vst v0  }
0xb0: {  	[tilespmem:$0xAE8] =	vst v0  }
0xb1: {  	[tilespmem:$0xAF8] =	vst v0  }
0xb2: {  	[tilespmem:$0xB08] =	vst v0  }
0xb3: {  	[tilespmem:$0xB18] =	vst v0  }
0xb4: {  	[tilespmem:$0xB28] =	vst v0  }
0xb5: {  	[tilespmem:$0xB38] =	vst v0  }
0xb6: {  	[tilespmem:$0xB48] =	vst v0  }
0xb7: {  	[tilespmem:$0xB58] =	vst v0  }
0xb8: {  	[tilespmem:$0xB68] =	vst v0  }
0xb9: {  	[tilespmem:$0xB78] =	vst v0  }
0xba: {  	[tilespmem:$0xB88] =	vst v0  }
0xbb: {  	[tilespmem:$0xB98] =	vst v0  }
0xbc: {  	[tilespmem:$0xBA8] =	vst v0  }
0xbd: {  	[tilespmem:$0xBB8] =	vst v0  }
0xbe: {  	[tilespmem:$0xBC8] =	vst v0  }
0xbf: {  	[tilespmem:$0xBD8] =	vst v0  }
0xc0: {  	[tilespmem:$0xBE8] =	vst v0  }
0xc1: {  	[tilespmem:$0xBF8] =	vst v0  }
0xc2: {  	[tilespmem:$0xC08] =	vst v0  }
0xc3: {  	[tilespmem:$0xC18] =	vst v0  }
0xc4: {  	[tilespmem:$0xC28] =	vst v0  }
0xc5: {  	[tilespmem:$0xC38] =	vst v0  }
0xc6: {  	[tilespmem:$0xC48] =	vst v0  }
0xc7: {  	[tilespmem:$0xC58] =	vst v0  }
0xc8: {  	[tilespmem:$0xC68] =	vst v0  }
0xc9: {  	[tilespmem:$0xC78] =	vst v0  }
0xca: {  	[tilespmem:$0xC88] =	vst v0  }
0xcb: {  	[tilespmem:$0xC98] =	vst v0  }
0xcc: {  	[tilespmem:$0xCA8] =	vst v0  }
0xcd: {  	[tilespmem:$0xCB8] =	vst v0  }
0xce: {  	[tilespmem:$0xCC8] =	vst v0  }
0xcf: {  	[tilespmem:$0xCD8] =	vst v0  }
0xd0: {  	[tilespmem:$0xCE8] =	vst v0  }
0xd1: {  	[tilespmem:$0xCF8] =	vst v0  }
0xd2: {  	[tilespmem:$0xD08] =	vst v0  }
0xd3: {  	[tilespmem:$0xD18] =	vst v0  }
0xd4: {  	[tilespmem:$0xD28] =	vst v0  }
0xd5: {  	[tilespmem:$0xD38] =	vst v0  }
0xd6: {  	[tilespmem:$0xD48] =	vst v0  }
0xd7: {  	[tilespmem:$0xD58] =	vst v0  }
0xd8: {  	[tilespmem:$0xD68] =	vst v0  }
0xd9: {  	[tilespmem:$0xD78] =	vst v0  }
0xda: {  	[tilespmem:$0xD88] =	vst v0  }
0xdb: {  	[tilespmem:$0xD98] =	vst v0  }
0xdc: {  	[tilespmem:$0xDA8] =	vst v0  }
0xdd: {  	[tilespmem:$0xDB8] =	vst v0  }
0xde: {  	[tilespmem:$0xDC8] =	vst v0  }
0xdf: {  	[tilespmem:$0xDD8] =	vst v0  }
0xe0: {  	[tilespmem:$0xDE8] =	vst v0  }
0xe1: {  	[tilespmem:$0xDF8] =	vst v0  }
0xe2: {  	[tilespmem:$0xE08] =	vst v0  }
0xe3: {  	[tilespmem:$0xE18] =	vst v0  }
0xe4: {  	[tilespmem:$0xE28] =	vst v0  }
0xe5: {  	[tilespmem:$0xE38] =	vst v0  }
0xe6: {  	[tilespmem:$0xE48] =	vst v0  }
0xe7: {  	[tilespmem:$0xE58] =	vst v0  }
0xe8: {  	[tilespmem:$0xE68] =	vst v0  }
0xe9: {  	[tilespmem:$0xE78] =	vst v0  }
0xea: {  	[tilespmem:$0xE88] =	vst v0  }
0xeb: {  	[tilespmem:$0xE98] =	vst v0  }
0xec: {  	[tilespmem:$0xEA8] =	vst v0  }
0xed: {  	[tilespmem:$0xEB8] =	vst v0  }
0xee: {  	[tilespmem:$0xEC8] =	vst v0  }
0xef: {  	[tilespmem:$0xED8] =	vst v0  }
0xf0: {  	[tilespmem:$0xEE8] =	vst v0  }
0xf1: {  	[tilespmem:$0xEF8] =	vst v0  }
0xf2: {  	[tilespmem:$0xF08] =	vst v0  }
0xf3: {  	[tilespmem:$0xF18] =	vst v0  }
0xf4: {  	[tilespmem:$0xF28] =	vst v0  }
0xf5: {  	[tilespmem:$0xF38] =	vst v0  }
0xf6: {  	[tilespmem:$0xF48] =	vst v0  }
0xf7: {  	[tilespmem:$0xF58] =	vst v0  }
0xf8: {  	[tilespmem:$0xF68] =	vst v0  }
0xf9: {  	[tilespmem:$0xF78] =	vst v0  }
0xfa: {  	[tilespmem:$0xF88] =	vst v0  }
0xfb: {  	[tilespmem:$0xF98] =	vst v0  }
0xfc: {  	[tilespmem:$0xFA8] =	vst v0  }
0xfd: {  	[tilespmem:$0xFB8] =	vst v0  }
0xfe: {  	[tilespmem:$0xFC8] =	vst v0  }
0xff: {  	[tilespmem:$0xFD8] =	vst v0  }
0x100: {  	[tilespmem:$0xFE8] =	vst v0  }
0x101: {  	[tilespmem:$0xFF8] =	vst v0  }
0x102: {  	[tilespmem:$0x1008] =	vst v0  }
0x103: {  	[tilespmem:$0x10E8] =	vst v0  }
0x104: {  	[tilespmem:$0x1C28] =	vst v0  }
0x105: {  	[tilespmem:$0x1C18] =	vst v0  }
0x106: {  	[tilespmem:$0x1C08] =	vst v0  }
0x107: {  	[tilespmem:$0x1BF8] =	vst v0  }
0x108: {  	[tilespmem:$0x1BE8] =	vst v0  }
0x109: {  	[tilespmem:$0x1BD8] =	vst v0  }
0x10a: {  	[tilespmem:$0x1BC8] =	vst v0  }
0x10b: {  	[tilespmem:$0x1BB8] =	vst v0  }
0x10c: {  	[tilespmem:$0x1BA8] =	vst v0  }
0x10d: {  	[tilespmem:$0x1B98] =	vst v0  }
0x10e: {  	[tilespmem:$0x1B88] =	vst v0  }
0x10f: {  	[tilespmem:$0x1B78] =	vst v0  }
0x110: {  	[tilespmem:$0x1B68] =	vst v0  }
0x111: {  	[tilespmem:$0x1B58] =	vst v0  }
0x112: {  	[tilespmem:$0x1B48] =	vst v0  }
0x113: {  	[tilespmem:$0x1B38] =	vst v0  }
0x114: {  	[tilespmem:$0x1B28] =	vst v0  }
0x115: {  	[tilespmem:$0x1B18] =	vst v0  }
0x116: {  	[tilespmem:$0x1B08] =	vst v0  }
0x117: {  	[tilespmem:$0x1AF8] =	vst v0  }
0x118: {  	[tilespmem:$0x1AE8] =	vst v0  }
0x119: {  	[tilespmem:$0x1AD8] =	vst v0  }
0x11a: {  	[tilespmem:$0x1AC8] =	vst v0  }
0x11b: {  	[tilespmem:$0x1AB8] =	vst v0  }
0x11c: {  	[tilespmem:$0x1AA8] =	vst v0  }
0x11d: {  	[tilespmem:$0x1A98] =	vst v0  }
0x11e: {  	[tilespmem:$0x1A88] =	vst v0  }
0x11f: {  	[tilespmem:$0x1A78] =	vst v0  }
0x120: {  	[tilespmem:$0x1A68] =	vst v0  }
0x121: {  	[tilespmem:$0x1A58] =	vst v0  }
0x122: {  	[tilespmem:$0x1A48] =	vst v0  }
0x123: {  	[tilespmem:$0x1A38] =	vst v0  }
0x124: {  	[tilespmem:$0x1A28] =	vst v0  }
0x125: {  	[tilespmem:$0x1A18] =	vst v0  }
0x126: {  	[tilespmem:$0x1A08] =	vst v0  }
0x127: {  	[tilespmem:$0x19F8] =	vst v0  }
0x128: {  	[tilespmem:$0x19E8] =	vst v0  }
0x129: {  	[tilespmem:$0x19D8] =	vst v0  }
0x12a: {  	[tilespmem:$0x19C8] =	vst v0  }
0x12b: {  	[tilespmem:$0x19B8] =	vst v0  }
0x12c: {  	[tilespmem:$0x19A8] =	vst v0  }
0x12d: {  	[tilespmem:$0x1998] =	vst v0  }
0x12e: {  	[tilespmem:$0x1988] =	vst v0  }
0x12f: {  	[tilespmem:$0x1978] =	vst v0  }
0x130: {  	[tilespmem:$0x1968] =	vst v0  }
0x131: {  	[tilespmem:$0x1958] =	vst v0  }
0x132: {  	[tilespmem:$0x1948] =	vst v0  }
0x133: {  	[tilespmem:$0x1938] =	vst v0  }
0x134: {  	[tilespmem:$0x1928] =	vst v0  }
0x135: {  	[tilespmem:$0x1918] =	vst v0  }
0x136: {  	[tilespmem:$0x1908] =	vst v0  }
0x137: {  	[tilespmem:$0x18F8] =	vst v0  }
0x138: {  	[tilespmem:$0x18E8] =	vst v0  }
0x139: {  	[tilespmem:$0x18D8] =	vst v0  }
0x13a: {  	[tilespmem:$0x18C8] =	vst v0  }
0x13b: {  	[tilespmem:$0x18B8] =	vst v0  }
0x13c: {  	[tilespmem:$0x18A8] =	vst v0  }
0x13d: {  	[tilespmem:$0x1898] =	vst v0  }
0x13e: {  	[tilespmem:$0x1888] =	vst v0  }
0x13f: {  	[tilespmem:$0x1878] =	vst v0  }
0x140: {  	[tilespmem:$0x1868] =	vst v0  }
0x141: {  	[tilespmem:$0x1858] =	vst v0  }
0x142: {  	[tilespmem:$0x1848] =	vst v0  }
0x143: {  	[tilespmem:$0x1838] =	vst v0  }
0x144: {  	[tilespmem:$0x1828] =	vst v0  }
0x145: {  	[tilespmem:$0x1818] =	vst v0  }
0x146: {  	[tilespmem:$0x1808] =	vst v0  }
0x147: {  	[tilespmem:$0x17F8] =	vst v0  }
0x148: {  	[tilespmem:$0x17E8] =	vst v0  }
0x149: {  	[tilespmem:$0x17D8] =	vst v0  }
0x14a: {  	[tilespmem:$0x17C8] =	vst v0  }
0x14b: {  	[tilespmem:$0x17B8] =	vst v0  }
0x14c: {  	[tilespmem:$0x17A8] =	vst v0  }
0x14d: {  	[tilespmem:$0x1798] =	vst v0  }
0x14e: {  	[tilespmem:$0x1788] =	vst v0  }
0x14f: {  	[tilespmem:$0x1778] =	vst v0  }
0x150: {  	[tilespmem:$0x1768] =	vst v0  }
0x151: {  	[tilespmem:$0x1758] =	vst v0  }
0x152: {  	[tilespmem:$0x1748] =	vst v0  }
0x153: {  	[tilespmem:$0x1738] =	vst v0  }
0x154: {  	[tilespmem:$0x1728] =	vst v0  }
0x155: {  	[tilespmem:$0x1718] =	vst v0  }
0x156: {  	[tilespmem:$0x1708] =	vst v0  }
0x157: {  	[tilespmem:$0x16F8] =	vst v0  }
0x158: {  	[tilespmem:$0x16E8] =	vst v0  }
0x159: {  	[tilespmem:$0x16D8] =	vst v0  }
0x15a: {  	[tilespmem:$0x16C8] =	vst v0  }
0x15b: {  	[tilespmem:$0x16B8] =	vst v0  }
0x15c: {  	[tilespmem:$0x16A8] =	vst v0  }
0x15d: {  	[tilespmem:$0x1698] =	vst v0  }
0x15e: {  	[tilespmem:$0x1688] =	vst v0  }
0x15f: {  	[tilespmem:$0x1678] =	vst v0  }
0x160: {  	[tilespmem:$0x1668] =	vst v0  }
0x161: {  	[tilespmem:$0x1658] =	vst v0  }
0x162: {  	[tilespmem:$0x1648] =	vst v0  }
0x163: {  	[tilespmem:$0x1638] =	vst v0  }
0x164: {  	[tilespmem:$0x1628] =	vst v0  }
0x165: {  	[tilespmem:$0x1618] =	vst v0  }
0x166: {  	[tilespmem:$0x1608] =	vst v0  }
0x167: {  	[tilespmem:$0x15F8] =	vst v0  }
0x168: {  	[tilespmem:$0x15E8] =	vst v0  }
0x169: {  	[tilespmem:$0x15D8] =	vst v0  }
0x16a: {  	[tilespmem:$0x15C8] =	vst v0  }
0x16b: {  	[tilespmem:$0x15B8] =	vst v0  }
0x16c: {  	[tilespmem:$0x15A8] =	vst v0  }
0x16d: {  	[tilespmem:$0x1598] =	vst v0  }
0x16e: {  	[tilespmem:$0x1588] =	vst v0  }
0x16f: {  	[tilespmem:$0x1578] =	vst v0  }
0x170: {  	[tilespmem:$0x1568] =	vst v0  }
0x171: {  	[tilespmem:$0x1558] =	vst v0  }
0x172: {  	[tilespmem:$0x1548] =	vst v0  }
0x173: {  	[tilespmem:$0x1538] =	vst v0  }
0x174: {  	[tilespmem:$0x1528] =	vst v0  }
0x175: {  	[tilespmem:$0x1518] =	vst v0  }
0x176: {  	[tilespmem:$0x1508] =	vst v0  }
0x177: {  	[tilespmem:$0x14F8] =	vst v0  }
0x178: {  	[tilespmem:$0x14E8] =	vst v0  }
0x179: {  	[tilespmem:$0x14D8] =	vst v0  }
0x17a: {  	[tilespmem:$0x14C8] =	vst v0  }
0x17b: {  	[tilespmem:$0x14B8] =	vst v0  }
0x17c: {  	[tilespmem:$0x14A8] =	vst v0  }
0x17d: {  	[tilespmem:$0x1498] =	vst v0  }
0x17e: {  	[tilespmem:$0x1488] =	vst v0  }
0x17f: {  	[tilespmem:$0x1478] =	vst v0  }
0x180: {  	[tilespmem:$0x1468] =	vst v0  }
0x181: {  	[tilespmem:$0x1458] =	vst v0  }
0x182: {  	[tilespmem:$0x1448] =	vst v0  }
0x183: {  	[tilespmem:$0x1438] =	vst v0  }
0x184: {  	[tilespmem:$0x1428] =	vst v0  }
0x185: {  	[tilespmem:$0x1418] =	vst v0  }
0x186: {  	[tilespmem:$0x1408] =	vst v0  }
0x187: {  	[tilespmem:$0x13F8] =	vst v0  }
0x188: {  	[tilespmem:$0x13E8] =	vst v0  }
0x189: {  	[tilespmem:$0x13D8] =	vst v0  }
0x18a: {  	[tilespmem:$0x13C8] =	vst v0  }
0x18b: {  	[tilespmem:$0x13B8] =	vst v0  }
0x18c: {  	[tilespmem:$0x13A8] =	vst v0  }
0x18d: {  	[tilespmem:$0x1398] =	vst v0  }
0x18e: {  	[tilespmem:$0x1388] =	vst v0  }
0x18f: {  	[tilespmem:$0x1378] =	vst v0  }
0x190: {  	[tilespmem:$0x1368] =	vst v0  }
0x191: {  	[tilespmem:$0x1358] =	vst v0  }
0x192: {  	[tilespmem:$0x1348] =	vst v0  }
0x193: {  	[tilespmem:$0x1338] =	vst v0  }
0x194: {  	[tilespmem:$0x1328] =	vst v0  }
0x195: {  	[tilespmem:$0x1318] =	vst v0  }
0x196: {  	[tilespmem:$0x1308] =	vst v0  }
0x197: {  	[tilespmem:$0x12F8] =	vst v0  }
0x198: {  	[tilespmem:$0x12E8] =	vst v0  }
0x199: {  	[tilespmem:$0x12D8] =	vst v0  }
0x19a: {  	[tilespmem:$0x12C8] =	vst v0  }
0x19b: {  	[tilespmem:$0x12B8] =	vst v0  }
0x19c: {  	[tilespmem:$0x12A8] =	vst v0  }
0x19d: {  	[tilespmem:$0x1298] =	vst v0  }
0x19e: {  	[tilespmem:$0x1288] =	vst v0  }
0x19f: {  	[tilespmem:$0x1278] =	vst v0  }
0x1a0: {  	[tilespmem:$0x1268] =	vst v0  }
0x1a1: {  	[tilespmem:$0x1258] =	vst v0  }
0x1a2: {  	[tilespmem:$0x1248] =	vst v0  }
0x1a3: {  	[tilespmem:$0x1238] =	vst v0  }
0x1a4: {  	[tilespmem:$0x1228] =	vst v0  }
0x1a5: {  	[tilespmem:$0x1218] =	vst v0  }
0x1a6: {  	[tilespmem:$0x1208] =	vst v0  }
0x1a7: {  	[tilespmem:$0x11F8] =	vst v0  }
0x1a8: {  	[tilespmem:$0x11E8] =	vst v0  }
0x1a9: {  	[tilespmem:$0x11D8] =	vst v0  }
0x1aa: {  	[tilespmem:$0x11C8] =	vst v0  }
0x1ab: {  	[tilespmem:$0x11B8] =	vst v0  }
0x1ac: {  	[tilespmem:$0x11A8] =	vst v0  }
0x1ad: {  	[tilespmem:$0x1198] =	vst v0  }
0x1ae: {  	[tilespmem:$0x1188] =	vst v0  }
0x1af: {  	[tilespmem:$0x1178] =	vst v0  }
0x1b0: {  	[tilespmem:$0x1168] =	vst v0  }
0x1b1: {  	[tilespmem:$0x1158] =	vst v0  }
0x1b2: {  	s3 =	srdreg.scid;
	[tilespmem:$0x1148] =	vst v0  }
0x1b3: {  	s3 =	sshll.u32 s3, $0x4;
	[tilespmem:$0x1138] =	vst v0  }
0x1b4: {  	s4 =	stileid.u32;
	s3 =	sand.u32 $0x10, s3;
	[tilespmem:$0x1128] =	vst v0  }
0x1b5: {  	[tilespmem:$0x1118] =	vst v0;
	s3 =	sor.u32 s4, s3  }
0x1b6: {  	[tilespmem:$0x1108] =	vst v0;
	s7 =	smul.u32 $0xB, s3  }
0x1b7: {  	s8 =	smin.u32 s3, $0x6;
	[tilespmem:$0x10F8] =	vst v0  }
0x1b8: {  	[tilespmem:$0x10C8] =	vst v0;
	s7 =	sadd.s32 s8, s7  }
0x1b9: {  	[tilespmem:$0x10D8] =	vst v0;
	p0 =	slt.u32 s3, $0x6;
	s8 =	simm.s32 $0x1500;
	s7 =	smul.u32 $0x1C0, s7  }
0x1ba: {  	s8 =	simm.s32 @!p0 $0x1340;
	[tilespmem:$0x10B8] =	vst v0  }
0x1bb: {  	[tilespmem:$0x1048] =	vst v0;
	s29 =	sadd.s32 s8, s7  }
0x1bc: {  	[tilespmem:$0x10A8] =	vst v0;
	s8 =	smin.u32 s29, $0x27280  }
0x1bd: {  	[tilespmem:$0x1098] =	vst v0;
	s12 =	ssub.s32 s8, s7  }
0x1be: {  	[tilespmem:$0x1088] =	vst v0;
	p0 =	sgt.s32 s12, $0x0  }
0x1bf: {  	[tilespmem:$0x1078] =	vst v0;
	s12 =	simm.s32 @!p0 $0x0  }
0x1c0: {  	[tilespmem:$0x1068] =	vst v0;
	s30 =	smulhi.u32 $0x92492493, s12  }
0x1c1: {  	[tilespmem:$0x1058] =	vst v0  }
0x1c2: {  	s9 =	simm.s32 $0x2;
	[tilespmem:$0x1028] =	vst v0;
	s13 =	sshrl.u32 s30, $0x8  }
0x1c3: {  	s11 =	simm.s32 $0x9;
	s15 =	simm.s32 $0x0;
	[tilespmem:$0x1038] =	vst v0;
	s14 =	smul.u32 $0x1C0, s13  }
.Ltmp0:
0x1c4: {  	s31 =	sshll.u32 s4, $0x5;
	[tilespmem:$0x1018] =	vst v0;
	[sflag:s9] =	ssyncpa.u1 $0x0;
	v0 =	vimm.s32 $0xFFFFFFFF;
	(pc) =	sbr.rel .LBB2_1-.Ltmp0, $4  }
0x1c5: {  	s10 =	sadd.s32 $0x10C00, s6;
	[dreg:$0x4] =	wrdreg s31;
	[tilespmem:$0x3848] =	vst v0;
	[sflag:s11] =	ssyncpa.u1 $0x0  }
0x1c6: {  	s3 =	sadd.s32 $0x9EF000, s6;
	s6 =	sadd.s32 $0x77E000, s6;
	p0 =	sne.s32 s12, s14  }
0x1c7: {  	s12 =	simm.s32 $0xA;
	s14 =	simm.s32 $0x0;
	s5 =	simm.s32 @!p0 $0x0  }
0x1c8: {  	v0 =	vlaneseq.u32;
	p0 =	por $0x0, $0x0;
	s5 =	sadd.s32 s5, s13;
	s13 =	smov.u32 s7  }
.LBB2_12:
0x1c9: {  	_ =	swait.ge [sflag:s9], $0x0  }
0x1ca: {  	s16 =	simm.s32 $0x0;
	[sflag:s9] =	ssyncset.done $0x0  }
.LBB2_13:
0x1cb: {  	_ =	swait.ge [sflag:s12], s16  }
0x1cc: {  	s0 =	ssub.s32 $0x0, s16;
	v1 =	vmov s17;
	vm0 =	veq.s32 v0, $0x0;
	[sflag:s12] =	ssyncset.done $0x0  }
0x1cd: {  	vm15 =	veq.s32 v0, $0x2;
	v1 =	vsel vm0, s22, v1;
	[sflag:s12] =	ssyncadd.s32 s0  }
0x1ce: {  	v1 =	vsel vm15, s15, v1;
	[sflag:s12] =	ssyncpa.u1 $0x1  }
0x1cf: {  	[tilespmem:$0x3848] =	vst v1  }
.LBB2_14:
0x1d0: {  	s0 =	sadd.s32 $0x1C0, s13  }
0x1d1: {  	s1 =	smov.u32 s7;
	p1 =	slt.s32 s0, s8  }
0x1d2: {  	s1 =	smov.u32 @p1 s0;
	p1 =	sne.s32 s14, s5  }
.Ltmp1:
0x1d3: {  	_ = 	snop;
	(pc) =	sbr.rel @!p1 .LBB2_15-.Ltmp1, $3  }
0x1d4: {  	_ =	sdelay $0x1  }
0x1d5: {  	s31 =	sadd.s32 $0x1, s14;
	s15 =	smov.u32 s13  }
0x1d6: {  	p0 =	por !p0, !p0;
	s14 =	smov.u32 s31;
	s13 =	smov.u32 s1  }
.LBB2_1:
0x1d7: {  	p1 =	sge.u32 s14, s5  }
0x1d8: {  	p2 =	sgt.s32 @!p1 s13, $0x270C0  }
0x1d9: {  	s16 =	smov.u32 s13;
	s17 =	sshra.s32 @!p1 s13, $0x1F;
	p2 =	por !p2, p1  }
0x1da: {  	s17 =	sand.u32 @!p1 s17, s13;
	s16 =	simm.s32 @p2 $0x270C0  }
0x1db: {  	s16 =	ssub.s32 @!p1 s16, s17  }
0x1dc: {  	s17 =	sxor.u32 @!p1 $0xFFFFFFFF, s14;
	s16 =	sadd.s32 @!p1 $0xFFFD8F40, s16  }
0x1dd: {  	s17 =	sand.u32 @!p1 $0x1, s17;
	s18 =	sshll.u32 @!p1 s16, $0x2  }
0x1de: {  	p2 =	sgt.s32 @!p1 s16, $0x1BF;
	s16 =	ssub.s32 @!p1 $0x700, s18;
	s18 =	smul.u32 @!p1 $0x700, s17  }
0x1df: {  	s19 =	sshrl.u32 @!p1 s13, $0x3;
	s20 =	sand.u32 @!p1 $0x7, s13  }
0x1e0: {  	p2 =	por !p2, p1;
	s16 =	sshrl.u32 @!p1 s16, $0x2;
	s18 =	sshrl.u32 @!p1 s18, $0x2  }
0x1e1: {  	s19 =	sadd.s32 @!p1 s10, s19;
	s16 =	simm.s32 @!p2 $0x0;
	s18 =	sadd.s32 @!p1 $0x3A88, s18  }
0x1e2: {  	[tilespmem:s18], [sflag:$0x9] =	stream.linear.gather @!p1 [hbm4b:s19+s20], s16, $0x38;
	[tilespmem:$0x1FE08] =	vst v63  }
0x1e3: {  	s16 =	ssub.s32 @!p1 $0x27100, s13  }
0x1e4: {  	p2 =	sgt.s32 @!p1 s16, $0x0  }
0x1e5: {  	s17 =	smul.u32 @!p1 $0x38000, s17;
	p2 =	por !p2, p1  }
0x1e6: {  	s16 =	simm.s32 @p2 $0x0  }
0x1e7: {  	s17 =	sshrl.u32 @!p1 s17, $0x2;
	s18 =	sshll.u32 @!p1 s13, $0x4;
	s16 =	smin.u32 @!p1 s16, $0x1C0  }
0x1e8: {  	s17 =	sadd.s32 @!p1 $0x3E08, s17;
	s18 =	sadd.s32 @!p1 s6, s18;
	s16 =	sshll.u32 @!p1 s16, $0x7  }
0x1e9: {  	[tilespmem:s17], [sflag:$0x9] =	stream.linear.gather @!p1 [hbm:s18], s16, $0x38;
	[tilespmem:$0x1FE08] =	vst v63  }
0x1ea: {  	p1 =	seq.s32 s14, $0x0  }
.Ltmp2:
0x1eb: {  	_ = 	snop;
	(pc) =	sbr.rel @p1 .LBB2_14-.Ltmp2, $1  }
0x1ec: {  	_ =	sdelay $0x3  }
0x1ed: {  	p1 =	sgt.s32 s15, $0x270C0  }
0x1ee: {  	s16 =	smov.u32 s15;
	s17 =	sshra.s32 s15, $0x1F;
	s21 =	ssub.s32 $0x27100, s15  }
0x1ef: {  	s16 =	simm.s32 @!p1 $0x270C0;
	s17 =	sand.u32 s17, s15;
	p1 =	sgt.s32 s21, $0x0  }
0x1f0: {  	s16 =	ssub.s32 s16, s17;
	s21 =	simm.s32 @!p1 $0x0  }
0x1f1: {  	s16 =	sadd.s32 $0xFFFD8F40, s16;
	s29 =	smin.u32 s21, $0x1C0  }
0x1f2: {  	s18 =	sshll.u32 s16, $0x2;
	s17 =	sshll.u32 s29, $0x7  }
0x1f3: {  	p1 =	sgt.s32 s16, $0x1BF;
	s30 =	ssub.s32 $0x700, s18;
	_ =	swait.ge [sflag:s11], s17  }
0x1f4: {  	s17 =	ssub.s32 $0x0, s17;
	[sflag:s11] =	ssyncset.done $0x0;
	s16 =	sshrl.u32 s30, $0x2  }
0x1f5: {  	[sflag:s11] =	ssyncadd.s32 s17;
	s16 =	simm.s32 @p1 $0x0  }
0x1f6: {  	_ =	swait.ge [sflag:s11], s16  }
0x1f7: {  	s16 =	ssub.s32 $0x0, s16;
	[sflag:s11] =	ssyncset.done $0x0  }
0x1f8: {  	[sflag:s11] =	ssyncadd.s32 s16  }
0x1f9: {  	v1 =	vld [tilespmem:$0x3848];
	_ =	sdelay $0x4  }
0x1fa: {  	(v2sf) =	vpush v1, $0x0  }
0x1fb: {  	(v2sf) =	vpush v1, $0x1  }
0x1fc: {  	(v2sf) =	vpush v1, $0x2;
	_ =	sdelay $0x3  }
0x1fd: {  	s16 =	sadd.s32 $0x1C0, s15  }
0x1fe: {  	p1 =	slt.s32 s8, s16  }
0x1ff: {  	s16 =	smov.u32 @p1 s8  }
0x200: {  	s20 =	ssub.s32 s16, s15  }
0x201: {  	p1 =	slt.s32 s21, s20  }
0x202: {  	s20 =	smov.u32 @p1 s21  }
0x203: {  	s18 =	simm.s32 $0x1;
	p1 =	slt.s32 s20, $0x1  }
.Ltmp3:
0x204: {  	s18 =	simm.s32 @!p0 $0x0;
	(pc) =	sbr.rel @p1 .LBB2_6-.Ltmp3, $4  }
0x205: {  	s31 =	smul.u32 $0x700, s18  }
0x206: {  	s19 =	spop (v2sf)  }
0x207: {  	s15 =	sshrl.u32 s31, $0x2;
	s21 =	spop (v2sf)  }
0x208: {  	s16 =	sadd.s32 $0x3A88, s15;
	s15 =	spop (v2sf)  }
0x209: {  	s17 =	smin.u32 s20, $0x10  }
0x20a: {  	v1 =	vmov s17  }
0x20b: {  	p2 =	sgt.s32 s20, $0x10;
	vm1 =	vgt.u32 v1, v0  }
.Ltmp4:
0x20c: {  	_ = 	snop;
	(pc) =	sbr.rel @!p2 .LBB2_5-.Ltmp4, $2  }
0x20d: {  	_ =	sdelay $0x2  }
0x20e: {  	s22 =	simm.s32 $0x10;
	s23 =	sadd.s32 $0xFFFFFFF0, s20;
	s17 =	smov.u32 s16;
	vm0 =	vmmov vm1  }
.LBB2_4:
0x20f: {  	s24 =	smin.u32 s23, $0x10;
	s22 =	sadd.s32 $0x10, s22;
	v1 =	vld.msk [tilespmem:s17+$0x0 ss:$0x1], vm1  }
0x210: {  	v2 =	vmov s24;
	p2 =	slt.s32 s22, s20  }
0x211: {  	vm1 =	vgt.u32 v2, v0  }
.Ltmp5:
0x212: {  	(pc) =	sbr.rel @p2 .LBB2_4-.Ltmp5, $3  }
0x213: {  	_ =	sdelay $0x1  }
0x214: {  	v1 =	vshll.u32 v1, $0x4  }
0x215: {  	s23 =	sadd.s32 $0xFFFFFFF0, s23;
	[tilespmem:s17+$0x0] =	vst.msk vm0, v1;
	s17 =	sadd.s32 $0x10, s17;
	vm0 =	vmmov vm1  }
.LBB2_5:
0x216: {  	_ =	sdelay $0x4  }
0x217: {  	v1 =	vld.msk [tilespmem:s17+$0x0 ss:$0x1], vm1;
	_ =	sdelay $0x4  }
0x218: {  	v1 =	vshll.u32 v1, $0x4  }
0x219: {  	[tilespmem:s17+$0x0] =	vst.msk vm0, v1  }
.LBB2_6:
0x21a: {  	s17 =	sand.u32 $0x1, s14  }
0x21b: {  	s22 =	smul.u32 $0x1C0, s17  }
0x21c: {  	p2 =	sne.s32 s21, $0xFFFFFFFF  }
0x21d: {  	v1 =	vld.msk @!p2 [tilespmem:s22+$0x3A88], $0x1;
	_ =	sdelay $0x4  }
0x21e: {  	(v2sf) =	vpush @!p2 v1, $0x0;
	_ =	sdelay $0x8  }
0x21f: {  	s17 =	smul.u32 $0xE000, s17;
	_ =	sdelay $0x1  }
0x220: {  	v1 =	vld.msk @!p2 [tilespmem:s17+$0x3E08], $0xf;
	_ =	sdelay $0x1  }
.Ltmp6:
0x221: {  	_ = 	snop;
	(pc) =	sbr.rel @p1 .LBB2_12-.Ltmp6, $4  }
0x222: {  	_ = 	snop  }
0x223: {  	s17 =	simm.s32 @!p2 $0x28;
	s22 =	spop @!p2 (v2sf)  }
0x224: {  	s15 =	simm.s32 @!p2 $0x0;
	[tilespmem:s17+$0x0] =	vst.msk @!p2 $0xf, v1;
	s17 =	smov.u32 s22  }
0x225: {  	[sflag:s12] =	ssyncpa.u1 $0x0;
	s22 =	smov.u32 @p2 s19;
	s17 =	smov.u32 @p2 s21  }
0x226: {  	v1 =	vld.msk [tilespmem:s16+$0x0], $0x1;
	_ =	sdelay $0x4  }
0x227: {  	(v2sf) =	vpush v1, $0x0;
	_ =	sdelay $0xe  }
0x228: {  	s24 =	spop (v2sf)  }
0x229: {  	p1 =	seq.s32 s22, s24  }
0x22a: {  	s18 =	smul.u32 $0x38000, s18;
	p2 =	sgt.s32 @!p1 s22, $0x0  }
0x22b: {  	s23 =	smov.u32 s22;
	s21 =	sadd.s32 $0xFFFFFFFF, s20;
	p2 =	por !p2, p1  }
0x22c: {  	s23 =	simm.s32 @p2 $0x0;
	p2 =	sne.s32 s21, $0x0  }
.Ltmp7:
0x22d: {  	s18 =	sshrl.u32 s18, $0x2;
	(pc) =	sbr.rel @!p2 .LBB2_9-.Ltmp7, $4  }
0x22e: {  	s19 =	sadd.s32 $0x3E08, s18  }
0x22f: {  	s18 =	simm.s32 $0x0;
	s25 =	simm.s32 @!p1 $0x1;
	s23 =	smin.u32 @!p1 s23, $0x270FF  }
0x230: {  	s26 =	simm.s32 @!p1 $0x1C38;
	s25 =	smov.u32 @p1 s18;
	s29 =	sand.u32 @!p1 $0x3FFF8, s23  }
0x231: {  	s28 =	sand.u32 @!p1 $0x7, s23;
	s23 =	sadd.s32 $0x1, s16;
	s29 =	sadd.s32 @!p1 s3, s29  }
.LBB2_8:
0x232: {  	s30 =	smov.u32 s25  }
0x233: {  	[tilespmem:s26], [sflag:$0x2] =	stream.linear.gather @!p1 [hbm4b:s29+s28], $0x4, $0x38;
	[tilespmem:$0x1FE08] =	vst v63  }
0x234: {  	s21 =	sadd.s32 $0xFFFFFFFF, s21;
	s28 =	smov.u32 s24;
	v1 =	vld.msk [tilespmem:s23+$0x0], $0x1  }
0x235: {  	p2 =	sne.s32 s21, $0x0;
	_ =	sdelay $0x3  }
0x236: {  	(v2sf) =	vpush v1, $0x0;
	_ =	sdelay $0xe  }
0x237: {  	s24 =	spop (v2sf)  }
0x238: {  	p1 =	seq.s32 s28, s24  }
0x239: {  	p3 =	sgt.s32 @!p1 s28, $0x0;
	s26 =	sshll.u32 @!p1 s25, $0x6;
	s25 =	sadd.s32 @!p1 $0x1, s25  }
.Ltmp8:
0x23a: {  	p3 =	por !p3, p1;
	s26 =	sshra.s32 @!p1 s26, $0x2;
	(pc) =	sbr.rel @p2 .LBB2_8-.Ltmp8, $4  }
0x23b: {  	s25 =	smov.u32 @p1 s30;
	s28 =	simm.s32 @p3 $0x0;
	s26 =	sadd.s32 @!p1 $0x1C38, s26  }
0x23c: {  	s28 =	smin.u32 @!p1 s28, $0x270FF  }
0x23d: {  	s29 =	sand.u32 @!p1 $0x3FFF8, s28;
	s28 =	sand.u32 @!p1 $0x7, s28  }
0x23e: {  	s23 =	sadd.s32 $0x1, s23;
	s29 =	sadd.s32 @!p1 s3, s29  }
.LBB2_9:
0x23f: {  	[tilespmem:s26], [sflag:$0x2] =	stream.linear.gather @!p1 [hbm4b:s29+s28], $0x4, $0x38;
	[tilespmem:$0x1FE08] =	vst v63  }
0x240: {  	s21 =	sshll.u32 s25, $0x2  }
0x241: {  	s21 =	sand.u32 $0x3FFFFFFC, s21  }
0x242: {  	_ =	swait.ge [sflag:s9], s21  }
0x243: {  	s21 =	ssub.s32 $0x0, s21;
	[sflag:s9] =	ssyncset.done $0x0  }
0x244: {  	[sflag:s9] =	ssyncadd.s32 s21  }
0x245: {  	v1 =	vld.msk [tilespmem:s16+$0x0], $0x1;
	_ =	sdelay $0x4  }
0x246: {  	(v2sf) =	vpush v1, $0x0;
	_ =	sdelay $0xe  }
0x247: {  	s21 =	spop (v2sf)  }
0x248: {  	p1 =	sne.s32 s22, s21  }
0x249: {  	p3 =	sne.s32 @p1 s22, s17  }
0x24a: {  	p2 =	por !p3, !p1  }
0x24b: {  	s23 =	sshll.u32 @!p2 s15, $0x6;
	s24 =	simm.s32 @!p2 $0x0  }
0x24c: {  	s23 =	sshra.s32 @!p2 s23, $0x2;
	v1 =	vld.msk @!p2 [tilespmem:s24+$0x1C38], $0xf  }
0x24d: {  	v2 =	vld.msk @!p2 [tilespmem:s23+$0x28], $0xf;
	_ =	sdelay $0x1  }
0x24e: {  	p4 =	sgt.u32 @!p2 s22, $0x270FF  }
0x24f: {  	p5 =	por @p1 p4, !p3  }
0x250: {  	p6 =	por p5, !p1;
	p5 =	por p3, !p1  }
0x251: {  	s25 =	sadd.s32 @!p2 $0x28, s23;
	s24 =	sand.u32 @!p6 $0x3FFF8, s22;
	s26 =	sshll.u32 @!p5 s15, $0x6;
	v1 =	vmax.f32 @!p2 v1, v2  }
0x252: {  	s22 =	sand.u32 @!p6 $0x7, s22;
	s24 =	sadd.s32 @!p6 s3, s24;
	[tilespmem:s23+$0x28] =	vst.msk @!p2 $0xf, v1;
	s23 =	sshra.s32 @!p5 s26, $0x2  }
0x253: {  	[hbm4b:s24+s22] =	stream.linear.scatter @!p6 [tilespmem:s25], [sflag:$0xA], $0x4, $0x38;
	[tilespmem:$0x1FE08] =	vst v63  }
0x254: {  	s28 =	rddreg [dreg:$0x4];
	s22 =	sadd.s32 @!p5 $0x28, s23;
	s23 =	simm.s32 @!p5 $0x1  }
0x255: {  	[spmem:s28] =	stream.linear.scatter @!p5 [tilespmem:s22], [sflag:$0x1], $0x4, $0x38;
	[tilespmem:$0x1FE08] =	vst v63  }
0x256: {  	s22 =	sadd.s32 @p1 $0x1, s15;
	_ =	swait.ge @!p5 [sflag:s23], $0x4  }
0x257: {  	s24 =	sshrl.u32 @p1 s22, $0x6;
	[sflag:s23] =	ssyncset.done @!p5 $0x0  }
0x258: {  	s24 =	smulhi.u32 @p1 $0x24924925, s24;
	[sflag:s23] =	ssyncadd.s32 @!p5 $0xFFFFFFFC  }
0x259: {  	v1 =	vld.msk @p1 [tilespmem:s19+$0x0], $0xf  }
0x25a: {  	s20 =	sadd.s32 $0xFFFFFFFF, s20;
	p3 =	por @p1 !p4, !p3;
	s23 =	smul.u32 @p1 $0x1C0, s24  }
0x25b: {  	p3 =	por !p3, !p1;
	p5 =	sne.s32 s20, $0x0  }
.Ltmp9:
0x25c: {  	s24 =	simm.s32 @!p2 $0x0;
	s23 =	ssub.s32 @p1 s22, s23;
	(pc) =	sbr.rel @!p5 .LBB2_11-.Ltmp9, $4  }
0x25d: {  	s24 =	simm.s32 @!p3 $0x10;
	s26 =	sshll.u32 @p1 s23, $0x4  }
0x25e: {  	s25 =	sshll.u32 @!p1 s15, $0x6;
	s28 =	simm.s32 @p1 $0x1;
	s29 =	sadd.s32 @!p2 $0x0, s24;
	[tilespmem:s26+$0x28] =	vst.msk @p1 $0xf, v1  }
0x25f: {  	s22 =	simm.s32 $0x0;
	s24 =	sshra.s32 @!p1 s25, $0x2;
	s29 =	smov.u32 @p2 s18;
	v1 =	vld.msk @!p1 [tilespmem:s19+$0x0], $0xf  }
0x260: {  	s22 =	smov.u32 @p1 s28;
	s15 =	smov.u32 @p1 s23;
	s18 =	smov.u32 @p1 s29;
	v2 =	vld.msk @!p1 [tilespmem:s24+$0x28], $0xf  }
.LBB2_10:
0x261: {  	_ =	sdelay $0x3  }
0x262: {  	v1 =	vmax.f32 @!p1 v1, v2  }
0x263: {  	s16 =	sadd.s32 $0x1, s16;
	[tilespmem:s24+$0x28] =	vst.msk @!p1 $0xf, v1  }
0x264: {  	v1 =	vld.msk [tilespmem:s16+$0x0], $0x1;
	_ =	sdelay $0x4  }
0x265: {  	(v2sf) =	vpush v1, $0x0;
	_ =	sdelay $0xe  }
0x266: {  	s23 =	smov.u32 s21;
	s21 =	spop (v2sf)  }
0x267: {  	p1 =	sne.s32 s23, s21  }
0x268: {  	p4 =	sne.s32 @p1 s23, s17  }
0x269: {  	p3 =	por !p4, !p1  }
0x26a: {  	s29 =	sshll.u32 @!p3 s22, $0x6  }
0x26b: {  	s30 =	sshll.u32 @!p3 s15, $0x6;
	s29 =	sshra.s32 @!p3 s29, $0x2  }
0x26c: {  	s30 =	sshra.s32 @!p3 s30, $0x2;
	v1 =	vld.msk @!p3 [tilespmem:s29+$0x1C38], $0xf  }
0x26d: {  	v2 =	vld.msk @!p3 [tilespmem:s30+$0x28], $0xf  }
0x26e: {  	s28 =	sadd.s32 @p1 $0x1, s22;
	p6 =	sgt.u32 @!p3 s23, $0x270FF  }
0x26f: {  	s31 =	simm.s32 @!p3 $0x0;
	s22 =	smov.u32 @p1 s28;
	p5 =	por @p1 p6, !p4  }
0x270: {  	p6 =	por @p1 !p6, !p4;
	p4 =	por p4, !p1;
	s29 =	sadd.s32 @!p3 $0x28, s30  }
0x271: {  	p5 =	por p5, !p1;
	p6 =	por !p6, !p1;
	s1 =	sshll.u32 @!p4 s15, $0x6  }
0x272: {  	s0 =	sand.u32 @!p5 $0x3FFF8, s23;
	s31 =	simm.s32 @!p6 $0x10;
	s23 =	sand.u32 @!p5 $0x7, s23;
	v1 =	vmax.f32 @!p3 v1, v2  }
0x273: {  	s1 =	sshra.s32 @!p4 s1, $0x2;
	s0 =	sadd.s32 @!p5 s3, s0;
	s28 =	sadd.s32 @!p3 s31, s18;
	[tilespmem:s30+$0x28] =	vst.msk @!p3 $0xf, v1  }
0x274: {  	[hbm4b:s0+s23] =	stream.linear.scatter @!p5 [tilespmem:s29], [sflag:$0xA], $0x4, $0x38;
	[tilespmem:$0x1FE08] =	vst v63  }
0x275: {  	s31 =	rddreg [dreg:$0x4];
	s0 =	sadd.s32 @!p4 $0x28, s1;
	s1 =	simm.s32 @!p4 $0x1  }
0x276: {  	[spmem:s31] =	stream.linear.scatter @!p4 [tilespmem:s0], [sflag:$0x1], $0x4, $0x38;
	[tilespmem:$0x1FE08] =	vst v63  }
0x277: {  	s25 =	sadd.s32 @p1 $0x1, s15;
	_ =	swait.ge @!p4 [sflag:s1], $0x4  }
0x278: {  	s26 =	sshrl.u32 @p1 s25, $0x6;
	[sflag:s1] =	ssyncset.done @!p4 $0x0  }
0x279: {  	s19 =	sadd.s32 $0x80, s19;
	s26 =	smulhi.u32 @p1 $0x24924925, s26;
	[sflag:s1] =	ssyncadd.s32 @!p4 $0xFFFFFFFC  }
0x27a: {  	v1 =	vld.msk @p1 [tilespmem:s19+$0x0], $0xf  }
0x27b: {  	s20 =	sadd.s32 $0xFFFFFFFF, s20;
	s26 =	smul.u32 @p1 $0x1C0, s26  }
0x27c: {  	p2 =	sne.s32 s20, $0x0  }
.Ltmp10:
0x27d: {  	s25 =	ssub.s32 @p1 s25, s26;
	(pc) =	sbr.rel @p2 .LBB2_10-.Ltmp10, $4  }
0x27e: {  	s26 =	sshll.u32 @p1 s25, $0x4  }
0x27f: {  	s24 =	sshll.u32 @!p1 s15, $0x6;
	[tilespmem:s26+$0x28] =	vst.msk @p1 $0xf, v1  }
0x280: {  	s24 =	sshra.s32 @!p1 s24, $0x2;
	s28 =	smov.u32 @p3 s18;
	v1 =	vld.msk @!p1 [tilespmem:s19+$0x0], $0xf  }
0x281: {  	s15 =	smov.u32 @p1 s25;
	s18 =	smov.u32 @p1 s28;
	v2 =	vld.msk @!p1 [tilespmem:s24+$0x28], $0xf  }
.LBB2_11:
0x282: {  	_ = 	snop  }
.Ltmp11:
0x283: {  	_ = 	snop;
	(pc) =	sbr.rel .LBB2_13-.Ltmp11, $3  }
0x284: {  	_ =	sdelay $0x1  }
0x285: {  	v1 =	vmax.f32 @!p1 v1, v2  }
0x286: {  	s16 =	sshrl.u32 s18, $0x2;
	s22 =	smov.u32 s21;
	[tilespmem:s24+$0x28] =	vst.msk @!p1 $0xf, v1  }
.LBB2_15:
0x287: {  	_ =	sfence.sel $0x180000  }
0x288: {  	s0 =	simm.s32 $0x9;
	[bflag:$0x0] =	sbarrier.arrive $0xFFFF  }
0x289: {  	s26 =	simm.s32 $0x2;
	[sflag:s0] =	ssyncpa.u1 $0x1  }
0x28a: {  	[sflag:s26] =	ssyncpa.u1 $0x1  }
0x28b: {  	v0 =	vld [tilespmem:$0x3848];
	_ =	sdelay $0x4  }
0x28c: {  	(v2sf) =	vpush v0, $0x0  }
0x28d: {  	(v2sf) =	vpush v0, $0x1;
	_ =	sdelay $0x1  }
0x28e: {  	(v2sf) =	vpush v0, $0x2;
	_ =	sdelay $0xb  }
0x28f: {  	s0 =	spop (v2sf)  }
0x290: {  	s1 =	spop (v2sf)  }
0x291: {  	s5 =	smov.u32 s0;
	p0 =	sne.s32 s0, s1  }
0x292: {  	s6 =	spop (v2sf);
	s5 =	simm.s32 @!p0 $0xFFFFFFFF  }
0x293: {  	v2 =	vimm.s32 $0x1;
	v3 =	vlaneseq.u32;
	p0 =	seq.s32 s6, $0xFFFFFFFF;
	v1 =	vmov s5  }
0x294: {  	v0 =	vperm.xlane v0, v2;
	p1 =	sne.s32 @!p0 s0, s1;
	v1 =	vperm.xlane v1, v3  }
0x295: {  	vm0 =	vcmask $0x3F04;
	s8 =	simm.s32 $0x3848;
	s0 =	simm.s32 @!p0 $0x1;
	p1 =	por !p1, p0  }
0x296: {  	s5 =	sshll.u32 s4, $0x1;
	s1 =	sshll.u32 @!p0 s6, $0x6;
	s0 =	simm.s32 @p1 $0x0;
	v0 =	vsel vm0, v1, v0  }
0x297: {  	s7 =	sor.u32 $0x200, s5;
	s1 =	sshra.s32 @!p0 s1, $0x2;
	s0 =	sor.u32 @!p0 s0, s5;
	[tilespmem:$0x3848] =	vst v0  }
0x298: {  	[spmem:s7] =	stream.linear.scatter [tilespmem:s8], [sflag:$0x1], $0x2, $0x38;
	[tilespmem:$0x1FE08] =	vst v63  }
0x299: {  	s1 =	sadd.s32 @!p0 $0x28, s1;
	s0 =	sshll.u32 @!p0 s0, $0x4  }
0x29a: {  	[spmem:s0] =	stream.linear.scatter @!p0 [tilespmem:s1], [sflag:$0x1], $0x10, $0x38;
	[tilespmem:$0x1FE08] =	vst v63  }
0x29b: {  	s0 =	simm.s32 @!p0 $0x12  }
0x29c: {  	s28 =	simm.s32 $0x1;
	s0 =	simm.s32 @p0 $0x2  }
0x29d: {  	_ =	swait.ge [sflag:s28], s0  }
0x29e: {  	s0 =	ssub.s32 $0x0, s0;
	[sflag:s28] =	ssyncset.done $0x0  }
0x29f: {  	p0 =	sne.s32 s4, $0x0;
	[sflag:s28] =	ssyncadd.s32 s0  }
.Ltmp12:
0x2a0: {  	_ =	sfence.stream.spmem;
	(pc) =	sbr.rel @p0 .LBB2_32-.Ltmp12, $4  }
0x2a1: {  	s29 =	simm.s32 $0x3;
	[bflag:$0x0] =	sbarrier.arrive $0xFFFF  }
0x2a2: {  	s30 =	simm.s32 $0x4;
	[sflag:s29] =	ssyncpa.u1 $0x1  }
0x2a3: {  	s31 =	simm.s32 $0x3C;
	[sflag:s30] =	ssyncpa.u1 $0x1  }
0x2a4: {  	s5 =	sand.u32 $0x1, s2;
	[sflag:s31] =	ssyncpa.u1 $0x1  }
0x2a5: {  	_ =	sfence.stream.spmem;
	s0 =	simm.s32 $0x5  }
0x2a6: {  	s1 =	simm.s32 $0x200;
	s6 =	simm.s32 $0x3858;
	[sflag:s0] =	ssyncpa.u1 $0x0  }
0x2a7: {  	[tilespmem:s6], [sflag:$0x5] =	stream.linear.gather [spmem:s1], $0x20, $0x38;
	[tilespmem:$0x1FE08] =	vst v63  }
0x2a8: {  	s26 =	simm.s32 $0x0;
	s28 =	simm.s32 $0x3878  }
0x2a9: {  	[tilespmem:s28], [sflag:$0x5] =	stream.linear.gather [spmem:s26], $0x200, $0x38;
	[tilespmem:$0x1FE08] =	vst v63  }
0x2aa: {  	_ =	swait.ge [sflag:s0], $0x220  }
0x2ab: {  	[sflag:s0] =	ssyncset.done $0x0  }
0x2ac: {  	s29 =	simm.s32 $0x0;
	[sflag:s0] =	ssyncadd.s32 $0xFFFFFDE0  }
0x2ad: {  	v0 =	vld.msk [tilespmem:s29+$0x3858], $0x1;
	_ =	sdelay $0x1  }
0x2ae: {  	s30 =	simm.s32 $0x1  }
0x2af: {  	v1 =	vld.msk [tilespmem:s30+$0x3858], $0x1;
	_ =	sdelay $0x1  }
0x2b0: {  	(v2sf) =	vpush v0, $0x0;
	_ =	sdelay $0x2  }
0x2b1: {  	(v2sf) =	vpush v1, $0x0;
	_ =	sdelay $0x2  }
0x2b2: {  	s31 =	simm.s32 $0x2  }
0x2b3: {  	v0 =	vld.msk [tilespmem:s31+$0x3858], $0x1;
	_ =	sdelay $0x2  }
0x2b4: {  	s7 =	simm.s32 $0xFFFFFFFF;
	s8 =	simm.s32 $0xFFFFFFFF;
	s6 =	simm.s32 $0xC  }
.LBB2_17:
0x2b5: {  	s0 =	smov.u32 s8;
	s1 =	smov.u32 s7  }
0x2b6: {  	s7 =	sshra.s32 s6, $0x2;
	p1 =	sne.s32 s6, $0x7C;
	s6 =	sadd.s32 $0x4, s6;
	(v2sf) =	vpush v0, $0x0  }
0x2b7: {  	v0 =	vld.msk [tilespmem:s7+$0x3858], $0x1  }
.Ltmp13:
0x2b8: {  	(pc) =	sbr.rel @p1 .LBB2_17-.Ltmp13, $4  }
0x2b9: {  	s8 =	spop (v2sf)  }
0x2ba: {  	p2 =	sne.s32 s1, $0xFFFFFFFF;
	s7 =	smov.u32 s8  }
0x2bb: {  	p3 =	seq.s32 s8, $0xFFFFFFFF;
	s7 =	smov.u32 @p2 s1  }
0x2bc: {  	s8 =	smov.u32 @p3 s0;
	s7 =	smov.u32 @p3 s1  }
0x2bd: {  	(v2sf) =	vpush v0, $0x0;
	_ =	sdelay $0x8  }
0x2be: {  	s0 =	spop (v2sf)  }
0x2bf: {  	p1 =	sne.s32 s7, $0xFFFFFFFF;
	s1 =	smov.u32 s0  }
0x2c0: {  	s9 =	simm.s32 $0x6;
	p2 =	seq.s32 s0, $0xFFFFFFFF;
	s1 =	smov.u32 @p1 s7  }
0x2c1: {  	s11 =	simm.s32 $0x0;
	s1 =	smov.u32 @p2 s7;
	s6 =	spop (v2sf)  }
0x2c2: {  	s0 =	smov.u32 @p2 s8;
	p1 =	sne.s32 s1, $0xFFFFFFFF;
	s10 =	smov.u32 s6  }
.Ltmp14:
0x2c3: {  	p2 =	seq.s32 s6, $0xFFFFFFFF;
	s10 =	smov.u32 @p1 s1;
	(pc) =	sbr.rel .LBB2_19-.Ltmp14, $4  }
0x2c4: {  	s6 =	smov.u32 @p2 s0;
	s10 =	smov.u32 @p2 s1;
	s7 =	spop (v2sf)  }
0x2c5: {  	p1 =	sne.s32 s10, $0xFFFFFFFF;
	s8 =	smov.u32 s7;
	p2 =	seq.s32 s7, $0xFFFFFFFF  }
0x2c6: {  	[sflag:s9] =	ssyncpa.u1 $0x0;
	s8 =	smov.u32 @p1 s10;
	s7 =	smov.u32 @p2 s6  }
0x2c7: {  	s6 =	simm.s32 $0x0;
	s8 =	smov.u32 @p2 s10;
	s10 =	simm.s32 $0x3838  }
.LBB2_24:
0x2c8: {  	p1 =	sgt.u32 s12, $0x270FF  }
0x2c9: {  	p2 =	seq.s32 @!p1 s12, s8  }
0x2ca: {  	p1 =	por p1, p2  }
0x2cb: {  	p2 =	sne.s32 @!p1 s12, s7  }
0x2cc: {  	p1 =	por p1, !p2  }
0x2cd: {  	s12 =	sshll.u32 @p1 s11, $0x6  }
0x2ce: {  	s0 =	sand.u32 @!p1 $0x3FFF8, s12  }
0x2cf: {  	s1 =	sand.u32 @!p1 $0x7, s12;
	s0 =	sadd.s32 @!p1 s3, s0  }
0x2d0: {  	[tilespmem:s10], [sflag:$0x6] =	stream.linear.gather @!p1 [hbm4b:s0+s1], $0x4, $0x38;
	[tilespmem:$0x1FE08] =	vst v63  }
0x2d1: {  	_ =	swait.ge @!p1 [sflag:s9], $0x4  }
0x2d2: {  	[sflag:s9] =	ssyncset.done @!p1 $0x0  }
0x2d3: {  	s12 =	sshll.u32 @!p1 s11, $0x6;
	[sflag:s9] =	ssyncadd.s32 @!p1 $0xFFFFFFFC  }
0x2d4: {  	s0 =	sshrl.u32 @!p1 s12, $0x2;
	v1 =	vld @!p1 [tilespmem:$0x3838]  }
0x2d5: {  	v2 =	vld @!p1 [tilespmem:s0+$0x3878];
	_ =	sdelay $0x4  }
0x2d6: {  	v1 =	vmax.f32 @!p1 v1, v2  }
0x2d7: {  	[tilespmem:s0+$0x3878] =	vst @!p1 v1  }
0x2d8: {  	s30 =	sshrl.u32 s12, $0x2;
	[tilespmem:s6+$0x3858] =	vst.msk $0x1, v0  }
0x2d9: {  	v0 =	vld [tilespmem:s30+$0x3878];
	_ =	sdelay $0x2  }
0x2da: {  	s31 =	sshll.u32 s6, $0x6  }
0x2db: {  	s0 =	sshra.s32 s31, $0x2  }
0x2dc: {  	s6 =	sadd.s32 $0x1, s6;
	[tilespmem:s0+$0x3878] =	vst v0  }
.LBB2_26:
0x2dd: {  	s11 =	sadd.s32 $0x1, s11  }
0x2de: {  	p1 =	sne.s32 s11, $0x20  }
.Ltmp15:
0x2df: {  	_ = 	snop;
	(pc) =	sbr.rel @!p1 .LBB2_27-.Ltmp15, $1  }
0x2e0: {  	_ =	sdelay $0x3  }
.LBB2_19:
0x2e1: {  	v0 =	vld.msk [tilespmem:s11+$0x3858], $0x1;
	_ =	sdelay $0x4  }
0x2e2: {  	(v2sf) =	vpush v0, $0x0;
	_ =	sdelay $0xe  }
0x2e3: {  	s12 =	spop (v2sf)  }
0x2e4: {  	p1 =	seq.s32 s12, $0xFFFFFFFF  }
.Ltmp16:
0x2e5: {  	_ = 	snop;
	(pc) =	sbr.rel @p1 .LBB2_26-.Ltmp16, $1  }
0x2e6: {  	_ =	sdelay $0x3  }
0x2e7: {  	p1 =	slt.s32 s6, $0x1  }
.Ltmp17:
0x2e8: {  	_ = 	snop;
	(pc) =	sbr.rel @p1 .LBB2_24-.Ltmp17, $1  }
0x2e9: {  	_ =	sdelay $0x3  }
0x2ea: {  	s13 =	simm.s32 $0x3858;
	p1 =	por $0x0, $0x0  }
0x2eb: {  	v1 =	vld.msk @!p1 [tilespmem:s13+$0x0], $0x1;
	_ =	sdelay $0x4  }
0x2ec: {  	(v2sf) =	vpush @!p1 v1, $0x0;
	_ =	sdelay $0xd  }
0x2ed: {  	p3 =	sne.s32 s6, $0x1  }
.Ltmp18:
0x2ee: {  	s0 =	spop @!p1 (v2sf);
	(pc) =	sbr.rel @!p3 .LBB2_23-.Ltmp18, $4  }
0x2ef: {  	p2 =	seq.s32 @!p1 s12, s0  }
0x2f0: {  	s14 =	simm.s32 $0x0;
	p2 =	por !p2, p1  }
0x2f1: {  	s0 =	simm.s32 $0xFFFFFFFF;
	s14 =	simm.s32 @p2 $0xFFFFFFFF  }
0x2f2: {  	s15 =	simm.s32 $0x1;
	s14 =	smov.u32 @p1 s0  }
.LBB2_22:
0x2f3: {  	s0 =	smov.u32 s14;
	p1 =	sne.s32 s14, $0xFFFFFFFF  }
0x2f4: {  	s13 =	sadd.s32 $0x1, s13;
	s14 =	smov.u32 s15;
	s15 =	sadd.s32 $0x1, s15  }
0x2f5: {  	p2 =	sne.s32 s6, s15;
	v1 =	vld.msk @!p1 [tilespmem:s13+$0x0], $0x1;
	_ =	sdelay $0x4  }
0x2f6: {  	(v2sf) =	vpush @!p1 v1, $0x0;
	_ =	sdelay $0xe  }
.Ltmp19:
0x2f7: {  	s1 =	spop @!p1 (v2sf);
	(pc) =	sbr.rel @p2 .LBB2_22-.Ltmp19, $4  }
0x2f8: {  	p3 =	seq.s32 @!p1 s12, s1  }
0x2f9: {  	p3 =	por !p3, p1  }
0x2fa: {  	s14 =	simm.s32 @p3 $0xFFFFFFFF  }
0x2fb: {  	s14 =	smov.u32 @p1 s0  }
.LBB2_23:
0x2fc: {  	p1 =	sne.s32 s14, $0xFFFFFFFF  }
.Ltmp20:
0x2fd: {  	_ = 	snop;
	(pc) =	sbr.rel @!p1 .LBB2_24-.Ltmp20, $1  }
0x2fe: {  	_ =	sdelay $0x3  }
0x2ff: {  	s0 =	sshll.u32 s11, $0x4  }
0x300: {  	s1 =	sshll.u32 s14, $0x6;
	s0 =	sand.u32 $0x3FFFFFF0, s0  }
0x301: {  	s31 =	sshra.s32 s1, $0x2;
	v0 =	vld [tilespmem:s0+$0x3878]  }
0x302: {  	v1 =	vld [tilespmem:s31+$0x3878];
	_ =	sdelay $0x1  }
.Ltmp21:
0x303: {  	_ = 	snop;
	(pc) =	sbr.rel .LBB2_26-.Ltmp21, $3  }
0x304: {  	_ =	sdelay $0x1  }
0x305: {  	v0 =	vmax.f32 v0, v1  }
0x306: {  	[tilespmem:s31+$0x3878] =	vst v0  }
.LBB2_27:
0x307: {  	s0 =	simm.s32 $0x6;
	p1 =	seq.s32 s6, $0x0  }
0x308: {  	[sflag:s0] =	ssyncpa.u1 $0x1;
	v0 =	vimm.s32 @p1 $0xFFFFFFFF  }
0x309: {  	s9 =	sadd.s32 $0xFFFFFFFF, s6;
	[tilespmem:$0x3A78] =	vst @p1 v0  }
0x30a: {  	v0 =	vld.msk @!p1 [tilespmem:s9+$0x3858], $0x1;
	_ =	sdelay $0x1  }
0x30b: {  	v1 =	vld.msk @!p1 [tilespmem:$0x3858], $0x1;
	_ =	sdelay $0x2  }
0x30c: {  	p2 =	seq.s32 @!p1 s9, $0x0;
	v0 =	vbroadcast @!p1 v0, $0x0  }
0x30d: {  	vm0 =	vmmov @!p1 $0x1;
	p2 =	por !p2, p1  }
0x30e: {  	v1 =	vnsel @!p1 vm0, $0xFFFFFFFF, v1;
	vm0 =	vcmask @!p1 $0x308;
	v0 =	vpsel !p2, $0xFFFFFFFF, v0  }
0x30f: {  	p2 =	sne.s32 @!p1 s8, s7;
	v0 =	vsel @!p1 vm0, v1, v0  }
0x310: {  	s0 =	simm.s32 @!p1 $0x3878;
	s1 =	simm.s32 @!p1 $0x0;
	p3 =	por !p2, p1;
	[tilespmem:$0x3A78] =	vst @!p1 v0  }
0x311: {  	[spmem:s1] =	stream.linear.scatter @!p1 [tilespmem:s0], [sflag:$0x1], $0x10, $0x38;
	[tilespmem:$0x1FE08] =	vst v63  }
0x312: {  	s0 =	sshll.u32 @!p3 s9, $0x6  }
0x313: {  	s0 =	sshra.s32 @!p3 s0, $0x2  }
0x314: {  	s1 =	simm.s32 @!p3 $0x10;
	s0 =	sadd.s32 @!p3 $0x3878, s0  }
0x315: {  	[spmem:s1] =	stream.linear.scatter @!p3 [tilespmem:s0], [sflag:$0x1], $0x10, $0x38;
	[tilespmem:$0x1FE08] =	vst v63  }
0x316: {  	s0 =	simm.s32 @!p3 $0x1  }
0x317: {  	_ =	swait.ge @!p3 [sflag:s0], $0x20  }
0x318: {  	p1 =	por p2, p1;
	[sflag:s0] =	ssyncset.done @!p3 $0x0  }
0x319: {  	[sflag:s0] =	ssyncadd.s32 @!p3 $0xFFFFFFE0;
	s0 =	simm.s32 @!p1 $0x1  }
0x31a: {  	_ =	swait.ge @!p1 [sflag:s0], $0x10  }
0x31b: {  	s29 =	simm.s32 $0x3A78;
	[sflag:s0] =	ssyncset.done @!p1 $0x0  }
0x31c: {  	s30 =	simm.s32 $0x200;
	s31 =	simm.s32 $0x1;
	[sflag:s0] =	ssyncadd.s32 @!p1 $0xFFFFFFF0  }
0x31d: {  	[spmem:s30] =	stream.linear.scatter [tilespmem:s29], [sflag:$0x1], $0x10, $0x38;
	[tilespmem:$0x1FE08] =	vst v63  }
0x31e: {  	_ =	swait.ge [sflag:s31], $0x10  }
0x31f: {  	[sflag:s31] =	ssyncset.done $0x0  }
0x320: {  	p1 =	seq.s32 s5, $0x0;
	[sflag:s31] =	ssyncadd.s32 $0xFFFFFFF0  }
0x321: {  	s1 =	sshll.u32 @p1 s2, $0xE;
	s11 =	rddreg [dreg:$0x2]  }
0x322: {  	s0 =	sadd.s32 @p1 $0x15C3C, s1;
	s1 =	sshll.u32 @p1 s11, $0x11  }
0x323: {  	_ =	sfence.stream.spmem;
	s0 =	sor.u32 @p1 s1, s0  }
0x324: {  	[sflag:s0] =	ssyncadd.remote.s32 @p1 $0x1;
	s0 =	simm.s32 @p1 $0x4  }
0x325: {  	s7 =	simm.s32 @!p1 $0x3C;
	s1 =	sand.u32 $0xFFFFFFFE, s2;
	_ =	swait.ge @p1 [sflag:s0], $0x6  }
0x326: {  	s8 =	simm.s32 @!p1 $0x0;
	s1 =	sadd.s32 @!p1 $0x4, s1;
	[sflag:s0] =	ssyncset.done @p1 $0x0  }
0x327: {  	s10 =	simm.s32 @!p1 $0x20;
	[sflag:s0] =	ssyncadd.s32 @p1 $0xFFFFFFFA;
	s0 =	sshll.u32 @!p1 s1, $0x1A  }
0x328: {  	s1 =	sshll.u32 @!p1 s1, $0xD;
	s0 =	sor.u32 @!p1 s0, s11;
	_ =	swait.eq @!p1 [sflag:s7], $0x1  }
0x329: {  	s1 =	sor.u32 @!p1 $0x1C04, s1;
	s7 =	simm.s32 @!p1 $0x1C03;
	s0 =	sor.u32 @!p1 $0x80004000, s0  }
0x32a: {  	[spmem:s10], [sflag:s1] =	dma.general @!p1 [spmem:s8], [sflag:s7], length:$0x4, [dreg:$0x0], stride_count:$0x0, ici_dest:s0, dma_misc:DstOpCode:WRITE  }
0x32b: {  	p2 =	slt.s32 s9, $0x2;
	s8 =	simm.s32 @!p1 $0x40;
	s10 =	simm.s32 @!p1 $0x42  }
0x32c: {  	[spmem:s10], [sflag:s1] =	dma.general @!p1 [spmem:s8], [sflag:s7], length:$0x2, [dreg:$0x0], stride_count:$0x0, ici_dest:s0, dma_misc:DstOpCode:WRITE  }
.Ltmp22:
0x32d: {  	s0 =	simm.s32 @!p1 $0x3;
	(pc) =	sbr.rel @p2 .LBB2_31-.Ltmp22, $4  }
0x32e: {  	s1 =	sshll.u32 @!p1 s2, $0xE;
	_ =	swait.ge @!p1 [sflag:s0], $0x6  }
0x32f: {  	s2 =	sshll.u32 @!p1 s11, $0x11;
	s1 =	sadd.s32 @!p1 $0x11C3C, s1;
	[sflag:s0] =	ssyncset.done @!p1 $0x0  }
0x330: {  	[sflag:s0] =	ssyncadd.s32 @!p1 $0xFFFFFFFA;
	s0 =	sor.u32 @!p1 s2, s1  }
0x331: {  	s1 =	simm.s32 $0x0;
	[sflag:s0] =	ssyncadd.remote.s32 @!p1 $0xFFFFFFFF  }
0x332: {  	s0 =	simm.s32 $0x3859  }
0x333: {  	v0 =	vld.msk [tilespmem:s0+$0x0], $0x1;
	_ =	sdelay $0x4  }
0x334: {  	(v2sf) =	vpush v0, $0x0;
	_ =	sdelay $0xc  }
0x335: {  	s2 =	sadd.s32 $0xFFFFFFFE, s6  }
0x336: {  	s2 =	sadd.s32 $0xFFFFFFFF, s2  }
0x337: {  	p2 =	sne.s32 s2, $0x0;
	s0 =	spop (v2sf)  }
.Ltmp23:
0x338: {  	p1 =	sgt.u32 s0, $0x270FF;
	(pc) =	sbr.rel @!p2 .LBB2_30-.Ltmp23, $4  }
0x339: {  	s1 =	simm.s32 $0x3888;
	s6 =	sand.u32 @!p1 $0x3FFF8, s0  }
0x33a: {  	s8 =	simm.s32 $0x0;
	s0 =	sand.u32 @!p1 $0x7, s0;
	s6 =	sadd.s32 @!p1 s3, s6  }
0x33b: {  	[hbm4b:s6+s0] =	stream.linear.scatter @!p1 [tilespmem:s1], [sflag:$0x5], $0x4, $0x38;
	[tilespmem:$0x1FE08] =	vst v63  }
0x33c: {  	s7 =	simm.s32 $0x385A;
	s8 =	simm.s32 @!p1 $0x10;
	s6 =	simm.s32 $0x0  }
.LBB2_29:
0x33d: {  	v0 =	vld.msk [tilespmem:s7+$0x0], $0x1;
	s2 =	sadd.s32 $0xFFFFFFFF, s2;
	s6 =	sadd.s32 s6, s8  }
0x33e: {  	p1 =	sne.s32 s2, $0x0;
	_ =	sdelay $0x3  }
0x33f: {  	(v2sf) =	vpush v0, $0x0;
	_ =	sdelay $0xe  }
.Ltmp24:
0x340: {  	s0 =	spop (v2sf);
	(pc) =	sbr.rel @p1 .LBB2_29-.Ltmp24, $4  }
0x341: {  	s8 =	simm.s32 $0x0;
	p2 =	sgt.u32 s0, $0x270FF  }
0x342: {  	s1 =	sadd.s32 $0x10, s1;
	s8 =	simm.s32 @!p2 $0x10;
	s9 =	sand.u32 @!p2 $0x3FFF8, s0  }
0x343: {  	s7 =	sadd.s32 $0x1, s7;
	s0 =	sand.u32 @!p2 $0x7, s0;
	s9 =	sadd.s32 @!p2 s3, s9  }
0x344: {  	[hbm4b:s9+s0] =	stream.linear.scatter @!p2 [tilespmem:s1], [sflag:$0x5], $0x4, $0x38;
	[tilespmem:$0x1FE08] =	vst v63  }
.LBB2_30:
0x345: {  	s0 =	sadd.s32 s6, s8  }
0x346: {  	s1 =	sshrl.u32 s0, $0x2  }
.LBB2_31:
0x347: {  	s0 =	simm.s32 $0x5  }
0x348: {  	_ =	swait.ge [sflag:s0], s1  }
0x349: {  	s31 =	ssub.s32 $0x0, s1;
	[sflag:s0] =	ssyncset.done $0x0  }
0x34a: {  	[sflag:s0] =	ssyncadd.s32 s31  }
0x34b: {  	[sflag:s0] =	ssyncpa.u1 $0x1  }
.LBB2_32:
0x34c: {  	s0 =	sor.u32 s5, s4  }
0x34d: {  	p1 =	sne.s32 s0, $0x0  }
.Ltmp25:
0x34e: {  	_ = 	snop;
	(pc) =	sbr.rel @p1 .LBB2_47-.Ltmp25, $3  }
0x34f: {  	_ =	sdelay $0x1  }
0x350: {  	[bflag:$0x0] =	sbarrier.arrive $0xFFFF  }
0x351: {  	_ =	sfence  }
0x352: {  	s0 =	simm.s32 $0x7  }
0x353: {  	s1 =	simm.s32 $0x200;
	s2 =	simm.s32 $0x3858;
	[sflag:s0] =	ssyncpa.u1 $0x0  }
0x354: {  	[tilespmem:s2], [sflag:$0x7] =	stream.linear.gather [spmem:s1], $0x20, $0x38;
	[tilespmem:$0x1FE08] =	vst v63  }
0x355: {  	s30 =	simm.s32 $0x3878;
	s1 =	simm.s32 $0x0  }
0x356: {  	[tilespmem:s30], [sflag:$0x7] =	stream.linear.gather [spmem:s1], $0x200, $0x38;
	[tilespmem:$0x1FE08] =	vst v63  }
.Ltmp26:
0x357: {  	_ = 	snop;
	(pc) =	sbr.rel .LBB2_34-.Ltmp26, $4  }
0x358: {  	_ =	swait.ge [sflag:s0], $0x220  }
0x359: {  	[sflag:s0] =	ssyncset.done $0x0  }
0x35a: {  	s31 =	simm.s32 $0x8;
	[sflag:s0] =	ssyncadd.s32 $0xFFFFFDE0  }
0x35b: {  	s2 =	simm.s32 $0x0;
	[sflag:s31] =	ssyncpa.u1 $0x0  }
.LBB2_39:
0x35c: {  	p1 =	slt.u32 s4, $0x27100  }
0x35d: {  	s0 =	sand.u32 @p1 $0x3FFF8, s4  }
0x35e: {  	s4 =	sand.u32 @p1 $0x7, s4;
	s5 =	simm.s32 @p1 $0x3838;
	s0 =	sadd.s32 @p1 s3, s0  }
0x35f: {  	[tilespmem:s5], [sflag:$0x8] =	stream.linear.gather @p1 [hbm4b:s0+s4], $0x4, $0x38;
	[tilespmem:$0x1FE08] =	vst v63  }
0x360: {  	s0 =	simm.s32 @p1 $0x8  }
0x361: {  	_ =	swait.ge @p1 [sflag:s0], $0x4  }
0x362: {  	[sflag:s0] =	ssyncset.done @p1 $0x0  }
0x363: {  	[sflag:s0] =	ssyncadd.s32 @p1 $0xFFFFFFFC;
	s0 =	sshll.u32 @p1 s2, $0x6  }
0x364: {  	v1 =	vld @p1 [tilespmem:$0x3838];
	s4 =	sshrl.u32 @p1 s0, $0x2  }
0x365: {  	v2 =	vld @p1 [tilespmem:s4+$0x3878];
	_ =	sdelay $0x4  }
0x366: {  	s5 =	sshll.u32 @!p1 s2, $0x6;
	v1 =	vmax.f32 @p1 v1, v2  }
0x367: {  	s5 =	smov.u32 @p1 s0;
	[tilespmem:s4+$0x3878] =	vst @p1 v1  }
0x368: {  	s0 =	sshrl.u32 s5, $0x2;
	[tilespmem:s1+$0x3858] =	vst.msk $0x1, v0  }
0x369: {  	v0 =	vld [tilespmem:s0+$0x3878];
	_ =	sdelay $0x2  }
0x36a: {  	s31 =	sshll.u32 s1, $0x6  }
0x36b: {  	s0 =	sshra.s32 s31, $0x2  }
0x36c: {  	s1 =	sadd.s32 $0x1, s1;
	[tilespmem:s0+$0x3878] =	vst v0  }
.LBB2_41:
0x36d: {  	s2 =	sadd.s32 $0x1, s2  }
0x36e: {  	p1 =	sne.s32 s2, $0x20  }
.Ltmp27:
0x36f: {  	_ = 	snop;
	(pc) =	sbr.rel @!p1 .LBB2_42-.Ltmp27, $1  }
0x370: {  	_ =	sdelay $0x3  }
.LBB2_34:
0x371: {  	v0 =	vld.msk [tilespmem:s2+$0x3858], $0x1;
	_ =	sdelay $0x4  }
0x372: {  	(v2sf) =	vpush v0, $0x0;
	_ =	sdelay $0xe  }
0x373: {  	s4 =	spop (v2sf)  }
0x374: {  	p1 =	seq.s32 s4, $0xFFFFFFFF  }
.Ltmp28:
0x375: {  	_ = 	snop;
	(pc) =	sbr.rel @p1 .LBB2_41-.Ltmp28, $1  }
0x376: {  	_ =	sdelay $0x3  }
0x377: {  	p1 =	slt.s32 s1, $0x1  }
.Ltmp29:
0x378: {  	_ = 	snop;
	(pc) =	sbr.rel @p1 .LBB2_39-.Ltmp29, $1  }
0x379: {  	_ =	sdelay $0x3  }
0x37a: {  	s5 =	simm.s32 $0x3858;
	p1 =	por $0x0, $0x0  }
0x37b: {  	v1 =	vld.msk @!p1 [tilespmem:s5+$0x0], $0x1;
	_ =	sdelay $0x4  }
0x37c: {  	(v2sf) =	vpush @!p1 v1, $0x0;
	_ =	sdelay $0xd  }
0x37d: {  	p3 =	sne.s32 s1, $0x1  }
.Ltmp30:
0x37e: {  	s0 =	spop @!p1 (v2sf);
	(pc) =	sbr.rel @!p3 .LBB2_38-.Ltmp30, $4  }
0x37f: {  	p2 =	seq.s32 @!p1 s4, s0  }
0x380: {  	s6 =	simm.s32 $0x0;
	p2 =	por !p2, p1  }
0x381: {  	s0 =	simm.s32 $0xFFFFFFFF;
	s6 =	simm.s32 @p2 $0xFFFFFFFF  }
0x382: {  	s7 =	simm.s32 $0x1;
	s6 =	smov.u32 @p1 s0  }
.LBB2_37:
0x383: {  	s0 =	smov.u32 s6;
	p1 =	sne.s32 s6, $0xFFFFFFFF  }
0x384: {  	s5 =	sadd.s32 $0x1, s5;
	s6 =	smov.u32 s7;
	s7 =	sadd.s32 $0x1, s7  }
0x385: {  	p2 =	sne.s32 s1, s7;
	v1 =	vld.msk @!p1 [tilespmem:s5+$0x0], $0x1;
	_ =	sdelay $0x4  }
0x386: {  	(v2sf) =	vpush @!p1 v1, $0x0;
	_ =	sdelay $0xe  }
.Ltmp31:
0x387: {  	s8 =	spop @!p1 (v2sf);
	(pc) =	sbr.rel @p2 .LBB2_37-.Ltmp31, $4  }
0x388: {  	p3 =	seq.s32 @!p1 s4, s8  }
0x389: {  	p3 =	por !p3, p1  }
0x38a: {  	s6 =	simm.s32 @p3 $0xFFFFFFFF  }
0x38b: {  	s6 =	smov.u32 @p1 s0  }
.LBB2_38:
0x38c: {  	p1 =	sne.s32 s6, $0xFFFFFFFF  }
.Ltmp32:
0x38d: {  	_ = 	snop;
	(pc) =	sbr.rel @!p1 .LBB2_39-.Ltmp32, $1  }
0x38e: {  	_ =	sdelay $0x3  }
0x38f: {  	s0 =	sshll.u32 s2, $0x4  }
0x390: {  	s4 =	sshll.u32 s6, $0x6;
	s0 =	sand.u32 $0x3FFFFFF0, s0  }
0x391: {  	s31 =	sshra.s32 s4, $0x2;
	v0 =	vld [tilespmem:s0+$0x3878]  }
0x392: {  	v1 =	vld [tilespmem:s31+$0x3878];
	_ =	sdelay $0x1  }
.Ltmp33:
0x393: {  	_ = 	snop;
	(pc) =	sbr.rel .LBB2_41-.Ltmp33, $3  }
0x394: {  	_ =	sdelay $0x1  }
0x395: {  	v0 =	vmax.f32 v0, v1  }
0x396: {  	[tilespmem:s31+$0x3878] =	vst v0  }
.LBB2_42:
0x397: {  	p1 =	slt.s32 s1, $0x1  }
.Ltmp34:
0x398: {  	_ = 	snop;
	(pc) =	sbr.rel @p1 .LBB2_46-.Ltmp34, $3  }
0x399: {  	_ =	sdelay $0x1  }
0x39a: {  	s0 =	simm.s32 $0x8  }
0x39b: {  	s2 =	simm.s32 $0x0;
	[sflag:s0] =	ssyncpa.u1 $0x1  }
0x39c: {  	s0 =	simm.s32 $0x3858  }
0x39d: {  	v0 =	vld.msk [tilespmem:s0+$0x0], $0x1;
	_ =	sdelay $0x4  }
0x39e: {  	(v2sf) =	vpush v0, $0x0;
	_ =	sdelay $0xd  }
0x39f: {  	s1 =	sadd.s32 $0xFFFFFFFF, s1  }
0x3a0: {  	p2 =	sne.s32 s1, $0x0;
	s0 =	spop (v2sf)  }
.Ltmp35:
0x3a1: {  	p1 =	sgt.u32 s0, $0x270FF;
	(pc) =	sbr.rel @!p2 .LBB2_45-.Ltmp35, $4  }
0x3a2: {  	s4 =	simm.s32 $0x3878;
	s5 =	sand.u32 @!p1 $0x3FFF8, s0  }
0x3a3: {  	s6 =	simm.s32 $0x0;
	s0 =	sand.u32 @!p1 $0x7, s0;
	s5 =	sadd.s32 @!p1 s3, s5  }
0x3a4: {  	[hbm4b:s5+s0] =	stream.linear.scatter @!p1 [tilespmem:s4], [sflag:$0x7], $0x4, $0x38;
	[tilespmem:$0x1FE08] =	vst v63  }
0x3a5: {  	s6 =	simm.s32 @!p1 $0x10;
	s5 =	simm.s32 $0x3859  }
.LBB2_44:
0x3a6: {  	v0 =	vld.msk [tilespmem:s5+$0x0], $0x1;
	s1 =	sadd.s32 $0xFFFFFFFF, s1;
	s2 =	sadd.s32 s2, s6  }
0x3a7: {  	p1 =	sne.s32 s1, $0x0;
	_ =	sdelay $0x3  }
0x3a8: {  	(v2sf) =	vpush v0, $0x0;
	_ =	sdelay $0xe  }
.Ltmp36:
0x3a9: {  	s0 =	spop (v2sf);
	(pc) =	sbr.rel @p1 .LBB2_44-.Ltmp36, $4  }
0x3aa: {  	s6 =	simm.s32 $0x0;
	p2 =	sgt.u32 s0, $0x270FF  }
0x3ab: {  	s4 =	sadd.s32 $0x10, s4;
	s6 =	simm.s32 @!p2 $0x10;
	s7 =	sand.u32 @!p2 $0x3FFF8, s0  }
0x3ac: {  	s5 =	sadd.s32 $0x1, s5;
	s0 =	sand.u32 @!p2 $0x7, s0;
	s7 =	sadd.s32 @!p2 s3, s7  }
0x3ad: {  	[hbm4b:s7+s0] =	stream.linear.scatter @!p2 [tilespmem:s4], [sflag:$0x7], $0x4, $0x38;
	[tilespmem:$0x1FE08] =	vst v63  }
.LBB2_45:
0x3ae: {  	s0 =	sadd.s32 s2, s6  }
0x3af: {  	s2 =	sshrl.u32 s0, $0x2  }
.LBB2_46:
0x3b0: {  	s0 =	simm.s32 $0x7  }
0x3b1: {  	_ =	swait.ge [sflag:s0], s2  }
0x3b2: {  	s1 =	ssub.s32 $0x0, s2;
	[sflag:s0] =	ssyncset.done $0x0  }
0x3b3: {  	[sflag:s0] =	ssyncadd.s32 s1  }
0x3b4: {  	[sflag:s0] =	ssyncpa.u1 $0x1  }
.LBB2_47:
0x3b5: {  	_ =	sfence;
	s0 =	simm.s32 $0x1  }
0x3b6: {  	[sflag:s0] =	ssyncpa.u1 $0x1  }
0x3b7: {  	_ =	strace $0x9000004D  }
0x3b8: {  	[bflag:$0x2] =	sbarrier.arrive $0xFFFF  }
0x3b9: {  	s0 =	rddreg [dreg:$0x3]  }
0x3ba: {  	s0 =	sadd.s32 @!p0 $0x100000, s0  }
0x3bb: {  	[sflag:s0] =	ssyncadd.tile.s32 @!p0 $0x1;
	_ =	shalt  }
.Lfunc_end2:
_tile_overlayer_lowered:
.L_overlay_start_2:
0x3bc: {  	(tag) =	ssettag $0x2  }
0x3bd: {  	s0 =	rddreg [dreg:$0x0];
	s2 =	stileid.u32  }
0x3be: {  	s1 =	rddreg [dreg:$0x1];
	p0 =	sne.s32 s2, $0x0  }
0x3bf: {  	s3 =	rddreg [dreg:$0x2];
	[bflag:$0x3] =	sbarrier.arrive $0xFFFF;
	s2 =	simm.s32 @!p0 $0x1C01  }
0x3c0: {  	[timem:s3], [sflag:s2] =	dma.local @!p0 [hbm:s0], s1  }
0x3c1: {  	s0 =	simm.s32 @!p0 $0x1  }
0x3c2: {  	_ =	swait.ge @!p0 [sflag:s0], s1  }
0x3c3: {  	s1 =	ssub.s32 @!p0 $0x0, s1;
	[sflag:s0] =	ssyncset.done @!p0 $0x0  }
0x3c4: {  	[sflag:s0] =	ssyncadd.s32 @!p0 s1  }
0x3c5: {  	[bflag:$0x3] =	sbarrier.arrive $0xFFFF  }
0x3c6: {  	_ =	shalt  }

</sc_bundles>
